<compile_context>
chip_gen: v7x
topology: tpu7x:2x2x1
jax: 0.10.2.dev20260603
libtpu: 0.0.44.dev20260713+nightly
codegen_flags: <defaults>
</compile_context>

<pallas_src>
import functools

import jax
import jax.numpy as jnp
from jax import lax
from jax.experimental import pallas as pl
from jax.experimental.pallas import tpu as pltpu
from jax.experimental.pallas import tpu_sc as plsc

HIDDEN = 128
N_NODES = 10000
NC, NS = 2, 16
CH = 128
IBLK = 8
NCH0 = 80
NCH1 = 80
TOT_CHUNKS = NS * (NCH0 + NCH1)
E_PAD = TOT_CHUNKS * CH
DUMMY = N_NODES
ACC_ROWS = 10240
ZROWS = ACC_ROWS // NS
OROWS = 624
ROW_BLK = 1000
F32 = jnp.float32

def _sc_edge_scatter_body(msg_hbm, src_hbm, dst_hbm, out_hbm,
                          src_v, dst_v, rows_a, rows_b, acc,
                          sem_a, sem_b, sem_s, sem_d, sem_sa, sem_sb):
    c = lax.axis_index("c")
    s = lax.axis_index("s")

    @pl.loop(0, CH)
    def _(r):
        @pl.loop(0, HIDDEN, step=16)
        def _(col):
            rows_a[r, pl.ds(col, 16)] = jnp.zeros((16,), F32)

    @pl.loop(0, ZROWS, step=CH)
    def _(r0):
        pltpu.sync_copy(rows_a, acc.at[pl.ds(s * ZROWS + r0, CH)])

    plsc.subcore_barrier()

    def process(base, nch):
        nblk = nch // IBLK

        def idx_slice(hbm, boff):
            return hbm.at[pl.ds(pl.multiple_of(base + boff * IBLK, IBLK), IBLK)]

        pltpu.async_copy(idx_slice(src_hbm, 0), src_v.at[0], sem_s)
        pltpu.async_copy(idx_slice(dst_hbm, 0), dst_v.at[0], sem_d)

        def block(boff, slot):
            pltpu.make_async_copy(idx_slice(src_hbm, boff),
                                  src_v.at[slot], sem_s).wait()
            pltpu.make_async_copy(idx_slice(dst_hbm, boff),
                                  dst_v.at[slot], sem_d).wait()

            @pl.when(boff + 1 < nblk)
            def _():
                pltpu.async_copy(idx_slice(src_hbm, boff + 1),
                                 src_v.at[1 - slot], sem_s)
                pltpu.async_copy(idx_slice(dst_hbm, boff + 1),
                                 dst_v.at[1 - slot], sem_d)

            sv = src_v.at[slot]
            dv = dst_v.at[slot]

            pltpu.async_copy(msg_hbm.at[sv.at[0]], rows_a, sem_a)
            pltpu.async_copy(msg_hbm.at[sv.at[1]], rows_b, sem_b)

            @pl.loop(0, IBLK - 2, step=2)
            def _(j):
                pltpu.make_async_copy(msg_hbm.at[sv.at[j]], rows_a, sem_a).wait()
                pltpu.async_copy(rows_a, acc.at[dv.at[j]], sem_sa, add=True)
                pltpu.make_async_copy(msg_hbm.at[sv.at[j + 1]], rows_b, sem_b).wait()
                pltpu.async_copy(rows_b, acc.at[dv.at[j + 1]], sem_sb, add=True)
                pltpu.make_async_copy(rows_a, acc.at[dv.at[j]], sem_sa).wait()
                pltpu.async_copy(msg_hbm.at[sv.at[j + 2]], rows_a, sem_a)
                pltpu.make_async_copy(rows_b, acc.at[dv.at[j + 1]], sem_sb).wait()
                pltpu.async_copy(msg_hbm.at[sv.at[j + 3]], rows_b, sem_b)

            pltpu.make_async_copy(msg_hbm.at[sv.at[IBLK - 2]], rows_a, sem_a).wait()
            pltpu.async_copy(rows_a, acc.at[dv.at[IBLK - 2]], sem_sa, add=True)
            pltpu.make_async_copy(msg_hbm.at[sv.at[IBLK - 1]], rows_b, sem_b).wait()
            pltpu.async_copy(rows_b, acc.at[dv.at[IBLK - 1]], sem_sb, add=True)
            pltpu.make_async_copy(rows_a, acc.at[dv.at[IBLK - 2]], sem_sa).wait()
            pltpu.make_async_copy(rows_b, acc.at[dv.at[IBLK - 1]], sem_sb).wait()

        @pl.loop(0, nblk, step=2)
        def _(b):
            block(b, 0)
            block(b + 1, 1)

    @pl.when(c == 0)
    def _():
        process(s * NCH0, NCH0)

    @pl.when(c == 1)
    def _():
        process(NS * NCH0 + s * NCH1, NCH1)

    plsc.subcore_barrier()

    pltpu.sync_copy(acc.at[pl.ds(s * OROWS, OROWS)],
                    out_hbm.at[c].at[pl.ds(s * OROWS, OROWS)])

    @pl.when(s == NS - 1)
    def _():
        pltpu.sync_copy(acc.at[pl.ds(NS * OROWS, N_NODES - NS * OROWS)],
                        out_hbm.at[c].at[pl.ds(NS * OROWS, N_NODES - NS * OROWS)])


@functools.cache
def _sc_edge_scatter_kernel():
    mesh = plsc.VectorSubcoreMesh(
        core_axis_name="c", subcore_axis_name="s",
        num_cores=NC, num_subcores=NS,
    )
    return pl.kernel(
        _sc_edge_scatter_body,
        out_type=jax.ShapeDtypeStruct((NC, N_NODES, HIDDEN), F32),
        mesh=mesh,
        scratch_types=[
            pltpu.VMEM((2, IBLK, CH), jnp.int32),
            pltpu.VMEM((2, IBLK, CH), jnp.int32),
            pltpu.VMEM((CH, HIDDEN), F32),
            pltpu.VMEM((CH, HIDDEN), F32),
            pltpu.VMEM_SHARED((ACC_ROWS, HIDDEN), F32),
            pltpu.SemaphoreType.DMA,
            pltpu.SemaphoreType.DMA,
            pltpu.SemaphoreType.DMA,
            pltpu.SemaphoreType.DMA,
            pltpu.SemaphoreType.DMA,
            pltpu.SemaphoreType.DMA,
        ],
    )


def _sc_edge_scatter(msg, src_p, dst_p):
    return _sc_edge_scatter_kernel()(msg, src_p, dst_p)



def _lin_body(x_ref, w_ref, b_ref, o_ref):
    o_ref[...] = (
        jnp.dot(x_ref[...], w_ref[...], preferred_element_type=F32) + b_ref[...]
    )


def _gru(a, h, wih_ref, bih_ref, whh_ref, bhh_ref):
    gi = jnp.dot(a, wih_ref[...], preferred_element_type=F32) + bih_ref[...]
    gh = jnp.dot(h, whh_ref[...], preferred_element_type=F32) + bhh_ref[...]
    r = jax.nn.sigmoid(gi[:, :HIDDEN] + gh[:, :HIDDEN])
    z = jax.nn.sigmoid(gi[:, HIDDEN:2 * HIDDEN] + gh[:, HIDDEN:2 * HIDDEN])
    n = jnp.tanh(gi[:, 2 * HIDDEN:] + r * gh[:, 2 * HIDDEN:])
    return (1.0 - z) * n + z * h


def _gru_lin_body(a0_ref, a1_ref, h_ref, wih_ref, bih_ref, whh_ref, bhh_ref,
                  wlin_ref, blin_ref, h_out, msg_out):
    a = a0_ref[0] + a1_ref[0]
    hn = _gru(a, h_ref[...], wih_ref, bih_ref, whh_ref, bhh_ref)
    h_out[...] = hn
    msg_out[...] = (
        jnp.dot(hn, wlin_ref[...], preferred_element_type=F32) + blin_ref[...]
    )


def _gru_ln_body(a0_ref, a1_ref, h_ref, res_ref, wih_ref, bih_ref, whh_ref,
                 bhh_ref, gamma_ref, beta_ref, o_ref):
    a = a0_ref[0] + a1_ref[0]
    hn = _gru(a, h_ref[...], wih_ref, bih_ref, whh_ref, bhh_ref)
    x = hn + res_ref[...]
    mean = jnp.mean(x, axis=-1, keepdims=True)
    xc = x - mean
    var = jnp.mean(xc * xc, axis=-1, keepdims=True)
    y = xc * lax.rsqrt(var + 1e-5)
    y = y * gamma_ref[...] + beta_ref[...]
    o_ref[...] = jnp.where(y >= 0, y, 0.01 * y)


def _row_spec(shape=(ROW_BLK, HIDDEN)):
    return pl.BlockSpec(shape, lambda i: (0,) * (len(shape) - 2) + (i, 0))


def _full_spec(shape):
    return pl.BlockSpec(shape, lambda i: (0,) * len(shape))


_GRID = N_NODES // ROW_BLK


def _tc_linear(x, w, b):
    return pl.pallas_call(
        _lin_body,
        grid=(_GRID,),
        in_specs=[_row_spec(), _full_spec((HIDDEN, HIDDEN)), _full_spec((1, HIDDEN))],
        out_specs=_row_spec(),
        out_shape=jax.ShapeDtypeStruct((N_NODES, HIDDEN), F32),
    )(x, w, b)


_PART0 = pl.BlockSpec((1, ROW_BLK, HIDDEN), lambda i: (0, i, 0))
_PART1 = pl.BlockSpec((1, ROW_BLK, HIDDEN), lambda i: (1, i, 0))


def _tc_gru_lin(parts, h, wih, bih, whh, bhh, wlin, blin):
    return pl.pallas_call(
        _gru_lin_body,
        grid=(_GRID,),
        in_specs=[_PART0, _PART1, _row_spec(),
                  _full_spec((HIDDEN, 3 * HIDDEN)), _full_spec((1, 3 * HIDDEN)),
                  _full_spec((HIDDEN, 3 * HIDDEN)), _full_spec((1, 3 * HIDDEN)),
                  _full_spec((HIDDEN, HIDDEN)), _full_spec((1, HIDDEN))],
        out_specs=[_row_spec(), _row_spec()],
        out_shape=[jax.ShapeDtypeStruct((N_NODES, HIDDEN), F32),
                   jax.ShapeDtypeStruct((N_NODES, HIDDEN), F32)],
    )(parts, parts, h, wih, bih, whh, bhh, wlin, blin)


def _tc_gru_ln(parts, h, res, wih, bih, whh, bhh, gamma, beta):
    return pl.pallas_call(
        _gru_ln_body,
        grid=(_GRID,),
        in_specs=[_PART0, _PART1, _row_spec(), _row_spec(),
                  _full_spec((HIDDEN, 3 * HIDDEN)), _full_spec((1, 3 * HIDDEN)),
                  _full_spec((HIDDEN, 3 * HIDDEN)), _full_spec((1, 3 * HIDDEN)),
                  _full_spec((1, HIDDEN)), _full_spec((1, HIDDEN))],
        out_specs=_row_spec(),
        out_shape=jax.ShapeDtypeStruct((N_NODES, HIDDEN), F32),
    )(parts, parts, h, res, wih, bih, whh, bhh, gamma, beta)


def kernel(h_g2, edge_index, W_lin, b_lin, W_ih, b_ih, W_hh, b_hh, gamma, beta):
    src = edge_index[0].astype(jnp.int32)
    dst = edge_index[1].astype(jnp.int32)
    e = src.shape[0]
    src_p = jnp.concatenate(
        [src, jnp.zeros((E_PAD - e,), jnp.int32)]).reshape(TOT_CHUNKS, CH)
    pad_dst = DUMMY + jnp.arange(E_PAD - e, dtype=jnp.int32) % (ACC_ROWS - DUMMY)
    dst_p = jnp.concatenate([dst, pad_dst]).reshape(TOT_CHUNKS, CH)
    w_lin_t = W_lin.T
    w_ih_t = W_ih.T
    w_hh_t = W_hh.T
    b_lin2 = b_lin.reshape(1, HIDDEN)
    b_ih2 = b_ih.reshape(1, 3 * HIDDEN)
    b_hh2 = b_hh.reshape(1, 3 * HIDDEN)
    gamma2 = gamma.reshape(1, HIDDEN)
    beta2 = beta.reshape(1, HIDDEN)

    msg = _tc_linear(h_g2, w_lin_t, b_lin2)
    a1 = _sc_edge_scatter(msg, src_p, dst_p)
    feat, msg2 = _tc_gru_lin(a1, h_g2, w_ih_t, b_ih2, w_hh_t, b_hh2,
                             w_lin_t, b_lin2)
    a2 = _sc_edge_scatter(msg2, src_p, dst_p)
    out = _tc_gru_ln(a2, feat, h_g2, w_ih_t, b_ih2, w_hh_t, b_hh2,
                     gamma2, beta2)
    return out

# --- scband reference (transcript-rebuilt; emitter-appended) ---
"""Pipeline reference for scband-homo-layer-43404939493468 (READ-ONLY COPY).

The authoritative reference and input builder live on the scoring server;
editing this copy changes nothing except your own understanding.
"""

import jax, jax.numpy as jnp
import numpy as np

HIDDEN = 128
N_NODES = 10000
N_EDGES = 320000
N_STEPS = 2


def setup_inputs(seed: int = 0) -> dict:
    key = jax.random.key(seed)
    ks = jax.random.split(key, 12)
    h_g2 = jax.random.normal(ks[0], (N_NODES, HIDDEN), dtype=jnp.float32)
    edge_index = jax.random.randint(ks[1], (2, N_EDGES), 0, N_NODES, dtype=jnp.int64)
    # GatedGraphConv linear (one etype): nn.Linear(out_feats, out_feats)
    lim = 1.0 / np.sqrt(HIDDEN)
    W_lin = jax.random.uniform(ks[2], (HIDDEN, HIDDEN), minval=-lim, maxval=lim, dtype=jnp.float32)
    b_lin = jnp.zeros((HIDDEN,), dtype=jnp.float32)
    # GRUCell params: weight_ih [3H, H], weight_hh [3H, H], biases [3H]
    W_ih = jax.random.uniform(ks[3], (3 * HIDDEN, HIDDEN), minval=-lim, maxval=lim, dtype=jnp.float32)
    b_ih = jax.random.uniform(ks[4], (3 * HIDDEN,), minval=-lim, maxval=lim, dtype=jnp.float32)
    W_hh = jax.random.uniform(ks[5], (3 * HIDDEN, HIDDEN), minval=-lim, maxval=lim, dtype=jnp.float32)
    b_hh = jax.random.uniform(ks[6], (3 * HIDDEN,), minval=-lim, maxval=lim, dtype=jnp.float32)
    # LayerNorm params
    gamma = jnp.ones((HIDDEN,), dtype=jnp.float32)
    beta = jnp.zeros((HIDDEN,), dtype=jnp.float32)
    return {"h_g2": h_g2, "edge_index": edge_index, "W_lin": W_lin, "b_lin": b_lin,
            "W_ih": W_ih, "b_ih": b_ih, "W_hh": W_hh, "b_hh": b_hh,
            "gamma": gamma, "beta": beta}


def _gru_cell(a, h, W_ih, b_ih, W_hh, b_hh):
    gi = a @ W_ih.T + b_ih
    gh = h @ W_hh.T + b_hh
    i_r, i_z, i_n = jnp.split(gi, 3, axis=-1)
    h_r, h_z, h_n = jnp.split(gh, 3, axis=-1)
    r = jax.nn.sigmoid(i_r + h_r)
    z = jax.nn.sigmoid(i_z + h_z)
    n = jnp.tanh(i_n + r * h_n)
    return (1.0 - z) * n + z * h


def reference(h_g2, edge_index, W_lin, b_lin, W_ih, b_ih, W_hh, b_hh, gamma, beta):
    src = edge_index[0]
    dst = edge_index[1]
    residual = h_g2
    feat = h_g2
    # GatedGraphConv: n_steps=2, n_etypes=1
    for _ in range(N_STEPS):
        msg_src = feat @ W_lin.T + b_lin          # linear transform on nodes
        a = jnp.zeros_like(feat).at[dst].add(msg_src[src])  # scatter-add over edges
        feat = _gru_cell(a, feat, W_ih, b_ih, W_hh, b_hh)
    # residual + LayerNorm
    x = feat + residual
    mean = jnp.mean(x, axis=-1, keepdims=True)
    var = jnp.mean((x - mean) ** 2, axis=-1, keepdims=True)
    x = (x - mean) / jnp.sqrt(var + 1e-5)
    x = x * gamma + beta
    # leaky_relu (default negative_slope=0.01); dropout is identity in eval
    x = jnp.where(x >= 0, x, 0.01 * x)
    return x

if __name__ == "__main__":
    import jax
    _d = setup_inputs()
    print(jax.jit(kernel)(*tuple(_d.values())))

</pallas_src>

<mosaic_0001>
#map = affine_map<(d0, d1) -> (0, 0)>
#map1 = affine_map<(d0, d1) -> (0, 0, 0)>
module attributes {stable_mosaic.version = 14 : i64} {
  func.func @_sc_edge_scatter_body(%arg0: i32, %arg1: i32, %arg2: memref<10000x128xf32, #tpu.memory_space<hbm>>, %arg3: memref<2560x128xi32, #tpu.memory_space<hbm>>, %arg4: memref<2560x128xi32, #tpu.memory_space<hbm>>, %arg5: memref<2x10000x128xf32, #tpu.memory_space<hbm>>, %arg6: memref<2x8x128xi32, #tpu.memory_space<vmem>>, %arg7: memref<2x8x128xi32, #tpu.memory_space<vmem>>, %arg8: memref<128x128xf32, #tpu.memory_space<vmem>>, %arg9: memref<128x128xf32, #tpu.memory_space<vmem>>, %arg10: memref<10240x128xf32, #tpu.memory_space<vmem_shared>>, %arg11: memref<!tpu.dma_semaphore, #tpu.memory_space<semaphore_mem>>, %arg12: memref<!tpu.dma_semaphore, #tpu.memory_space<semaphore_mem>>, %arg13: memref<!tpu.dma_semaphore, #tpu.memory_space<semaphore_mem>>, %arg14: memref<!tpu.dma_semaphore, #tpu.memory_space<semaphore_mem>>, %arg15: memref<!tpu.dma_semaphore, #tpu.memory_space<semaphore_mem>>, %arg16: memref<!tpu.dma_semaphore, #tpu.memory_space<semaphore_mem>>) attributes {dimension_semantics = [#tpu.dimension_semantics<core_parallel>, #tpu.dimension_semantics<subcore_parallel>], iteration_bounds = array<i64: 2, 16>, scalar_prefetch = 0 : i64, scratch_operands = 11 : i64, tpu.core_type = #tpu.core_type<sc_vector_subcore>, window_params = [{transform_indices = #map}, {transform_indices = #map}, {transform_indices = #map}, {transform_indices = #map1}]} {
    %scan3A = arith.constant 0 : i32
    %scan3A_0 = arith.constant 128 : i32
    %scan3A_1 = arith.addi %scan3A, %scan3A_0 : i32
    %scan3A_2 = arith.constant 1 : i32
    scf.for %scan3A_25 = %scan3A to %scan3A_1 step %scan3A_2  : i32 {
      %mul3A_26 = arith.constant 1 : i32
      %mul3A_27 = arith.muli %scan3A_25, %mul3A_26 : i32
      %add3A = arith.constant 0 : i32
      %add3A_28 = arith.addi %add3A, %mul3A_27 : i32
      %scan3A_29 = arith.constant 0 : i32
      %scan3A_30 = arith.constant 8 : i32
      %scan3A_31 = arith.addi %scan3A_29, %scan3A_30 : i32
      %scan3A_32 = arith.constant 1 : i32
      scf.for %scan3A_34 = %scan3A_29 to %scan3A_31 step %scan3A_32  : i32 {
        %mul3A_35 = arith.constant 16 : i32
        %mul3A_36 = arith.muli %scan3A_34, %mul3A_35 : i32
        %add3A_37 = arith.constant 0 : i32
        %add3A_38 = arith.addi %add3A_37, %mul3A_36 : i32
        %broadcast_in_dim3A = arith.constant 0.000000e+00 : f32
        %broadcast_in_dim3A_39 = vector.broadcast %broadcast_in_dim3A : f32 to vector<16xf32>
        %swap3A = arith.index_cast %add3A_28 : i32 to index
        %swap3A_40 = arith.index_cast %add3A_38 : i32 to index
        %swap3A_41 = tpu.vector_load %arg8[%swap3A, %swap3A_40] {strides = array<i32>} : memref<128x128xf32, #tpu.memory_space<vmem>>, vector<1x16xf32>,
        %swap3A_42 = vector.shape_cast %swap3A_41 : vector<1x16xf32> to vector<16xf32>
        %swap3A_43 = vector.shape_cast %broadcast_in_dim3A_39 : vector<16xf32> to vector<1x16xf32>
        tpu.vector_store %arg8[%swap3A, %swap3A_40], %swap3A_43 {strides = array<i32>} : memref<128x128xf32, #tpu.memory_space<vmem>>, vector<1x16xf32>,
      }
      %scan3A_33 = arith.constant 8 : i32
    }
    %scan3A_3 = arith.constant 128 : i32
    %scan3A_4 = arith.constant 0 : i32
    %scan3A_5 = arith.constant 5 : i32
    %scan3A_6 = arith.addi %scan3A_4, %scan3A_5 : i32
    %scan3A_7 = arith.constant 1 : i32
    scf.for %scan3A_25 = %scan3A_4 to %scan3A_6 step %scan3A_7  : i32 {
      %mul3A_26 = arith.constant 128 : i32
      %mul3A_27 = arith.muli %scan3A_25, %mul3A_26 : i32
      %add3A = arith.constant 0 : i32
      %add3A_28 = arith.addi %add3A, %mul3A_27 : i32
      %mul3A_29 = arith.constant 640 : i32
      %mul3A_30 = arith.muli %arg1, %mul3A_29 : i32
      %add3A_31 = arith.addi %mul3A_30, %add3A_28 : i32
      "tpu.region"() ({
        %run_scoped3A = tpu.sem_alloc : memref<!tpu.dma_semaphore, #tpu.memory_space<semaphore_mem>>
        %dma_start3A = arith.constant 0 : i32
        %dma_start3A_32 = tpu.memref_slice %arg10[%add3A_31, %dma_start3A] : memref<10240x128xf32, #tpu.memory_space<vmem_shared>> -> memref<128x128xf32, #tpu.memory_space<vmem_shared>>
        %dma_start3A_33 = arith.constant 0 : i32
        %dma_start3A_34 = tpu.memref_slice %arg10[%add3A_31, %dma_start3A_33] : memref<10240x128xf32, #tpu.memory_space<vmem_shared>> -> memref<128x128xf32, #tpu.memory_space<vmem_shared>>
        tpu.enqueue_dma source(%arg8 : memref<128x128xf32, #tpu.memory_space<vmem>>) target(%dma_start3A_34 : memref<128x128xf32, #tpu.memory_space<vmem_shared>>) target_semaphore(%run_scoped3A : memref<!tpu.dma_semaphore, #tpu.memory_space<semaphore_mem>>)
        %dma_wait3A = arith.constant 0 : i32
        %dma_wait3A_35 = tpu.memref_slice %arg10[%add3A_31, %dma_wait3A] : memref<10240x128xf32, #tpu.memory_space<vmem_shared>> -> memref<128x128xf32, #tpu.memory_space<vmem_shared>>
        %dma_wait3A_36 = arith.constant 0 : i32
        %dma_wait3A_37 = tpu.memref_slice %arg10[%add3A_31, %dma_wait3A_36] : memref<10240x128xf32, #tpu.memory_space<vmem_shared>> -> memref<128x128xf32, #tpu.memory_space<vmem_shared>>
        tpu.wait_dma2 semaphore(%run_scoped3A : memref<!tpu.dma_semaphore, #tpu.memory_space<semaphore_mem>>) src(%arg8 : memref<128x128xf32, #tpu.memory_space<vmem>>) dst(%dma_wait3A_37 : memref<128x128xf32, #tpu.memory_space<vmem_shared>>)
        tpu.yield
      }) : () -> ()
    }
    %scan3A_8 = arith.constant 5 : i32
    %barrier3A = arith.constant 0 : index
    tpu.barrier barrier_id(%barrier3A)
    %eq3A = arith.constant 0 : i32
    %eq3A_9 = arith.cmpi eq, %arg0, %eq3A : i32
    %convert_element_type3A = arith.extui %eq3A_9 : i1 to i32
    %cond3A = arith.constant 0 : i32
    %cond3A_10 = arith.cmpi ne, %convert_element_type3A, %cond3A : i32
    scf.if %cond3A_10 {
      %mul3A_25 = arith.constant 80 : i32
      %mul3A_26 = arith.muli %arg1, %mul3A_25 : i32
      %add3A = arith.constant 0 : i32
      %add3A_27 = arith.addi %mul3A_26, %add3A : i32
      %multiple_of3A = tpu.assume_multiple %add3A_27, 8 : i32
      %dma_start3A = arith.constant 0 : i32
      %dma_start3A_28 = arith.constant 0 : i32
      %dma_start3A_29 = arith.constant 0 : i32
      %dma_start3A_30 = tpu.memref_slice %arg6[%dma_start3A, %dma_start3A_28, %dma_start3A_29] : memref<2x8x128xi32, #tpu.memory_space<vmem>> -> memref<1x8x128xi32, #tpu.memory_space<vmem>>
      %dma_start3A_31 = tpu.memref_squeeze %dma_start3A_30 : memref<1x8x128xi32, #tpu.memory_space<vmem>> -> memref<8x128xi32, #tpu.memory_space<vmem>>
      %dma_start3A_32 = arith.constant 0 : i32
      %dma_start3A_33 = tpu.memref_slice %arg3[%multiple_of3A, %dma_start3A_32] : memref<2560x128xi32, #tpu.memory_space<hbm>> -> memref<8x128xi32, #tpu.memory_space<hbm>>
      %dma_start3A_34 = arith.constant 0 : i32
      %dma_start3A_35 = arith.constant 0 : i32
      %dma_start3A_36 = tpu.memref_slice %arg6[%dma_start3A, %dma_start3A_34, %dma_start3A_35] : memref<2x8x128xi32, #tpu.memory_space<vmem>> -> memref<1x8x128xi32, #tpu.memory_space<vmem>>
      %dma_start3A_37 = tpu.memref_squeeze %dma_start3A_36 : memref<1x8x128xi32, #tpu.memory_space<vmem>> -> memref<8x128xi32, #tpu.memory_space<vmem>>
      %dma_start3A_38 = arith.constant 0 : i32
      %dma_start3A_39 = tpu.memref_slice %arg3[%multiple_of3A, %dma_start3A_38] : memref<2560x128xi32, #tpu.memory_space<hbm>> -> memref<8x128xi32, #tpu.memory_space<hbm>>
      tpu.enqueue_dma source(%dma_start3A_39 : memref<8x128xi32, #tpu.memory_space<hbm>>) target(%dma_start3A_37 : memref<8x128xi32, #tpu.memory_space<vmem>>) target_semaphore(%arg13 : memref<!tpu.dma_semaphore, #tpu.memory_space<semaphore_mem>>)
      %add3A_40 = arith.constant 0 : i32
      %add3A_41 = arith.addi %mul3A_26, %add3A_40 : i32
      %multiple_of3A_42 = tpu.assume_multiple %add3A_41, 8 : i32
      %dma_start3A_43 = arith.constant 0 : i32
      %dma_start3A_44 = arith.constant 0 : i32
      %dma_start3A_45 = arith.constant 0 : i32
      %dma_start3A_46 = tpu.memref_slice %arg7[%dma_start3A_43, %dma_start3A_44, %dma_start3A_45] : memref<2x8x128xi32, #tpu.memory_space<vmem>> -> memref<1x8x128xi32, #tpu.memory_space<vmem>>
      %dma_start3A_47 = tpu.memref_squeeze %dma_start3A_46 : memref<1x8x128xi32, #tpu.memory_space<vmem>> -> memref<8x128xi32, #tpu.memory_space<vmem>>
      %dma_start3A_48 = arith.constant 0 : i32
      %dma_start3A_49 = tpu.memref_slice %arg4[%multiple_of3A_42, %dma_start3A_48] : memref<2560x128xi32, #tpu.memory_space<hbm>> -> memref<8x128xi32, #tpu.memory_space<hbm>>
      %dma_start3A_50 = arith.constant 0 : i32
      %dma_start3A_51 = arith.constant 0 : i32
      %dma_start3A_52 = tpu.memref_slice %arg7[%dma_start3A_43, %dma_start3A_50, %dma_start3A_51] : memref<2x8x128xi32, #tpu.memory_space<vmem>> -> memref<1x8x128xi32, #tpu.memory_space<vmem>>
      %dma_start3A_53 = tpu.memref_squeeze %dma_start3A_52 : memref<1x8x128xi32, #tpu.memory_space<vmem>> -> memref<8x128xi32, #tpu.memory_space<vmem>>
      %dma_start3A_54 = arith.constant 0 : i32
      %dma_start3A_55 = tpu.memref_slice %arg4[%multiple_of3A_42, %dma_start3A_54] : memref<2560x128xi32, #tpu.memory_space<hbm>> -> memref<8x128xi32, #tpu.memory_space<hbm>>
      tpu.enqueue_dma source(%dma_start3A_55 : memref<8x128xi32, #tpu.memory_space<hbm>>) target(%dma_start3A_53 : memref<8x128xi32, #tpu.memory_space<vmem>>) target_semaphore(%arg14 : memref<!tpu.dma_semaphore, #tpu.memory_space<semaphore_mem>>)
      %scan3A_56 = arith.constant 0 : i32
      %scan3A_57 = arith.constant 5 : i32
      %scan3A_58 = arith.addi %scan3A_56, %scan3A_57 : i32
      %scan3A_59 = arith.constant 1 : i32
      scf.for %scan3A_61 = %scan3A_56 to %scan3A_58 step %scan3A_59  : i32 {
        %mul3A_62 = arith.constant 2 : i32
        %mul3A_63 = arith.muli %scan3A_61, %mul3A_62 : i32
        %add3A_64 = arith.constant 0 : i32
        %add3A_65 = arith.addi %add3A_64, %mul3A_63 : i32
        %mul3A_66 = arith.constant 8 : i32
        %mul3A_67 = arith.muli %add3A_65, %mul3A_66 : i32
        %add3A_68 = arith.addi %mul3A_26, %mul3A_67 : i32
        %multiple_of3A_69 = tpu.assume_multiple %add3A_68, 8 : i32
        %dma_wait3A = arith.constant 0 : i32
        %dma_wait3A_70 = arith.constant 0 : i32
        %dma_wait3A_71 = arith.constant 0 : i32
        %dma_wait3A_72 = tpu.memref_slice %arg6[%dma_wait3A, %dma_wait3A_70, %dma_wait3A_71] : memref<2x8x128xi32, #tpu.memory_space<vmem>> -> memref<1x8x128xi32, #tpu.memory_space<vmem>>
        %dma_wait3A_73 = tpu.memref_squeeze %dma_wait3A_72 : memref<1x8x128xi32, #tpu.memory_space<vmem>> -> memref<8x128xi32, #tpu.memory_space<vmem>>
        %dma_wait3A_74 = arith.constant 0 : i32
        %dma_wait3A_75 = tpu.memref_slice %arg3[%multiple_of3A_69, %dma_wait3A_74] : memref<2560x128xi32, #tpu.memory_space<hbm>> -> memref<8x128xi32, #tpu.memory_space<hbm>>
        %dma_wait3A_76 = arith.constant 0 : i32
        %dma_wait3A_77 = arith.constant 0 : i32
        %dma_wait3A_78 = tpu.memref_slice %arg6[%dma_wait3A, %dma_wait3A_76, %dma_wait3A_77] : memref<2x8x128xi32, #tpu.memory_space<vmem>> -> memref<1x8x128xi32, #tpu.memory_space<vmem>>
        %dma_wait3A_79 = tpu.memref_squeeze %dma_wait3A_78 : memref<1x8x128xi32, #tpu.memory_space<vmem>> -> memref<8x128xi32, #tpu.memory_space<vmem>>
        %dma_wait3A_80 = arith.constant 0 : i32
        %dma_wait3A_81 = tpu.memref_slice %arg3[%multiple_of3A_69, %dma_wait3A_80] : memref<2560x128xi32, #tpu.memory_space<hbm>> -> memref<8x128xi32, #tpu.memory_space<hbm>>
        tpu.wait_dma2 semaphore(%arg13 : memref<!tpu.dma_semaphore, #tpu.memory_space<semaphore_mem>>) src(%dma_wait3A_81 : memref<8x128xi32, #tpu.memory_space<hbm>>) dst(%dma_wait3A_79 : memref<8x128xi32, #tpu.memory_space<vmem>>)
        %mul3A_82 = arith.constant 8 : i32
        %mul3A_83 = arith.muli %add3A_65, %mul3A_82 : i32
        %add3A_84 = arith.addi %mul3A_26, %mul3A_83 : i32
        %multiple_of3A_85 = tpu.assume_multiple %add3A_84, 8 : i32
        %dma_wait3A_86 = arith.constant 0 : i32
        %dma_wait3A_87 = arith.constant 0 : i32
        %dma_wait3A_88 = arith.constant 0 : i32
        %dma_wait3A_89 = tpu.memref_slice %arg7[%dma_wait3A_86, %dma_wait3A_87, %dma_wait3A_88] : memref<2x8x128xi32, #tpu.memory_space<vmem>> -> memref<1x8x128xi32, #tpu.memory_space<vmem>>
        %dma_wait3A_90 = tpu.memref_squeeze %dma_wait3A_89 : memref<1x8x128xi32, #tpu.memory_space<vmem>> -> memref<8x128xi32, #tpu.memory_space<vmem>>
        %dma_wait3A_91 = arith.constant 0 : i32
        %dma_wait3A_92 = tpu.memref_slice %arg4[%multiple_of3A_85, %dma_wait3A_91] : memref<2560x128xi32, #tpu.memory_space<hbm>> -> memref<8x128xi32, #tpu.memory_space<hbm>>
        %dma_wait3A_93 = arith.constant 0 : i32
        %dma_wait3A_94 = arith.constant 0 : i32
        %dma_wait3A_95 = tpu.memref_slice %arg7[%dma_wait3A_86, %dma_wait3A_93, %dma_wait3A_94] : memref<2x8x128xi32, #tpu.memory_space<vmem>> -> memref<1x8x128xi32, #tpu.memory_space<vmem>>
        %dma_wait3A_96 = tpu.memref_squeeze %dma_wait3A_95 : memref<1x8x128xi32, #tpu.memory_space<vmem>> -> memref<8x128xi32, #tpu.memory_space<vmem>>
        %dma_wait3A_97 = arith.constant 0 : i32
        %dma_wait3A_98 = tpu.memref_slice %arg4[%multiple_of3A_85, %dma_wait3A_97] : memref<2560x128xi32, #tpu.memory_space<hbm>> -> memref<8x128xi32, #tpu.memory_space<hbm>>
        tpu.wait_dma2 semaphore(%arg14 : memref<!tpu.dma_semaphore, #tpu.memory_space<semaphore_mem>>) src(%dma_wait3A_98 : memref<8x128xi32, #tpu.memory_space<hbm>>) dst(%dma_wait3A_96 : memref<8x128xi32, #tpu.memory_space<vmem>>)
        %add3A_99 = arith.constant 1 : i32
        %add3A_100 = arith.addi %add3A_65, %add3A_99 : i32
        %lt3A = arith.constant 10 : i32
        %lt3A_101 = arith.cmpi slt, %add3A_100, %lt3A : i32
        %convert_element_type3A_102 = arith.extui %lt3A_101 : i1 to i32
        %cond3A_103 = arith.constant 0 : i32
        %cond3A_104 = arith.cmpi ne, %convert_element_type3A_102, %cond3A_103 : i32
        scf.if %cond3A_104 {
          %add3A_354 = arith.constant 1 : i32
          %add3A_355 = arith.addi %add3A_65, %add3A_354 : i32
          %mul3A_356 = arith.constant 8 : i32
          %mul3A_357 = arith.muli %add3A_355, %mul3A_356 : i32
          %add3A_358 = arith.addi %mul3A_26, %mul3A_357 : i32
          %multiple_of3A_359 = tpu.assume_multiple %add3A_358, 8 : i32
          %dma_start3A_360 = arith.constant 1 : i32
          %dma_start3A_361 = arith.constant 0 : i32
          %dma_start3A_362 = arith.constant 0 : i32
          %dma_start3A_363 = tpu.memref_slice %arg6[%dma_start3A_360, %dma_start3A_361, %dma_start3A_362] : memref<2x8x128xi32, #tpu.memory_space<vmem>> -> memref<1x8x128xi32, #tpu.memory_space<vmem>>
          %dma_start3A_364 = tpu.memref_squeeze %dma_start3A_363 : memref<1x8x128xi32, #tpu.memory_space<vmem>> -> memref<8x128xi32, #tpu.memory_space<vmem>>
          %dma_start3A_365 = arith.constant 0 : i32
          %dma_start3A_366 = tpu.memref_slice %arg3[%multiple_of3A_359, %dma_start3A_365] : memref<2560x128xi32, #tpu.memory_space<hbm>> -> memref<8x128xi32, #tpu.memory_space<hbm>>
          %dma_start3A_367 = arith.constant 0 : i32
          %dma_start3A_368 = arith.constant 0 : i32
          %dma_start3A_369 = tpu.memref_slice %arg6[%dma_start3A_360, %dma_start3A_367, %dma_start3A_368] : memref<2x8x128xi32, #tpu.memory_space<vmem>> -> memref<1x8x128xi32, #tpu.memory_space<vmem>>
          %dma_start3A_370 = tpu.memref_squeeze %dma_start3A_369 : memref<1x8x128xi32, #tpu.memory_space<vmem>> -> memref<8x128xi32, #tpu.memory_space<vmem>>
          %dma_start3A_371 = arith.constant 0 : i32
          %dma_start3A_372 = tpu.memref_slice %arg3[%multiple_of3A_359, %dma_start3A_371] : memref<2560x128xi32, #tpu.memory_space<hbm>> -> memref<8x128xi32, #tpu.memory_space<hbm>>
          tpu.enqueue_dma source(%dma_start3A_372 : memref<8x128xi32, #tpu.memory_space<hbm>>) target(%dma_start3A_370 : memref<8x128xi32, #tpu.memory_space<vmem>>) target_semaphore(%arg13 : memref<!tpu.dma_semaphore, #tpu.memory_space<semaphore_mem>>)
          %add3A_373 = arith.constant 1 : i32
          %add3A_374 = arith.addi %add3A_65, %add3A_373 : i32
          %mul3A_375 = arith.constant 8 : i32
          %mul3A_376 = arith.muli %add3A_374, %mul3A_375 : i32
          %add3A_377 = arith.addi %mul3A_26, %mul3A_376 : i32
          %multiple_of3A_378 = tpu.assume_multiple %add3A_377, 8 : i32
          %dma_start3A_379 = arith.constant 1 : i32
          %dma_start3A_380 = arith.constant 0 : i32
          %dma_start3A_381 = arith.constant 0 : i32
          %dma_start3A_382 = tpu.memref_slice %arg7[%dma_start3A_379, %dma_start3A_380, %dma_start3A_381] : memref<2x8x128xi32, #tpu.memory_space<vmem>> -> memref<1x8x128xi32, #tpu.memory_space<vmem>>
          %dma_start3A_383 = tpu.memref_squeeze %dma_start3A_382 : memref<1x8x128xi32, #tpu.memory_space<vmem>> -> memref<8x128xi32, #tpu.memory_space<vmem>>
          %dma_start3A_384 = arith.constant 0 : i32
          %dma_start3A_385 = tpu.memref_slice %arg4[%multiple_of3A_378, %dma_start3A_384] : memref<2560x128xi32, #tpu.memory_space<hbm>> -> memref<8x128xi32, #tpu.memory_space<hbm>>
          %dma_start3A_386 = arith.constant 0 : i32
          %dma_start3A_387 = arith.constant 0 : i32
          %dma_start3A_388 = tpu.memref_slice %arg7[%dma_start3A_379, %dma_start3A_386, %dma_start3A_387] : memref<2x8x128xi32, #tpu.memory_space<vmem>> -> memref<1x8x128xi32, #tpu.memory_space<vmem>>
          %dma_start3A_389 = tpu.memref_squeeze %dma_start3A_388 : memref<1x8x128xi32, #tpu.memory_space<vmem>> -> memref<8x128xi32, #tpu.memory_space<vmem>>
          %dma_start3A_390 = arith.constant 0 : i32
          %dma_start3A_391 = tpu.memref_slice %arg4[%multiple_of3A_378, %dma_start3A_390] : memref<2560x128xi32, #tpu.memory_space<hbm>> -> memref<8x128xi32, #tpu.memory_space<hbm>>
          tpu.enqueue_dma source(%dma_start3A_391 : memref<8x128xi32, #tpu.memory_space<hbm>>) target(%dma_start3A_389 : memref<8x128xi32, #tpu.memory_space<vmem>>) target_semaphore(%arg14 : memref<!tpu.dma_semaphore, #tpu.memory_space<semaphore_mem>>)
        } else {
        }
        %dma_start3A_105 = arith.constant 0 : i32
        %dma_start3A_106 = arith.constant 0 : i32
        %dma_start3A_107 = arith.constant 0 : i32
        %dma_start3A_108 = arith.constant 0 : i32
        %dma_start3A_109 = tpu.memref_slice %arg6[%dma_start3A_105, %dma_start3A_107, %dma_start3A_108] : memref<2x8x128xi32, #tpu.memory_space<vmem>> -> memref<1x8x128xi32, #tpu.memory_space<vmem>>
        %dma_start3A_110 = tpu.memref_squeeze %dma_start3A_109 : memref<1x8x128xi32, #tpu.memory_space<vmem>> -> memref<8x128xi32, #tpu.memory_space<vmem>>
        %dma_start3A_111 = arith.constant 0 : i32
        %dma_start3A_112 = tpu.memref_slice %dma_start3A_110[%dma_start3A_106, %dma_start3A_111] : memref<8x128xi32, #tpu.memory_space<vmem>> -> memref<1x128xi32, #tpu.memory_space<vmem>>
        %dma_start3A_113 = tpu.memref_squeeze %dma_start3A_112 : memref<1x128xi32, #tpu.memory_space<vmem>> -> memref<128xi32, #tpu.memory_space<vmem>>
        %dma_start3A_114 = arith.constant 0 : i32
        %dma_start3A_115 = arith.constant 0 : i32
        %dma_start3A_116 = tpu.memref_slice %arg2[%dma_start3A_114, %dma_start3A_115] : memref<10000x128xf32, #tpu.memory_space<hbm>> -> memref<10000x128xf32, #tpu.memory_space<hbm>>
        tpu.enqueue_indirect_dma source(%dma_start3A_116 : memref<10000x128xf32, #tpu.memory_space<hbm>>) target(%arg8 : memref<128x128xf32, #tpu.memory_space<vmem>>) offsets(%dma_start3A_113 : memref<128xi32, #tpu.memory_space<vmem>>) semaphore(%arg11 : memref<!tpu.dma_semaphore, #tpu.memory_space<semaphore_mem>>)
        %dma_start3A_117 = arith.constant 0 : i32
        %dma_start3A_118 = arith.constant 1 : i32
        %dma_start3A_119 = arith.constant 0 : i32
        %dma_start3A_120 = arith.constant 0 : i32
        %dma_start3A_121 = tpu.memref_slice %arg6[%dma_start3A_117, %dma_start3A_119, %dma_start3A_120] : memref<2x8x128xi32, #tpu.memory_space<vmem>> -> memref<1x8x128xi32, #tpu.memory_space<vmem>>
        %dma_start3A_122 = tpu.memref_squeeze %dma_start3A_121 : memref<1x8x128xi32, #tpu.memory_space<vmem>> -> memref<8x128xi32, #tpu.memory_space<vmem>>
        %dma_start3A_123 = arith.constant 0 : i32
        %dma_start3A_124 = tpu.memref_slice %dma_start3A_122[%dma_start3A_118, %dma_start3A_123] : memref<8x128xi32, #tpu.memory_space<vmem>> -> memref<1x128xi32, #tpu.memory_space<vmem>>
        %dma_start3A_125 = tpu.memref_squeeze %dma_start3A_124 : memref<1x128xi32, #tpu.memory_space<vmem>> -> memref<128xi32, #tpu.memory_space<vmem>>
        %dma_start3A_126 = arith.constant 0 : i32
        %dma_start3A_127 = arith.constant 0 : i32
        %dma_start3A_128 = tpu.memref_slice %arg2[%dma_start3A_126, %dma_start3A_127] : memref<10000x128xf32, #tpu.memory_space<hbm>> -> memref<10000x128xf32, #tpu.memory_space<hbm>>
        tpu.enqueue_indirect_dma source(%dma_start3A_128 : memref<10000x128xf32, #tpu.memory_space<hbm>>) target(%arg9 : memref<128x128xf32, #tpu.memory_space<vmem>>) offsets(%dma_start3A_125 : memref<128xi32, #tpu.memory_space<vmem>>) semaphore(%arg12 : memref<!tpu.dma_semaphore, #tpu.memory_space<semaphore_mem>>)
        %scan3A_129 = arith.constant 0 : i32
        %scan3A_130 = arith.constant 0 : i32
        %scan3A_131 = arith.constant 0 : i32
        %scan3A_132 = arith.constant 3 : i32
        %scan3A_133 = arith.addi %scan3A_131, %scan3A_132 : i32
        %scan3A_134 = arith.constant 1 : i32
        scf.for %scan3A_354 = %scan3A_131 to %scan3A_133 step %scan3A_134  : i32 {
          %mul3A_355 = arith.constant 2 : i32
          %mul3A_356 = arith.muli %scan3A_354, %mul3A_355 : i32
          %add3A_357 = arith.constant 0 : i32
          %add3A_358 = arith.addi %add3A_357, %mul3A_356 : i32
          %dma_wait3A_359 = arith.constant 0 : i32
          %dma_wait3A_360 = arith.constant 0 : i32
          %dma_wait3A_361 = tpu.memref_slice %arg6[%scan3A_129, %dma_wait3A_359, %dma_wait3A_360] : memref<2x8x128xi32, #tpu.memory_space<vmem>> -> memref<1x8x128xi32, #tpu.memory_space<vmem>>
          %dma_wait3A_362 = tpu.memref_squeeze %dma_wait3A_361 : memref<1x8x128xi32, #tpu.memory_space<vmem>> -> memref<8x128xi32, #tpu.memory_space<vmem>>
          %dma_wait3A_363 = arith.constant 0 : i32
          %dma_wait3A_364 = tpu.memref_slice %dma_wait3A_362[%add3A_358, %dma_wait3A_363] : memref<8x128xi32, #tpu.memory_space<vmem>> -> memref<1x128xi32, #tpu.memory_space<vmem>>
          %dma_wait3A_365 = tpu.memref_squeeze %dma_wait3A_364 : memref<1x128xi32, #tpu.memory_space<vmem>> -> memref<128xi32, #tpu.memory_space<vmem>>
          %dma_wait3A_366 = arith.constant 0 : i32
          %dma_wait3A_367 = arith.constant 0 : i32
          %dma_wait3A_368 = tpu.memref_slice %arg2[%dma_wait3A_366, %dma_wait3A_367] : memref<10000x128xf32, #tpu.memory_space<hbm>> -> memref<10000x128xf32, #tpu.memory_space<hbm>>
          tpu.wait_indirect_dma semaphore(%arg11 : memref<!tpu.dma_semaphore, #tpu.memory_space<semaphore_mem>>) src(%dma_wait3A_368 : memref<10000x128xf32, #tpu.memory_space<hbm>>) dst(%arg8 : memref<128x128xf32, #tpu.memory_space<vmem>>)
          %dma_start3A_369 = arith.constant 0 : i32
          %dma_start3A_370 = arith.constant 0 : i32
          %dma_start3A_371 = tpu.memref_slice %arg7[%scan3A_130, %dma_start3A_369, %dma_start3A_370] : memref<2x8x128xi32, #tpu.memory_space<vmem>> -> memref<1x8x128xi32, #tpu.memory_space<vmem>>
          %dma_start3A_372 = tpu.memref_squeeze %dma_start3A_371 : memref<1x8x128xi32, #tpu.memory_space<vmem>> -> memref<8x128xi32, #tpu.memory_space<vmem>>
          %dma_start3A_373 = arith.constant 0 : i32
          %dma_start3A_374 = tpu.memref_slice %dma_start3A_372[%add3A_358, %dma_start3A_373] : memref<8x128xi32, #tpu.memory_space<vmem>> -> memref<1x128xi32, #tpu.memory_space<vmem>>
          %dma_start3A_375 = tpu.memref_squeeze %dma_start3A_374 : memref<1x128xi32, #tpu.memory_space<vmem>> -> memref<128xi32, #tpu.memory_space<vmem>>
          %dma_start3A_376 = arith.constant 0 : i32
          %dma_start3A_377 = arith.constant 0 : i32
          %dma_start3A_378 = tpu.memref_slice %arg10[%dma_start3A_376, %dma_start3A_377] : memref<10240x128xf32, #tpu.memory_space<vmem_shared>> -> memref<10240x128xf32, #tpu.memory_space<vmem_shared>>
          tpu.enqueue_indirect_dma source(%arg8 : memref<128x128xf32, #tpu.memory_space<vmem>>) target(%dma_start3A_378 : memref<10240x128xf32, #tpu.memory_space<vmem_shared>>) offsets(%dma_start3A_375 : memref<128xi32, #tpu.memory_space<vmem>>) semaphore(%arg15 : memref<!tpu.dma_semaphore, #tpu.memory_space<semaphore_mem>>) {add = true}
          %add3A_379 = arith.constant 1 : i32
          %add3A_380 = arith.addi %add3A_358, %add3A_379 : i32
          %dma_wait3A_381 = arith.constant 0 : i32
          %dma_wait3A_382 = arith.constant 0 : i32
          %dma_wait3A_383 = tpu.memref_slice %arg6[%scan3A_129, %dma_wait3A_381, %dma_wait3A_382] : memref<2x8x128xi32, #tpu.memory_space<vmem>> -> memref<1x8x128xi32, #tpu.memory_space<vmem>>
          %dma_wait3A_384 = tpu.memref_squeeze %dma_wait3A_383 : memref<1x8x128xi32, #tpu.memory_space<vmem>> -> memref<8x128xi32, #tpu.memory_space<vmem>>
          %dma_wait3A_385 = arith.constant 0 : i32
          %dma_wait3A_386 = tpu.memref_slice %dma_wait3A_384[%add3A_380, %dma_wait3A_385] : memref<8x128xi32, #tpu.memory_space<vmem>> -> memref<1x128xi32, #tpu.memory_space<vmem>>
          %dma_wait3A_387 = tpu.memref_squeeze %dma_wait3A_386 : memref<1x128xi32, #tpu.memory_space<vmem>> -> memref<128xi32, #tpu.memory_space<vmem>>
          %dma_wait3A_388 = arith.constant 0 : i32
          %dma_wait3A_389 = arith.constant 0 : i32
          %dma_wait3A_390 = tpu.memref_slice %arg2[%dma_wait3A_388, %dma_wait3A_389] : memref<10000x128xf32, #tpu.memory_space<hbm>> -> memref<10000x128xf32, #tpu.memory_space<hbm>>
          tpu.wait_indirect_dma semaphore(%arg12 : memref<!tpu.dma_semaphore, #tpu.memory_space<semaphore_mem>>) src(%dma_wait3A_390 : memref<10000x128xf32, #tpu.memory_space<hbm>>) dst(%arg9 : memref<128x128xf32, #tpu.memory_space<vmem>>)
          %add3A_391 = arith.constant 1 : i32
          %add3A_392 = arith.addi %add3A_358, %add3A_391 : i32
          %dma_start3A_393 = arith.constant 0 : i32
          %dma_start3A_394 = arith.constant 0 : i32
          %dma_start3A_395 = tpu.memref_slice %arg7[%scan3A_130, %dma_start3A_393, %dma_start3A_394] : memref<2x8x128xi32, #tpu.memory_space<vmem>> -> memref<1x8x128xi32, #tpu.memory_space<vmem>>
          %dma_start3A_396 = tpu.memref_squeeze %dma_start3A_395 : memref<1x8x128xi32, #tpu.memory_space<vmem>> -> memref<8x128xi32, #tpu.memory_space<vmem>>
          %dma_start3A_397 = arith.constant 0 : i32
          %dma_start3A_398 = tpu.memref_slice %dma_start3A_396[%add3A_392, %dma_start3A_397] : memref<8x128xi32, #tpu.memory_space<vmem>> -> memref<1x128xi32, #tpu.memory_space<vmem>>
          %dma_start3A_399 = tpu.memref_squeeze %dma_start3A_398 : memref<1x128xi32, #tpu.memory_space<vmem>> -> memref<128xi32, #tpu.memory_space<vmem>>
          %dma_start3A_400 = arith.constant 0 : i32
          %dma_start3A_401 = arith.constant 0 : i32
          %dma_start3A_402 = tpu.memref_slice %arg10[%dma_start3A_400, %dma_start3A_401] : memref<10240x128xf32, #tpu.memory_space<vmem_shared>> -> memref<10240x128xf32, #tpu.memory_space<vmem_shared>>
          tpu.enqueue_indirect_dma source(%arg9 : memref<128x128xf32, #tpu.memory_space<vmem>>) target(%dma_start3A_402 : memref<10240x128xf32, #tpu.memory_space<vmem_shared>>) offsets(%dma_start3A_399 : memref<128xi32, #tpu.memory_space<vmem>>) semaphore(%arg16 : memref<!tpu.dma_semaphore, #tpu.memory_space<semaphore_mem>>) {add = true}
          %dma_wait3A_403 = arith.constant 0 : i32
          %dma_wait3A_404 = arith.constant 0 : i32
          %dma_wait3A_405 = tpu.memref_slice %arg7[%scan3A_130, %dma_wait3A_403, %dma_wait3A_404] : memref<2x8x128xi32, #tpu.memory_space<vmem>> -> memref<1x8x128xi32, #tpu.memory_space<vmem>>
          %dma_wait3A_406 = tpu.memref_squeeze %dma_wait3A_405 : memref<1x8x128xi32, #tpu.memory_space<vmem>> -> memref<8x128xi32, #tpu.memory_space<vmem>>
          %dma_wait3A_407 = arith.constant 0 : i32
          %dma_wait3A_408 = tpu.memref_slice %dma_wait3A_406[%add3A_358, %dma_wait3A_407] : memref<8x128xi32, #tpu.memory_space<vmem>> -> memref<1x128xi32, #tpu.memory_space<vmem>>
          %dma_wait3A_409 = tpu.memref_squeeze %dma_wait3A_408 : memref<1x128xi32, #tpu.memory_space<vmem>> -> memref<128xi32, #tpu.memory_space<vmem>>
          %dma_wait3A_410 = arith.constant 0 : i32
          %dma_wait3A_411 = arith.constant 0 : i32
          %dma_wait3A_412 = tpu.memref_slice %arg10[%dma_wait3A_410, %dma_wait3A_411] : memref<10240x128xf32, #tpu.memory_space<vmem_shared>> -> memref<10240x128xf32, #tpu.memory_space<vmem_shared>>
          tpu.wait_indirect_dma semaphore(%arg15 : memref<!tpu.dma_semaphore, #tpu.memory_space<semaphore_mem>>) src(%arg8 : memref<128x128xf32, #tpu.memory_space<vmem>>) dst(%dma_wait3A_412 : memref<10240x128xf32, #tpu.memory_space<vmem_shared>>)
          %add3A_413 = arith.constant 2 : i32
          %add3A_414 = arith.addi %add3A_358, %add3A_413 : i32
          %dma_start3A_415 = arith.constant 0 : i32
          %dma_start3A_416 = arith.constant 0 : i32
          %dma_start3A_417 = tpu.memref_slice %arg6[%scan3A_129, %dma_start3A_415, %dma_start3A_416] : memref<2x8x128xi32, #tpu.memory_space<vmem>> -> memref<1x8x128xi32, #tpu.memory_space<vmem>>
          %dma_start3A_418 = tpu.memref_squeeze %dma_start3A_417 : memref<1x8x128xi32, #tpu.memory_space<vmem>> -> memref<8x128xi32, #tpu.memory_space<vmem>>
          %dma_start3A_419 = arith.constant 0 : i32
          %dma_start3A_420 = tpu.memref_slice %dma_start3A_418[%add3A_414, %dma_start3A_419] : memref<8x128xi32, #tpu.memory_space<vmem>> -> memref<1x128xi32, #tpu.memory_space<vmem>>
          %dma_start3A_421 = tpu.memref_squeeze %dma_start3A_420 : memref<1x128xi32, #tpu.memory_space<vmem>> -> memref<128xi32, #tpu.memory_space<vmem>>
          %dma_start3A_422 = arith.constant 0 : i32
          %dma_start3A_423 = arith.constant 0 : i32
          %dma_start3A_424 = tpu.memref_slice %arg2[%dma_start3A_422, %dma_start3A_423] : memref<10000x128xf32, #tpu.memory_space<hbm>> -> memref<10000x128xf32, #tpu.memory_space<hbm>>
          tpu.enqueue_indirect_dma source(%dma_start3A_424 : memref<10000x128xf32, #tpu.memory_space<hbm>>) target(%arg8 : memref<128x128xf32, #tpu.memory_space<vmem>>) offsets(%dma_start3A_421 : memref<128xi32, #tpu.memory_space<vmem>>) semaphore(%arg11 : memref<!tpu.dma_semaphore, #tpu.memory_space<semaphore_mem>>)
          %add3A_425 = arith.constant 1 : i32
          %add3A_426 = arith.addi %add3A_358, %add3A_425 : i32
          %dma_wait3A_427 = arith.constant 0 : i32
          %dma_wait3A_428 = arith.constant 0 : i32
          %dma_wait3A_429 = tpu.memref_slice %arg7[%scan3A_130, %dma_wait3A_427, %dma_wait3A_428] : memref<2x8x128xi32, #tpu.memory_space<vmem>> -> memref<1x8x128xi32, #tpu.memory_space<vmem>>
          %dma_wait3A_430 = tpu.memref_squeeze %dma_wait3A_429 : memref<1x8x128xi32, #tpu.memory_space<vmem>> -> memref<8x128xi32, #tpu.memory_space<vmem>>
          %dma_wait3A_431 = arith.constant 0 : i32
          %dma_wait3A_432 = tpu.memref_slice %dma_wait3A_430[%add3A_426, %dma_wait3A_431] : memref<8x128xi32, #tpu.memory_space<vmem>> -> memref<1x128xi32, #tpu.memory_space<vmem>>
          %dma_wait3A_433 = tpu.memref_squeeze %dma_wait3A_432 : memref<1x128xi32, #tpu.memory_space<vmem>> -> memref<128xi32, #tpu.memory_space<vmem>>
          %dma_wait3A_434 = arith.constant 0 : i32
          %dma_wait3A_435 = arith.constant 0 : i32
          %dma_wait3A_436 = tpu.memref_slice %arg10[%dma_wait3A_434, %dma_wait3A_435] : memref<10240x128xf32, #tpu.memory_space<vmem_shared>> -> memref<10240x128xf32, #tpu.memory_space<vmem_shared>>
          tpu.wait_indirect_dma semaphore(%arg16 : memref<!tpu.dma_semaphore, #tpu.memory_space<semaphore_mem>>) src(%arg9 : memref<128x128xf32, #tpu.memory_space<vmem>>) dst(%dma_wait3A_436 : memref<10240x128xf32, #tpu.memory_space<vmem_shared>>)
          %add3A_437 = arith.constant 3 : i32
          %add3A_438 = arith.addi %add3A_358, %add3A_437 : i32
          %dma_start3A_439 = arith.constant 0 : i32
          %dma_start3A_440 = arith.constant 0 : i32
          %dma_start3A_441 = tpu.memref_slice %arg6[%scan3A_129, %dma_start3A_439, %dma_start3A_440] : memref<2x8x128xi32, #tpu.memory_space<vmem>> -> memref<1x8x128xi32, #tpu.memory_space<vmem>>
          %dma_start3A_442 = tpu.memref_squeeze %dma_start3A_441 : memref<1x8x128xi32, #tpu.memory_space<vmem>> -> memref<8x128xi32, #tpu.memory_space<vmem>>
          %dma_start3A_443 = arith.constant 0 : i32
          %dma_start3A_444 = tpu.memref_slice %dma_start3A_442[%add3A_438, %dma_start3A_443] : memref<8x128xi32, #tpu.memory_space<vmem>> -> memref<1x128xi32, #tpu.memory_space<vmem>>
          %dma_start3A_445 = tpu.memref_squeeze %dma_start3A_444 : memref<1x128xi32, #tpu.memory_space<vmem>> -> memref<128xi32, #tpu.memory_space<vmem>>
          %dma_start3A_446 = arith.constant 0 : i32
          %dma_start3A_447 = arith.constant 0 : i32
          %dma_start3A_448 = tpu.memref_slice %arg2[%dma_start3A_446, %dma_start3A_447] : memref<10000x128xf32, #tpu.memory_space<hbm>> -> memref<10000x128xf32, #tpu.memory_space<hbm>>
          tpu.enqueue_indirect_dma source(%dma_start3A_448 : memref<10000x128xf32, #tpu.memory_space<hbm>>) target(%arg9 : memref<128x128xf32, #tpu.memory_space<vmem>>) offsets(%dma_start3A_445 : memref<128xi32, #tpu.memory_space<vmem>>) semaphore(%arg12 : memref<!tpu.dma_semaphore, #tpu.memory_space<semaphore_mem>>)
        }
        %scan3A_135 = arith.constant 3 : i32
        %dma_wait3A_136 = arith.constant 0 : i32
        %dma_wait3A_137 = arith.constant 6 : i32
        %dma_wait3A_138 = arith.constant 0 : i32
        %dma_wait3A_139 = arith.constant 0 : i32
        %dma_wait3A_140 = tpu.memref_slice %arg6[%dma_wait3A_136, %dma_wait3A_138, %dma_wait3A_139] : memref<2x8x128xi32, #tpu.memory_space<vmem>> -> memref<1x8x128xi32, #tpu.memory_space<vmem>>
        %dma_wait3A_141 = tpu.memref_squeeze %dma_wait3A_140 : memref<1x8x128xi32, #tpu.memory_space<vmem>> -> memref<8x128xi32, #tpu.memory_space<vmem>>
        %dma_wait3A_142 = arith.constant 0 : i32
        %dma_wait3A_143 = tpu.memref_slice %dma_wait3A_141[%dma_wait3A_137, %dma_wait3A_142] : memref<8x128xi32, #tpu.memory_space<vmem>> -> memref<1x128xi32, #tpu.memory_space<vmem>>
        %dma_wait3A_144 = tpu.memref_squeeze %dma_wait3A_143 : memref<1x128xi32, #tpu.memory_space<vmem>> -> memref<128xi32, #tpu.memory_space<vmem>>
        %dma_wait3A_145 = arith.constant 0 : i32
        %dma_wait3A_146 = arith.constant 0 : i32
        %dma_wait3A_147 = tpu.memref_slice %arg2[%dma_wait3A_145, %dma_wait3A_146] : memref<10000x128xf32, #tpu.memory_space<hbm>> -> memref<10000x128xf32, #tpu.memory_space<hbm>>
        tpu.wait_indirect_dma semaphore(%arg11 : memref<!tpu.dma_semaphore, #tpu.memory_space<semaphore_mem>>) src(%dma_wait3A_147 : memref<10000x128xf32, #tpu.memory_space<hbm>>) dst(%arg8 : memref<128x128xf32, #tpu.memory_space<vmem>>)
        %dma_start3A_148 = arith.constant 0 : i32
        %dma_start3A_149 = arith.constant 6 : i32
        %dma_start3A_150 = arith.constant 0 : i32
        %dma_start3A_151 = arith.constant 0 : i32
        %dma_start3A_152 = tpu.memref_slice %arg7[%dma_start3A_148, %dma_start3A_150, %dma_start3A_151] : memref<2x8x128xi32, #tpu.memory_space<vmem>> -> memref<1x8x128xi32, #tpu.memory_space<vmem>>
        %dma_start3A_153 = tpu.memref_squeeze %dma_start3A_152 : memref<1x8x128xi32, #tpu.memory_space<vmem>> -> memref<8x128xi32, #tpu.memory_space<vmem>>
        %dma_start3A_154 = arith.constant 0 : i32
        %dma_start3A_155 = tpu.memref_slice %dma_start3A_153[%dma_start3A_149, %dma_start3A_154] : memref<8x128xi32, #tpu.memory_space<vmem>> -> memref<1x128xi32, #tpu.memory_space<vmem>>
        %dma_start3A_156 = tpu.memref_squeeze %dma_start3A_155 : memref<1x128xi32, #tpu.memory_space<vmem>> -> memref<128xi32, #tpu.memory_space<vmem>>
        %dma_start3A_157 = arith.constant 0 : i32
        %dma_start3A_158 = arith.constant 0 : i32
        %dma_start3A_159 = tpu.memref_slice %arg10[%dma_start3A_157, %dma_start3A_158] : memref<10240x128xf32, #tpu.memory_space<vmem_shared>> -> memref<10240x128xf32, #tpu.memory_space<vmem_shared>>
        tpu.enqueue_indirect_dma source(%arg8 : memref<128x128xf32, #tpu.memory_space<vmem>>) target(%dma_start3A_159 : memref<10240x128xf32, #tpu.memory_space<vmem_shared>>) offsets(%dma_start3A_156 : memref<128xi32, #tpu.memory_space<vmem>>) semaphore(%arg15 : memref<!tpu.dma_semaphore, #tpu.memory_space<semaphore_mem>>) {add = true}
        %dma_wait3A_160 = arith.constant 0 : i32
        %dma_wait3A_161 = arith.constant 7 : i32
        %dma_wait3A_162 = arith.constant 0 : i32
        %dma_wait3A_163 = arith.constant 0 : i32
        %dma_wait3A_164 = tpu.memref_slice %arg6[%dma_wait3A_160, %dma_wait3A_162, %dma_wait3A_163] : memref<2x8x128xi32, #tpu.memory_space<vmem>> -> memref<1x8x128xi32, #tpu.memory_space<vmem>>
        %dma_wait3A_165 = tpu.memref_squeeze %dma_wait3A_164 : memref<1x8x128xi32, #tpu.memory_space<vmem>> -> memref<8x128xi32, #tpu.memory_space<vmem>>
        %dma_wait3A_166 = arith.constant 0 : i32
        %dma_wait3A_167 = tpu.memref_slice %dma_wait3A_165[%dma_wait3A_161, %dma_wait3A_166] : memref<8x128xi32, #tpu.memory_space<vmem>> -> memref<1x128xi32, #tpu.memory_space<vmem>>
        %dma_wait3A_168 = tpu.memref_squeeze %dma_wait3A_167 : memref<1x128xi32, #tpu.memory_space<vmem>> -> memref<128xi32, #tpu.memory_space<vmem>>
        %dma_wait3A_169 = arith.constant 0 : i32
        %dma_wait3A_170 = arith.constant 0 : i32
        %dma_wait3A_171 = tpu.memref_slice %arg2[%dma_wait3A_169, %dma_wait3A_170] : memref<10000x128xf32, #tpu.memory_space<hbm>> -> memref<10000x128xf32, #tpu.memory_space<hbm>>
        tpu.wait_indirect_dma semaphore(%arg12 : memref<!tpu.dma_semaphore, #tpu.memory_space<semaphore_mem>>) src(%dma_wait3A_171 : memref<10000x128xf32, #tpu.memory_space<hbm>>) dst(%arg9 : memref<128x128xf32, #tpu.memory_space<vmem>>)
        %dma_start3A_172 = arith.constant 0 : i32
        %dma_start3A_173 = arith.constant 7 : i32
        %dma_start3A_174 = arith.constant 0 : i32
        %dma_start3A_175 = arith.constant 0 : i32
        %dma_start3A_176 = tpu.memref_slice %arg7[%dma_start3A_172, %dma_start3A_174, %dma_start3A_175] : memref<2x8x128xi32, #tpu.memory_space<vmem>> -> memref<1x8x128xi32, #tpu.memory_space<vmem>>
        %dma_start3A_177 = tpu.memref_squeeze %dma_start3A_176 : memref<1x8x128xi32, #tpu.memory_space<vmem>> -> memref<8x128xi32, #tpu.memory_space<vmem>>
        %dma_start3A_178 = arith.constant 0 : i32
        %dma_start3A_179 = tpu.memref_slice %dma_start3A_177[%dma_start3A_173, %dma_start3A_178] : memref<8x128xi32, #tpu.memory_space<vmem>> -> memref<1x128xi32, #tpu.memory_space<vmem>>
        %dma_start3A_180 = tpu.memref_squeeze %dma_start3A_179 : memref<1x128xi32, #tpu.memory_space<vmem>> -> memref<128xi32, #tpu.memory_space<vmem>>
        %dma_start3A_181 = arith.constant 0 : i32
        %dma_start3A_182 = arith.constant 0 : i32
        %dma_start3A_183 = tpu.memref_slice %arg10[%dma_start3A_181, %dma_start3A_182] : memref<10240x128xf32, #tpu.memory_space<vmem_shared>> -> memref<10240x128xf32, #tpu.memory_space<vmem_shared>>
        tpu.enqueue_indirect_dma source(%arg9 : memref<128x128xf32, #tpu.memory_space<vmem>>) target(%dma_start3A_183 : memref<10240x128xf32, #tpu.memory_space<vmem_shared>>) offsets(%dma_start3A_180 : memref<128xi32, #tpu.memory_space<vmem>>) semaphore(%arg16 : memref<!tpu.dma_semaphore, #tpu.memory_space<semaphore_mem>>) {add = true}
        %dma_wait3A_184 = arith.constant 0 : i32
        %dma_wait3A_185 = arith.constant 6 : i32
        %dma_wait3A_186 = arith.constant 0 : i32
        %dma_wait3A_187 = arith.constant 0 : i32
        %dma_wait3A_188 = tpu.memref_slice %arg7[%dma_wait3A_184, %dma_wait3A_186, %dma_wait3A_187] : memref<2x8x128xi32, #tpu.memory_space<vmem>> -> memref<1x8x128xi32, #tpu.memory_space<vmem>>
        %dma_wait3A_189 = tpu.memref_squeeze %dma_wait3A_188 : memref<1x8x128xi32, #tpu.memory_space<vmem>> -> memref<8x128xi32, #tpu.memory_space<vmem>>
        %dma_wait3A_190 = arith.constant 0 : i32
        %dma_wait3A_191 = tpu.memref_slice %dma_wait3A_189[%dma_wait3A_185, %dma_wait3A_190] : memref<8x128xi32, #tpu.memory_space<vmem>> -> memref<1x128xi32, #tpu.memory_space<vmem>>
        %dma_wait3A_192 = tpu.memref_squeeze %dma_wait3A_191 : memref<1x128xi32, #tpu.memory_space<vmem>> -> memref<128xi32, #tpu.memory_space<vmem>>
        %dma_wait3A_193 = arith.constant 0 : i32
        %dma_wait3A_194 = arith.constant 0 : i32
        %dma_wait3A_195 = tpu.memref_slice %arg10[%dma_wait3A_193, %dma_wait3A_194] : memref<10240x128xf32, #tpu.memory_space<vmem_shared>> -> memref<10240x128xf32, #tpu.memory_space<vmem_shared>>
        tpu.wait_indirect_dma semaphore(%arg15 : memref<!tpu.dma_semaphore, #tpu.memory_space<semaphore_mem>>) src(%arg8 : memref<128x128xf32, #tpu.memory_space<vmem>>) dst(%dma_wait3A_195 : memref<10240x128xf32, #tpu.memory_space<vmem_shared>>)
        %dma_wait3A_196 = arith.constant 0 : i32
        %dma_wait3A_197 = arith.constant 7 : i32
        %dma_wait3A_198 = arith.constant 0 : i32
        %dma_wait3A_199 = arith.constant 0 : i32
        %dma_wait3A_200 = tpu.memref_slice %arg7[%dma_wait3A_196, %dma_wait3A_198, %dma_wait3A_199] : memref<2x8x128xi32, #tpu.memory_space<vmem>> -> memref<1x8x128xi32, #tpu.memory_space<vmem>>
        %dma_wait3A_201 = tpu.memref_squeeze %dma_wait3A_200 : memref<1x8x128xi32, #tpu.memory_space<vmem>> -> memref<8x128xi32, #tpu.memory_space<vmem>>
        %dma_wait3A_202 = arith.constant 0 : i32
        %dma_wait3A_203 = tpu.memref_slice %dma_wait3A_201[%dma_wait3A_197, %dma_wait3A_202] : memref<8x128xi32, #tpu.memory_space<vmem>> -> memref<1x128xi32, #tpu.memory_space<vmem>>
        %dma_wait3A_204 = tpu.memref_squeeze %dma_wait3A_203 : memref<1x128xi32, #tpu.memory_space<vmem>> -> memref<128xi32, #tpu.memory_space<vmem>>
        %dma_wait3A_205 = arith.constant 0 : i32
        %dma_wait3A_206 = arith.constant 0 : i32
        %dma_wait3A_207 = tpu.memref_slice %arg10[%dma_wait3A_205, %dma_wait3A_206] : memref<10240x128xf32, #tpu.memory_space<vmem_shared>> -> memref<10240x128xf32, #tpu.memory_space<vmem_shared>>
        tpu.wait_indirect_dma semaphore(%arg16 : memref<!tpu.dma_semaphore, #tpu.memory_space<semaphore_mem>>) src(%arg9 : memref<128x128xf32, #tpu.memory_space<vmem>>) dst(%dma_wait3A_207 : memref<10240x128xf32, #tpu.memory_space<vmem_shared>>)
        %add3A_208 = arith.constant 1 : i32
        %add3A_209 = arith.addi %add3A_65, %add3A_208 : i32
        %mul3A_210 = arith.constant 8 : i32
        %mul3A_211 = arith.muli %add3A_209, %mul3A_210 : i32
        %add3A_212 = arith.addi %mul3A_26, %mul3A_211 : i32
        %multiple_of3A_213 = tpu.assume_multiple %add3A_212, 8 : i32
        %dma_wait3A_214 = arith.constant 1 : i32
        %dma_wait3A_215 = arith.constant 0 : i32
        %dma_wait3A_216 = arith.constant 0 : i32
        %dma_wait3A_217 = tpu.memref_slice %arg6[%dma_wait3A_214, %dma_wait3A_215, %dma_wait3A_216] : memref<2x8x128xi32, #tpu.memory_space<vmem>> -> memref<1x8x128xi32, #tpu.memory_space<vmem>>
        %dma_wait3A_218 = tpu.memref_squeeze %dma_wait3A_217 : memref<1x8x128xi32, #tpu.memory_space<vmem>> -> memref<8x128xi32, #tpu.memory_space<vmem>>
        %dma_wait3A_219 = arith.constant 0 : i32
        %dma_wait3A_220 = tpu.memref_slice %arg3[%multiple_of3A_213, %dma_wait3A_219] : memref<2560x128xi32, #tpu.memory_space<hbm>> -> memref<8x128xi32, #tpu.memory_space<hbm>>
        %dma_wait3A_221 = arith.constant 0 : i32
        %dma_wait3A_222 = arith.constant 0 : i32
        %dma_wait3A_223 = tpu.memref_slice %arg6[%dma_wait3A_214, %dma_wait3A_221, %dma_wait3A_222] : memref<2x8x128xi32, #tpu.memory_space<vmem>> -> memref<1x8x128xi32, #tpu.memory_space<vmem>>
        %dma_wait3A_224 = tpu.memref_squeeze %dma_wait3A_223 : memref<1x8x128xi32, #tpu.memory_space<vmem>> -> memref<8x128xi32, #tpu.memory_space<vmem>>
        %dma_wait3A_225 = arith.constant 0 : i32
        %dma_wait3A_226 = tpu.memref_slice %arg3[%multiple_of3A_213, %dma_wait3A_225] : memref<2560x128xi32, #tpu.memory_space<hbm>> -> memref<8x128xi32, #tpu.memory_space<hbm>>
        tpu.wait_dma2 semaphore(%arg13 : memref<!tpu.dma_semaphore, #tpu.memory_space<semaphore_mem>>) src(%dma_wait3A_226 : memref<8x128xi32, #tpu.memory_space<hbm>>) dst(%dma_wait3A_224 : memref<8x128xi32, #tpu.memory_space<vmem>>)
        %mul3A_227 = arith.constant 8 : i32
        %mul3A_228 = arith.muli %add3A_209, %mul3A_227 : i32
        %add3A_229 = arith.addi %mul3A_26, %mul3A_228 : i32
        %multiple_of3A_230 = tpu.assume_multiple %add3A_229, 8 : i32
        %dma_wait3A_231 = arith.constant 1 : i32
        %dma_wait3A_232 = arith.constant 0 : i32
        %dma_wait3A_233 = arith.constant 0 : i32
        %dma_wait3A_234 = tpu.memref_slice %arg7[%dma_wait3A_231, %dma_wait3A_232, %dma_wait3A_233] : memref<2x8x128xi32, #tpu.memory_space<vmem>> -> memref<1x8x128xi32, #tpu.memory_space<vmem>>
        %dma_wait3A_235 = tpu.memref_squeeze %dma_wait3A_234 : memref<1x8x128xi32, #tpu.memory_space<vmem>> -> memref<8x128xi32, #tpu.memory_space<vmem>>
        %dma_wait3A_236 = arith.constant 0 : i32
        %dma_wait3A_237 = tpu.memref_slice %arg4[%multiple_of3A_230, %dma_wait3A_236] : memref<2560x128xi32, #tpu.memory_space<hbm>> -> memref<8x128xi32, #tpu.memory_space<hbm>>
        %dma_wait3A_238 = arith.constant 0 : i32
        %dma_wait3A_239 = arith.constant 0 : i32
        %dma_wait3A_240 = tpu.memref_slice %arg7[%dma_wait3A_231, %dma_wait3A_238, %dma_wait3A_239] : memref<2x8x128xi32, #tpu.memory_space<vmem>> -> memref<1x8x128xi32, #tpu.memory_space<vmem>>
        %dma_wait3A_241 = tpu.memref_squeeze %dma_wait3A_240 : memref<1x8x128xi32, #tpu.memory_space<vmem>> -> memref<8x128xi32, #tpu.memory_space<vmem>>
        %dma_wait3A_242 = arith.constant 0 : i32
        %dma_wait3A_243 = tpu.memref_slice %arg4[%multiple_of3A_230, %dma_wait3A_242] : memref<2560x128xi32, #tpu.memory_space<hbm>> -> memref<8x128xi32, #tpu.memory_space<hbm>>
        tpu.wait_dma2 semaphore(%arg14 : memref<!tpu.dma_semaphore, #tpu.memory_space<semaphore_mem>>) src(%dma_wait3A_243 : memref<8x128xi32, #tpu.memory_space<hbm>>) dst(%dma_wait3A_241 : memref<8x128xi32, #tpu.memory_space<vmem>>)
        %add3A_244 = arith.constant 1 : i32
        %add3A_245 = arith.addi %add3A_209, %add3A_244 : i32
        %lt3A_246 = arith.constant 10 : i32
        %lt3A_247 = arith.cmpi slt, %add3A_245, %lt3A_246 : i32
        %convert_element_type3A_248 = arith.extui %lt3A_247 : i1 to i32
        %cond3A_249 = arith.constant 0 : i32
        %cond3A_250 = arith.cmpi ne, %convert_element_type3A_248, %cond3A_249 : i32
        scf.if %cond3A_250 {
          %add3A_354 = arith.constant 1 : i32
          %add3A_355 = arith.addi %add3A_209, %add3A_354 : i32
          %mul3A_356 = arith.constant 8 : i32
          %mul3A_357 = arith.muli %add3A_355, %mul3A_356 : i32
          %add3A_358 = arith.addi %mul3A_26, %mul3A_357 : i32
          %multiple_of3A_359 = tpu.assume_multiple %add3A_358, 8 : i32
          %dma_start3A_360 = arith.constant 0 : i32
          %dma_start3A_361 = arith.constant 0 : i32
          %dma_start3A_362 = arith.constant 0 : i32
          %dma_start3A_363 = tpu.memref_slice %arg6[%dma_start3A_360, %dma_start3A_361, %dma_start3A_362] : memref<2x8x128xi32, #tpu.memory_space<vmem>> -> memref<1x8x128xi32, #tpu.memory_space<vmem>>
          %dma_start3A_364 = tpu.memref_squeeze %dma_start3A_363 : memref<1x8x128xi32, #tpu.memory_space<vmem>> -> memref<8x128xi32, #tpu.memory_space<vmem>>
          %dma_start3A_365 = arith.constant 0 : i32
          %dma_start3A_366 = tpu.memref_slice %arg3[%multiple_of3A_359, %dma_start3A_365] : memref<2560x128xi32, #tpu.memory_space<hbm>> -> memref<8x128xi32, #tpu.memory_space<hbm>>
          %dma_start3A_367 = arith.constant 0 : i32
          %dma_start3A_368 = arith.constant 0 : i32
          %dma_start3A_369 = tpu.memref_slice %arg6[%dma_start3A_360, %dma_start3A_367, %dma_start3A_368] : memref<2x8x128xi32, #tpu.memory_space<vmem>> -> memref<1x8x128xi32, #tpu.memory_space<vmem>>
          %dma_start3A_370 = tpu.memref_squeeze %dma_start3A_369 : memref<1x8x128xi32, #tpu.memory_space<vmem>> -> memref<8x128xi32, #tpu.memory_space<vmem>>
          %dma_start3A_371 = arith.constant 0 : i32
          %dma_start3A_372 = tpu.memref_slice %arg3[%multiple_of3A_359, %dma_start3A_371] : memref<2560x128xi32, #tpu.memory_space<hbm>> -> memref<8x128xi32, #tpu.memory_space<hbm>>
          tpu.enqueue_dma source(%dma_start3A_372 : memref<8x128xi32, #tpu.memory_space<hbm>>) target(%dma_start3A_370 : memref<8x128xi32, #tpu.memory_space<vmem>>) target_semaphore(%arg13 : memref<!tpu.dma_semaphore, #tpu.memory_space<semaphore_mem>>)
          %add3A_373 = arith.constant 1 : i32
          %add3A_374 = arith.addi %add3A_209, %add3A_373 : i32
          %mul3A_375 = arith.constant 8 : i32
          %mul3A_376 = arith.muli %add3A_374, %mul3A_375 : i32
          %add3A_377 = arith.addi %mul3A_26, %mul3A_376 : i32
          %multiple_of3A_378 = tpu.assume_multiple %add3A_377, 8 : i32
          %dma_start3A_379 = arith.constant 0 : i32
          %dma_start3A_380 = arith.constant 0 : i32
          %dma_start3A_381 = arith.constant 0 : i32
          %dma_start3A_382 = tpu.memref_slice %arg7[%dma_start3A_379, %dma_start3A_380, %dma_start3A_381] : memref<2x8x128xi32, #tpu.memory_space<vmem>> -> memref<1x8x128xi32, #tpu.memory_space<vmem>>
          %dma_start3A_383 = tpu.memref_squeeze %dma_start3A_382 : memref<1x8x128xi32, #tpu.memory_space<vmem>> -> memref<8x128xi32, #tpu.memory_space<vmem>>
          %dma_start3A_384 = arith.constant 0 : i32
          %dma_start3A_385 = tpu.memref_slice %arg4[%multiple_of3A_378, %dma_start3A_384] : memref<2560x128xi32, #tpu.memory_space<hbm>> -> memref<8x128xi32, #tpu.memory_space<hbm>>
          %dma_start3A_386 = arith.constant 0 : i32
          %dma_start3A_387 = arith.constant 0 : i32
          %dma_start3A_388 = tpu.memref_slice %arg7[%dma_start3A_379, %dma_start3A_386, %dma_start3A_387] : memref<2x8x128xi32, #tpu.memory_space<vmem>> -> memref<1x8x128xi32, #tpu.memory_space<vmem>>
          %dma_start3A_389 = tpu.memref_squeeze %dma_start3A_388 : memref<1x8x128xi32, #tpu.memory_space<vmem>> -> memref<8x128xi32, #tpu.memory_space<vmem>>
          %dma_start3A_390 = arith.constant 0 : i32
          %dma_start3A_391 = tpu.memref_slice %arg4[%multiple_of3A_378, %dma_start3A_390] : memref<2560x128xi32, #tpu.memory_space<hbm>> -> memref<8x128xi32, #tpu.memory_space<hbm>>
          tpu.enqueue_dma source(%dma_start3A_391 : memref<8x128xi32, #tpu.memory_space<hbm>>) target(%dma_start3A_389 : memref<8x128xi32, #tpu.memory_space<vmem>>) target_semaphore(%arg14 : memref<!tpu.dma_semaphore, #tpu.memory_space<semaphore_mem>>)
        } else {
        }
        %dma_start3A_251 = arith.constant 1 : i32
        %dma_start3A_252 = arith.constant 0 : i32
        %dma_start3A_253 = arith.constant 0 : i32
        %dma_start3A_254 = arith.constant 0 : i32
        %dma_start3A_255 = tpu.memref_slice %arg6[%dma_start3A_251, %dma_start3A_253, %dma_start3A_254] : memref<2x8x128xi32, #tpu.memory_space<vmem>> -> memref<1x8x128xi32, #tpu.memory_space<vmem>>
        %dma_start3A_256 = tpu.memref_squeeze %dma_start3A_255 : memref<1x8x128xi32, #tpu.memory_space<vmem>> -> memref<8x128xi32, #tpu.memory_space<vmem>>
        %dma_start3A_257 = arith.constant 0 : i32
        %dma_start3A_258 = tpu.memref_slice %dma_start3A_256[%dma_start3A_252, %dma_start3A_257] : memref<8x128xi32, #tpu.memory_space<vmem>> -> memref<1x128xi32, #tpu.memory_space<vmem>>
        %dma_start3A_259 = tpu.memref_squeeze %dma_start3A_258 : memref<1x128xi32, #tpu.memory_space<vmem>> -> memref<128xi32, #tpu.memory_space<vmem>>
        %dma_start3A_260 = arith.constant 0 : i32
        %dma_start3A_261 = arith.constant 0 : i32
        %dma_start3A_262 = tpu.memref_slice %arg2[%dma_start3A_260, %dma_start3A_261] : memref<10000x128xf32, #tpu.memory_space<hbm>> -> memref<10000x128xf32, #tpu.memory_space<hbm>>
        tpu.enqueue_indirect_dma source(%dma_start3A_262 : memref<10000x128xf32, #tpu.memory_space<hbm>>) target(%arg8 : memref<128x128xf32, #tpu.memory_space<vmem>>) offsets(%dma_start3A_259 : memref<128xi32, #tpu.memory_space<vmem>>) semaphore(%arg11 : memref<!tpu.dma_semaphore, #tpu.memory_space<semaphore_mem>>)
        %dma_start3A_263 = arith.constant 1 : i32
        %dma_start3A_264 = arith.constant 1 : i32
        %dma_start3A_265 = arith.constant 0 : i32
        %dma_start3A_266 = arith.constant 0 : i32
        %dma_start3A_267 = tpu.memref_slice %arg6[%dma_start3A_263, %dma_start3A_265, %dma_start3A_266] : memref<2x8x128xi32, #tpu.memory_space<vmem>> -> memref<1x8x128xi32, #tpu.memory_space<vmem>>
        %dma_start3A_268 = tpu.memref_squeeze %dma_start3A_267 : memref<1x8x128xi32, #tpu.memory_space<vmem>> -> memref<8x128xi32, #tpu.memory_space<vmem>>
        %dma_start3A_269 = arith.constant 0 : i32
        %dma_start3A_270 = tpu.memref_slice %dma_start3A_268[%dma_start3A_264, %dma_start3A_269] : memref<8x128xi32, #tpu.memory_space<vmem>> -> memref<1x128xi32, #tpu.memory_space<vmem>>
        %dma_start3A_271 = tpu.memref_squeeze %dma_start3A_270 : memref<1x128xi32, #tpu.memory_space<vmem>> -> memref<128xi32, #tpu.memory_space<vmem>>
        %dma_start3A_272 = arith.constant 0 : i32
        %dma_start3A_273 = arith.constant 0 : i32
        %dma_start3A_274 = tpu.memref_slice %arg2[%dma_start3A_272, %dma_start3A_273] : memref<10000x128xf32, #tpu.memory_space<hbm>> -> memref<10000x128xf32, #tpu.memory_space<hbm>>
        tpu.enqueue_indirect_dma source(%dma_start3A_274 : memref<10000x128xf32, #tpu.memory_space<hbm>>) target(%arg9 : memref<128x128xf32, #tpu.memory_space<vmem>>) offsets(%dma_start3A_271 : memref<128xi32, #tpu.memory_space<vmem>>) semaphore(%arg12 : memref<!tpu.dma_semaphore, #tpu.memory_space<semaphore_mem>>)
        %scan3A_275 = arith.constant 1 : i32
        %scan3A_276 = arith.constant 1 : i32
        %scan3A_277 = arith.constant 0 : i32
        %scan3A_278 = arith.constant 3 : i32
        %scan3A_279 = arith.addi %scan3A_277, %scan3A_278 : i32
        %scan3A_280 = arith.constant 1 : i32
        scf.for %scan3A_354 = %scan3A_277 to %scan3A_279 step %scan3A_280  : i32 {
          %mul3A_355 = arith.constant 2 : i32
          %mul3A_356 = arith.muli %scan3A_354, %mul3A_355 : i32
          %add3A_357 = arith.constant 0 : i32
          %add3A_358 = arith.addi %add3A_357, %mul3A_356 : i32
          %dma_wait3A_359 = arith.constant 0 : i32
          %dma_wait3A_360 = arith.constant 0 : i32
          %dma_wait3A_361 = tpu.memref_slice %arg6[%scan3A_275, %dma_wait3A_359, %dma_wait3A_360] : memref<2x8x128xi32, #tpu.memory_space<vmem>> -> memref<1x8x128xi32, #tpu.memory_space<vmem>>
          %dma_wait3A_362 = tpu.memref_squeeze %dma_wait3A_361 : memref<1x8x128xi32, #tpu.memory_space<vmem>> -> memref<8x128xi32, #tpu.memory_space<vmem>>
          %dma_wait3A_363 = arith.constant 0 : i32
          %dma_wait3A_364 = tpu.memref_slice %dma_wait3A_362[%add3A_358, %dma_wait3A_363] : memref<8x128xi32, #tpu.memory_space<vmem>> -> memref<1x128xi32, #tpu.memory_space<vmem>>
          %dma_wait3A_365 = tpu.memref_squeeze %dma_wait3A_364 : memref<1x128xi32, #tpu.memory_space<vmem>> -> memref<128xi32, #tpu.memory_space<vmem>>
          %dma_wait3A_366 = arith.constant 0 : i32
          %dma_wait3A_367 = arith.constant 0 : i32
          %dma_wait3A_368 = tpu.memref_slice %arg2[%dma_wait3A_366, %dma_wait3A_367] : memref<10000x128xf32, #tpu.memory_space<hbm>> -> memref<10000x128xf32, #tpu.memory_space<hbm>>
          tpu.wait_indirect_dma semaphore(%arg11 : memref<!tpu.dma_semaphore, #tpu.memory_space<semaphore_mem>>) src(%dma_wait3A_368 : memref<10000x128xf32, #tpu.memory_space<hbm>>) dst(%arg8 : memref<128x128xf32, #tpu.memory_space<vmem>>)
          %dma_start3A_369 = arith.constant 0 : i32
          %dma_start3A_370 = arith.constant 0 : i32
          %dma_start3A_371 = tpu.memref_slice %arg7[%scan3A_276, %dma_start3A_369, %dma_start3A_370] : memref<2x8x128xi32, #tpu.memory_space<vmem>> -> memref<1x8x128xi32, #tpu.memory_space<vmem>>
          %dma_start3A_372 = tpu.memref_squeeze %dma_start3A_371 : memref<1x8x128xi32, #tpu.memory_space<vmem>> -> memref<8x128xi32, #tpu.memory_space<vmem>>
          %dma_start3A_373 = arith.constant 0 : i32
          %dma_start3A_374 = tpu.memref_slice %dma_start3A_372[%add3A_358, %dma_start3A_373] : memref<8x128xi32, #tpu.memory_space<vmem>> -> memref<1x128xi32, #tpu.memory_space<vmem>>
          %dma_start3A_375 = tpu.memref_squeeze %dma_start3A_374 : memref<1x128xi32, #tpu.memory_space<vmem>> -> memref<128xi32, #tpu.memory_space<vmem>>
          %dma_start3A_376 = arith.constant 0 : i32
          %dma_start3A_377 = arith.constant 0 : i32
          %dma_start3A_378 = tpu.memref_slice %arg10[%dma_start3A_376, %dma_start3A_377] : memref<10240x128xf32, #tpu.memory_space<vmem_shared>> -> memref<10240x128xf32, #tpu.memory_space<vmem_shared>>
          tpu.enqueue_indirect_dma source(%arg8 : memref<128x128xf32, #tpu.memory_space<vmem>>) target(%dma_start3A_378 : memref<10240x128xf32, #tpu.memory_space<vmem_shared>>) offsets(%dma_start3A_375 : memref<128xi32, #tpu.memory_space<vmem>>) semaphore(%arg15 : memref<!tpu.dma_semaphore, #tpu.memory_space<semaphore_mem>>) {add = true}
          %add3A_379 = arith.constant 1 : i32
          %add3A_380 = arith.addi %add3A_358, %add3A_379 : i32
          %dma_wait3A_381 = arith.constant 0 : i32
          %dma_wait3A_382 = arith.constant 0 : i32
          %dma_wait3A_383 = tpu.memref_slice %arg6[%scan3A_275, %dma_wait3A_381, %dma_wait3A_382] : memref<2x8x128xi32, #tpu.memory_space<vmem>> -> memref<1x8x128xi32, #tpu.memory_space<vmem>>
          %dma_wait3A_384 = tpu.memref_squeeze %dma_wait3A_383 : memref<1x8x128xi32, #tpu.memory_space<vmem>> -> memref<8x128xi32, #tpu.memory_space<vmem>>
          %dma_wait3A_385 = arith.constant 0 : i32
          %dma_wait3A_386 = tpu.memref_slice %dma_wait3A_384[%add3A_380, %dma_wait3A_385] : memref<8x128xi32, #tpu.memory_space<vmem>> -> memref<1x128xi32, #tpu.memory_space<vmem>>
          %dma_wait3A_387 = tpu.memref_squeeze %dma_wait3A_386 : memref<1x128xi32, #tpu.memory_space<vmem>> -> memref<128xi32, #tpu.memory_space<vmem>>
          %dma_wait3A_388 = arith.constant 0 : i32
          %dma_wait3A_389 = arith.constant 0 : i32
          %dma_wait3A_390 = tpu.memref_slice %arg2[%dma_wait3A_388, %dma_wait3A_389] : memref<10000x128xf32, #tpu.memory_space<hbm>> -> memref<10000x128xf32, #tpu.memory_space<hbm>>
          tpu.wait_indirect_dma semaphore(%arg12 : memref<!tpu.dma_semaphore, #tpu.memory_space<semaphore_mem>>) src(%dma_wait3A_390 : memref<10000x128xf32, #tpu.memory_space<hbm>>) dst(%arg9 : memref<128x128xf32, #tpu.memory_space<vmem>>)
          %add3A_391 = arith.constant 1 : i32
          %add3A_392 = arith.addi %add3A_358, %add3A_391 : i32
          %dma_start3A_393 = arith.constant 0 : i32
          %dma_start3A_394 = arith.constant 0 : i32
          %dma_start3A_395 = tpu.memref_slice %arg7[%scan3A_276, %dma_start3A_393, %dma_start3A_394] : memref<2x8x128xi32, #tpu.memory_space<vmem>> -> memref<1x8x128xi32, #tpu.memory_space<vmem>>
          %dma_start3A_396 = tpu.memref_squeeze %dma_start3A_395 : memref<1x8x128xi32, #tpu.memory_space<vmem>> -> memref<8x128xi32, #tpu.memory_space<vmem>>
          %dma_start3A_397 = arith.constant 0 : i32
          %dma_start3A_398 = tpu.memref_slice %dma_start3A_396[%add3A_392, %dma_start3A_397] : memref<8x128xi32, #tpu.memory_space<vmem>> -> memref<1x128xi32, #tpu.memory_space<vmem>>
          %dma_start3A_399 = tpu.memref_squeeze %dma_start3A_398 : memref<1x128xi32, #tpu.memory_space<vmem>> -> memref<128xi32, #tpu.memory_space<vmem>>
          %dma_start3A_400 = arith.constant 0 : i32
          %dma_start3A_401 = arith.constant 0 : i32
          %dma_start3A_402 = tpu.memref_slice %arg10[%dma_start3A_400, %dma_start3A_401] : memref<10240x128xf32, #tpu.memory_space<vmem_shared>> -> memref<10240x128xf32, #tpu.memory_space<vmem_shared>>
          tpu.enqueue_indirect_dma source(%arg9 : memref<128x128xf32, #tpu.memory_space<vmem>>) target(%dma_start3A_402 : memref<10240x128xf32, #tpu.memory_space<vmem_shared>>) offsets(%dma_start3A_399 : memref<128xi32, #tpu.memory_space<vmem>>) semaphore(%arg16 : memref<!tpu.dma_semaphore, #tpu.memory_space<semaphore_mem>>) {add = true}
          %dma_wait3A_403 = arith.constant 0 : i32
          %dma_wait3A_404 = arith.constant 0 : i32
          %dma_wait3A_405 = tpu.memref_slice %arg7[%scan3A_276, %dma_wait3A_403, %dma_wait3A_404] : memref<2x8x128xi32, #tpu.memory_space<vmem>> -> memref<1x8x128xi32, #tpu.memory_space<vmem>>
          %dma_wait3A_406 = tpu.memref_squeeze %dma_wait3A_405 : memref<1x8x128xi32, #tpu.memory_space<vmem>> -> memref<8x128xi32, #tpu.memory_space<vmem>>
          %dma_wait3A_407 = arith.constant 0 : i32
          %dma_wait3A_408 = tpu.memref_slice %dma_wait3A_406[%add3A_358, %dma_wait3A_407] : memref<8x128xi32, #tpu.memory_space<vmem>> -> memref<1x128xi32, #tpu.memory_space<vmem>>
          %dma_wait3A_409 = tpu.memref_squeeze %dma_wait3A_408 : memref<1x128xi32, #tpu.memory_space<vmem>> -> memref<128xi32, #tpu.memory_space<vmem>>
          %dma_wait3A_410 = arith.constant 0 : i32
          %dma_wait3A_411 = arith.constant 0 : i32
          %dma_wait3A_412 = tpu.memref_slice %arg10[%dma_wait3A_410, %dma_wait3A_411] : memref<10240x128xf32, #tpu.memory_space<vmem_shared>> -> memref<10240x128xf32, #tpu.memory_space<vmem_shared>>
          tpu.wait_indirect_dma semaphore(%arg15 : memref<!tpu.dma_semaphore, #tpu.memory_space<semaphore_mem>>) src(%arg8 : memref<128x128xf32, #tpu.memory_space<vmem>>) dst(%dma_wait3A_412 : memref<10240x128xf32, #tpu.memory_space<vmem_shared>>)
          %add3A_413 = arith.constant 2 : i32
          %add3A_414 = arith.addi %add3A_358, %add3A_413 : i32
          %dma_start3A_415 = arith.constant 0 : i32
          %dma_start3A_416 = arith.constant 0 : i32
          %dma_start3A_417 = tpu.memref_slice %arg6[%scan3A_275, %dma_start3A_415, %dma_start3A_416] : memref<2x8x128xi32, #tpu.memory_space<vmem>> -> memref<1x8x128xi32, #tpu.memory_space<vmem>>
          %dma_start3A_418 = tpu.memref_squeeze %dma_start3A_417 : memref<1x8x128xi32, #tpu.memory_space<vmem>> -> memref<8x128xi32, #tpu.memory_space<vmem>>
          %dma_start3A_419 = arith.constant 0 : i32
          %dma_start3A_420 = tpu.memref_slice %dma_start3A_418[%add3A_414, %dma_start3A_419] : memref<8x128xi32, #tpu.memory_space<vmem>> -> memref<1x128xi32, #tpu.memory_space<vmem>>
          %dma_start3A_421 = tpu.memref_squeeze %dma_start3A_420 : memref<1x128xi32, #tpu.memory_space<vmem>> -> memref<128xi32, #tpu.memory_space<vmem>>
          %dma_start3A_422 = arith.constant 0 : i32
          %dma_start3A_423 = arith.constant 0 : i32
          %dma_start3A_424 = tpu.memref_slice %arg2[%dma_start3A_422, %dma_start3A_423] : memref<10000x128xf32, #tpu.memory_space<hbm>> -> memref<10000x128xf32, #tpu.memory_space<hbm>>
          tpu.enqueue_indirect_dma source(%dma_start3A_424 : memref<10000x128xf32, #tpu.memory_space<hbm>>) target(%arg8 : memref<128x128xf32, #tpu.memory_space<vmem>>) offsets(%dma_start3A_421 : memref<128xi32, #tpu.memory_space<vmem>>) semaphore(%arg11 : memref<!tpu.dma_semaphore, #tpu.memory_space<semaphore_mem>>)
          %add3A_425 = arith.constant 1 : i32
          %add3A_426 = arith.addi %add3A_358, %add3A_425 : i32
          %dma_wait3A_427 = arith.constant 0 : i32
          %dma_wait3A_428 = arith.constant 0 : i32
          %dma_wait3A_429 = tpu.memref_slice %arg7[%scan3A_276, %dma_wait3A_427, %dma_wait3A_428] : memref<2x8x128xi32, #tpu.memory_space<vmem>> -> memref<1x8x128xi32, #tpu.memory_space<vmem>>
          %dma_wait3A_430 = tpu.memref_squeeze %dma_wait3A_429 : memref<1x8x128xi32, #tpu.memory_space<vmem>> -> memref<8x128xi32, #tpu.memory_space<vmem>>
          %dma_wait3A_431 = arith.constant 0 : i32
          %dma_wait3A_432 = tpu.memref_slice %dma_wait3A_430[%add3A_426, %dma_wait3A_431] : memref<8x128xi32, #tpu.memory_space<vmem>> -> memref<1x128xi32, #tpu.memory_space<vmem>>
          %dma_wait3A_433 = tpu.memref_squeeze %dma_wait3A_432 : memref<1x128xi32, #tpu.memory_space<vmem>> -> memref<128xi32, #tpu.memory_space<vmem>>
          %dma_wait3A_434 = arith.constant 0 : i32
          %dma_wait3A_435 = arith.constant 0 : i32
          %dma_wait3A_436 = tpu.memref_slice %arg10[%dma_wait3A_434, %dma_wait3A_435] : memref<10240x128xf32, #tpu.memory_space<vmem_shared>> -> memref<10240x128xf32, #tpu.memory_space<vmem_shared>>
          tpu.wait_indirect_dma semaphore(%arg16 : memref<!tpu.dma_semaphore, #tpu.memory_space<semaphore_mem>>) src(%arg9 : memref<128x128xf32, #tpu.memory_space<vmem>>) dst(%dma_wait3A_436 : memref<10240x128xf32, #tpu.memory_space<vmem_shared>>)
          %add3A_437 = arith.constant 3 : i32
          %add3A_438 = arith.addi %add3A_358, %add3A_437 : i32
          %dma_start3A_439 = arith.constant 0 : i32
          %dma_start3A_440 = arith.constant 0 : i32
          %dma_start3A_441 = tpu.memref_slice %arg6[%scan3A_275, %dma_start3A_439, %dma_start3A_440] : memref<2x8x128xi32, #tpu.memory_space<vmem>> -> memref<1x8x128xi32, #tpu.memory_space<vmem>>
          %dma_start3A_442 = tpu.memref_squeeze %dma_start3A_441 : memref<1x8x128xi32, #tpu.memory_space<vmem>> -> memref<8x128xi32, #tpu.memory_space<vmem>>
          %dma_start3A_443 = arith.constant 0 : i32
          %dma_start3A_444 = tpu.memref_slice %dma_start3A_442[%add3A_438, %dma_start3A_443] : memref<8x128xi32, #tpu.memory_space<vmem>> -> memref<1x128xi32, #tpu.memory_space<vmem>>
          %dma_start3A_445 = tpu.memref_squeeze %dma_start3A_444 : memref<1x128xi32, #tpu.memory_space<vmem>> -> memref<128xi32, #tpu.memory_space<vmem>>
          %dma_start3A_446 = arith.constant 0 : i32
          %dma_start3A_447 = arith.constant 0 : i32
          %dma_start3A_448 = tpu.memref_slice %arg2[%dma_start3A_446, %dma_start3A_447] : memref<10000x128xf32, #tpu.memory_space<hbm>> -> memref<10000x128xf32, #tpu.memory_space<hbm>>
          tpu.enqueue_indirect_dma source(%dma_start3A_448 : memref<10000x128xf32, #tpu.memory_space<hbm>>) target(%arg9 : memref<128x128xf32, #tpu.memory_space<vmem>>) offsets(%dma_start3A_445 : memref<128xi32, #tpu.memory_space<vmem>>) semaphore(%arg12 : memref<!tpu.dma_semaphore, #tpu.memory_space<semaphore_mem>>)
        }
        %scan3A_281 = arith.constant 3 : i32
        %dma_wait3A_282 = arith.constant 1 : i32
        %dma_wait3A_283 = arith.constant 6 : i32
        %dma_wait3A_284 = arith.constant 0 : i32
        %dma_wait3A_285 = arith.constant 0 : i32
        %dma_wait3A_286 = tpu.memref_slice %arg6[%dma_wait3A_282, %dma_wait3A_284, %dma_wait3A_285] : memref<2x8x128xi32, #tpu.memory_space<vmem>> -> memref<1x8x128xi32, #tpu.memory_space<vmem>>
        %dma_wait3A_287 = tpu.memref_squeeze %dma_wait3A_286 : memref<1x8x128xi32, #tpu.memory_space<vmem>> -> memref<8x128xi32, #tpu.memory_space<vmem>>
        %dma_wait3A_288 = arith.constant 0 : i32
        %dma_wait3A_289 = tpu.memref_slice %dma_wait3A_287[%dma_wait3A_283, %dma_wait3A_288] : memref<8x128xi32, #tpu.memory_space<vmem>> -> memref<1x128xi32, #tpu.memory_space<vmem>>
        %dma_wait3A_290 = tpu.memref_squeeze %dma_wait3A_289 : memref<1x128xi32, #tpu.memory_space<vmem>> -> memref<128xi32, #tpu.memory_space<vmem>>
        %dma_wait3A_291 = arith.constant 0 : i32
        %dma_wait3A_292 = arith.constant 0 : i32
        %dma_wait3A_293 = tpu.memref_slice %arg2[%dma_wait3A_291, %dma_wait3A_292] : memref<10000x128xf32, #tpu.memory_space<hbm>> -> memref<10000x128xf32, #tpu.memory_space<hbm>>
        tpu.wait_indirect_dma semaphore(%arg11 : memref<!tpu.dma_semaphore, #tpu.memory_space<semaphore_mem>>) src(%dma_wait3A_293 : memref<10000x128xf32, #tpu.memory_space<hbm>>) dst(%arg8 : memref<128x128xf32, #tpu.memory_space<vmem>>)
        %dma_start3A_294 = arith.constant 1 : i32
        %dma_start3A_295 = arith.constant 6 : i32
        %dma_start3A_296 = arith.constant 0 : i32
        %dma_start3A_297 = arith.constant 0 : i32
        %dma_start3A_298 = tpu.memref_slice %arg7[%dma_start3A_294, %dma_start3A_296, %dma_start3A_297] : memref<2x8x128xi32, #tpu.memory_space<vmem>> -> memref<1x8x128xi32, #tpu.memory_space<vmem>>
        %dma_start3A_299 = tpu.memref_squeeze %dma_start3A_298 : memref<1x8x128xi32, #tpu.memory_space<vmem>> -> memref<8x128xi32, #tpu.memory_space<vmem>>
        %dma_start3A_300 = arith.constant 0 : i32
        %dma_start3A_301 = tpu.memref_slice %dma_start3A_299[%dma_start3A_295, %dma_start3A_300] : memref<8x128xi32, #tpu.memory_space<vmem>> -> memref<1x128xi32, #tpu.memory_space<vmem>>
        %dma_start3A_302 = tpu.memref_squeeze %dma_start3A_301 : memref<1x128xi32, #tpu.memory_space<vmem>> -> memref<128xi32, #tpu.memory_space<vmem>>
        %dma_start3A_303 = arith.constant 0 : i32
        %dma_start3A_304 = arith.constant 0 : i32
        %dma_start3A_305 = tpu.memref_slice %arg10[%dma_start3A_303, %dma_start3A_304] : memref<10240x128xf32, #tpu.memory_space<vmem_shared>> -> memref<10240x128xf32, #tpu.memory_space<vmem_shared>>
        tpu.enqueue_indirect_dma source(%arg8 : memref<128x128xf32, #tpu.memory_space<vmem>>) target(%dma_start3A_305 : memref<10240x128xf32, #tpu.memory_space<vmem_shared>>) offsets(%dma_start3A_302 : memref<128xi32, #tpu.memory_space<vmem>>) semaphore(%arg15 : memref<!tpu.dma_semaphore, #tpu.memory_space<semaphore_mem>>) {add = true}
        %dma_wait3A_306 = arith.constant 1 : i32
        %dma_wait3A_307 = arith.constant 7 : i32
        %dma_wait3A_308 = arith.constant 0 : i32
        %dma_wait3A_309 = arith.constant 0 : i32
        %dma_wait3A_310 = tpu.memref_slice %arg6[%dma_wait3A_306, %dma_wait3A_308, %dma_wait3A_309] : memref<2x8x128xi32, #tpu.memory_space<vmem>> -> memref<1x8x128xi32, #tpu.memory_space<vmem>>
        %dma_wait3A_311 = tpu.memref_squeeze %dma_wait3A_310 : memref<1x8x128xi32, #tpu.memory_space<vmem>> -> memref<8x128xi32, #tpu.memory_space<vmem>>
        %dma_wait3A_312 = arith.constant 0 : i32
        %dma_wait3A_313 = tpu.memref_slice %dma_wait3A_311[%dma_wait3A_307, %dma_wait3A_312] : memref<8x128xi32, #tpu.memory_space<vmem>> -> memref<1x128xi32, #tpu.memory_space<vmem>>
        %dma_wait3A_314 = tpu.memref_squeeze %dma_wait3A_313 : memref<1x128xi32, #tpu.memory_space<vmem>> -> memref<128xi32, #tpu.memory_space<vmem>>
        %dma_wait3A_315 = arith.constant 0 : i32
        %dma_wait3A_316 = arith.constant 0 : i32
        %dma_wait3A_317 = tpu.memref_slice %arg2[%dma_wait3A_315, %dma_wait3A_316] : memref<10000x128xf32, #tpu.memory_space<hbm>> -> memref<10000x128xf32, #tpu.memory_space<hbm>>
        tpu.wait_indirect_dma semaphore(%arg12 : memref<!tpu.dma_semaphore, #tpu.memory_space<semaphore_mem>>) src(%dma_wait3A_317 : memref<10000x128xf32, #tpu.memory_space<hbm>>) dst(%arg9 : memref<128x128xf32, #tpu.memory_space<vmem>>)
        %dma_start3A_318 = arith.constant 1 : i32
        %dma_start3A_319 = arith.constant 7 : i32
        %dma_start3A_320 = arith.constant 0 : i32
        %dma_start3A_321 = arith.constant 0 : i32
        %dma_start3A_322 = tpu.memref_slice %arg7[%dma_start3A_318, %dma_start3A_320, %dma_start3A_321] : memref<2x8x128xi32, #tpu.memory_space<vmem>> -> memref<1x8x128xi32, #tpu.memory_space<vmem>>
        %dma_start3A_323 = tpu.memref_squeeze %dma_start3A_322 : memref<1x8x128xi32, #tpu.memory_space<vmem>> -> memref<8x128xi32, #tpu.memory_space<vmem>>
        %dma_start3A_324 = arith.constant 0 : i32
        %dma_start3A_325 = tpu.memref_slice %dma_start3A_323[%dma_start3A_319, %dma_start3A_324] : memref<8x128xi32, #tpu.memory_space<vmem>> -> memref<1x128xi32, #tpu.memory_space<vmem>>
        %dma_start3A_326 = tpu.memref_squeeze %dma_start3A_325 : memref<1x128xi32, #tpu.memory_space<vmem>> -> memref<128xi32, #tpu.memory_space<vmem>>
        %dma_start3A_327 = arith.constant 0 : i32
        %dma_start3A_328 = arith.constant 0 : i32
        %dma_start3A_329 = tpu.memref_slice %arg10[%dma_start3A_327, %dma_start3A_328] : memref<10240x128xf32, #tpu.memory_space<vmem_shared>> -> memref<10240x128xf32, #tpu.memory_space<vmem_shared>>
        tpu.enqueue_indirect_dma source(%arg9 : memref<128x128xf32, #tpu.memory_space<vmem>>) target(%dma_start3A_329 : memref<10240x128xf32, #tpu.memory_space<vmem_shared>>) offsets(%dma_start3A_326 : memref<128xi32, #tpu.memory_space<vmem>>) semaphore(%arg16 : memref<!tpu.dma_semaphore, #tpu.memory_space<semaphore_mem>>) {add = true}
        %dma_wait3A_330 = arith.constant 1 : i32
        %dma_wait3A_331 = arith.constant 6 : i32
        %dma_wait3A_332 = arith.constant 0 : i32
        %dma_wait3A_333 = arith.constant 0 : i32
        %dma_wait3A_334 = tpu.memref_slice %arg7[%dma_wait3A_330, %dma_wait3A_332, %dma_wait3A_333] : memref<2x8x128xi32, #tpu.memory_space<vmem>> -> memref<1x8x128xi32, #tpu.memory_space<vmem>>
        %dma_wait3A_335 = tpu.memref_squeeze %dma_wait3A_334 : memref<1x8x128xi32, #tpu.memory_space<vmem>> -> memref<8x128xi32, #tpu.memory_space<vmem>>
        %dma_wait3A_336 = arith.constant 0 : i32
        %dma_wait3A_337 = tpu.memref_slice %dma_wait3A_335[%dma_wait3A_331, %dma_wait3A_336] : memref<8x128xi32, #tpu.memory_space<vmem>> -> memref<1x128xi32, #tpu.memory_space<vmem>>
        %dma_wait3A_338 = tpu.memref_squeeze %dma_wait3A_337 : memref<1x128xi32, #tpu.memory_space<vmem>> -> memref<128xi32, #tpu.memory_space<vmem>>
        %dma_wait3A_339 = arith.constant 0 : i32
        %dma_wait3A_340 = arith.constant 0 : i32
        %dma_wait3A_341 = tpu.memref_slice %arg10[%dma_wait3A_339, %dma_wait3A_340] : memref<10240x128xf32, #tpu.memory_space<vmem_shared>> -> memref<10240x128xf32, #tpu.memory_space<vmem_shared>>
        tpu.wait_indirect_dma semaphore(%arg15 : memref<!tpu.dma_semaphore, #tpu.memory_space<semaphore_mem>>) src(%arg8 : memref<128x128xf32, #tpu.memory_space<vmem>>) dst(%dma_wait3A_341 : memref<10240x128xf32, #tpu.memory_space<vmem_shared>>)
        %dma_wait3A_342 = arith.constant 1 : i32
        %dma_wait3A_343 = arith.constant 7 : i32
        %dma_wait3A_344 = arith.constant 0 : i32
        %dma_wait3A_345 = arith.constant 0 : i32
        %dma_wait3A_346 = tpu.memref_slice %arg7[%dma_wait3A_342, %dma_wait3A_344, %dma_wait3A_345] : memref<2x8x128xi32, #tpu.memory_space<vmem>> -> memref<1x8x128xi32, #tpu.memory_space<vmem>>
        %dma_wait3A_347 = tpu.memref_squeeze %dma_wait3A_346 : memref<1x8x128xi32, #tpu.memory_space<vmem>> -> memref<8x128xi32, #tpu.memory_space<vmem>>
        %dma_wait3A_348 = arith.constant 0 : i32
        %dma_wait3A_349 = tpu.memref_slice %dma_wait3A_347[%dma_wait3A_343, %dma_wait3A_348] : memref<8x128xi32, #tpu.memory_space<vmem>> -> memref<1x128xi32, #tpu.memory_space<vmem>>
        %dma_wait3A_350 = tpu.memref_squeeze %dma_wait3A_349 : memref<1x128xi32, #tpu.memory_space<vmem>> -> memref<128xi32, #tpu.memory_space<vmem>>
        %dma_wait3A_351 = arith.constant 0 : i32
        %dma_wait3A_352 = arith.constant 0 : i32
        %dma_wait3A_353 = tpu.memref_slice %arg10[%dma_wait3A_351, %dma_wait3A_352] : memref<10240x128xf32, #tpu.memory_space<vmem_shared>> -> memref<10240x128xf32, #tpu.memory_space<vmem_shared>>
        tpu.wait_indirect_dma semaphore(%arg16 : memref<!tpu.dma_semaphore, #tpu.memory_space<semaphore_mem>>) src(%arg9 : memref<128x128xf32, #tpu.memory_space<vmem>>) dst(%dma_wait3A_353 : memref<10240x128xf32, #tpu.memory_space<vmem_shared>>)
      }
      %scan3A_60 = arith.constant 5 : i32
    } else {
    }
    %eq3A_11 = arith.constant 1 : i32
    %eq3A_12 = arith.cmpi eq, %arg0, %eq3A_11 : i32
    %convert_element_type3A_13 = arith.extui %eq3A_12 : i1 to i32
    %cond3A_14 = arith.constant 0 : i32
    %cond3A_15 = arith.cmpi ne, %convert_element_type3A_13, %cond3A_14 : i32
    scf.if %cond3A_15 {
      %mul3A_25 = arith.constant 80 : i32
      %mul3A_26 = arith.muli %arg1, %mul3A_25 : i32
      %add3A = arith.constant 1280 : i32
      %add3A_27 = arith.addi %add3A, %mul3A_26 : i32
      %add3A_28 = arith.constant 0 : i32
      %add3A_29 = arith.addi %add3A_27, %add3A_28 : i32
      %multiple_of3A = tpu.assume_multiple %add3A_29, 8 : i32
      %dma_start3A = arith.constant 0 : i32
      %dma_start3A_30 = arith.constant 0 : i32
      %dma_start3A_31 = arith.constant 0 : i32
      %dma_start3A_32 = tpu.memref_slice %arg6[%dma_start3A, %dma_start3A_30, %dma_start3A_31] : memref<2x8x128xi32, #tpu.memory_space<vmem>> -> memref<1x8x128xi32, #tpu.memory_space<vmem>>
      %dma_start3A_33 = tpu.memref_squeeze %dma_start3A_32 : memref<1x8x128xi32, #tpu.memory_space<vmem>> -> memref<8x128xi32, #tpu.memory_space<vmem>>
      %dma_start3A_34 = arith.constant 0 : i32
      %dma_start3A_35 = tpu.memref_slice %arg3[%multiple_of3A, %dma_start3A_34] : memref<2560x128xi32, #tpu.memory_space<hbm>> -> memref<8x128xi32, #tpu.memory_space<hbm>>
      %dma_start3A_36 = arith.constant 0 : i32
      %dma_start3A_37 = arith.constant 0 : i32
      %dma_start3A_38 = tpu.memref_slice %arg6[%dma_start3A, %dma_start3A_36, %dma_start3A_37] : memref<2x8x128xi32, #tpu.memory_space<vmem>> -> memref<1x8x128xi32, #tpu.memory_space<vmem>>
      %dma_start3A_39 = tpu.memref_squeeze %dma_start3A_38 : memref<1x8x128xi32, #tpu.memory_space<vmem>> -> memref<8x128xi32, #tpu.memory_space<vmem>>
      %dma_start3A_40 = arith.constant 0 : i32
      %dma_start3A_41 = tpu.memref_slice %arg3[%multiple_of3A, %dma_start3A_40] : memref<2560x128xi32, #tpu.memory_space<hbm>> -> memref<8x128xi32, #tpu.memory_space<hbm>>
      tpu.enqueue_dma source(%dma_start3A_41 : memref<8x128xi32, #tpu.memory_space<hbm>>) target(%dma_start3A_39 : memref<8x128xi32, #tpu.memory_space<vmem>>) target_semaphore(%arg13 : memref<!tpu.dma_semaphore, #tpu.memory_space<semaphore_mem>>)
      %add3A_42 = arith.constant 0 : i32
      %add3A_43 = arith.addi %add3A_27, %add3A_42 : i32
      %multiple_of3A_44 = tpu.assume_multiple %add3A_43, 8 : i32
      %dma_start3A_45 = arith.constant 0 : i32
      %dma_start3A_46 = arith.constant 0 : i32
      %dma_start3A_47 = arith.constant 0 : i32
      %dma_start3A_48 = tpu.memref_slice %arg7[%dma_start3A_45, %dma_start3A_46, %dma_start3A_47] : memref<2x8x128xi32, #tpu.memory_space<vmem>> -> memref<1x8x128xi32, #tpu.memory_space<vmem>>
      %dma_start3A_49 = tpu.memref_squeeze %dma_start3A_48 : memref<1x8x128xi32, #tpu.memory_space<vmem>> -> memref<8x128xi32, #tpu.memory_space<vmem>>
      %dma_start3A_50 = arith.constant 0 : i32
      %dma_start3A_51 = tpu.memref_slice %arg4[%multiple_of3A_44, %dma_start3A_50] : memref<2560x128xi32, #tpu.memory_space<hbm>> -> memref<8x128xi32, #tpu.memory_space<hbm>>
      %dma_start3A_52 = arith.constant 0 : i32
      %dma_start3A_53 = arith.constant 0 : i32
      %dma_start3A_54 = tpu.memref_slice %arg7[%dma_start3A_45, %dma_start3A_52, %dma_start3A_53] : memref<2x8x128xi32, #tpu.memory_space<vmem>> -> memref<1x8x128xi32, #tpu.memory_space<vmem>>
      %dma_start3A_55 = tpu.memref_squeeze %dma_start3A_54 : memref<1x8x128xi32, #tpu.memory_space<vmem>> -> memref<8x128xi32, #tpu.memory_space<vmem>>
      %dma_start3A_56 = arith.constant 0 : i32
      %dma_start3A_57 = tpu.memref_slice %arg4[%multiple_of3A_44, %dma_start3A_56] : memref<2560x128xi32, #tpu.memory_space<hbm>> -> memref<8x128xi32, #tpu.memory_space<hbm>>
      tpu.enqueue_dma source(%dma_start3A_57 : memref<8x128xi32, #tpu.memory_space<hbm>>) target(%dma_start3A_55 : memref<8x128xi32, #tpu.memory_space<vmem>>) target_semaphore(%arg14 : memref<!tpu.dma_semaphore, #tpu.memory_space<semaphore_mem>>)
      %scan3A_58 = arith.constant 0 : i32
      %scan3A_59 = arith.constant 5 : i32
      %scan3A_60 = arith.addi %scan3A_58, %scan3A_59 : i32
      %scan3A_61 = arith.constant 1 : i32
      scf.for %scan3A_63 = %scan3A_58 to %scan3A_60 step %scan3A_61  : i32 {
        %mul3A_64 = arith.constant 2 : i32
        %mul3A_65 = arith.muli %scan3A_63, %mul3A_64 : i32
        %add3A_66 = arith.constant 0 : i32
        %add3A_67 = arith.addi %add3A_66, %mul3A_65 : i32
        %mul3A_68 = arith.constant 8 : i32
        %mul3A_69 = arith.muli %add3A_67, %mul3A_68 : i32
        %add3A_70 = arith.addi %add3A_27, %mul3A_69 : i32
        %multiple_of3A_71 = tpu.assume_multiple %add3A_70, 8 : i32
        %dma_wait3A = arith.constant 0 : i32
        %dma_wait3A_72 = arith.constant 0 : i32
        %dma_wait3A_73 = arith.constant 0 : i32
        %dma_wait3A_74 = tpu.memref_slice %arg6[%dma_wait3A, %dma_wait3A_72, %dma_wait3A_73] : memref<2x8x128xi32, #tpu.memory_space<vmem>> -> memref<1x8x128xi32, #tpu.memory_space<vmem>>
        %dma_wait3A_75 = tpu.memref_squeeze %dma_wait3A_74 : memref<1x8x128xi32, #tpu.memory_space<vmem>> -> memref<8x128xi32, #tpu.memory_space<vmem>>
        %dma_wait3A_76 = arith.constant 0 : i32
        %dma_wait3A_77 = tpu.memref_slice %arg3[%multiple_of3A_71, %dma_wait3A_76] : memref<2560x128xi32, #tpu.memory_space<hbm>> -> memref<8x128xi32, #tpu.memory_space<hbm>>
        %dma_wait3A_78 = arith.constant 0 : i32
        %dma_wait3A_79 = arith.constant 0 : i32
        %dma_wait3A_80 = tpu.memref_slice %arg6[%dma_wait3A, %dma_wait3A_78, %dma_wait3A_79] : memref<2x8x128xi32, #tpu.memory_space<vmem>> -> memref<1x8x128xi32, #tpu.memory_space<vmem>>
        %dma_wait3A_81 = tpu.memref_squeeze %dma_wait3A_80 : memref<1x8x128xi32, #tpu.memory_space<vmem>> -> memref<8x128xi32, #tpu.memory_space<vmem>>
        %dma_wait3A_82 = arith.constant 0 : i32
        %dma_wait3A_83 = tpu.memref_slice %arg3[%multiple_of3A_71, %dma_wait3A_82] : memref<2560x128xi32, #tpu.memory_space<hbm>> -> memref<8x128xi32, #tpu.memory_space<hbm>>
        tpu.wait_dma2 semaphore(%arg13 : memref<!tpu.dma_semaphore, #tpu.memory_space<semaphore_mem>>) src(%dma_wait3A_83 : memref<8x128xi32, #tpu.memory_space<hbm>>) dst(%dma_wait3A_81 : memref<8x128xi32, #tpu.memory_space<vmem>>)
        %mul3A_84 = arith.constant 8 : i32
        %mul3A_85 = arith.muli %add3A_67, %mul3A_84 : i32
        %add3A_86 = arith.addi %add3A_27, %mul3A_85 : i32
        %multiple_of3A_87 = tpu.assume_multiple %add3A_86, 8 : i32
        %dma_wait3A_88 = arith.constant 0 : i32
        %dma_wait3A_89 = arith.constant 0 : i32
        %dma_wait3A_90 = arith.constant 0 : i32
        %dma_wait3A_91 = tpu.memref_slice %arg7[%dma_wait3A_88, %dma_wait3A_89, %dma_wait3A_90] : memref<2x8x128xi32, #tpu.memory_space<vmem>> -> memref<1x8x128xi32, #tpu.memory_space<vmem>>
        %dma_wait3A_92 = tpu.memref_squeeze %dma_wait3A_91 : memref<1x8x128xi32, #tpu.memory_space<vmem>> -> memref<8x128xi32, #tpu.memory_space<vmem>>
        %dma_wait3A_93 = arith.constant 0 : i32
        %dma_wait3A_94 = tpu.memref_slice %arg4[%multiple_of3A_87, %dma_wait3A_93] : memref<2560x128xi32, #tpu.memory_space<hbm>> -> memref<8x128xi32, #tpu.memory_space<hbm>>
        %dma_wait3A_95 = arith.constant 0 : i32
        %dma_wait3A_96 = arith.constant 0 : i32
        %dma_wait3A_97 = tpu.memref_slice %arg7[%dma_wait3A_88, %dma_wait3A_95, %dma_wait3A_96] : memref<2x8x128xi32, #tpu.memory_space<vmem>> -> memref<1x8x128xi32, #tpu.memory_space<vmem>>
        %dma_wait3A_98 = tpu.memref_squeeze %dma_wait3A_97 : memref<1x8x128xi32, #tpu.memory_space<vmem>> -> memref<8x128xi32, #tpu.memory_space<vmem>>
        %dma_wait3A_99 = arith.constant 0 : i32
        %dma_wait3A_100 = tpu.memref_slice %arg4[%multiple_of3A_87, %dma_wait3A_99] : memref<2560x128xi32, #tpu.memory_space<hbm>> -> memref<8x128xi32, #tpu.memory_space<hbm>>
        tpu.wait_dma2 semaphore(%arg14 : memref<!tpu.dma_semaphore, #tpu.memory_space<semaphore_mem>>) src(%dma_wait3A_100 : memref<8x128xi32, #tpu.memory_space<hbm>>) dst(%dma_wait3A_98 : memref<8x128xi32, #tpu.memory_space<vmem>>)
        %add3A_101 = arith.constant 1 : i32
        %add3A_102 = arith.addi %add3A_67, %add3A_101 : i32
        %lt3A = arith.constant 10 : i32
        %lt3A_103 = arith.cmpi slt, %add3A_102, %lt3A : i32
        %convert_element_type3A_104 = arith.extui %lt3A_103 : i1 to i32
        %cond3A_105 = arith.constant 0 : i32
        %cond3A_106 = arith.cmpi ne, %convert_element_type3A_104, %cond3A_105 : i32
        scf.if %cond3A_106 {
          %add3A_356 = arith.constant 1 : i32
          %add3A_357 = arith.addi %add3A_67, %add3A_356 : i32
          %mul3A_358 = arith.constant 8 : i32
          %mul3A_359 = arith.muli %add3A_357, %mul3A_358 : i32
          %add3A_360 = arith.addi %add3A_27, %mul3A_359 : i32
          %multiple_of3A_361 = tpu.assume_multiple %add3A_360, 8 : i32
          %dma_start3A_362 = arith.constant 1 : i32
          %dma_start3A_363 = arith.constant 0 : i32
          %dma_start3A_364 = arith.constant 0 : i32
          %dma_start3A_365 = tpu.memref_slice %arg6[%dma_start3A_362, %dma_start3A_363, %dma_start3A_364] : memref<2x8x128xi32, #tpu.memory_space<vmem>> -> memref<1x8x128xi32, #tpu.memory_space<vmem>>
          %dma_start3A_366 = tpu.memref_squeeze %dma_start3A_365 : memref<1x8x128xi32, #tpu.memory_space<vmem>> -> memref<8x128xi32, #tpu.memory_space<vmem>>
          %dma_start3A_367 = arith.constant 0 : i32
          %dma_start3A_368 = tpu.memref_slice %arg3[%multiple_of3A_361, %dma_start3A_367] : memref<2560x128xi32, #tpu.memory_space<hbm>> -> memref<8x128xi32, #tpu.memory_space<hbm>>
          %dma_start3A_369 = arith.constant 0 : i32
          %dma_start3A_370 = arith.constant 0 : i32
          %dma_start3A_371 = tpu.memref_slice %arg6[%dma_start3A_362, %dma_start3A_369, %dma_start3A_370] : memref<2x8x128xi32, #tpu.memory_space<vmem>> -> memref<1x8x128xi32, #tpu.memory_space<vmem>>
          %dma_start3A_372 = tpu.memref_squeeze %dma_start3A_371 : memref<1x8x128xi32, #tpu.memory_space<vmem>> -> memref<8x128xi32, #tpu.memory_space<vmem>>
          %dma_start3A_373 = arith.constant 0 : i32
          %dma_start3A_374 = tpu.memref_slice %arg3[%multiple_of3A_361, %dma_start3A_373] : memref<2560x128xi32, #tpu.memory_space<hbm>> -> memref<8x128xi32, #tpu.memory_space<hbm>>
          tpu.enqueue_dma source(%dma_start3A_374 : memref<8x128xi32, #tpu.memory_space<hbm>>) target(%dma_start3A_372 : memref<8x128xi32, #tpu.memory_space<vmem>>) target_semaphore(%arg13 : memref<!tpu.dma_semaphore, #tpu.memory_space<semaphore_mem>>)
          %add3A_375 = arith.constant 1 : i32
          %add3A_376 = arith.addi %add3A_67, %add3A_375 : i32
          %mul3A_377 = arith.constant 8 : i32
          %mul3A_378 = arith.muli %add3A_376, %mul3A_377 : i32
          %add3A_379 = arith.addi %add3A_27, %mul3A_378 : i32
          %multiple_of3A_380 = tpu.assume_multiple %add3A_379, 8 : i32
          %dma_start3A_381 = arith.constant 1 : i32
          %dma_start3A_382 = arith.constant 0 : i32
          %dma_start3A_383 = arith.constant 0 : i32
          %dma_start3A_384 = tpu.memref_slice %arg7[%dma_start3A_381, %dma_start3A_382, %dma_start3A_383] : memref<2x8x128xi32, #tpu.memory_space<vmem>> -> memref<1x8x128xi32, #tpu.memory_space<vmem>>
          %dma_start3A_385 = tpu.memref_squeeze %dma_start3A_384 : memref<1x8x128xi32, #tpu.memory_space<vmem>> -> memref<8x128xi32, #tpu.memory_space<vmem>>
          %dma_start3A_386 = arith.constant 0 : i32
          %dma_start3A_387 = tpu.memref_slice %arg4[%multiple_of3A_380, %dma_start3A_386] : memref<2560x128xi32, #tpu.memory_space<hbm>> -> memref<8x128xi32, #tpu.memory_space<hbm>>
          %dma_start3A_388 = arith.constant 0 : i32
          %dma_start3A_389 = arith.constant 0 : i32
          %dma_start3A_390 = tpu.memref_slice %arg7[%dma_start3A_381, %dma_start3A_388, %dma_start3A_389] : memref<2x8x128xi32, #tpu.memory_space<vmem>> -> memref<1x8x128xi32, #tpu.memory_space<vmem>>
          %dma_start3A_391 = tpu.memref_squeeze %dma_start3A_390 : memref<1x8x128xi32, #tpu.memory_space<vmem>> -> memref<8x128xi32, #tpu.memory_space<vmem>>
          %dma_start3A_392 = arith.constant 0 : i32
          %dma_start3A_393 = tpu.memref_slice %arg4[%multiple_of3A_380, %dma_start3A_392] : memref<2560x128xi32, #tpu.memory_space<hbm>> -> memref<8x128xi32, #tpu.memory_space<hbm>>
          tpu.enqueue_dma source(%dma_start3A_393 : memref<8x128xi32, #tpu.memory_space<hbm>>) target(%dma_start3A_391 : memref<8x128xi32, #tpu.memory_space<vmem>>) target_semaphore(%arg14 : memref<!tpu.dma_semaphore, #tpu.memory_space<semaphore_mem>>)
        } else {
        }
        %dma_start3A_107 = arith.constant 0 : i32
        %dma_start3A_108 = arith.constant 0 : i32
        %dma_start3A_109 = arith.constant 0 : i32
        %dma_start3A_110 = arith.constant 0 : i32
        %dma_start3A_111 = tpu.memref_slice %arg6[%dma_start3A_107, %dma_start3A_109, %dma_start3A_110] : memref<2x8x128xi32, #tpu.memory_space<vmem>> -> memref<1x8x128xi32, #tpu.memory_space<vmem>>
        %dma_start3A_112 = tpu.memref_squeeze %dma_start3A_111 : memref<1x8x128xi32, #tpu.memory_space<vmem>> -> memref<8x128xi32, #tpu.memory_space<vmem>>
        %dma_start3A_113 = arith.constant 0 : i32
        %dma_start3A_114 = tpu.memref_slice %dma_start3A_112[%dma_start3A_108, %dma_start3A_113] : memref<8x128xi32, #tpu.memory_space<vmem>> -> memref<1x128xi32, #tpu.memory_space<vmem>>
        %dma_start3A_115 = tpu.memref_squeeze %dma_start3A_114 : memref<1x128xi32, #tpu.memory_space<vmem>> -> memref<128xi32, #tpu.memory_space<vmem>>
        %dma_start3A_116 = arith.constant 0 : i32
        %dma_start3A_117 = arith.constant 0 : i32
        %dma_start3A_118 = tpu.memref_slice %arg2[%dma_start3A_116, %dma_start3A_117] : memref<10000x128xf32, #tpu.memory_space<hbm>> -> memref<10000x128xf32, #tpu.memory_space<hbm>>
        tpu.enqueue_indirect_dma source(%dma_start3A_118 : memref<10000x128xf32, #tpu.memory_space<hbm>>) target(%arg8 : memref<128x128xf32, #tpu.memory_space<vmem>>) offsets(%dma_start3A_115 : memref<128xi32, #tpu.memory_space<vmem>>) semaphore(%arg11 : memref<!tpu.dma_semaphore, #tpu.memory_space<semaphore_mem>>)
        %dma_start3A_119 = arith.constant 0 : i32
        %dma_start3A_120 = arith.constant 1 : i32
        %dma_start3A_121 = arith.constant 0 : i32
        %dma_start3A_122 = arith.constant 0 : i32
        %dma_start3A_123 = tpu.memref_slice %arg6[%dma_start3A_119, %dma_start3A_121, %dma_start3A_122] : memref<2x8x128xi32, #tpu.memory_space<vmem>> -> memref<1x8x128xi32, #tpu.memory_space<vmem>>
        %dma_start3A_124 = tpu.memref_squeeze %dma_start3A_123 : memref<1x8x128xi32, #tpu.memory_space<vmem>> -> memref<8x128xi32, #tpu.memory_space<vmem>>
        %dma_start3A_125 = arith.constant 0 : i32
        %dma_start3A_126 = tpu.memref_slice %dma_start3A_124[%dma_start3A_120, %dma_start3A_125] : memref<8x128xi32, #tpu.memory_space<vmem>> -> memref<1x128xi32, #tpu.memory_space<vmem>>
        %dma_start3A_127 = tpu.memref_squeeze %dma_start3A_126 : memref<1x128xi32, #tpu.memory_space<vmem>> -> memref<128xi32, #tpu.memory_space<vmem>>
        %dma_start3A_128 = arith.constant 0 : i32
        %dma_start3A_129 = arith.constant 0 : i32
        %dma_start3A_130 = tpu.memref_slice %arg2[%dma_start3A_128, %dma_start3A_129] : memref<10000x128xf32, #tpu.memory_space<hbm>> -> memref<10000x128xf32, #tpu.memory_space<hbm>>
        tpu.enqueue_indirect_dma source(%dma_start3A_130 : memref<10000x128xf32, #tpu.memory_space<hbm>>) target(%arg9 : memref<128x128xf32, #tpu.memory_space<vmem>>) offsets(%dma_start3A_127 : memref<128xi32, #tpu.memory_space<vmem>>) semaphore(%arg12 : memref<!tpu.dma_semaphore, #tpu.memory_space<semaphore_mem>>)
        %scan3A_131 = arith.constant 0 : i32
        %scan3A_132 = arith.constant 0 : i32
        %scan3A_133 = arith.constant 0 : i32
        %scan3A_134 = arith.constant 3 : i32
        %scan3A_135 = arith.addi %scan3A_133, %scan3A_134 : i32
        %scan3A_136 = arith.constant 1 : i32
        scf.for %scan3A_356 = %scan3A_133 to %scan3A_135 step %scan3A_136  : i32 {
          %mul3A_357 = arith.constant 2 : i32
          %mul3A_358 = arith.muli %scan3A_356, %mul3A_357 : i32
          %add3A_359 = arith.constant 0 : i32
          %add3A_360 = arith.addi %add3A_359, %mul3A_358 : i32
          %dma_wait3A_361 = arith.constant 0 : i32
          %dma_wait3A_362 = arith.constant 0 : i32
          %dma_wait3A_363 = tpu.memref_slice %arg6[%scan3A_131, %dma_wait3A_361, %dma_wait3A_362] : memref<2x8x128xi32, #tpu.memory_space<vmem>> -> memref<1x8x128xi32, #tpu.memory_space<vmem>>
          %dma_wait3A_364 = tpu.memref_squeeze %dma_wait3A_363 : memref<1x8x128xi32, #tpu.memory_space<vmem>> -> memref<8x128xi32, #tpu.memory_space<vmem>>
          %dma_wait3A_365 = arith.constant 0 : i32
          %dma_wait3A_366 = tpu.memref_slice %dma_wait3A_364[%add3A_360, %dma_wait3A_365] : memref<8x128xi32, #tpu.memory_space<vmem>> -> memref<1x128xi32, #tpu.memory_space<vmem>>
          %dma_wait3A_367 = tpu.memref_squeeze %dma_wait3A_366 : memref<1x128xi32, #tpu.memory_space<vmem>> -> memref<128xi32, #tpu.memory_space<vmem>>
          %dma_wait3A_368 = arith.constant 0 : i32
          %dma_wait3A_369 = arith.constant 0 : i32
          %dma_wait3A_370 = tpu.memref_slice %arg2[%dma_wait3A_368, %dma_wait3A_369] : memref<10000x128xf32, #tpu.memory_space<hbm>> -> memref<10000x128xf32, #tpu.memory_space<hbm>>
          tpu.wait_indirect_dma semaphore(%arg11 : memref<!tpu.dma_semaphore, #tpu.memory_space<semaphore_mem>>) src(%dma_wait3A_370 : memref<10000x128xf32, #tpu.memory_space<hbm>>) dst(%arg8 : memref<128x128xf32, #tpu.memory_space<vmem>>)
          %dma_start3A_371 = arith.constant 0 : i32
          %dma_start3A_372 = arith.constant 0 : i32
          %dma_start3A_373 = tpu.memref_slice %arg7[%scan3A_132, %dma_start3A_371, %dma_start3A_372] : memref<2x8x128xi32, #tpu.memory_space<vmem>> -> memref<1x8x128xi32, #tpu.memory_space<vmem>>
          %dma_start3A_374 = tpu.memref_squeeze %dma_start3A_373 : memref<1x8x128xi32, #tpu.memory_space<vmem>> -> memref<8x128xi32, #tpu.memory_space<vmem>>
          %dma_start3A_375 = arith.constant 0 : i32
          %dma_start3A_376 = tpu.memref_slice %dma_start3A_374[%add3A_360, %dma_start3A_375] : memref<8x128xi32, #tpu.memory_space<vmem>> -> memref<1x128xi32, #tpu.memory_space<vmem>>
          %dma_start3A_377 = tpu.memref_squeeze %dma_start3A_376 : memref<1x128xi32, #tpu.memory_space<vmem>> -> memref<128xi32, #tpu.memory_space<vmem>>
          %dma_start3A_378 = arith.constant 0 : i32
          %dma_start3A_379 = arith.constant 0 : i32
          %dma_start3A_380 = tpu.memref_slice %arg10[%dma_start3A_378, %dma_start3A_379] : memref<10240x128xf32, #tpu.memory_space<vmem_shared>> -> memref<10240x128xf32, #tpu.memory_space<vmem_shared>>
          tpu.enqueue_indirect_dma source(%arg8 : memref<128x128xf32, #tpu.memory_space<vmem>>) target(%dma_start3A_380 : memref<10240x128xf32, #tpu.memory_space<vmem_shared>>) offsets(%dma_start3A_377 : memref<128xi32, #tpu.memory_space<vmem>>) semaphore(%arg15 : memref<!tpu.dma_semaphore, #tpu.memory_space<semaphore_mem>>) {add = true}
          %add3A_381 = arith.constant 1 : i32
          %add3A_382 = arith.addi %add3A_360, %add3A_381 : i32
          %dma_wait3A_383 = arith.constant 0 : i32
          %dma_wait3A_384 = arith.constant 0 : i32
          %dma_wait3A_385 = tpu.memref_slice %arg6[%scan3A_131, %dma_wait3A_383, %dma_wait3A_384] : memref<2x8x128xi32, #tpu.memory_space<vmem>> -> memref<1x8x128xi32, #tpu.memory_space<vmem>>
          %dma_wait3A_386 = tpu.memref_squeeze %dma_wait3A_385 : memref<1x8x128xi32, #tpu.memory_space<vmem>> -> memref<8x128xi32, #tpu.memory_space<vmem>>
          %dma_wait3A_387 = arith.constant 0 : i32
          %dma_wait3A_388 = tpu.memref_slice %dma_wait3A_386[%add3A_382, %dma_wait3A_387] : memref<8x128xi32, #tpu.memory_space<vmem>> -> memref<1x128xi32, #tpu.memory_space<vmem>>
          %dma_wait3A_389 = tpu.memref_squeeze %dma_wait3A_388 : memref<1x128xi32, #tpu.memory_space<vmem>> -> memref<128xi32, #tpu.memory_space<vmem>>
          %dma_wait3A_390 = arith.constant 0 : i32
          %dma_wait3A_391 = arith.constant 0 : i32
          %dma_wait3A_392 = tpu.memref_slice %arg2[%dma_wait3A_390, %dma_wait3A_391] : memref<10000x128xf32, #tpu.memory_space<hbm>> -> memref<10000x128xf32, #tpu.memory_space<hbm>>
          tpu.wait_indirect_dma semaphore(%arg12 : memref<!tpu.dma_semaphore, #tpu.memory_space<semaphore_mem>>) src(%dma_wait3A_392 : memref<10000x128xf32, #tpu.memory_space<hbm>>) dst(%arg9 : memref<128x128xf32, #tpu.memory_space<vmem>>)
          %add3A_393 = arith.constant 1 : i32
          %add3A_394 = arith.addi %add3A_360, %add3A_393 : i32
          %dma_start3A_395 = arith.constant 0 : i32
          %dma_start3A_396 = arith.constant 0 : i32
          %dma_start3A_397 = tpu.memref_slice %arg7[%scan3A_132, %dma_start3A_395, %dma_start3A_396] : memref<2x8x128xi32, #tpu.memory_space<vmem>> -> memref<1x8x128xi32, #tpu.memory_space<vmem>>
          %dma_start3A_398 = tpu.memref_squeeze %dma_start3A_397 : memref<1x8x128xi32, #tpu.memory_space<vmem>> -> memref<8x128xi32, #tpu.memory_space<vmem>>
          %dma_start3A_399 = arith.constant 0 : i32
          %dma_start3A_400 = tpu.memref_slice %dma_start3A_398[%add3A_394, %dma_start3A_399] : memref<8x128xi32, #tpu.memory_space<vmem>> -> memref<1x128xi32, #tpu.memory_space<vmem>>
          %dma_start3A_401 = tpu.memref_squeeze %dma_start3A_400 : memref<1x128xi32, #tpu.memory_space<vmem>> -> memref<128xi32, #tpu.memory_space<vmem>>
          %dma_start3A_402 = arith.constant 0 : i32
          %dma_start3A_403 = arith.constant 0 : i32
          %dma_start3A_404 = tpu.memref_slice %arg10[%dma_start3A_402, %dma_start3A_403] : memref<10240x128xf32, #tpu.memory_space<vmem_shared>> -> memref<10240x128xf32, #tpu.memory_space<vmem_shared>>
          tpu.enqueue_indirect_dma source(%arg9 : memref<128x128xf32, #tpu.memory_space<vmem>>) target(%dma_start3A_404 : memref<10240x128xf32, #tpu.memory_space<vmem_shared>>) offsets(%dma_start3A_401 : memref<128xi32, #tpu.memory_space<vmem>>) semaphore(%arg16 : memref<!tpu.dma_semaphore, #tpu.memory_space<semaphore_mem>>) {add = true}
          %dma_wait3A_405 = arith.constant 0 : i32
          %dma_wait3A_406 = arith.constant 0 : i32
          %dma_wait3A_407 = tpu.memref_slice %arg7[%scan3A_132, %dma_wait3A_405, %dma_wait3A_406] : memref<2x8x128xi32, #tpu.memory_space<vmem>> -> memref<1x8x128xi32, #tpu.memory_space<vmem>>
          %dma_wait3A_408 = tpu.memref_squeeze %dma_wait3A_407 : memref<1x8x128xi32, #tpu.memory_space<vmem>> -> memref<8x128xi32, #tpu.memory_space<vmem>>
          %dma_wait3A_409 = arith.constant 0 : i32
          %dma_wait3A_410 = tpu.memref_slice %dma_wait3A_408[%add3A_360, %dma_wait3A_409] : memref<8x128xi32, #tpu.memory_space<vmem>> -> memref<1x128xi32, #tpu.memory_space<vmem>>
          %dma_wait3A_411 = tpu.memref_squeeze %dma_wait3A_410 : memref<1x128xi32, #tpu.memory_space<vmem>> -> memref<128xi32, #tpu.memory_space<vmem>>
          %dma_wait3A_412 = arith.constant 0 : i32
          %dma_wait3A_413 = arith.constant 0 : i32
          %dma_wait3A_414 = tpu.memref_slice %arg10[%dma_wait3A_412, %dma_wait3A_413] : memref<10240x128xf32, #tpu.memory_space<vmem_shared>> -> memref<10240x128xf32, #tpu.memory_space<vmem_shared>>
          tpu.wait_indirect_dma semaphore(%arg15 : memref<!tpu.dma_semaphore, #tpu.memory_space<semaphore_mem>>) src(%arg8 : memref<128x128xf32, #tpu.memory_space<vmem>>) dst(%dma_wait3A_414 : memref<10240x128xf32, #tpu.memory_space<vmem_shared>>)
          %add3A_415 = arith.constant 2 : i32
          %add3A_416 = arith.addi %add3A_360, %add3A_415 : i32
          %dma_start3A_417 = arith.constant 0 : i32
          %dma_start3A_418 = arith.constant 0 : i32
          %dma_start3A_419 = tpu.memref_slice %arg6[%scan3A_131, %dma_start3A_417, %dma_start3A_418] : memref<2x8x128xi32, #tpu.memory_space<vmem>> -> memref<1x8x128xi32, #tpu.memory_space<vmem>>
          %dma_start3A_420 = tpu.memref_squeeze %dma_start3A_419 : memref<1x8x128xi32, #tpu.memory_space<vmem>> -> memref<8x128xi32, #tpu.memory_space<vmem>>
          %dma_start3A_421 = arith.constant 0 : i32
          %dma_start3A_422 = tpu.memref_slice %dma_start3A_420[%add3A_416, %dma_start3A_421] : memref<8x128xi32, #tpu.memory_space<vmem>> -> memref<1x128xi32, #tpu.memory_space<vmem>>
          %dma_start3A_423 = tpu.memref_squeeze %dma_start3A_422 : memref<1x128xi32, #tpu.memory_space<vmem>> -> memref<128xi32, #tpu.memory_space<vmem>>
          %dma_start3A_424 = arith.constant 0 : i32
          %dma_start3A_425 = arith.constant 0 : i32
          %dma_start3A_426 = tpu.memref_slice %arg2[%dma_start3A_424, %dma_start3A_425] : memref<10000x128xf32, #tpu.memory_space<hbm>> -> memref<10000x128xf32, #tpu.memory_space<hbm>>
          tpu.enqueue_indirect_dma source(%dma_start3A_426 : memref<10000x128xf32, #tpu.memory_space<hbm>>) target(%arg8 : memref<128x128xf32, #tpu.memory_space<vmem>>) offsets(%dma_start3A_423 : memref<128xi32, #tpu.memory_space<vmem>>) semaphore(%arg11 : memref<!tpu.dma_semaphore, #tpu.memory_space<semaphore_mem>>)
          %add3A_427 = arith.constant 1 : i32
          %add3A_428 = arith.addi %add3A_360, %add3A_427 : i32
          %dma_wait3A_429 = arith.constant 0 : i32
          %dma_wait3A_430 = arith.constant 0 : i32
          %dma_wait3A_431 = tpu.memref_slice %arg7[%scan3A_132, %dma_wait3A_429, %dma_wait3A_430] : memref<2x8x128xi32, #tpu.memory_space<vmem>> -> memref<1x8x128xi32, #tpu.memory_space<vmem>>
          %dma_wait3A_432 = tpu.memref_squeeze %dma_wait3A_431 : memref<1x8x128xi32, #tpu.memory_space<vmem>> -> memref<8x128xi32, #tpu.memory_space<vmem>>
          %dma_wait3A_433 = arith.constant 0 : i32
          %dma_wait3A_434 = tpu.memref_slice %dma_wait3A_432[%add3A_428, %dma_wait3A_433] : memref<8x128xi32, #tpu.memory_space<vmem>> -> memref<1x128xi32, #tpu.memory_space<vmem>>
          %dma_wait3A_435 = tpu.memref_squeeze %dma_wait3A_434 : memref<1x128xi32, #tpu.memory_space<vmem>> -> memref<128xi32, #tpu.memory_space<vmem>>
          %dma_wait3A_436 = arith.constant 0 : i32
          %dma_wait3A_437 = arith.constant 0 : i32
          %dma_wait3A_438 = tpu.memref_slice %arg10[%dma_wait3A_436, %dma_wait3A_437] : memref<10240x128xf32, #tpu.memory_space<vmem_shared>> -> memref<10240x128xf32, #tpu.memory_space<vmem_shared>>
          tpu.wait_indirect_dma semaphore(%arg16 : memref<!tpu.dma_semaphore, #tpu.memory_space<semaphore_mem>>) src(%arg9 : memref<128x128xf32, #tpu.memory_space<vmem>>) dst(%dma_wait3A_438 : memref<10240x128xf32, #tpu.memory_space<vmem_shared>>)
          %add3A_439 = arith.constant 3 : i32
          %add3A_440 = arith.addi %add3A_360, %add3A_439 : i32
          %dma_start3A_441 = arith.constant 0 : i32
          %dma_start3A_442 = arith.constant 0 : i32
          %dma_start3A_443 = tpu.memref_slice %arg6[%scan3A_131, %dma_start3A_441, %dma_start3A_442] : memref<2x8x128xi32, #tpu.memory_space<vmem>> -> memref<1x8x128xi32, #tpu.memory_space<vmem>>
          %dma_start3A_444 = tpu.memref_squeeze %dma_start3A_443 : memref<1x8x128xi32, #tpu.memory_space<vmem>> -> memref<8x128xi32, #tpu.memory_space<vmem>>
          %dma_start3A_445 = arith.constant 0 : i32
          %dma_start3A_446 = tpu.memref_slice %dma_start3A_444[%add3A_440, %dma_start3A_445] : memref<8x128xi32, #tpu.memory_space<vmem>> -> memref<1x128xi32, #tpu.memory_space<vmem>>
          %dma_start3A_447 = tpu.memref_squeeze %dma_start3A_446 : memref<1x128xi32, #tpu.memory_space<vmem>> -> memref<128xi32, #tpu.memory_space<vmem>>
          %dma_start3A_448 = arith.constant 0 : i32
          %dma_start3A_449 = arith.constant 0 : i32
          %dma_start3A_450 = tpu.memref_slice %arg2[%dma_start3A_448, %dma_start3A_449] : memref<10000x128xf32, #tpu.memory_space<hbm>> -> memref<10000x128xf32, #tpu.memory_space<hbm>>
          tpu.enqueue_indirect_dma source(%dma_start3A_450 : memref<10000x128xf32, #tpu.memory_space<hbm>>) target(%arg9 : memref<128x128xf32, #tpu.memory_space<vmem>>) offsets(%dma_start3A_447 : memref<128xi32, #tpu.memory_space<vmem>>) semaphore(%arg12 : memref<!tpu.dma_semaphore, #tpu.memory_space<semaphore_mem>>)
        }
        %scan3A_137 = arith.constant 3 : i32
        %dma_wait3A_138 = arith.constant 0 : i32
        %dma_wait3A_139 = arith.constant 6 : i32
        %dma_wait3A_140 = arith.constant 0 : i32
        %dma_wait3A_141 = arith.constant 0 : i32
        %dma_wait3A_142 = tpu.memref_slice %arg6[%dma_wait3A_138, %dma_wait3A_140, %dma_wait3A_141] : memref<2x8x128xi32, #tpu.memory_space<vmem>> -> memref<1x8x128xi32, #tpu.memory_space<vmem>>
        %dma_wait3A_143 = tpu.memref_squeeze %dma_wait3A_142 : memref<1x8x128xi32, #tpu.memory_space<vmem>> -> memref<8x128xi32, #tpu.memory_space<vmem>>
        %dma_wait3A_144 = arith.constant 0 : i32
        %dma_wait3A_145 = tpu.memref_slice %dma_wait3A_143[%dma_wait3A_139, %dma_wait3A_144] : memref<8x128xi32, #tpu.memory_space<vmem>> -> memref<1x128xi32, #tpu.memory_space<vmem>>
        %dma_wait3A_146 = tpu.memref_squeeze %dma_wait3A_145 : memref<1x128xi32, #tpu.memory_space<vmem>> -> memref<128xi32, #tpu.memory_space<vmem>>
        %dma_wait3A_147 = arith.constant 0 : i32
        %dma_wait3A_148 = arith.constant 0 : i32
        %dma_wait3A_149 = tpu.memref_slice %arg2[%dma_wait3A_147, %dma_wait3A_148] : memref<10000x128xf32, #tpu.memory_space<hbm>> -> memref<10000x128xf32, #tpu.memory_space<hbm>>
        tpu.wait_indirect_dma semaphore(%arg11 : memref<!tpu.dma_semaphore, #tpu.memory_space<semaphore_mem>>) src(%dma_wait3A_149 : memref<10000x128xf32, #tpu.memory_space<hbm>>) dst(%arg8 : memref<128x128xf32, #tpu.memory_space<vmem>>)
        %dma_start3A_150 = arith.constant 0 : i32
        %dma_start3A_151 = arith.constant 6 : i32
        %dma_start3A_152 = arith.constant 0 : i32
        %dma_start3A_153 = arith.constant 0 : i32
        %dma_start3A_154 = tpu.memref_slice %arg7[%dma_start3A_150, %dma_start3A_152, %dma_start3A_153] : memref<2x8x128xi32, #tpu.memory_space<vmem>> -> memref<1x8x128xi32, #tpu.memory_space<vmem>>
        %dma_start3A_155 = tpu.memref_squeeze %dma_start3A_154 : memref<1x8x128xi32, #tpu.memory_space<vmem>> -> memref<8x128xi32, #tpu.memory_space<vmem>>
        %dma_start3A_156 = arith.constant 0 : i32
        %dma_start3A_157 = tpu.memref_slice %dma_start3A_155[%dma_start3A_151, %dma_start3A_156] : memref<8x128xi32, #tpu.memory_space<vmem>> -> memref<1x128xi32, #tpu.memory_space<vmem>>
        %dma_start3A_158 = tpu.memref_squeeze %dma_start3A_157 : memref<1x128xi32, #tpu.memory_space<vmem>> -> memref<128xi32, #tpu.memory_space<vmem>>
        %dma_start3A_159 = arith.constant 0 : i32
        %dma_start3A_160 = arith.constant 0 : i32
        %dma_start3A_161 = tpu.memref_slice %arg10[%dma_start3A_159, %dma_start3A_160] : memref<10240x128xf32, #tpu.memory_space<vmem_shared>> -> memref<10240x128xf32, #tpu.memory_space<vmem_shared>>
        tpu.enqueue_indirect_dma source(%arg8 : memref<128x128xf32, #tpu.memory_space<vmem>>) target(%dma_start3A_161 : memref<10240x128xf32, #tpu.memory_space<vmem_shared>>) offsets(%dma_start3A_158 : memref<128xi32, #tpu.memory_space<vmem>>) semaphore(%arg15 : memref<!tpu.dma_semaphore, #tpu.memory_space<semaphore_mem>>) {add = true}
        %dma_wait3A_162 = arith.constant 0 : i32
        %dma_wait3A_163 = arith.constant 7 : i32
        %dma_wait3A_164 = arith.constant 0 : i32
        %dma_wait3A_165 = arith.constant 0 : i32
        %dma_wait3A_166 = tpu.memref_slice %arg6[%dma_wait3A_162, %dma_wait3A_164, %dma_wait3A_165] : memref<2x8x128xi32, #tpu.memory_space<vmem>> -> memref<1x8x128xi32, #tpu.memory_space<vmem>>
        %dma_wait3A_167 = tpu.memref_squeeze %dma_wait3A_166 : memref<1x8x128xi32, #tpu.memory_space<vmem>> -> memref<8x128xi32, #tpu.memory_space<vmem>>
        %dma_wait3A_168 = arith.constant 0 : i32
        %dma_wait3A_169 = tpu.memref_slice %dma_wait3A_167[%dma_wait3A_163, %dma_wait3A_168] : memref<8x128xi32, #tpu.memory_space<vmem>> -> memref<1x128xi32, #tpu.memory_space<vmem>>
        %dma_wait3A_170 = tpu.memref_squeeze %dma_wait3A_169 : memref<1x128xi32, #tpu.memory_space<vmem>> -> memref<128xi32, #tpu.memory_space<vmem>>
        %dma_wait3A_171 = arith.constant 0 : i32
        %dma_wait3A_172 = arith.constant 0 : i32
        %dma_wait3A_173 = tpu.memref_slice %arg2[%dma_wait3A_171, %dma_wait3A_172] : memref<10000x128xf32, #tpu.memory_space<hbm>> -> memref<10000x128xf32, #tpu.memory_space<hbm>>
        tpu.wait_indirect_dma semaphore(%arg12 : memref<!tpu.dma_semaphore, #tpu.memory_space<semaphore_mem>>) src(%dma_wait3A_173 : memref<10000x128xf32, #tpu.memory_space<hbm>>) dst(%arg9 : memref<128x128xf32, #tpu.memory_space<vmem>>)
        %dma_start3A_174 = arith.constant 0 : i32
        %dma_start3A_175 = arith.constant 7 : i32
        %dma_start3A_176 = arith.constant 0 : i32
        %dma_start3A_177 = arith.constant 0 : i32
        %dma_start3A_178 = tpu.memref_slice %arg7[%dma_start3A_174, %dma_start3A_176, %dma_start3A_177] : memref<2x8x128xi32, #tpu.memory_space<vmem>> -> memref<1x8x128xi32, #tpu.memory_space<vmem>>
        %dma_start3A_179 = tpu.memref_squeeze %dma_start3A_178 : memref<1x8x128xi32, #tpu.memory_space<vmem>> -> memref<8x128xi32, #tpu.memory_space<vmem>>
        %dma_start3A_180 = arith.constant 0 : i32
        %dma_start3A_181 = tpu.memref_slice %dma_start3A_179[%dma_start3A_175, %dma_start3A_180] : memref<8x128xi32, #tpu.memory_space<vmem>> -> memref<1x128xi32, #tpu.memory_space<vmem>>
        %dma_start3A_182 = tpu.memref_squeeze %dma_start3A_181 : memref<1x128xi32, #tpu.memory_space<vmem>> -> memref<128xi32, #tpu.memory_space<vmem>>
        %dma_start3A_183 = arith.constant 0 : i32
        %dma_start3A_184 = arith.constant 0 : i32
        %dma_start3A_185 = tpu.memref_slice %arg10[%dma_start3A_183, %dma_start3A_184] : memref<10240x128xf32, #tpu.memory_space<vmem_shared>> -> memref<10240x128xf32, #tpu.memory_space<vmem_shared>>
        tpu.enqueue_indirect_dma source(%arg9 : memref<128x128xf32, #tpu.memory_space<vmem>>) target(%dma_start3A_185 : memref<10240x128xf32, #tpu.memory_space<vmem_shared>>) offsets(%dma_start3A_182 : memref<128xi32, #tpu.memory_space<vmem>>) semaphore(%arg16 : memref<!tpu.dma_semaphore, #tpu.memory_space<semaphore_mem>>) {add = true}
        %dma_wait3A_186 = arith.constant 0 : i32
        %dma_wait3A_187 = arith.constant 6 : i32
        %dma_wait3A_188 = arith.constant 0 : i32
        %dma_wait3A_189 = arith.constant 0 : i32
        %dma_wait3A_190 = tpu.memref_slice %arg7[%dma_wait3A_186, %dma_wait3A_188, %dma_wait3A_189] : memref<2x8x128xi32, #tpu.memory_space<vmem>> -> memref<1x8x128xi32, #tpu.memory_space<vmem>>
        %dma_wait3A_191 = tpu.memref_squeeze %dma_wait3A_190 : memref<1x8x128xi32, #tpu.memory_space<vmem>> -> memref<8x128xi32, #tpu.memory_space<vmem>>
        %dma_wait3A_192 = arith.constant 0 : i32
        %dma_wait3A_193 = tpu.memref_slice %dma_wait3A_191[%dma_wait3A_187, %dma_wait3A_192] : memref<8x128xi32, #tpu.memory_space<vmem>> -> memref<1x128xi32, #tpu.memory_space<vmem>>
        %dma_wait3A_194 = tpu.memref_squeeze %dma_wait3A_193 : memref<1x128xi32, #tpu.memory_space<vmem>> -> memref<128xi32, #tpu.memory_space<vmem>>
        %dma_wait3A_195 = arith.constant 0 : i32
        %dma_wait3A_196 = arith.constant 0 : i32
        %dma_wait3A_197 = tpu.memref_slice %arg10[%dma_wait3A_195, %dma_wait3A_196] : memref<10240x128xf32, #tpu.memory_space<vmem_shared>> -> memref<10240x128xf32, #tpu.memory_space<vmem_shared>>
        tpu.wait_indirect_dma semaphore(%arg15 : memref<!tpu.dma_semaphore, #tpu.memory_space<semaphore_mem>>) src(%arg8 : memref<128x128xf32, #tpu.memory_space<vmem>>) dst(%dma_wait3A_197 : memref<10240x128xf32, #tpu.memory_space<vmem_shared>>)
        %dma_wait3A_198 = arith.constant 0 : i32
        %dma_wait3A_199 = arith.constant 7 : i32
        %dma_wait3A_200 = arith.constant 0 : i32
        %dma_wait3A_201 = arith.constant 0 : i32
        %dma_wait3A_202 = tpu.memref_slice %arg7[%dma_wait3A_198, %dma_wait3A_200, %dma_wait3A_201] : memref<2x8x128xi32, #tpu.memory_space<vmem>> -> memref<1x8x128xi32, #tpu.memory_space<vmem>>
        %dma_wait3A_203 = tpu.memref_squeeze %dma_wait3A_202 : memref<1x8x128xi32, #tpu.memory_space<vmem>> -> memref<8x128xi32, #tpu.memory_space<vmem>>
        %dma_wait3A_204 = arith.constant 0 : i32
        %dma_wait3A_205 = tpu.memref_slice %dma_wait3A_203[%dma_wait3A_199, %dma_wait3A_204] : memref<8x128xi32, #tpu.memory_space<vmem>> -> memref<1x128xi32, #tpu.memory_space<vmem>>
        %dma_wait3A_206 = tpu.memref_squeeze %dma_wait3A_205 : memref<1x128xi32, #tpu.memory_space<vmem>> -> memref<128xi32, #tpu.memory_space<vmem>>
        %dma_wait3A_207 = arith.constant 0 : i32
        %dma_wait3A_208 = arith.constant 0 : i32
        %dma_wait3A_209 = tpu.memref_slice %arg10[%dma_wait3A_207, %dma_wait3A_208] : memref<10240x128xf32, #tpu.memory_space<vmem_shared>> -> memref<10240x128xf32, #tpu.memory_space<vmem_shared>>
        tpu.wait_indirect_dma semaphore(%arg16 : memref<!tpu.dma_semaphore, #tpu.memory_space<semaphore_mem>>) src(%arg9 : memref<128x128xf32, #tpu.memory_space<vmem>>) dst(%dma_wait3A_209 : memref<10240x128xf32, #tpu.memory_space<vmem_shared>>)
        %add3A_210 = arith.constant 1 : i32
        %add3A_211 = arith.addi %add3A_67, %add3A_210 : i32
        %mul3A_212 = arith.constant 8 : i32
        %mul3A_213 = arith.muli %add3A_211, %mul3A_212 : i32
        %add3A_214 = arith.addi %add3A_27, %mul3A_213 : i32
        %multiple_of3A_215 = tpu.assume_multiple %add3A_214, 8 : i32
        %dma_wait3A_216 = arith.constant 1 : i32
        %dma_wait3A_217 = arith.constant 0 : i32
        %dma_wait3A_218 = arith.constant 0 : i32
        %dma_wait3A_219 = tpu.memref_slice %arg6[%dma_wait3A_216, %dma_wait3A_217, %dma_wait3A_218] : memref<2x8x128xi32, #tpu.memory_space<vmem>> -> memref<1x8x128xi32, #tpu.memory_space<vmem>>
        %dma_wait3A_220 = tpu.memref_squeeze %dma_wait3A_219 : memref<1x8x128xi32, #tpu.memory_space<vmem>> -> memref<8x128xi32, #tpu.memory_space<vmem>>
        %dma_wait3A_221 = arith.constant 0 : i32
        %dma_wait3A_222 = tpu.memref_slice %arg3[%multiple_of3A_215, %dma_wait3A_221] : memref<2560x128xi32, #tpu.memory_space<hbm>> -> memref<8x128xi32, #tpu.memory_space<hbm>>
        %dma_wait3A_223 = arith.constant 0 : i32
        %dma_wait3A_224 = arith.constant 0 : i32
        %dma_wait3A_225 = tpu.memref_slice %arg6[%dma_wait3A_216, %dma_wait3A_223, %dma_wait3A_224] : memref<2x8x128xi32, #tpu.memory_space<vmem>> -> memref<1x8x128xi32, #tpu.memory_space<vmem>>
        %dma_wait3A_226 = tpu.memref_squeeze %dma_wait3A_225 : memref<1x8x128xi32, #tpu.memory_space<vmem>> -> memref<8x128xi32, #tpu.memory_space<vmem>>
        %dma_wait3A_227 = arith.constant 0 : i32
        %dma_wait3A_228 = tpu.memref_slice %arg3[%multiple_of3A_215, %dma_wait3A_227] : memref<2560x128xi32, #tpu.memory_space<hbm>> -> memref<8x128xi32, #tpu.memory_space<hbm>>
        tpu.wait_dma2 semaphore(%arg13 : memref<!tpu.dma_semaphore, #tpu.memory_space<semaphore_mem>>) src(%dma_wait3A_228 : memref<8x128xi32, #tpu.memory_space<hbm>>) dst(%dma_wait3A_226 : memref<8x128xi32, #tpu.memory_space<vmem>>)
        %mul3A_229 = arith.constant 8 : i32
        %mul3A_230 = arith.muli %add3A_211, %mul3A_229 : i32
        %add3A_231 = arith.addi %add3A_27, %mul3A_230 : i32
        %multiple_of3A_232 = tpu.assume_multiple %add3A_231, 8 : i32
        %dma_wait3A_233 = arith.constant 1 : i32
        %dma_wait3A_234 = arith.constant 0 : i32
        %dma_wait3A_235 = arith.constant 0 : i32
        %dma_wait3A_236 = tpu.memref_slice %arg7[%dma_wait3A_233, %dma_wait3A_234, %dma_wait3A_235] : memref<2x8x128xi32, #tpu.memory_space<vmem>> -> memref<1x8x128xi32, #tpu.memory_space<vmem>>
        %dma_wait3A_237 = tpu.memref_squeeze %dma_wait3A_236 : memref<1x8x128xi32, #tpu.memory_space<vmem>> -> memref<8x128xi32, #tpu.memory_space<vmem>>
        %dma_wait3A_238 = arith.constant 0 : i32
        %dma_wait3A_239 = tpu.memref_slice %arg4[%multiple_of3A_232, %dma_wait3A_238] : memref<2560x128xi32, #tpu.memory_space<hbm>> -> memref<8x128xi32, #tpu.memory_space<hbm>>
        %dma_wait3A_240 = arith.constant 0 : i32
        %dma_wait3A_241 = arith.constant 0 : i32
        %dma_wait3A_242 = tpu.memref_slice %arg7[%dma_wait3A_233, %dma_wait3A_240, %dma_wait3A_241] : memref<2x8x128xi32, #tpu.memory_space<vmem>> -> memref<1x8x128xi32, #tpu.memory_space<vmem>>
        %dma_wait3A_243 = tpu.memref_squeeze %dma_wait3A_242 : memref<1x8x128xi32, #tpu.memory_space<vmem>> -> memref<8x128xi32, #tpu.memory_space<vmem>>
        %dma_wait3A_244 = arith.constant 0 : i32
        %dma_wait3A_245 = tpu.memref_slice %arg4[%multiple_of3A_232, %dma_wait3A_244] : memref<2560x128xi32, #tpu.memory_space<hbm>> -> memref<8x128xi32, #tpu.memory_space<hbm>>
        tpu.wait_dma2 semaphore(%arg14 : memref<!tpu.dma_semaphore, #tpu.memory_space<semaphore_mem>>) src(%dma_wait3A_245 : memref<8x128xi32, #tpu.memory_space<hbm>>) dst(%dma_wait3A_243 : memref<8x128xi32, #tpu.memory_space<vmem>>)
        %add3A_246 = arith.constant 1 : i32
        %add3A_247 = arith.addi %add3A_211, %add3A_246 : i32
        %lt3A_248 = arith.constant 10 : i32
        %lt3A_249 = arith.cmpi slt, %add3A_247, %lt3A_248 : i32
        %convert_element_type3A_250 = arith.extui %lt3A_249 : i1 to i32
        %cond3A_251 = arith.constant 0 : i32
        %cond3A_252 = arith.cmpi ne, %convert_element_type3A_250, %cond3A_251 : i32
        scf.if %cond3A_252 {
          %add3A_356 = arith.constant 1 : i32
          %add3A_357 = arith.addi %add3A_211, %add3A_356 : i32
          %mul3A_358 = arith.constant 8 : i32
          %mul3A_359 = arith.muli %add3A_357, %mul3A_358 : i32
          %add3A_360 = arith.addi %add3A_27, %mul3A_359 : i32
          %multiple_of3A_361 = tpu.assume_multiple %add3A_360, 8 : i32
          %dma_start3A_362 = arith.constant 0 : i32
          %dma_start3A_363 = arith.constant 0 : i32
          %dma_start3A_364 = arith.constant 0 : i32
          %dma_start3A_365 = tpu.memref_slice %arg6[%dma_start3A_362, %dma_start3A_363, %dma_start3A_364] : memref<2x8x128xi32, #tpu.memory_space<vmem>> -> memref<1x8x128xi32, #tpu.memory_space<vmem>>
          %dma_start3A_366 = tpu.memref_squeeze %dma_start3A_365 : memref<1x8x128xi32, #tpu.memory_space<vmem>> -> memref<8x128xi32, #tpu.memory_space<vmem>>
          %dma_start3A_367 = arith.constant 0 : i32
          %dma_start3A_368 = tpu.memref_slice %arg3[%multiple_of3A_361, %dma_start3A_367] : memref<2560x128xi32, #tpu.memory_space<hbm>> -> memref<8x128xi32, #tpu.memory_space<hbm>>
          %dma_start3A_369 = arith.constant 0 : i32
          %dma_start3A_370 = arith.constant 0 : i32
          %dma_start3A_371 = tpu.memref_slice %arg6[%dma_start3A_362, %dma_start3A_369, %dma_start3A_370] : memref<2x8x128xi32, #tpu.memory_space<vmem>> -> memref<1x8x128xi32, #tpu.memory_space<vmem>>
          %dma_start3A_372 = tpu.memref_squeeze %dma_start3A_371 : memref<1x8x128xi32, #tpu.memory_space<vmem>> -> memref<8x128xi32, #tpu.memory_space<vmem>>
          %dma_start3A_373 = arith.constant 0 : i32
          %dma_start3A_374 = tpu.memref_slice %arg3[%multiple_of3A_361, %dma_start3A_373] : memref<2560x128xi32, #tpu.memory_space<hbm>> -> memref<8x128xi32, #tpu.memory_space<hbm>>
          tpu.enqueue_dma source(%dma_start3A_374 : memref<8x128xi32, #tpu.memory_space<hbm>>) target(%dma_start3A_372 : memref<8x128xi32, #tpu.memory_space<vmem>>) target_semaphore(%arg13 : memref<!tpu.dma_semaphore, #tpu.memory_space<semaphore_mem>>)
          %add3A_375 = arith.constant 1 : i32
          %add3A_376 = arith.addi %add3A_211, %add3A_375 : i32
          %mul3A_377 = arith.constant 8 : i32
          %mul3A_378 = arith.muli %add3A_376, %mul3A_377 : i32
          %add3A_379 = arith.addi %add3A_27, %mul3A_378 : i32
          %multiple_of3A_380 = tpu.assume_multiple %add3A_379, 8 : i32
          %dma_start3A_381 = arith.constant 0 : i32
          %dma_start3A_382 = arith.constant 0 : i32
          %dma_start3A_383 = arith.constant 0 : i32
          %dma_start3A_384 = tpu.memref_slice %arg7[%dma_start3A_381, %dma_start3A_382, %dma_start3A_383] : memref<2x8x128xi32, #tpu.memory_space<vmem>> -> memref<1x8x128xi32, #tpu.memory_space<vmem>>
          %dma_start3A_385 = tpu.memref_squeeze %dma_start3A_384 : memref<1x8x128xi32, #tpu.memory_space<vmem>> -> memref<8x128xi32, #tpu.memory_space<vmem>>
          %dma_start3A_386 = arith.constant 0 : i32
          %dma_start3A_387 = tpu.memref_slice %arg4[%multiple_of3A_380, %dma_start3A_386] : memref<2560x128xi32, #tpu.memory_space<hbm>> -> memref<8x128xi32, #tpu.memory_space<hbm>>
          %dma_start3A_388 = arith.constant 0 : i32
          %dma_start3A_389 = arith.constant 0 : i32
          %dma_start3A_390 = tpu.memref_slice %arg7[%dma_start3A_381, %dma_start3A_388, %dma_start3A_389] : memref<2x8x128xi32, #tpu.memory_space<vmem>> -> memref<1x8x128xi32, #tpu.memory_space<vmem>>
          %dma_start3A_391 = tpu.memref_squeeze %dma_start3A_390 : memref<1x8x128xi32, #tpu.memory_space<vmem>> -> memref<8x128xi32, #tpu.memory_space<vmem>>
          %dma_start3A_392 = arith.constant 0 : i32
          %dma_start3A_393 = tpu.memref_slice %arg4[%multiple_of3A_380, %dma_start3A_392] : memref<2560x128xi32, #tpu.memory_space<hbm>> -> memref<8x128xi32, #tpu.memory_space<hbm>>
          tpu.enqueue_dma source(%dma_start3A_393 : memref<8x128xi32, #tpu.memory_space<hbm>>) target(%dma_start3A_391 : memref<8x128xi32, #tpu.memory_space<vmem>>) target_semaphore(%arg14 : memref<!tpu.dma_semaphore, #tpu.memory_space<semaphore_mem>>)
        } else {
        }
        %dma_start3A_253 = arith.constant 1 : i32
        %dma_start3A_254 = arith.constant 0 : i32
        %dma_start3A_255 = arith.constant 0 : i32
        %dma_start3A_256 = arith.constant 0 : i32
        %dma_start3A_257 = tpu.memref_slice %arg6[%dma_start3A_253, %dma_start3A_255, %dma_start3A_256] : memref<2x8x128xi32, #tpu.memory_space<vmem>> -> memref<1x8x128xi32, #tpu.memory_space<vmem>>
        %dma_start3A_258 = tpu.memref_squeeze %dma_start3A_257 : memref<1x8x128xi32, #tpu.memory_space<vmem>> -> memref<8x128xi32, #tpu.memory_space<vmem>>
        %dma_start3A_259 = arith.constant 0 : i32
        %dma_start3A_260 = tpu.memref_slice %dma_start3A_258[%dma_start3A_254, %dma_start3A_259] : memref<8x128xi32, #tpu.memory_space<vmem>> -> memref<1x128xi32, #tpu.memory_space<vmem>>
        %dma_start3A_261 = tpu.memref_squeeze %dma_start3A_260 : memref<1x128xi32, #tpu.memory_space<vmem>> -> memref<128xi32, #tpu.memory_space<vmem>>
        %dma_start3A_262 = arith.constant 0 : i32
        %dma_start3A_263 = arith.constant 0 : i32
        %dma_start3A_264 = tpu.memref_slice %arg2[%dma_start3A_262, %dma_start3A_263] : memref<10000x128xf32, #tpu.memory_space<hbm>> -> memref<10000x128xf32, #tpu.memory_space<hbm>>
        tpu.enqueue_indirect_dma source(%dma_start3A_264 : memref<10000x128xf32, #tpu.memory_space<hbm>>) target(%arg8 : memref<128x128xf32, #tpu.memory_space<vmem>>) offsets(%dma_start3A_261 : memref<128xi32, #tpu.memory_space<vmem>>) semaphore(%arg11 : memref<!tpu.dma_semaphore, #tpu.memory_space<semaphore_mem>>)
        %dma_start3A_265 = arith.constant 1 : i32
        %dma_start3A_266 = arith.constant 1 : i32
        %dma_start3A_267 = arith.constant 0 : i32
        %dma_start3A_268 = arith.constant 0 : i32
        %dma_start3A_269 = tpu.memref_slice %arg6[%dma_start3A_265, %dma_start3A_267, %dma_start3A_268] : memref<2x8x128xi32, #tpu.memory_space<vmem>> -> memref<1x8x128xi32, #tpu.memory_space<vmem>>
        %dma_start3A_270 = tpu.memref_squeeze %dma_start3A_269 : memref<1x8x128xi32, #tpu.memory_space<vmem>> -> memref<8x128xi32, #tpu.memory_space<vmem>>
        %dma_start3A_271 = arith.constant 0 : i32
        %dma_start3A_272 = tpu.memref_slice %dma_start3A_270[%dma_start3A_266, %dma_start3A_271] : memref<8x128xi32, #tpu.memory_space<vmem>> -> memref<1x128xi32, #tpu.memory_space<vmem>>
        %dma_start3A_273 = tpu.memref_squeeze %dma_start3A_272 : memref<1x128xi32, #tpu.memory_space<vmem>> -> memref<128xi32, #tpu.memory_space<vmem>>
        %dma_start3A_274 = arith.constant 0 : i32
        %dma_start3A_275 = arith.constant 0 : i32
        %dma_start3A_276 = tpu.memref_slice %arg2[%dma_start3A_274, %dma_start3A_275] : memref<10000x128xf32, #tpu.memory_space<hbm>> -> memref<10000x128xf32, #tpu.memory_space<hbm>>
        tpu.enqueue_indirect_dma source(%dma_start3A_276 : memref<10000x128xf32, #tpu.memory_space<hbm>>) target(%arg9 : memref<128x128xf32, #tpu.memory_space<vmem>>) offsets(%dma_start3A_273 : memref<128xi32, #tpu.memory_space<vmem>>) semaphore(%arg12 : memref<!tpu.dma_semaphore, #tpu.memory_space<semaphore_mem>>)
        %scan3A_277 = arith.constant 1 : i32
        %scan3A_278 = arith.constant 1 : i32
        %scan3A_279 = arith.constant 0 : i32
        %scan3A_280 = arith.constant 3 : i32
        %scan3A_281 = arith.addi %scan3A_279, %scan3A_280 : i32
        %scan3A_282 = arith.constant 1 : i32
        scf.for %scan3A_356 = %scan3A_279 to %scan3A_281 step %scan3A_282  : i32 {
          %mul3A_357 = arith.constant 2 : i32
          %mul3A_358 = arith.muli %scan3A_356, %mul3A_357 : i32
          %add3A_359 = arith.constant 0 : i32
          %add3A_360 = arith.addi %add3A_359, %mul3A_358 : i32
          %dma_wait3A_361 = arith.constant 0 : i32
          %dma_wait3A_362 = arith.constant 0 : i32
          %dma_wait3A_363 = tpu.memref_slice %arg6[%scan3A_277, %dma_wait3A_361, %dma_wait3A_362] : memref<2x8x128xi32, #tpu.memory_space<vmem>> -> memref<1x8x128xi32, #tpu.memory_space<vmem>>
          %dma_wait3A_364 = tpu.memref_squeeze %dma_wait3A_363 : memref<1x8x128xi32, #tpu.memory_space<vmem>> -> memref<8x128xi32, #tpu.memory_space<vmem>>
          %dma_wait3A_365 = arith.constant 0 : i32
          %dma_wait3A_366 = tpu.memref_slice %dma_wait3A_364[%add3A_360, %dma_wait3A_365] : memref<8x128xi32, #tpu.memory_space<vmem>> -> memref<1x128xi32, #tpu.memory_space<vmem>>
          %dma_wait3A_367 = tpu.memref_squeeze %dma_wait3A_366 : memref<1x128xi32, #tpu.memory_space<vmem>> -> memref<128xi32, #tpu.memory_space<vmem>>
          %dma_wait3A_368 = arith.constant 0 : i32
          %dma_wait3A_369 = arith.constant 0 : i32
          %dma_wait3A_370 = tpu.memref_slice %arg2[%dma_wait3A_368, %dma_wait3A_369] : memref<10000x128xf32, #tpu.memory_space<hbm>> -> memref<10000x128xf32, #tpu.memory_space<hbm>>
          tpu.wait_indirect_dma semaphore(%arg11 : memref<!tpu.dma_semaphore, #tpu.memory_space<semaphore_mem>>) src(%dma_wait3A_370 : memref<10000x128xf32, #tpu.memory_space<hbm>>) dst(%arg8 : memref<128x128xf32, #tpu.memory_space<vmem>>)
          %dma_start3A_371 = arith.constant 0 : i32
          %dma_start3A_372 = arith.constant 0 : i32
          %dma_start3A_373 = tpu.memref_slice %arg7[%scan3A_278, %dma_start3A_371, %dma_start3A_372] : memref<2x8x128xi32, #tpu.memory_space<vmem>> -> memref<1x8x128xi32, #tpu.memory_space<vmem>>
          %dma_start3A_374 = tpu.memref_squeeze %dma_start3A_373 : memref<1x8x128xi32, #tpu.memory_space<vmem>> -> memref<8x128xi32, #tpu.memory_space<vmem>>
          %dma_start3A_375 = arith.constant 0 : i32
          %dma_start3A_376 = tpu.memref_slice %dma_start3A_374[%add3A_360, %dma_start3A_375] : memref<8x128xi32, #tpu.memory_space<vmem>> -> memref<1x128xi32, #tpu.memory_space<vmem>>
          %dma_start3A_377 = tpu.memref_squeeze %dma_start3A_376 : memref<1x128xi32, #tpu.memory_space<vmem>> -> memref<128xi32, #tpu.memory_space<vmem>>
          %dma_start3A_378 = arith.constant 0 : i32
          %dma_start3A_379 = arith.constant 0 : i32
          %dma_start3A_380 = tpu.memref_slice %arg10[%dma_start3A_378, %dma_start3A_379] : memref<10240x128xf32, #tpu.memory_space<vmem_shared>> -> memref<10240x128xf32, #tpu.memory_space<vmem_shared>>
          tpu.enqueue_indirect_dma source(%arg8 : memref<128x128xf32, #tpu.memory_space<vmem>>) target(%dma_start3A_380 : memref<10240x128xf32, #tpu.memory_space<vmem_shared>>) offsets(%dma_start3A_377 : memref<128xi32, #tpu.memory_space<vmem>>) semaphore(%arg15 : memref<!tpu.dma_semaphore, #tpu.memory_space<semaphore_mem>>) {add = true}
          %add3A_381 = arith.constant 1 : i32
          %add3A_382 = arith.addi %add3A_360, %add3A_381 : i32
          %dma_wait3A_383 = arith.constant 0 : i32
          %dma_wait3A_384 = arith.constant 0 : i32
          %dma_wait3A_385 = tpu.memref_slice %arg6[%scan3A_277, %dma_wait3A_383, %dma_wait3A_384] : memref<2x8x128xi32, #tpu.memory_space<vmem>> -> memref<1x8x128xi32, #tpu.memory_space<vmem>>
          %dma_wait3A_386 = tpu.memref_squeeze %dma_wait3A_385 : memref<1x8x128xi32, #tpu.memory_space<vmem>> -> memref<8x128xi32, #tpu.memory_space<vmem>>
          %dma_wait3A_387 = arith.constant 0 : i32
          %dma_wait3A_388 = tpu.memref_slice %dma_wait3A_386[%add3A_382, %dma_wait3A_387] : memref<8x128xi32, #tpu.memory_space<vmem>> -> memref<1x128xi32, #tpu.memory_space<vmem>>
          %dma_wait3A_389 = tpu.memref_squeeze %dma_wait3A_388 : memref<1x128xi32, #tpu.memory_space<vmem>> -> memref<128xi32, #tpu.memory_space<vmem>>
          %dma_wait3A_390 = arith.constant 0 : i32
          %dma_wait3A_391 = arith.constant 0 : i32
          %dma_wait3A_392 = tpu.memref_slice %arg2[%dma_wait3A_390, %dma_wait3A_391] : memref<10000x128xf32, #tpu.memory_space<hbm>> -> memref<10000x128xf32, #tpu.memory_space<hbm>>
          tpu.wait_indirect_dma semaphore(%arg12 : memref<!tpu.dma_semaphore, #tpu.memory_space<semaphore_mem>>) src(%dma_wait3A_392 : memref<10000x128xf32, #tpu.memory_space<hbm>>) dst(%arg9 : memref<128x128xf32, #tpu.memory_space<vmem>>)
          %add3A_393 = arith.constant 1 : i32
          %add3A_394 = arith.addi %add3A_360, %add3A_393 : i32
          %dma_start3A_395 = arith.constant 0 : i32
          %dma_start3A_396 = arith.constant 0 : i32
          %dma_start3A_397 = tpu.memref_slice %arg7[%scan3A_278, %dma_start3A_395, %dma_start3A_396] : memref<2x8x128xi32, #tpu.memory_space<vmem>> -> memref<1x8x128xi32, #tpu.memory_space<vmem>>
          %dma_start3A_398 = tpu.memref_squeeze %dma_start3A_397 : memref<1x8x128xi32, #tpu.memory_space<vmem>> -> memref<8x128xi32, #tpu.memory_space<vmem>>
          %dma_start3A_399 = arith.constant 0 : i32
          %dma_start3A_400 = tpu.memref_slice %dma_start3A_398[%add3A_394, %dma_start3A_399] : memref<8x128xi32, #tpu.memory_space<vmem>> -> memref<1x128xi32, #tpu.memory_space<vmem>>
          %dma_start3A_401 = tpu.memref_squeeze %dma_start3A_400 : memref<1x128xi32, #tpu.memory_space<vmem>> -> memref<128xi32, #tpu.memory_space<vmem>>
          %dma_start3A_402 = arith.constant 0 : i32
          %dma_start3A_403 = arith.constant 0 : i32
          %dma_start3A_404 = tpu.memref_slice %arg10[%dma_start3A_402, %dma_start3A_403] : memref<10240x128xf32, #tpu.memory_space<vmem_shared>> -> memref<10240x128xf32, #tpu.memory_space<vmem_shared>>
          tpu.enqueue_indirect_dma source(%arg9 : memref<128x128xf32, #tpu.memory_space<vmem>>) target(%dma_start3A_404 : memref<10240x128xf32, #tpu.memory_space<vmem_shared>>) offsets(%dma_start3A_401 : memref<128xi32, #tpu.memory_space<vmem>>) semaphore(%arg16 : memref<!tpu.dma_semaphore, #tpu.memory_space<semaphore_mem>>) {add = true}
          %dma_wait3A_405 = arith.constant 0 : i32
          %dma_wait3A_406 = arith.constant 0 : i32
          %dma_wait3A_407 = tpu.memref_slice %arg7[%scan3A_278, %dma_wait3A_405, %dma_wait3A_406] : memref<2x8x128xi32, #tpu.memory_space<vmem>> -> memref<1x8x128xi32, #tpu.memory_space<vmem>>
          %dma_wait3A_408 = tpu.memref_squeeze %dma_wait3A_407 : memref<1x8x128xi32, #tpu.memory_space<vmem>> -> memref<8x128xi32, #tpu.memory_space<vmem>>
          %dma_wait3A_409 = arith.constant 0 : i32
          %dma_wait3A_410 = tpu.memref_slice %dma_wait3A_408[%add3A_360, %dma_wait3A_409] : memref<8x128xi32, #tpu.memory_space<vmem>> -> memref<1x128xi32, #tpu.memory_space<vmem>>
          %dma_wait3A_411 = tpu.memref_squeeze %dma_wait3A_410 : memref<1x128xi32, #tpu.memory_space<vmem>> -> memref<128xi32, #tpu.memory_space<vmem>>
          %dma_wait3A_412 = arith.constant 0 : i32
          %dma_wait3A_413 = arith.constant 0 : i32
          %dma_wait3A_414 = tpu.memref_slice %arg10[%dma_wait3A_412, %dma_wait3A_413] : memref<10240x128xf32, #tpu.memory_space<vmem_shared>> -> memref<10240x128xf32, #tpu.memory_space<vmem_shared>>
          tpu.wait_indirect_dma semaphore(%arg15 : memref<!tpu.dma_semaphore, #tpu.memory_space<semaphore_mem>>) src(%arg8 : memref<128x128xf32, #tpu.memory_space<vmem>>) dst(%dma_wait3A_414 : memref<10240x128xf32, #tpu.memory_space<vmem_shared>>)
          %add3A_415 = arith.constant 2 : i32
          %add3A_416 = arith.addi %add3A_360, %add3A_415 : i32
          %dma_start3A_417 = arith.constant 0 : i32
          %dma_start3A_418 = arith.constant 0 : i32
          %dma_start3A_419 = tpu.memref_slice %arg6[%scan3A_277, %dma_start3A_417, %dma_start3A_418] : memref<2x8x128xi32, #tpu.memory_space<vmem>> -> memref<1x8x128xi32, #tpu.memory_space<vmem>>
          %dma_start3A_420 = tpu.memref_squeeze %dma_start3A_419 : memref<1x8x128xi32, #tpu.memory_space<vmem>> -> memref<8x128xi32, #tpu.memory_space<vmem>>
          %dma_start3A_421 = arith.constant 0 : i32
          %dma_start3A_422 = tpu.memref_slice %dma_start3A_420[%add3A_416, %dma_start3A_421] : memref<8x128xi32, #tpu.memory_space<vmem>> -> memref<1x128xi32, #tpu.memory_space<vmem>>
          %dma_start3A_423 = tpu.memref_squeeze %dma_start3A_422 : memref<1x128xi32, #tpu.memory_space<vmem>> -> memref<128xi32, #tpu.memory_space<vmem>>
          %dma_start3A_424 = arith.constant 0 : i32
          %dma_start3A_425 = arith.constant 0 : i32
          %dma_start3A_426 = tpu.memref_slice %arg2[%dma_start3A_424, %dma_start3A_425] : memref<10000x128xf32, #tpu.memory_space<hbm>> -> memref<10000x128xf32, #tpu.memory_space<hbm>>
          tpu.enqueue_indirect_dma source(%dma_start3A_426 : memref<10000x128xf32, #tpu.memory_space<hbm>>) target(%arg8 : memref<128x128xf32, #tpu.memory_space<vmem>>) offsets(%dma_start3A_423 : memref<128xi32, #tpu.memory_space<vmem>>) semaphore(%arg11 : memref<!tpu.dma_semaphore, #tpu.memory_space<semaphore_mem>>)
          %add3A_427 = arith.constant 1 : i32
          %add3A_428 = arith.addi %add3A_360, %add3A_427 : i32
          %dma_wait3A_429 = arith.constant 0 : i32
          %dma_wait3A_430 = arith.constant 0 : i32
          %dma_wait3A_431 = tpu.memref_slice %arg7[%scan3A_278, %dma_wait3A_429, %dma_wait3A_430] : memref<2x8x128xi32, #tpu.memory_space<vmem>> -> memref<1x8x128xi32, #tpu.memory_space<vmem>>
          %dma_wait3A_432 = tpu.memref_squeeze %dma_wait3A_431 : memref<1x8x128xi32, #tpu.memory_space<vmem>> -> memref<8x128xi32, #tpu.memory_space<vmem>>
          %dma_wait3A_433 = arith.constant 0 : i32
          %dma_wait3A_434 = tpu.memref_slice %dma_wait3A_432[%add3A_428, %dma_wait3A_433] : memref<8x128xi32, #tpu.memory_space<vmem>> -> memref<1x128xi32, #tpu.memory_space<vmem>>
          %dma_wait3A_435 = tpu.memref_squeeze %dma_wait3A_434 : memref<1x128xi32, #tpu.memory_space<vmem>> -> memref<128xi32, #tpu.memory_space<vmem>>
          %dma_wait3A_436 = arith.constant 0 : i32
          %dma_wait3A_437 = arith.constant 0 : i32
          %dma_wait3A_438 = tpu.memref_slice %arg10[%dma_wait3A_436, %dma_wait3A_437] : memref<10240x128xf32, #tpu.memory_space<vmem_shared>> -> memref<10240x128xf32, #tpu.memory_space<vmem_shared>>
          tpu.wait_indirect_dma semaphore(%arg16 : memref<!tpu.dma_semaphore, #tpu.memory_space<semaphore_mem>>) src(%arg9 : memref<128x128xf32, #tpu.memory_space<vmem>>) dst(%dma_wait3A_438 : memref<10240x128xf32, #tpu.memory_space<vmem_shared>>)
          %add3A_439 = arith.constant 3 : i32
          %add3A_440 = arith.addi %add3A_360, %add3A_439 : i32
          %dma_start3A_441 = arith.constant 0 : i32
          %dma_start3A_442 = arith.constant 0 : i32
          %dma_start3A_443 = tpu.memref_slice %arg6[%scan3A_277, %dma_start3A_441, %dma_start3A_442] : memref<2x8x128xi32, #tpu.memory_space<vmem>> -> memref<1x8x128xi32, #tpu.memory_space<vmem>>
          %dma_start3A_444 = tpu.memref_squeeze %dma_start3A_443 : memref<1x8x128xi32, #tpu.memory_space<vmem>> -> memref<8x128xi32, #tpu.memory_space<vmem>>
          %dma_start3A_445 = arith.constant 0 : i32
          %dma_start3A_446 = tpu.memref_slice %dma_start3A_444[%add3A_440, %dma_start3A_445] : memref<8x128xi32, #tpu.memory_space<vmem>> -> memref<1x128xi32, #tpu.memory_space<vmem>>
          %dma_start3A_447 = tpu.memref_squeeze %dma_start3A_446 : memref<1x128xi32, #tpu.memory_space<vmem>> -> memref<128xi32, #tpu.memory_space<vmem>>
          %dma_start3A_448 = arith.constant 0 : i32
          %dma_start3A_449 = arith.constant 0 : i32
          %dma_start3A_450 = tpu.memref_slice %arg2[%dma_start3A_448, %dma_start3A_449] : memref<10000x128xf32, #tpu.memory_space<hbm>> -> memref<10000x128xf32, #tpu.memory_space<hbm>>
          tpu.enqueue_indirect_dma source(%dma_start3A_450 : memref<10000x128xf32, #tpu.memory_space<hbm>>) target(%arg9 : memref<128x128xf32, #tpu.memory_space<vmem>>) offsets(%dma_start3A_447 : memref<128xi32, #tpu.memory_space<vmem>>) semaphore(%arg12 : memref<!tpu.dma_semaphore, #tpu.memory_space<semaphore_mem>>)
        }
        %scan3A_283 = arith.constant 3 : i32
        %dma_wait3A_284 = arith.constant 1 : i32
        %dma_wait3A_285 = arith.constant 6 : i32
        %dma_wait3A_286 = arith.constant 0 : i32
        %dma_wait3A_287 = arith.constant 0 : i32
        %dma_wait3A_288 = tpu.memref_slice %arg6[%dma_wait3A_284, %dma_wait3A_286, %dma_wait3A_287] : memref<2x8x128xi32, #tpu.memory_space<vmem>> -> memref<1x8x128xi32, #tpu.memory_space<vmem>>
        %dma_wait3A_289 = tpu.memref_squeeze %dma_wait3A_288 : memref<1x8x128xi32, #tpu.memory_space<vmem>> -> memref<8x128xi32, #tpu.memory_space<vmem>>
        %dma_wait3A_290 = arith.constant 0 : i32
        %dma_wait3A_291 = tpu.memref_slice %dma_wait3A_289[%dma_wait3A_285, %dma_wait3A_290] : memref<8x128xi32, #tpu.memory_space<vmem>> -> memref<1x128xi32, #tpu.memory_space<vmem>>
        %dma_wait3A_292 = tpu.memref_squeeze %dma_wait3A_291 : memref<1x128xi32, #tpu.memory_space<vmem>> -> memref<128xi32, #tpu.memory_space<vmem>>
        %dma_wait3A_293 = arith.constant 0 : i32
        %dma_wait3A_294 = arith.constant 0 : i32
        %dma_wait3A_295 = tpu.memref_slice %arg2[%dma_wait3A_293, %dma_wait3A_294] : memref<10000x128xf32, #tpu.memory_space<hbm>> -> memref<10000x128xf32, #tpu.memory_space<hbm>>
        tpu.wait_indirect_dma semaphore(%arg11 : memref<!tpu.dma_semaphore, #tpu.memory_space<semaphore_mem>>) src(%dma_wait3A_295 : memref<10000x128xf32, #tpu.memory_space<hbm>>) dst(%arg8 : memref<128x128xf32, #tpu.memory_space<vmem>>)
        %dma_start3A_296 = arith.constant 1 : i32
        %dma_start3A_297 = arith.constant 6 : i32
        %dma_start3A_298 = arith.constant 0 : i32
        %dma_start3A_299 = arith.constant 0 : i32
        %dma_start3A_300 = tpu.memref_slice %arg7[%dma_start3A_296, %dma_start3A_298, %dma_start3A_299] : memref<2x8x128xi32, #tpu.memory_space<vmem>> -> memref<1x8x128xi32, #tpu.memory_space<vmem>>
        %dma_start3A_301 = tpu.memref_squeeze %dma_start3A_300 : memref<1x8x128xi32, #tpu.memory_space<vmem>> -> memref<8x128xi32, #tpu.memory_space<vmem>>
        %dma_start3A_302 = arith.constant 0 : i32
        %dma_start3A_303 = tpu.memref_slice %dma_start3A_301[%dma_start3A_297, %dma_start3A_302] : memref<8x128xi32, #tpu.memory_space<vmem>> -> memref<1x128xi32, #tpu.memory_space<vmem>>
        %dma_start3A_304 = tpu.memref_squeeze %dma_start3A_303 : memref<1x128xi32, #tpu.memory_space<vmem>> -> memref<128xi32, #tpu.memory_space<vmem>>
        %dma_start3A_305 = arith.constant 0 : i32
        %dma_start3A_306 = arith.constant 0 : i32
        %dma_start3A_307 = tpu.memref_slice %arg10[%dma_start3A_305, %dma_start3A_306] : memref<10240x128xf32, #tpu.memory_space<vmem_shared>> -> memref<10240x128xf32, #tpu.memory_space<vmem_shared>>
        tpu.enqueue_indirect_dma source(%arg8 : memref<128x128xf32, #tpu.memory_space<vmem>>) target(%dma_start3A_307 : memref<10240x128xf32, #tpu.memory_space<vmem_shared>>) offsets(%dma_start3A_304 : memref<128xi32, #tpu.memory_space<vmem>>) semaphore(%arg15 : memref<!tpu.dma_semaphore, #tpu.memory_space<semaphore_mem>>) {add = true}
        %dma_wait3A_308 = arith.constant 1 : i32
        %dma_wait3A_309 = arith.constant 7 : i32
        %dma_wait3A_310 = arith.constant 0 : i32
        %dma_wait3A_311 = arith.constant 0 : i32
        %dma_wait3A_312 = tpu.memref_slice %arg6[%dma_wait3A_308, %dma_wait3A_310, %dma_wait3A_311] : memref<2x8x128xi32, #tpu.memory_space<vmem>> -> memref<1x8x128xi32, #tpu.memory_space<vmem>>
        %dma_wait3A_313 = tpu.memref_squeeze %dma_wait3A_312 : memref<1x8x128xi32, #tpu.memory_space<vmem>> -> memref<8x128xi32, #tpu.memory_space<vmem>>
        %dma_wait3A_314 = arith.constant 0 : i32
        %dma_wait3A_315 = tpu.memref_slice %dma_wait3A_313[%dma_wait3A_309, %dma_wait3A_314] : memref<8x128xi32, #tpu.memory_space<vmem>> -> memref<1x128xi32, #tpu.memory_space<vmem>>
        %dma_wait3A_316 = tpu.memref_squeeze %dma_wait3A_315 : memref<1x128xi32, #tpu.memory_space<vmem>> -> memref<128xi32, #tpu.memory_space<vmem>>
        %dma_wait3A_317 = arith.constant 0 : i32
        %dma_wait3A_318 = arith.constant 0 : i32
        %dma_wait3A_319 = tpu.memref_slice %arg2[%dma_wait3A_317, %dma_wait3A_318] : memref<10000x128xf32, #tpu.memory_space<hbm>> -> memref<10000x128xf32, #tpu.memory_space<hbm>>
        tpu.wait_indirect_dma semaphore(%arg12 : memref<!tpu.dma_semaphore, #tpu.memory_space<semaphore_mem>>) src(%dma_wait3A_319 : memref<10000x128xf32, #tpu.memory_space<hbm>>) dst(%arg9 : memref<128x128xf32, #tpu.memory_space<vmem>>)
        %dma_start3A_320 = arith.constant 1 : i32
        %dma_start3A_321 = arith.constant 7 : i32
        %dma_start3A_322 = arith.constant 0 : i32
        %dma_start3A_323 = arith.constant 0 : i32
        %dma_start3A_324 = tpu.memref_slice %arg7[%dma_start3A_320, %dma_start3A_322, %dma_start3A_323] : memref<2x8x128xi32, #tpu.memory_space<vmem>> -> memref<1x8x128xi32, #tpu.memory_space<vmem>>
        %dma_start3A_325 = tpu.memref_squeeze %dma_start3A_324 : memref<1x8x128xi32, #tpu.memory_space<vmem>> -> memref<8x128xi32, #tpu.memory_space<vmem>>
        %dma_start3A_326 = arith.constant 0 : i32
        %dma_start3A_327 = tpu.memref_slice %dma_start3A_325[%dma_start3A_321, %dma_start3A_326] : memref<8x128xi32, #tpu.memory_space<vmem>> -> memref<1x128xi32, #tpu.memory_space<vmem>>
        %dma_start3A_328 = tpu.memref_squeeze %dma_start3A_327 : memref<1x128xi32, #tpu.memory_space<vmem>> -> memref<128xi32, #tpu.memory_space<vmem>>
        %dma_start3A_329 = arith.constant 0 : i32
        %dma_start3A_330 = arith.constant 0 : i32
        %dma_start3A_331 = tpu.memref_slice %arg10[%dma_start3A_329, %dma_start3A_330] : memref<10240x128xf32, #tpu.memory_space<vmem_shared>> -> memref<10240x128xf32, #tpu.memory_space<vmem_shared>>
        tpu.enqueue_indirect_dma source(%arg9 : memref<128x128xf32, #tpu.memory_space<vmem>>) target(%dma_start3A_331 : memref<10240x128xf32, #tpu.memory_space<vmem_shared>>) offsets(%dma_start3A_328 : memref<128xi32, #tpu.memory_space<vmem>>) semaphore(%arg16 : memref<!tpu.dma_semaphore, #tpu.memory_space<semaphore_mem>>) {add = true}
        %dma_wait3A_332 = arith.constant 1 : i32
        %dma_wait3A_333 = arith.constant 6 : i32
        %dma_wait3A_334 = arith.constant 0 : i32
        %dma_wait3A_335 = arith.constant 0 : i32
        %dma_wait3A_336 = tpu.memref_slice %arg7[%dma_wait3A_332, %dma_wait3A_334, %dma_wait3A_335] : memref<2x8x128xi32, #tpu.memory_space<vmem>> -> memref<1x8x128xi32, #tpu.memory_space<vmem>>
        %dma_wait3A_337 = tpu.memref_squeeze %dma_wait3A_336 : memref<1x8x128xi32, #tpu.memory_space<vmem>> -> memref<8x128xi32, #tpu.memory_space<vmem>>
        %dma_wait3A_338 = arith.constant 0 : i32
        %dma_wait3A_339 = tpu.memref_slice %dma_wait3A_337[%dma_wait3A_333, %dma_wait3A_338] : memref<8x128xi32, #tpu.memory_space<vmem>> -> memref<1x128xi32, #tpu.memory_space<vmem>>
        %dma_wait3A_340 = tpu.memref_squeeze %dma_wait3A_339 : memref<1x128xi32, #tpu.memory_space<vmem>> -> memref<128xi32, #tpu.memory_space<vmem>>
        %dma_wait3A_341 = arith.constant 0 : i32
        %dma_wait3A_342 = arith.constant 0 : i32
        %dma_wait3A_343 = tpu.memref_slice %arg10[%dma_wait3A_341, %dma_wait3A_342] : memref<10240x128xf32, #tpu.memory_space<vmem_shared>> -> memref<10240x128xf32, #tpu.memory_space<vmem_shared>>
        tpu.wait_indirect_dma semaphore(%arg15 : memref<!tpu.dma_semaphore, #tpu.memory_space<semaphore_mem>>) src(%arg8 : memref<128x128xf32, #tpu.memory_space<vmem>>) dst(%dma_wait3A_343 : memref<10240x128xf32, #tpu.memory_space<vmem_shared>>)
        %dma_wait3A_344 = arith.constant 1 : i32
        %dma_wait3A_345 = arith.constant 7 : i32
        %dma_wait3A_346 = arith.constant 0 : i32
        %dma_wait3A_347 = arith.constant 0 : i32
        %dma_wait3A_348 = tpu.memref_slice %arg7[%dma_wait3A_344, %dma_wait3A_346, %dma_wait3A_347] : memref<2x8x128xi32, #tpu.memory_space<vmem>> -> memref<1x8x128xi32, #tpu.memory_space<vmem>>
        %dma_wait3A_349 = tpu.memref_squeeze %dma_wait3A_348 : memref<1x8x128xi32, #tpu.memory_space<vmem>> -> memref<8x128xi32, #tpu.memory_space<vmem>>
        %dma_wait3A_350 = arith.constant 0 : i32
        %dma_wait3A_351 = tpu.memref_slice %dma_wait3A_349[%dma_wait3A_345, %dma_wait3A_350] : memref<8x128xi32, #tpu.memory_space<vmem>> -> memref<1x128xi32, #tpu.memory_space<vmem>>
        %dma_wait3A_352 = tpu.memref_squeeze %dma_wait3A_351 : memref<1x128xi32, #tpu.memory_space<vmem>> -> memref<128xi32, #tpu.memory_space<vmem>>
        %dma_wait3A_353 = arith.constant 0 : i32
        %dma_wait3A_354 = arith.constant 0 : i32
        %dma_wait3A_355 = tpu.memref_slice %arg10[%dma_wait3A_353, %dma_wait3A_354] : memref<10240x128xf32, #tpu.memory_space<vmem_shared>> -> memref<10240x128xf32, #tpu.memory_space<vmem_shared>>
        tpu.wait_indirect_dma semaphore(%arg16 : memref<!tpu.dma_semaphore, #tpu.memory_space<semaphore_mem>>) src(%arg9 : memref<128x128xf32, #tpu.memory_space<vmem>>) dst(%dma_wait3A_355 : memref<10240x128xf32, #tpu.memory_space<vmem_shared>>)
      }
      %scan3A_62 = arith.constant 5 : i32
    } else {
    }
    %barrier3A_16 = arith.constant 0 : index
    tpu.barrier barrier_id(%barrier3A_16)
    %mul3A = arith.constant 624 : i32
    %mul3A_17 = arith.muli %arg1, %mul3A : i32
    %mul3A_18 = arith.constant 624 : i32
    %mul3A_19 = arith.muli %arg1, %mul3A_18 : i32
    "tpu.region"() ({
      %run_scoped3A = tpu.sem_alloc : memref<!tpu.dma_semaphore, #tpu.memory_space<semaphore_mem>>
      %dma_start3A = arith.constant 0 : i32
      %dma_start3A_25 = arith.constant 0 : i32
      %dma_start3A_26 = tpu.memref_slice %arg5[%arg0, %dma_start3A, %dma_start3A_25] : memref<2x10000x128xf32, #tpu.memory_space<hbm>> -> memref<1x10000x128xf32, #tpu.memory_space<hbm>>
      %dma_start3A_27 = tpu.memref_squeeze %dma_start3A_26 : memref<1x10000x128xf32, #tpu.memory_space<hbm>> -> memref<10000x128xf32, #tpu.memory_space<hbm>>
      %dma_start3A_28 = arith.constant 0 : i32
      %dma_start3A_29 = tpu.memref_slice %dma_start3A_27[%mul3A_19, %dma_start3A_28] : memref<10000x128xf32, #tpu.memory_space<hbm>> -> memref<624x128xf32, #tpu.memory_space<hbm>>
      %dma_start3A_30 = arith.constant 0 : i32
      %dma_start3A_31 = tpu.memref_slice %arg10[%mul3A_17, %dma_start3A_30] : memref<10240x128xf32, #tpu.memory_space<vmem_shared>> -> memref<624x128xf32, #tpu.memory_space<vmem_shared>>
      tpu.enqueue_dma source(%dma_start3A_31 : memref<624x128xf32, #tpu.memory_space<vmem_shared>>) target(%dma_start3A_29 : memref<624x128xf32, #tpu.memory_space<hbm>>) target_semaphore(%run_scoped3A : memref<!tpu.dma_semaphore, #tpu.memory_space<semaphore_mem>>)
      %dma_wait3A = arith.constant 0 : i32
      %dma_wait3A_32 = arith.constant 0 : i32
      %dma_wait3A_33 = tpu.memref_slice %arg5[%arg0, %dma_wait3A, %dma_wait3A_32] : memref<2x10000x128xf32, #tpu.memory_space<hbm>> -> memref<1x10000x128xf32, #tpu.memory_space<hbm>>
      %dma_wait3A_34 = tpu.memref_squeeze %dma_wait3A_33 : memref<1x10000x128xf32, #tpu.memory_space<hbm>> -> memref<10000x128xf32, #tpu.memory_space<hbm>>
      %dma_wait3A_35 = arith.constant 0 : i32
      %dma_wait3A_36 = tpu.memref_slice %dma_wait3A_34[%mul3A_19, %dma_wait3A_35] : memref<10000x128xf32, #tpu.memory_space<hbm>> -> memref<624x128xf32, #tpu.memory_space<hbm>>
      %dma_wait3A_37 = arith.constant 0 : i32
      %dma_wait3A_38 = tpu.memref_slice %arg10[%mul3A_17, %dma_wait3A_37] : memref<10240x128xf32, #tpu.memory_space<vmem_shared>> -> memref<624x128xf32, #tpu.memory_space<vmem_shared>>
      tpu.wait_dma2 semaphore(%run_scoped3A : memref<!tpu.dma_semaphore, #tpu.memory_space<semaphore_mem>>) src(%dma_wait3A_38 : memref<624x128xf32, #tpu.memory_space<vmem_shared>>) dst(%dma_wait3A_36 : memref<624x128xf32, #tpu.memory_space<hbm>>)
      tpu.yield
    }) : () -> ()
    %eq3A_20 = arith.constant 15 : i32
    %eq3A_21 = arith.cmpi eq, %arg1, %eq3A_20 : i32
    %convert_element_type3A_22 = arith.extui %eq3A_21 : i1 to i32
    %cond3A_23 = arith.constant 0 : i32
    %cond3A_24 = arith.cmpi ne, %convert_element_type3A_22, %cond3A_23 : i32
    scf.if %cond3A_24 {
      "tpu.region"() ({
        %run_scoped3A = tpu.sem_alloc : memref<!tpu.dma_semaphore, #tpu.memory_space<semaphore_mem>>
        %dma_start3A = arith.constant 0 : i32
        %dma_start3A_25 = arith.constant 0 : i32
        %dma_start3A_26 = tpu.memref_slice %arg5[%arg0, %dma_start3A, %dma_start3A_25] : memref<2x10000x128xf32, #tpu.memory_space<hbm>> -> memref<1x10000x128xf32, #tpu.memory_space<hbm>>
        %dma_start3A_27 = tpu.memref_squeeze %dma_start3A_26 : memref<1x10000x128xf32, #tpu.memory_space<hbm>> -> memref<10000x128xf32, #tpu.memory_space<hbm>>
        %dma_start3A_28 = arith.constant 9984 : i32
        %dma_start3A_29 = arith.constant 0 : i32
        %dma_start3A_30 = tpu.memref_slice %dma_start3A_27[%dma_start3A_28, %dma_start3A_29] : memref<10000x128xf32, #tpu.memory_space<hbm>> -> memref<16x128xf32, #tpu.memory_space<hbm>>
        %dma_start3A_31 = arith.constant 9984 : i32
        %dma_start3A_32 = arith.constant 0 : i32
        %dma_start3A_33 = tpu.memref_slice %arg10[%dma_start3A_31, %dma_start3A_32] : memref<10240x128xf32, #tpu.memory_space<vmem_shared>> -> memref<16x128xf32, #tpu.memory_space<vmem_shared>>
        tpu.enqueue_dma source(%dma_start3A_33 : memref<16x128xf32, #tpu.memory_space<vmem_shared>>) target(%dma_start3A_30 : memref<16x128xf32, #tpu.memory_space<hbm>>) target_semaphore(%run_scoped3A : memref<!tpu.dma_semaphore, #tpu.memory_space<semaphore_mem>>)
        %dma_wait3A = arith.constant 0 : i32
        %dma_wait3A_34 = arith.constant 0 : i32
        %dma_wait3A_35 = tpu.memref_slice %arg5[%arg0, %dma_wait3A, %dma_wait3A_34] : memref<2x10000x128xf32, #tpu.memory_space<hbm>> -> memref<1x10000x128xf32, #tpu.memory_space<hbm>>
        %dma_wait3A_36 = tpu.memref_squeeze %dma_wait3A_35 : memref<1x10000x128xf32, #tpu.memory_space<hbm>> -> memref<10000x128xf32, #tpu.memory_space<hbm>>
        %dma_wait3A_37 = arith.constant 9984 : i32
        %dma_wait3A_38 = arith.constant 0 : i32
        %dma_wait3A_39 = tpu.memref_slice %dma_wait3A_36[%dma_wait3A_37, %dma_wait3A_38] : memref<10000x128xf32, #tpu.memory_space<hbm>> -> memref<16x128xf32, #tpu.memory_space<hbm>>
        %dma_wait3A_40 = arith.constant 9984 : i32
        %dma_wait3A_41 = arith.constant 0 : i32
        %dma_wait3A_42 = tpu.memref_slice %arg10[%dma_wait3A_40, %dma_wait3A_41] : memref<10240x128xf32, #tpu.memory_space<vmem_shared>> -> memref<16x128xf32, #tpu.memory_space<vmem_shared>>
        tpu.wait_dma2 semaphore(%run_scoped3A : memref<!tpu.dma_semaphore, #tpu.memory_space<semaphore_mem>>) src(%dma_wait3A_42 : memref<16x128xf32, #tpu.memory_space<vmem_shared>>) dst(%dma_wait3A_39 : memref<16x128xf32, #tpu.memory_space<hbm>>)
        tpu.yield
      }) : () -> ()
    } else {
    }
    return
  }
}

#map = affine_map<(d0, d1) -> (0, 0)>
#map1 = affine_map<(d0, d1) -> (0, 0, 0)>
module attributes {stable_mosaic.version = 14 : i64} {
  func.func @_sc_edge_scatter_body(%arg0: i32, %arg1: i32, %arg2: memref<10000x128xf32, #tpu.memory_space<hbm>>, %arg3: memref<2560x128xi32, #tpu.memory_space<hbm>>, %arg4: memref<2560x128xi32, #tpu.memory_space<hbm>>, %arg5: memref<2x10000x128xf32, #tpu.memory_space<hbm>>, %arg6: memref<2x8x128xi32, #tpu.memory_space<vmem>>, %arg7: memref<2x8x128xi32, #tpu.memory_space<vmem>>, %arg8: memref<128x128xf32, #tpu.memory_space<vmem>>, %arg9: memref<128x128xf32, #tpu.memory_space<vmem>>, %arg10: memref<10240x128xf32, #tpu.memory_space<vmem_shared>>, %arg11: memref<!tpu.dma_semaphore, #tpu.memory_space<semaphore_mem>>, %arg12: memref<!tpu.dma_semaphore, #tpu.memory_space<semaphore_mem>>, %arg13: memref<!tpu.dma_semaphore, #tpu.memory_space<semaphore_mem>>, %arg14: memref<!tpu.dma_semaphore, #tpu.memory_space<semaphore_mem>>, %arg15: memref<!tpu.dma_semaphore, #tpu.memory_space<semaphore_mem>>, %arg16: memref<!tpu.dma_semaphore, #tpu.memory_space<semaphore_mem>>) attributes {dimension_semantics = [#tpu.dimension_semantics<core_parallel>, #tpu.dimension_semantics<subcore_parallel>], iteration_bounds = array<i64: 2, 16>, scalar_prefetch = 0 : i64, scratch_operands = 11 : i64, tpu.core_type = #tpu.core_type<sc_vector_subcore>, window_params = [{transform_indices = #map}, {transform_indices = #map}, {transform_indices = #map}, {transform_indices = #map1}]} {
    %scan3A = arith.constant 0 : i32
    %scan3A_0 = arith.constant 128 : i32
    %scan3A_1 = arith.addi %scan3A, %scan3A_0 : i32
    %scan3A_2 = arith.constant 1 : i32
    scf.for %scan3A_25 = %scan3A to %scan3A_1 step %scan3A_2  : i32 {
      %mul3A_26 = arith.constant 1 : i32
      %mul3A_27 = arith.muli %scan3A_25, %mul3A_26 : i32
      %add3A = arith.constant 0 : i32
      %add3A_28 = arith.addi %add3A, %mul3A_27 : i32
      %scan3A_29 = arith.constant 0 : i32
      %scan3A_30 = arith.constant 8 : i32
      %scan3A_31 = arith.addi %scan3A_29, %scan3A_30 : i32
      %scan3A_32 = arith.constant 1 : i32
      scf.for %scan3A_34 = %scan3A_29 to %scan3A_31 step %scan3A_32  : i32 {
        %mul3A_35 = arith.constant 16 : i32
        %mul3A_36 = arith.muli %scan3A_34, %mul3A_35 : i32
        %add3A_37 = arith.constant 0 : i32
        %add3A_38 = arith.addi %add3A_37, %mul3A_36 : i32
        %broadcast_in_dim3A = arith.constant 0.000000e+00 : f32
        %broadcast_in_dim3A_39 = vector.broadcast %broadcast_in_dim3A : f32 to vector<16xf32>
        %swap3A = arith.index_cast %add3A_28 : i32 to index
        %swap3A_40 = arith.index_cast %add3A_38 : i32 to index
        %swap3A_41 = tpu.vector_load %arg8[%swap3A, %swap3A_40] {strides = array<i32>} : memref<128x128xf32, #tpu.memory_space<vmem>>, vector<1x16xf32>,
        %swap3A_42 = vector.shape_cast %swap3A_41 : vector<1x16xf32> to vector<16xf32>
        %swap3A_43 = vector.shape_cast %broadcast_in_dim3A_39 : vector<16xf32> to vector<1x16xf32>
        tpu.vector_store %arg8[%swap3A, %swap3A_40], %swap3A_43 {strides = array<i32>} : memref<128x128xf32, #tpu.memory_space<vmem>>, vector<1x16xf32>,
      }
      %scan3A_33 = arith.constant 8 : i32
    }
    %scan3A_3 = arith.constant 128 : i32
    %scan3A_4 = arith.constant 0 : i32
    %scan3A_5 = arith.constant 5 : i32
    %scan3A_6 = arith.addi %scan3A_4, %scan3A_5 : i32
    %scan3A_7 = arith.constant 1 : i32
    scf.for %scan3A_25 = %scan3A_4 to %scan3A_6 step %scan3A_7  : i32 {
      %mul3A_26 = arith.constant 128 : i32
      %mul3A_27 = arith.muli %scan3A_25, %mul3A_26 : i32
      %add3A = arith.constant 0 : i32
      %add3A_28 = arith.addi %add3A, %mul3A_27 : i32
      %mul3A_29 = arith.constant 640 : i32
      %mul3A_30 = arith.muli %arg1, %mul3A_29 : i32
      %add3A_31 = arith.addi %mul3A_30, %add3A_28 : i32
      "tpu.region"() ({
        %run_scoped3A = tpu.sem_alloc : memref<!tpu.dma_semaphore, #tpu.memory_space<semaphore_mem>>
        %dma_start3A = arith.constant 0 : i32
        %dma_start3A_32 = tpu.memref_slice %arg10[%add3A_31, %dma_start3A] : memref<10240x128xf32, #tpu.memory_space<vmem_shared>> -> memref<128x128xf32, #tpu.memory_space<vmem_shared>>
        %dma_start3A_33 = arith.constant 0 : i32
        %dma_start3A_34 = tpu.memref_slice %arg10[%add3A_31, %dma_start3A_33] : memref<10240x128xf32, #tpu.memory_space<vmem_shared>> -> memref<128x128xf32, #tpu.memory_space<vmem_shared>>
        tpu.enqueue_dma source(%arg8 : memref<128x128xf32, #tpu.memory_space<vmem>>) target(%dma_start3A_34 : memref<128x128xf32, #tpu.memory_space<vmem_shared>>) target_semaphore(%run_scoped3A : memref<!tpu.dma_semaphore, #tpu.memory_space<semaphore_mem>>)
        %dma_wait3A = arith.constant 0 : i32
        %dma_wait3A_35 = tpu.memref_slice %arg10[%add3A_31, %dma_wait3A] : memref<10240x128xf32, #tpu.memory_space<vmem_shared>> -> memref<128x128xf32, #tpu.memory_space<vmem_shared>>
        %dma_wait3A_36 = arith.constant 0 : i32
        %dma_wait3A_37 = tpu.memref_slice %arg10[%add3A_31, %dma_wait3A_36] : memref<10240x128xf32, #tpu.memory_space<vmem_shared>> -> memref<128x128xf32, #tpu.memory_space<vmem_shared>>
        tpu.wait_dma2 semaphore(%run_scoped3A : memref<!tpu.dma_semaphore, #tpu.memory_space<semaphore_mem>>) src(%arg8 : memref<128x128xf32, #tpu.memory_space<vmem>>) dst(%dma_wait3A_37 : memref<128x128xf32, #tpu.memory_space<vmem_shared>>)
        tpu.yield
      }) : () -> ()
    }
    %scan3A_8 = arith.constant 5 : i32
    %barrier3A = arith.constant 0 : index
    tpu.barrier barrier_id(%barrier3A)
    %eq3A = arith.constant 0 : i32
    %eq3A_9 = arith.cmpi eq, %arg0, %eq3A : i32
    %convert_element_type3A = arith.extui %eq3A_9 : i1 to i32
    %cond3A = arith.constant 0 : i32
    %cond3A_10 = arith.cmpi ne, %convert_element_type3A, %cond3A : i32
    scf.if %cond3A_10 {
      %mul3A_25 = arith.constant 80 : i32
      %mul3A_26 = arith.muli %arg1, %mul3A_25 : i32
      %add3A = arith.constant 0 : i32
      %add3A_27 = arith.addi %mul3A_26, %add3A : i32
      %multiple_of3A = tpu.assume_multiple %add3A_27, 8 : i32
      %dma_start3A = arith.constant 0 : i32
      %dma_start3A_28 = arith.constant 0 : i32
      %dma_start3A_29 = arith.constant 0 : i32
      %dma_start3A_30 = tpu.memref_slice %arg6[%dma_start3A, %dma_start3A_28, %dma_start3A_29] : memref<2x8x128xi32, #tpu.memory_space<vmem>> -> memref<1x8x128xi32, #tpu.memory_space<vmem>>
      %dma_start3A_31 = tpu.memref_squeeze %dma_start3A_30 : memref<1x8x128xi32, #tpu.memory_space<vmem>> -> memref<8x128xi32, #tpu.memory_space<vmem>>
      %dma_start3A_32 = arith.constant 0 : i32
      %dma_start3A_33 = tpu.memref_slice %arg3[%multiple_of3A, %dma_start3A_32] : memref<2560x128xi32, #tpu.memory_space<hbm>> -> memref<8x128xi32, #tpu.memory_space<hbm>>
      %dma_start3A_34 = arith.constant 0 : i32
      %dma_start3A_35 = arith.constant 0 : i32
      %dma_start3A_36 = tpu.memref_slice %arg6[%dma_start3A, %dma_start3A_34, %dma_start3A_35] : memref<2x8x128xi32, #tpu.memory_space<vmem>> -> memref<1x8x128xi32, #tpu.memory_space<vmem>>
      %dma_start3A_37 = tpu.memref_squeeze %dma_start3A_36 : memref<1x8x128xi32, #tpu.memory_space<vmem>> -> memref<8x128xi32, #tpu.memory_space<vmem>>
      %dma_start3A_38 = arith.constant 0 : i32
      %dma_start3A_39 = tpu.memref_slice %arg3[%multiple_of3A, %dma_start3A_38] : memref<2560x128xi32, #tpu.memory_space<hbm>> -> memref<8x128xi32, #tpu.memory_space<hbm>>
      tpu.enqueue_dma source(%dma_start3A_39 : memref<8x128xi32, #tpu.memory_space<hbm>>) target(%dma_start3A_37 : memref<8x128xi32, #tpu.memory_space<vmem>>) target_semaphore(%arg13 : memref<!tpu.dma_semaphore, #tpu.memory_space<semaphore_mem>>)
      %add3A_40 = arith.constant 0 : i32
      %add3A_41 = arith.addi %mul3A_26, %add3A_40 : i32
      %multiple_of3A_42 = tpu.assume_multiple %add3A_41, 8 : i32
      %dma_start3A_43 = arith.constant 0 : i32
      %dma_start3A_44 = arith.constant 0 : i32
      %dma_start3A_45 = arith.constant 0 : i32
      %dma_start3A_46 = tpu.memref_slice %arg7[%dma_start3A_43, %dma_start3A_44, %dma_start3A_45] : memref<2x8x128xi32, #tpu.memory_space<vmem>> -> memref<1x8x128xi32, #tpu.memory_space<vmem>>
      %dma_start3A_47 = tpu.memref_squeeze %dma_start3A_46 : memref<1x8x128xi32, #tpu.memory_space<vmem>> -> memref<8x128xi32, #tpu.memory_space<vmem>>
      %dma_start3A_48 = arith.constant 0 : i32
      %dma_start3A_49 = tpu.memref_slice %arg4[%multiple_of3A_42, %dma_start3A_48] : memref<2560x128xi32, #tpu.memory_space<hbm>> -> memref<8x128xi32, #tpu.memory_space<hbm>>
      %dma_start3A_50 = arith.constant 0 : i32
      %dma_start3A_51 = arith.constant 0 : i32
      %dma_start3A_52 = tpu.memref_slice %arg7[%dma_start3A_43, %dma_start3A_50, %dma_start3A_51] : memref<2x8x128xi32, #tpu.memory_space<vmem>> -> memref<1x8x128xi32, #tpu.memory_space<vmem>>
      %dma_start3A_53 = tpu.memref_squeeze %dma_start3A_52 : memref<1x8x128xi32, #tpu.memory_space<vmem>> -> memref<8x128xi32, #tpu.memory_space<vmem>>
      %dma_start3A_54 = arith.constant 0 : i32
      %dma_start3A_55 = tpu.memref_slice %arg4[%multiple_of3A_42, %dma_start3A_54] : memref<2560x128xi32, #tpu.memory_space<hbm>> -> memref<8x128xi32, #tpu.memory_space<hbm>>
      tpu.enqueue_dma source(%dma_start3A_55 : memref<8x128xi32, #tpu.memory_space<hbm>>) target(%dma_start3A_53 : memref<8x128xi32, #tpu.memory_space<vmem>>) target_semaphore(%arg14 : memref<!tpu.dma_semaphore, #tpu.memory_space<semaphore_mem>>)
      %scan3A_56 = arith.constant 0 : i32
      %scan3A_57 = arith.constant 5 : i32
      %scan3A_58 = arith.addi %scan3A_56, %scan3A_57 : i32
      %scan3A_59 = arith.constant 1 : i32
      scf.for %scan3A_61 = %scan3A_56 to %scan3A_58 step %scan3A_59  : i32 {
        %mul3A_62 = arith.constant 2 : i32
        %mul3A_63 = arith.muli %scan3A_61, %mul3A_62 : i32
        %add3A_64 = arith.constant 0 : i32
        %add3A_65 = arith.addi %add3A_64, %mul3A_63 : i32
        %mul3A_66 = arith.constant 8 : i32
        %mul3A_67 = arith.muli %add3A_65, %mul3A_66 : i32
        %add3A_68 = arith.addi %mul3A_26, %mul3A_67 : i32
        %multiple_of3A_69 = tpu.assume_multiple %add3A_68, 8 : i32
        %dma_wait3A = arith.constant 0 : i32
        %dma_wait3A_70 = arith.constant 0 : i32
        %dma_wait3A_71 = arith.constant 0 : i32
        %dma_wait3A_72 = tpu.memref_slice %arg6[%dma_wait3A, %dma_wait3A_70, %dma_wait3A_71] : memref<2x8x128xi32, #tpu.memory_space<vmem>> -> memref<1x8x128xi32, #tpu.memory_space<vmem>>
        %dma_wait3A_73 = tpu.memref_squeeze %dma_wait3A_72 : memref<1x8x128xi32, #tpu.memory_space<vmem>> -> memref<8x128xi32, #tpu.memory_space<vmem>>
        %dma_wait3A_74 = arith.constant 0 : i32
        %dma_wait3A_75 = tpu.memref_slice %arg3[%multiple_of3A_69, %dma_wait3A_74] : memref<2560x128xi32, #tpu.memory_space<hbm>> -> memref<8x128xi32, #tpu.memory_space<hbm>>
        %dma_wait3A_76 = arith.constant 0 : i32
        %dma_wait3A_77 = arith.constant 0 : i32
        %dma_wait3A_78 = tpu.memref_slice %arg6[%dma_wait3A, %dma_wait3A_76, %dma_wait3A_77] : memref<2x8x128xi32, #tpu.memory_space<vmem>> -> memref<1x8x128xi32, #tpu.memory_space<vmem>>
        %dma_wait3A_79 = tpu.memref_squeeze %dma_wait3A_78 : memref<1x8x128xi32, #tpu.memory_space<vmem>> -> memref<8x128xi32, #tpu.memory_space<vmem>>
        %dma_wait3A_80 = arith.constant 0 : i32
        %dma_wait3A_81 = tpu.memref_slice %arg3[%multiple_of3A_69, %dma_wait3A_80] : memref<2560x128xi32, #tpu.memory_space<hbm>> -> memref<8x128xi32, #tpu.memory_space<hbm>>
        tpu.wait_dma2 semaphore(%arg13 : memref<!tpu.dma_semaphore, #tpu.memory_space<semaphore_mem>>) src(%dma_wait3A_81 : memref<8x128xi32, #tpu.memory_space<hbm>>) dst(%dma_wait3A_79 : memref<8x128xi32, #tpu.memory_space<vmem>>)
        %mul3A_82 = arith.constant 8 : i32
        %mul3A_83 = arith.muli %add3A_65, %mul3A_82 : i32
        %add3A_84 = arith.addi %mul3A_26, %mul3A_83 : i32
        %multiple_of3A_85 = tpu.assume_multiple %add3A_84, 8 : i32
        %dma_wait3A_86 = arith.constant 0 : i32
        %dma_wait3A_87 = arith.constant 0 : i32
        %dma_wait3A_88 = arith.constant 0 : i32
        %dma_wait3A_89 = tpu.memref_slice %arg7[%dma_wait3A_86, %dma_wait3A_87, %dma_wait3A_88] : memref<2x8x128xi32, #tpu.memory_space<vmem>> -> memref<1x8x128xi32, #tpu.memory_space<vmem>>
        %dma_wait3A_90 = tpu.memref_squeeze %dma_wait3A_89 : memref<1x8x128xi32, #tpu.memory_space<vmem>> -> memref<8x128xi32, #tpu.memory_space<vmem>>
        %dma_wait3A_91 = arith.constant 0 : i32
        %dma_wait3A_92 = tpu.memref_slice %arg4[%multiple_of3A_85, %dma_wait3A_91] : memref<2560x128xi32, #tpu.memory_space<hbm>> -> memref<8x128xi32, #tpu.memory_space<hbm>>
        %dma_wait3A_93 = arith.constant 0 : i32
        %dma_wait3A_94 = arith.constant 0 : i32
        %dma_wait3A_95 = tpu.memref_slice %arg7[%dma_wait3A_86, %dma_wait3A_93, %dma_wait3A_94] : memref<2x8x128xi32, #tpu.memory_space<vmem>> -> memref<1x8x128xi32, #tpu.memory_space<vmem>>
        %dma_wait3A_96 = tpu.memref_squeeze %dma_wait3A_95 : memref<1x8x128xi32, #tpu.memory_space<vmem>> -> memref<8x128xi32, #tpu.memory_space<vmem>>
        %dma_wait3A_97 = arith.constant 0 : i32
        %dma_wait3A_98 = tpu.memref_slice %arg4[%multiple_of3A_85, %dma_wait3A_97] : memref<2560x128xi32, #tpu.memory_space<hbm>> -> memref<8x128xi32, #tpu.memory_space<hbm>>
        tpu.wait_dma2 semaphore(%arg14 : memref<!tpu.dma_semaphore, #tpu.memory_space<semaphore_mem>>) src(%dma_wait3A_98 : memref<8x128xi32, #tpu.memory_space<hbm>>) dst(%dma_wait3A_96 : memref<8x128xi32, #tpu.memory_space<vmem>>)
        %add3A_99 = arith.constant 1 : i32
        %add3A_100 = arith.addi %add3A_65, %add3A_99 : i32
        %lt3A = arith.constant 10 : i32
        %lt3A_101 = arith.cmpi slt, %add3A_100, %lt3A : i32
        %convert_element_type3A_102 = arith.extui %lt3A_101 : i1 to i32
        %cond3A_103 = arith.constant 0 : i32
        %cond3A_104 = arith.cmpi ne, %convert_element_type3A_102, %cond3A_103 : i32
        scf.if %cond3A_104 {
          %add3A_354 = arith.constant 1 : i32
          %add3A_355 = arith.addi %add3A_65, %add3A_354 : i32
          %mul3A_356 = arith.constant 8 : i32
          %mul3A_357 = arith.muli %add3A_355, %mul3A_356 : i32
          %add3A_358 = arith.addi %mul3A_26, %mul3A_357 : i32
          %multiple_of3A_359 = tpu.assume_multiple %add3A_358, 8 : i32
          %dma_start3A_360 = arith.constant 1 : i32
          %dma_start3A_361 = arith.constant 0 : i32
          %dma_start3A_362 = arith.constant 0 : i32
          %dma_start3A_363 = tpu.memref_slice %arg6[%dma_start3A_360, %dma_start3A_361, %dma_start3A_362] : memref<2x8x128xi32, #tpu.memory_space<vmem>> -> memref<1x8x128xi32, #tpu.memory_space<vmem>>
          %dma_start3A_364 = tpu.memref_squeeze %dma_start3A_363 : memref<1x8x128xi32, #tpu.memory_space<vmem>> -> memref<8x128xi32, #tpu.memory_space<vmem>>
          %dma_start3A_365 = arith.constant 0 : i32
          %dma_start3A_366 = tpu.memref_slice %arg3[%multiple_of3A_359, %dma_start3A_365] : memref<2560x128xi32, #tpu.memory_space<hbm>> -> memref<8x128xi32, #tpu.memory_space<hbm>>
          %dma_start3A_367 = arith.constant 0 : i32
          %dma_start3A_368 = arith.constant 0 : i32
          %dma_start3A_369 = tpu.memref_slice %arg6[%dma_start3A_360, %dma_start3A_367, %dma_start3A_368] : memref<2x8x128xi32, #tpu.memory_space<vmem>> -> memref<1x8x128xi32, #tpu.memory_space<vmem>>
          %dma_start3A_370 = tpu.memref_squeeze %dma_start3A_369 : memref<1x8x128xi32, #tpu.memory_space<vmem>> -> memref<8x128xi32, #tpu.memory_space<vmem>>
          %dma_start3A_371 = arith.constant 0 : i32
          %dma_start3A_372 = tpu.memref_slice %arg3[%multiple_of3A_359, %dma_start3A_371] : memref<2560x128xi32, #tpu.memory_space<hbm>> -> memref<8x128xi32, #tpu.memory_space<hbm>>
          tpu.enqueue_dma source(%dma_start3A_372 : memref<8x128xi32, #tpu.memory_space<hbm>>) target(%dma_start3A_370 : memref<8x128xi32, #tpu.memory_space<vmem>>) target_semaphore(%arg13 : memref<!tpu.dma_semaphore, #tpu.memory_space<semaphore_mem>>)
          %add3A_373 = arith.constant 1 : i32
          %add3A_374 = arith.addi %add3A_65, %add3A_373 : i32
          %mul3A_375 = arith.constant 8 : i32
          %mul3A_376 = arith.muli %add3A_374, %mul3A_375 : i32
          %add3A_377 = arith.addi %mul3A_26, %mul3A_376 : i32
          %multiple_of3A_378 = tpu.assume_multiple %add3A_377, 8 : i32
          %dma_start3A_379 = arith.constant 1 : i32
          %dma_start3A_380 = arith.constant 0 : i32
          %dma_start3A_381 = arith.constant 0 : i32
          %dma_start3A_382 = tpu.memref_slice %arg7[%dma_start3A_379, %dma_start3A_380, %dma_start3A_381] : memref<2x8x128xi32, #tpu.memory_space<vmem>> -> memref<1x8x128xi32, #tpu.memory_space<vmem>>
          %dma_start3A_383 = tpu.memref_squeeze %dma_start3A_382 : memref<1x8x128xi32, #tpu.memory_space<vmem>> -> memref<8x128xi32, #tpu.memory_space<vmem>>
          %dma_start3A_384 = arith.constant 0 : i32
          %dma_start3A_385 = tpu.memref_slice %arg4[%multiple_of3A_378, %dma_start3A_384] : memref<2560x128xi32, #tpu.memory_space<hbm>> -> memref<8x128xi32, #tpu.memory_space<hbm>>
          %dma_start3A_386 = arith.constant 0 : i32
          %dma_start3A_387 = arith.constant 0 : i32
          %dma_start3A_388 = tpu.memref_slice %arg7[%dma_start3A_379, %dma_start3A_386, %dma_start3A_387] : memref<2x8x128xi32, #tpu.memory_space<vmem>> -> memref<1x8x128xi32, #tpu.memory_space<vmem>>
          %dma_start3A_389 = tpu.memref_squeeze %dma_start3A_388 : memref<1x8x128xi32, #tpu.memory_space<vmem>> -> memref<8x128xi32, #tpu.memory_space<vmem>>
          %dma_start3A_390 = arith.constant 0 : i32
          %dma_start3A_391 = tpu.memref_slice %arg4[%multiple_of3A_378, %dma_start3A_390] : memref<2560x128xi32, #tpu.memory_space<hbm>> -> memref<8x128xi32, #tpu.memory_space<hbm>>
          tpu.enqueue_dma source(%dma_start3A_391 : memref<8x128xi32, #tpu.memory_space<hbm>>) target(%dma_start3A_389 : memref<8x128xi32, #tpu.memory_space<vmem>>) target_semaphore(%arg14 : memref<!tpu.dma_semaphore, #tpu.memory_space<semaphore_mem>>)
        } else {
        }
        %dma_start3A_105 = arith.constant 0 : i32
        %dma_start3A_106 = arith.constant 0 : i32
        %dma_start3A_107 = arith.constant 0 : i32
        %dma_start3A_108 = arith.constant 0 : i32
        %dma_start3A_109 = tpu.memref_slice %arg6[%dma_start3A_105, %dma_start3A_107, %dma_start3A_108] : memref<2x8x128xi32, #tpu.memory_space<vmem>> -> memref<1x8x128xi32, #tpu.memory_space<vmem>>
        %dma_start3A_110 = tpu.memref_squeeze %dma_start3A_109 : memref<1x8x128xi32, #tpu.memory_space<vmem>> -> memref<8x128xi32, #tpu.memory_space<vmem>>
        %dma_start3A_111 = arith.constant 0 : i32
        %dma_start3A_112 = tpu.memref_slice %dma_start3A_110[%dma_start3A_106, %dma_start3A_111] : memref<8x128xi32, #tpu.memory_space<vmem>> -> memref<1x128xi32, #tpu.memory_space<vmem>>
        %dma_start3A_113 = tpu.memref_squeeze %dma_start3A_112 : memref<1x128xi32, #tpu.memory_space<vmem>> -> memref<128xi32, #tpu.memory_space<vmem>>
        %dma_start3A_114 = arith.constant 0 : i32
        %dma_start3A_115 = arith.constant 0 : i32
        %dma_start3A_116 = tpu.memref_slice %arg2[%dma_start3A_114, %dma_start3A_115] : memref<10000x128xf32, #tpu.memory_space<hbm>> -> memref<10000x128xf32, #tpu.memory_space<hbm>>
        tpu.enqueue_indirect_dma source(%dma_start3A_116 : memref<10000x128xf32, #tpu.memory_space<hbm>>) target(%arg8 : memref<128x128xf32, #tpu.memory_space<vmem>>) offsets(%dma_start3A_113 : memref<128xi32, #tpu.memory_space<vmem>>) semaphore(%arg11 : memref<!tpu.dma_semaphore, #tpu.memory_space<semaphore_mem>>)
        %dma_start3A_117 = arith.constant 0 : i32
        %dma_start3A_118 = arith.constant 1 : i32
        %dma_start3A_119 = arith.constant 0 : i32
        %dma_start3A_120 = arith.constant 0 : i32
        %dma_start3A_121 = tpu.memref_slice %arg6[%dma_start3A_117, %dma_start3A_119, %dma_start3A_120] : memref<2x8x128xi32, #tpu.memory_space<vmem>> -> memref<1x8x128xi32, #tpu.memory_space<vmem>>
        %dma_start3A_122 = tpu.memref_squeeze %dma_start3A_121 : memref<1x8x128xi32, #tpu.memory_space<vmem>> -> memref<8x128xi32, #tpu.memory_space<vmem>>
        %dma_start3A_123 = arith.constant 0 : i32
        %dma_start3A_124 = tpu.memref_slice %dma_start3A_122[%dma_start3A_118, %dma_start3A_123] : memref<8x128xi32, #tpu.memory_space<vmem>> -> memref<1x128xi32, #tpu.memory_space<vmem>>
        %dma_start3A_125 = tpu.memref_squeeze %dma_start3A_124 : memref<1x128xi32, #tpu.memory_space<vmem>> -> memref<128xi32, #tpu.memory_space<vmem>>
        %dma_start3A_126 = arith.constant 0 : i32
        %dma_start3A_127 = arith.constant 0 : i32
        %dma_start3A_128 = tpu.memref_slice %arg2[%dma_start3A_126, %dma_start3A_127] : memref<10000x128xf32, #tpu.memory_space<hbm>> -> memref<10000x128xf32, #tpu.memory_space<hbm>>
        tpu.enqueue_indirect_dma source(%dma_start3A_128 : memref<10000x128xf32, #tpu.memory_space<hbm>>) target(%arg9 : memref<128x128xf32, #tpu.memory_space<vmem>>) offsets(%dma_start3A_125 : memref<128xi32, #tpu.memory_space<vmem>>) semaphore(%arg12 : memref<!tpu.dma_semaphore, #tpu.memory_space<semaphore_mem>>)
        %scan3A_129 = arith.constant 0 : i32
        %scan3A_130 = arith.constant 0 : i32
        %scan3A_131 = arith.constant 0 : i32
        %scan3A_132 = arith.constant 3 : i32
        %scan3A_133 = arith.addi %scan3A_131, %scan3A_132 : i32
        %scan3A_134 = arith.constant 1 : i32
        scf.for %scan3A_354 = %scan3A_131 to %scan3A_133 step %scan3A_134  : i32 {
          %mul3A_355 = arith.constant 2 : i32
          %mul3A_356 = arith.muli %scan3A_354, %mul3A_355 : i32
          %add3A_357 = arith.constant 0 : i32
          %add3A_358 = arith.addi %add3A_357, %mul3A_356 : i32
          %dma_wait3A_359 = arith.constant 0 : i32
          %dma_wait3A_360 = arith.constant 0 : i32
          %dma_wait3A_361 = tpu.memref_slice %arg6[%scan3A_129, %dma_wait3A_359, %dma_wait3A_360] : memref<2x8x128xi32, #tpu.memory_space<vmem>> -> memref<1x8x128xi32, #tpu.memory_space<vmem>>
          %dma_wait3A_362 = tpu.memref_squeeze %dma_wait3A_361 : memref<1x8x128xi32, #tpu.memory_space<vmem>> -> memref<8x128xi32, #tpu.memory_space<vmem>>
          %dma_wait3A_363 = arith.constant 0 : i32
          %dma_wait3A_364 = tpu.memref_slice %dma_wait3A_362[%add3A_358, %dma_wait3A_363] : memref<8x128xi32, #tpu.memory_space<vmem>> -> memref<1x128xi32, #tpu.memory_space<vmem>>
          %dma_wait3A_365 = tpu.memref_squeeze %dma_wait3A_364 : memref<1x128xi32, #tpu.memory_space<vmem>> -> memref<128xi32, #tpu.memory_space<vmem>>
          %dma_wait3A_366 = arith.constant 0 : i32
          %dma_wait3A_367 = arith.constant 0 : i32
          %dma_wait3A_368 = tpu.memref_slice %arg2[%dma_wait3A_366, %dma_wait3A_367] : memref<10000x128xf32, #tpu.memory_space<hbm>> -> memref<10000x128xf32, #tpu.memory_space<hbm>>
          tpu.wait_indirect_dma semaphore(%arg11 : memref<!tpu.dma_semaphore, #tpu.memory_space<semaphore_mem>>) src(%dma_wait3A_368 : memref<10000x128xf32, #tpu.memory_space<hbm>>) dst(%arg8 : memref<128x128xf32, #tpu.memory_space<vmem>>)
          %dma_start3A_369 = arith.constant 0 : i32
          %dma_start3A_370 = arith.constant 0 : i32
          %dma_start3A_371 = tpu.memref_slice %arg7[%scan3A_130, %dma_start3A_369, %dma_start3A_370] : memref<2x8x128xi32, #tpu.memory_space<vmem>> -> memref<1x8x128xi32, #tpu.memory_space<vmem>>
          %dma_start3A_372 = tpu.memref_squeeze %dma_start3A_371 : memref<1x8x128xi32, #tpu.memory_space<vmem>> -> memref<8x128xi32, #tpu.memory_space<vmem>>
          %dma_start3A_373 = arith.constant 0 : i32
          %dma_start3A_374 = tpu.memref_slice %dma_start3A_372[%add3A_358, %dma_start3A_373] : memref<8x128xi32, #tpu.memory_space<vmem>> -> memref<1x128xi32, #tpu.memory_space<vmem>>
          %dma_start3A_375 = tpu.memref_squeeze %dma_start3A_374 : memref<1x128xi32, #tpu.memory_space<vmem>> -> memref<128xi32, #tpu.memory_space<vmem>>
          %dma_start3A_376 = arith.constant 0 : i32
          %dma_start3A_377 = arith.constant 0 : i32
          %dma_start3A_378 = tpu.memref_slice %arg10[%dma_start3A_376, %dma_start3A_377] : memref<10240x128xf32, #tpu.memory_space<vmem_shared>> -> memref<10240x128xf32, #tpu.memory_space<vmem_shared>>
          tpu.enqueue_indirect_dma source(%arg8 : memref<128x128xf32, #tpu.memory_space<vmem>>) target(%dma_start3A_378 : memref<10240x128xf32, #tpu.memory_space<vmem_shared>>) offsets(%dma_start3A_375 : memref<128xi32, #tpu.memory_space<vmem>>) semaphore(%arg15 : memref<!tpu.dma_semaphore, #tpu.memory_space<semaphore_mem>>) {add = true}
          %add3A_379 = arith.constant 1 : i32
          %add3A_380 = arith.addi %add3A_358, %add3A_379 : i32
          %dma_wait3A_381 = arith.constant 0 : i32
          %dma_wait3A_382 = arith.constant 0 : i32
          %dma_wait3A_383 = tpu.memref_slice %arg6[%scan3A_129, %dma_wait3A_381, %dma_wait3A_382] : memref<2x8x128xi32, #tpu.memory_space<vmem>> -> memref<1x8x128xi32, #tpu.memory_space<vmem>>
          %dma_wait3A_384 = tpu.memref_squeeze %dma_wait3A_383 : memref<1x8x128xi32, #tpu.memory_space<vmem>> -> memref<8x128xi32, #tpu.memory_space<vmem>>
          %dma_wait3A_385 = arith.constant 0 : i32
          %dma_wait3A_386 = tpu.memref_slice %dma_wait3A_384[%add3A_380, %dma_wait3A_385] : memref<8x128xi32, #tpu.memory_space<vmem>> -> memref<1x128xi32, #tpu.memory_space<vmem>>
          %dma_wait3A_387 = tpu.memref_squeeze %dma_wait3A_386 : memref<1x128xi32, #tpu.memory_space<vmem>> -> memref<128xi32, #tpu.memory_space<vmem>>
          %dma_wait3A_388 = arith.constant 0 : i32
          %dma_wait3A_389 = arith.constant 0 : i32
          %dma_wait3A_390 = tpu.memref_slice %arg2[%dma_wait3A_388, %dma_wait3A_389] : memref<10000x128xf32, #tpu.memory_space<hbm>> -> memref<10000x128xf32, #tpu.memory_space<hbm>>
          tpu.wait_indirect_dma semaphore(%arg12 : memref<!tpu.dma_semaphore, #tpu.memory_space<semaphore_mem>>) src(%dma_wait3A_390 : memref<10000x128xf32, #tpu.memory_space<hbm>>) dst(%arg9 : memref<128x128xf32, #tpu.memory_space<vmem>>)
          %add3A_391 = arith.constant 1 : i32
          %add3A_392 = arith.addi %add3A_358, %add3A_391 : i32
          %dma_start3A_393 = arith.constant 0 : i32
          %dma_start3A_394 = arith.constant 0 : i32
          %dma_start3A_395 = tpu.memref_slice %arg7[%scan3A_130, %dma_start3A_393, %dma_start3A_394] : memref<2x8x128xi32, #tpu.memory_space<vmem>> -> memref<1x8x128xi32, #tpu.memory_space<vmem>>
          %dma_start3A_396 = tpu.memref_squeeze %dma_start3A_395 : memref<1x8x128xi32, #tpu.memory_space<vmem>> -> memref<8x128xi32, #tpu.memory_space<vmem>>
          %dma_start3A_397 = arith.constant 0 : i32
          %dma_start3A_398 = tpu.memref_slice %dma_start3A_396[%add3A_392, %dma_start3A_397] : memref<8x128xi32, #tpu.memory_space<vmem>> -> memref<1x128xi32, #tpu.memory_space<vmem>>
          %dma_start3A_399 = tpu.memref_squeeze %dma_start3A_398 : memref<1x128xi32, #tpu.memory_space<vmem>> -> memref<128xi32, #tpu.memory_space<vmem>>
          %dma_start3A_400 = arith.constant 0 : i32
          %dma_start3A_401 = arith.constant 0 : i32
          %dma_start3A_402 = tpu.memref_slice %arg10[%dma_start3A_400, %dma_start3A_401] : memref<10240x128xf32, #tpu.memory_space<vmem_shared>> -> memref<10240x128xf32, #tpu.memory_space<vmem_shared>>
          tpu.enqueue_indirect_dma source(%arg9 : memref<128x128xf32, #tpu.memory_space<vmem>>) target(%dma_start3A_402 : memref<10240x128xf32, #tpu.memory_space<vmem_shared>>) offsets(%dma_start3A_399 : memref<128xi32, #tpu.memory_space<vmem>>) semaphore(%arg16 : memref<!tpu.dma_semaphore, #tpu.memory_space<semaphore_mem>>) {add = true}
          %dma_wait3A_403 = arith.constant 0 : i32
          %dma_wait3A_404 = arith.constant 0 : i32
          %dma_wait3A_405 = tpu.memref_slice %arg7[%scan3A_130, %dma_wait3A_403, %dma_wait3A_404] : memref<2x8x128xi32, #tpu.memory_space<vmem>> -> memref<1x8x128xi32, #tpu.memory_space<vmem>>
          %dma_wait3A_406 = tpu.memref_squeeze %dma_wait3A_405 : memref<1x8x128xi32, #tpu.memory_space<vmem>> -> memref<8x128xi32, #tpu.memory_space<vmem>>
          %dma_wait3A_407 = arith.constant 0 : i32
          %dma_wait3A_408 = tpu.memref_slice %dma_wait3A_406[%add3A_358, %dma_wait3A_407] : memref<8x128xi32, #tpu.memory_space<vmem>> -> memref<1x128xi32, #tpu.memory_space<vmem>>
          %dma_wait3A_409 = tpu.memref_squeeze %dma_wait3A_408 : memref<1x128xi32, #tpu.memory_space<vmem>> -> memref<128xi32, #tpu.memory_space<vmem>>
          %dma_wait3A_410 = arith.constant 0 : i32
          %dma_wait3A_411 = arith.constant 0 : i32
          %dma_wait3A_412 = tpu.memref_slice %arg10[%dma_wait3A_410, %dma_wait3A_411] : memref<10240x128xf32, #tpu.memory_space<vmem_shared>> -> memref<10240x128xf32, #tpu.memory_space<vmem_shared>>
          tpu.wait_indirect_dma semaphore(%arg15 : memref<!tpu.dma_semaphore, #tpu.memory_space<semaphore_mem>>) src(%arg8 : memref<128x128xf32, #tpu.memory_space<vmem>>) dst(%dma_wait3A_412 : memref<10240x128xf32, #tpu.memory_space<vmem_shared>>)
          %add3A_413 = arith.constant 2 : i32
          %add3A_414 = arith.addi %add3A_358, %add3A_413 : i32
          %dma_start3A_415 = arith.constant 0 : i32
          %dma_start3A_416 = arith.constant 0 : i32
          %dma_start3A_417 = tpu.memref_slice %arg6[%scan3A_129, %dma_start3A_415, %dma_start3A_416] : memref<2x8x128xi32, #tpu.memory_space<vmem>> -> memref<1x8x128xi32, #tpu.memory_space<vmem>>
          %dma_start3A_418 = tpu.memref_squeeze %dma_start3A_417 : memref<1x8x128xi32, #tpu.memory_space<vmem>> -> memref<8x128xi32, #tpu.memory_space<vmem>>
          %dma_start3A_419 = arith.constant 0 : i32
          %dma_start3A_420 = tpu.memref_slice %dma_start3A_418[%add3A_414, %dma_start3A_419] : memref<8x128xi32, #tpu.memory_space<vmem>> -> memref<1x128xi32, #tpu.memory_space<vmem>>
          %dma_start3A_421 = tpu.memref_squeeze %dma_start3A_420 : memref<1x128xi32, #tpu.memory_space<vmem>> -> memref<128xi32, #tpu.memory_space<vmem>>
          %dma_start3A_422 = arith.constant 0 : i32
          %dma_start3A_423 = arith.constant 0 : i32
          %dma_start3A_424 = tpu.memref_slice %arg2[%dma_start3A_422, %dma_start3A_423] : memref<10000x128xf32, #tpu.memory_space<hbm>> -> memref<10000x128xf32, #tpu.memory_space<hbm>>
          tpu.enqueue_indirect_dma source(%dma_start3A_424 : memref<10000x128xf32, #tpu.memory_space<hbm>>) target(%arg8 : memref<128x128xf32, #tpu.memory_space<vmem>>) offsets(%dma_start3A_421 : memref<128xi32, #tpu.memory_space<vmem>>) semaphore(%arg11 : memref<!tpu.dma_semaphore, #tpu.memory_space<semaphore_mem>>)
          %add3A_425 = arith.constant 1 : i32
          %add3A_426 = arith.addi %add3A_358, %add3A_425 : i32
          %dma_wait3A_427 = arith.constant 0 : i32
          %dma_wait3A_428 = arith.constant 0 : i32
          %dma_wait3A_429 = tpu.memref_slice %arg7[%scan3A_130, %dma_wait3A_427, %dma_wait3A_428] : memref<2x8x128xi32, #tpu.memory_space<vmem>> -> memref<1x8x128xi32, #tpu.memory_space<vmem>>
          %dma_wait3A_430 = tpu.memref_squeeze %dma_wait3A_429 : memref<1x8x128xi32, #tpu.memory_space<vmem>> -> memref<8x128xi32, #tpu.memory_space<vmem>>
          %dma_wait3A_431 = arith.constant 0 : i32
          %dma_wait3A_432 = tpu.memref_slice %dma_wait3A_430[%add3A_426, %dma_wait3A_431] : memref<8x128xi32, #tpu.memory_space<vmem>> -> memref<1x128xi32, #tpu.memory_space<vmem>>
          %dma_wait3A_433 = tpu.memref_squeeze %dma_wait3A_432 : memref<1x128xi32, #tpu.memory_space<vmem>> -> memref<128xi32, #tpu.memory_space<vmem>>
          %dma_wait3A_434 = arith.constant 0 : i32
          %dma_wait3A_435 = arith.constant 0 : i32
          %dma_wait3A_436 = tpu.memref_slice %arg10[%dma_wait3A_434, %dma_wait3A_435] : memref<10240x128xf32, #tpu.memory_space<vmem_shared>> -> memref<10240x128xf32, #tpu.memory_space<vmem_shared>>
          tpu.wait_indirect_dma semaphore(%arg16 : memref<!tpu.dma_semaphore, #tpu.memory_space<semaphore_mem>>) src(%arg9 : memref<128x128xf32, #tpu.memory_space<vmem>>) dst(%dma_wait3A_436 : memref<10240x128xf32, #tpu.memory_space<vmem_shared>>)
          %add3A_437 = arith.constant 3 : i32
          %add3A_438 = arith.addi %add3A_358, %add3A_437 : i32
          %dma_start3A_439 = arith.constant 0 : i32
          %dma_start3A_440 = arith.constant 0 : i32
          %dma_start3A_441 = tpu.memref_slice %arg6[%scan3A_129, %dma_start3A_439, %dma_start3A_440] : memref<2x8x128xi32, #tpu.memory_space<vmem>> -> memref<1x8x128xi32, #tpu.memory_space<vmem>>
          %dma_start3A_442 = tpu.memref_squeeze %dma_start3A_441 : memref<1x8x128xi32, #tpu.memory_space<vmem>> -> memref<8x128xi32, #tpu.memory_space<vmem>>
          %dma_start3A_443 = arith.constant 0 : i32
          %dma_start3A_444 = tpu.memref_slice %dma_start3A_442[%add3A_438, %dma_start3A_443] : memref<8x128xi32, #tpu.memory_space<vmem>> -> memref<1x128xi32, #tpu.memory_space<vmem>>
          %dma_start3A_445 = tpu.memref_squeeze %dma_start3A_444 : memref<1x128xi32, #tpu.memory_space<vmem>> -> memref<128xi32, #tpu.memory_space<vmem>>
          %dma_start3A_446 = arith.constant 0 : i32
          %dma_start3A_447 = arith.constant 0 : i32
          %dma_start3A_448 = tpu.memref_slice %arg2[%dma_start3A_446, %dma_start3A_447] : memref<10000x128xf32, #tpu.memory_space<hbm>> -> memref<10000x128xf32, #tpu.memory_space<hbm>>
          tpu.enqueue_indirect_dma source(%dma_start3A_448 : memref<10000x128xf32, #tpu.memory_space<hbm>>) target(%arg9 : memref<128x128xf32, #tpu.memory_space<vmem>>) offsets(%dma_start3A_445 : memref<128xi32, #tpu.memory_space<vmem>>) semaphore(%arg12 : memref<!tpu.dma_semaphore, #tpu.memory_space<semaphore_mem>>)
        }
        %scan3A_135 = arith.constant 3 : i32
        %dma_wait3A_136 = arith.constant 0 : i32
        %dma_wait3A_137 = arith.constant 6 : i32
        %dma_wait3A_138 = arith.constant 0 : i32
        %dma_wait3A_139 = arith.constant 0 : i32
        %dma_wait3A_140 = tpu.memref_slice %arg6[%dma_wait3A_136, %dma_wait3A_138, %dma_wait3A_139] : memref<2x8x128xi32, #tpu.memory_space<vmem>> -> memref<1x8x128xi32, #tpu.memory_space<vmem>>
        %dma_wait3A_141 = tpu.memref_squeeze %dma_wait3A_140 : memref<1x8x128xi32, #tpu.memory_space<vmem>> -> memref<8x128xi32, #tpu.memory_space<vmem>>
        %dma_wait3A_142 = arith.constant 0 : i32
        %dma_wait3A_143 = tpu.memref_slice %dma_wait3A_141[%dma_wait3A_137, %dma_wait3A_142] : memref<8x128xi32, #tpu.memory_space<vmem>> -> memref<1x128xi32, #tpu.memory_space<vmem>>
        %dma_wait3A_144 = tpu.memref_squeeze %dma_wait3A_143 : memref<1x128xi32, #tpu.memory_space<vmem>> -> memref<128xi32, #tpu.memory_space<vmem>>
        %dma_wait3A_145 = arith.constant 0 : i32
        %dma_wait3A_146 = arith.constant 0 : i32
        %dma_wait3A_147 = tpu.memref_slice %arg2[%dma_wait3A_145, %dma_wait3A_146] : memref<10000x128xf32, #tpu.memory_space<hbm>> -> memref<10000x128xf32, #tpu.memory_space<hbm>>
        tpu.wait_indirect_dma semaphore(%arg11 : memref<!tpu.dma_semaphore, #tpu.memory_space<semaphore_mem>>) src(%dma_wait3A_147 : memref<10000x128xf32, #tpu.memory_space<hbm>>) dst(%arg8 : memref<128x128xf32, #tpu.memory_space<vmem>>)
        %dma_start3A_148 = arith.constant 0 : i32
        %dma_start3A_149 = arith.constant 6 : i32
        %dma_start3A_150 = arith.constant 0 : i32
        %dma_start3A_151 = arith.constant 0 : i32
        %dma_start3A_152 = tpu.memref_slice %arg7[%dma_start3A_148, %dma_start3A_150, %dma_start3A_151] : memref<2x8x128xi32, #tpu.memory_space<vmem>> -> memref<1x8x128xi32, #tpu.memory_space<vmem>>
        %dma_start3A_153 = tpu.memref_squeeze %dma_start3A_152 : memref<1x8x128xi32, #tpu.memory_space<vmem>> -> memref<8x128xi32, #tpu.memory_space<vmem>>
        %dma_start3A_154 = arith.constant 0 : i32
        %dma_start3A_155 = tpu.memref_slice %dma_start3A_153[%dma_start3A_149, %dma_start3A_154] : memref<8x128xi32, #tpu.memory_space<vmem>> -> memref<1x128xi32, #tpu.memory_space<vmem>>
        %dma_start3A_156 = tpu.memref_squeeze %dma_start3A_155 : memref<1x128xi32, #tpu.memory_space<vmem>> -> memref<128xi32, #tpu.memory_space<vmem>>
        %dma_start3A_157 = arith.constant 0 : i32
        %dma_start3A_158 = arith.constant 0 : i32
        %dma_start3A_159 = tpu.memref_slice %arg10[%dma_start3A_157, %dma_start3A_158] : memref<10240x128xf32, #tpu.memory_space<vmem_shared>> -> memref<10240x128xf32, #tpu.memory_space<vmem_shared>>
        tpu.enqueue_indirect_dma source(%arg8 : memref<128x128xf32, #tpu.memory_space<vmem>>) target(%dma_start3A_159 : memref<10240x128xf32, #tpu.memory_space<vmem_shared>>) offsets(%dma_start3A_156 : memref<128xi32, #tpu.memory_space<vmem>>) semaphore(%arg15 : memref<!tpu.dma_semaphore, #tpu.memory_space<semaphore_mem>>) {add = true}
        %dma_wait3A_160 = arith.constant 0 : i32
        %dma_wait3A_161 = arith.constant 7 : i32
        %dma_wait3A_162 = arith.constant 0 : i32
        %dma_wait3A_163 = arith.constant 0 : i32
        %dma_wait3A_164 = tpu.memref_slice %arg6[%dma_wait3A_160, %dma_wait3A_162, %dma_wait3A_163] : memref<2x8x128xi32, #tpu.memory_space<vmem>> -> memref<1x8x128xi32, #tpu.memory_space<vmem>>
        %dma_wait3A_165 = tpu.memref_squeeze %dma_wait3A_164 : memref<1x8x128xi32, #tpu.memory_space<vmem>> -> memref<8x128xi32, #tpu.memory_space<vmem>>
        %dma_wait3A_166 = arith.constant 0 : i32
        %dma_wait3A_167 = tpu.memref_slice %dma_wait3A_165[%dma_wait3A_161, %dma_wait3A_166] : memref<8x128xi32, #tpu.memory_space<vmem>> -> memref<1x128xi32, #tpu.memory_space<vmem>>
        %dma_wait3A_168 = tpu.memref_squeeze %dma_wait3A_167 : memref<1x128xi32, #tpu.memory_space<vmem>> -> memref<128xi32, #tpu.memory_space<vmem>>
        %dma_wait3A_169 = arith.constant 0 : i32
        %dma_wait3A_170 = arith.constant 0 : i32
        %dma_wait3A_171 = tpu.memref_slice %arg2[%dma_wait3A_169, %dma_wait3A_170] : memref<10000x128xf32, #tpu.memory_space<hbm>> -> memref<10000x128xf32, #tpu.memory_space<hbm>>
        tpu.wait_indirect_dma semaphore(%arg12 : memref<!tpu.dma_semaphore, #tpu.memory_space<semaphore_mem>>) src(%dma_wait3A_171 : memref<10000x128xf32, #tpu.memory_space<hbm>>) dst(%arg9 : memref<128x128xf32, #tpu.memory_space<vmem>>)
        %dma_start3A_172 = arith.constant 0 : i32
        %dma_start3A_173 = arith.constant 7 : i32
        %dma_start3A_174 = arith.constant 0 : i32
        %dma_start3A_175 = arith.constant 0 : i32
        %dma_start3A_176 = tpu.memref_slice %arg7[%dma_start3A_172, %dma_start3A_174, %dma_start3A_175] : memref<2x8x128xi32, #tpu.memory_space<vmem>> -> memref<1x8x128xi32, #tpu.memory_space<vmem>>
        %dma_start3A_177 = tpu.memref_squeeze %dma_start3A_176 : memref<1x8x128xi32, #tpu.memory_space<vmem>> -> memref<8x128xi32, #tpu.memory_space<vmem>>
        %dma_start3A_178 = arith.constant 0 : i32
        %dma_start3A_179 = tpu.memref_slice %dma_start3A_177[%dma_start3A_173, %dma_start3A_178] : memref<8x128xi32, #tpu.memory_space<vmem>> -> memref<1x128xi32, #tpu.memory_space<vmem>>
        %dma_start3A_180 = tpu.memref_squeeze %dma_start3A_179 : memref<1x128xi32, #tpu.memory_space<vmem>> -> memref<128xi32, #tpu.memory_space<vmem>>
        %dma_start3A_181 = arith.constant 0 : i32
        %dma_start3A_182 = arith.constant 0 : i32
        %dma_start3A_183 = tpu.memref_slice %arg10[%dma_start3A_181, %dma_start3A_182] : memref<10240x128xf32, #tpu.memory_space<vmem_shared>> -> memref<10240x128xf32, #tpu.memory_space<vmem_shared>>
        tpu.enqueue_indirect_dma source(%arg9 : memref<128x128xf32, #tpu.memory_space<vmem>>) target(%dma_start3A_183 : memref<10240x128xf32, #tpu.memory_space<vmem_shared>>) offsets(%dma_start3A_180 : memref<128xi32, #tpu.memory_space<vmem>>) semaphore(%arg16 : memref<!tpu.dma_semaphore, #tpu.memory_space<semaphore_mem>>) {add = true}
        %dma_wait3A_184 = arith.constant 0 : i32
        %dma_wait3A_185 = arith.constant 6 : i32
        %dma_wait3A_186 = arith.constant 0 : i32
        %dma_wait3A_187 = arith.constant 0 : i32
        %dma_wait3A_188 = tpu.memref_slice %arg7[%dma_wait3A_184, %dma_wait3A_186, %dma_wait3A_187] : memref<2x8x128xi32, #tpu.memory_space<vmem>> -> memref<1x8x128xi32, #tpu.memory_space<vmem>>
        %dma_wait3A_189 = tpu.memref_squeeze %dma_wait3A_188 : memref<1x8x128xi32, #tpu.memory_space<vmem>> -> memref<8x128xi32, #tpu.memory_space<vmem>>
        %dma_wait3A_190 = arith.constant 0 : i32
        %dma_wait3A_191 = tpu.memref_slice %dma_wait3A_189[%dma_wait3A_185, %dma_wait3A_190] : memref<8x128xi32, #tpu.memory_space<vmem>> -> memref<1x128xi32, #tpu.memory_space<vmem>>
        %dma_wait3A_192 = tpu.memref_squeeze %dma_wait3A_191 : memref<1x128xi32, #tpu.memory_space<vmem>> -> memref<128xi32, #tpu.memory_space<vmem>>
        %dma_wait3A_193 = arith.constant 0 : i32
        %dma_wait3A_194 = arith.constant 0 : i32
        %dma_wait3A_195 = tpu.memref_slice %arg10[%dma_wait3A_193, %dma_wait3A_194] : memref<10240x128xf32, #tpu.memory_space<vmem_shared>> -> memref<10240x128xf32, #tpu.memory_space<vmem_shared>>
        tpu.wait_indirect_dma semaphore(%arg15 : memref<!tpu.dma_semaphore, #tpu.memory_space<semaphore_mem>>) src(%arg8 : memref<128x128xf32, #tpu.memory_space<vmem>>) dst(%dma_wait3A_195 : memref<10240x128xf32, #tpu.memory_space<vmem_shared>>)
        %dma_wait3A_196 = arith.constant 0 : i32
        %dma_wait3A_197 = arith.constant 7 : i32
        %dma_wait3A_198 = arith.constant 0 : i32
        %dma_wait3A_199 = arith.constant 0 : i32
        %dma_wait3A_200 = tpu.memref_slice %arg7[%dma_wait3A_196, %dma_wait3A_198, %dma_wait3A_199] : memref<2x8x128xi32, #tpu.memory_space<vmem>> -> memref<1x8x128xi32, #tpu.memory_space<vmem>>
        %dma_wait3A_201 = tpu.memref_squeeze %dma_wait3A_200 : memref<1x8x128xi32, #tpu.memory_space<vmem>> -> memref<8x128xi32, #tpu.memory_space<vmem>>
        %dma_wait3A_202 = arith.constant 0 : i32
        %dma_wait3A_203 = tpu.memref_slice %dma_wait3A_201[%dma_wait3A_197, %dma_wait3A_202] : memref<8x128xi32, #tpu.memory_space<vmem>> -> memref<1x128xi32, #tpu.memory_space<vmem>>
        %dma_wait3A_204 = tpu.memref_squeeze %dma_wait3A_203 : memref<1x128xi32, #tpu.memory_space<vmem>> -> memref<128xi32, #tpu.memory_space<vmem>>
        %dma_wait3A_205 = arith.constant 0 : i32
        %dma_wait3A_206 = arith.constant 0 : i32
        %dma_wait3A_207 = tpu.memref_slice %arg10[%dma_wait3A_205, %dma_wait3A_206] : memref<10240x128xf32, #tpu.memory_space<vmem_shared>> -> memref<10240x128xf32, #tpu.memory_space<vmem_shared>>
        tpu.wait_indirect_dma semaphore(%arg16 : memref<!tpu.dma_semaphore, #tpu.memory_space<semaphore_mem>>) src(%arg9 : memref<128x128xf32, #tpu.memory_space<vmem>>) dst(%dma_wait3A_207 : memref<10240x128xf32, #tpu.memory_space<vmem_shared>>)
        %add3A_208 = arith.constant 1 : i32
        %add3A_209 = arith.addi %add3A_65, %add3A_208 : i32
        %mul3A_210 = arith.constant 8 : i32
        %mul3A_211 = arith.muli %add3A_209, %mul3A_210 : i32
        %add3A_212 = arith.addi %mul3A_26, %mul3A_211 : i32
        %multiple_of3A_213 = tpu.assume_multiple %add3A_212, 8 : i32
        %dma_wait3A_214 = arith.constant 1 : i32
        %dma_wait3A_215 = arith.constant 0 : i32
        %dma_wait3A_216 = arith.constant 0 : i32
        %dma_wait3A_217 = tpu.memref_slice %arg6[%dma_wait3A_214, %dma_wait3A_215, %dma_wait3A_216] : memref<2x8x128xi32, #tpu.memory_space<vmem>> -> memref<1x8x128xi32, #tpu.memory_space<vmem>>
        %dma_wait3A_218 = tpu.memref_squeeze %dma_wait3A_217 : memref<1x8x128xi32, #tpu.memory_space<vmem>> -> memref<8x128xi32, #tpu.memory_space<vmem>>
        %dma_wait3A_219 = arith.constant 0 : i32
        %dma_wait3A_220 = tpu.memref_slice %arg3[%multiple_of3A_213, %dma_wait3A_219] : memref<2560x128xi32, #tpu.memory_space<hbm>> -> memref<8x128xi32, #tpu.memory_space<hbm>>
        %dma_wait3A_221 = arith.constant 0 : i32
        %dma_wait3A_222 = arith.constant 0 : i32
        %dma_wait3A_223 = tpu.memref_slice %arg6[%dma_wait3A_214, %dma_wait3A_221, %dma_wait3A_222] : memref<2x8x128xi32, #tpu.memory_space<vmem>> -> memref<1x8x128xi32, #tpu.memory_space<vmem>>
        %dma_wait3A_224 = tpu.memref_squeeze %dma_wait3A_223 : memref<1x8x128xi32, #tpu.memory_space<vmem>> -> memref<8x128xi32, #tpu.memory_space<vmem>>
        %dma_wait3A_225 = arith.constant 0 : i32
        %dma_wait3A_226 = tpu.memref_slice %arg3[%multiple_of3A_213, %dma_wait3A_225] : memref<2560x128xi32, #tpu.memory_space<hbm>> -> memref<8x128xi32, #tpu.memory_space<hbm>>
        tpu.wait_dma2 semaphore(%arg13 : memref<!tpu.dma_semaphore, #tpu.memory_space<semaphore_mem>>) src(%dma_wait3A_226 : memref<8x128xi32, #tpu.memory_space<hbm>>) dst(%dma_wait3A_224 : memref<8x128xi32, #tpu.memory_space<vmem>>)
        %mul3A_227 = arith.constant 8 : i32
        %mul3A_228 = arith.muli %add3A_209, %mul3A_227 : i32
        %add3A_229 = arith.addi %mul3A_26, %mul3A_228 : i32
        %multiple_of3A_230 = tpu.assume_multiple %add3A_229, 8 : i32
        %dma_wait3A_231 = arith.constant 1 : i32
        %dma_wait3A_232 = arith.constant 0 : i32
        %dma_wait3A_233 = arith.constant 0 : i32
        %dma_wait3A_234 = tpu.memref_slice %arg7[%dma_wait3A_231, %dma_wait3A_232, %dma_wait3A_233] : memref<2x8x128xi32, #tpu.memory_space<vmem>> -> memref<1x8x128xi32, #tpu.memory_space<vmem>>
        %dma_wait3A_235 = tpu.memref_squeeze %dma_wait3A_234 : memref<1x8x128xi32, #tpu.memory_space<vmem>> -> memref<8x128xi32, #tpu.memory_space<vmem>>
        %dma_wait3A_236 = arith.constant 0 : i32
        %dma_wait3A_237 = tpu.memref_slice %arg4[%multiple_of3A_230, %dma_wait3A_236] : memref<2560x128xi32, #tpu.memory_space<hbm>> -> memref<8x128xi32, #tpu.memory_space<hbm>>
        %dma_wait3A_238 = arith.constant 0 : i32
        %dma_wait3A_239 = arith.constant 0 : i32
        %dma_wait3A_240 = tpu.memref_slice %arg7[%dma_wait3A_231, %dma_wait3A_238, %dma_wait3A_239] : memref<2x8x128xi32, #tpu.memory_space<vmem>> -> memref<1x8x128xi32, #tpu.memory_space<vmem>>
        %dma_wait3A_241 = tpu.memref_squeeze %dma_wait3A_240 : memref<1x8x128xi32, #tpu.memory_space<vmem>> -> memref<8x128xi32, #tpu.memory_space<vmem>>
        %dma_wait3A_242 = arith.constant 0 : i32
        %dma_wait3A_243 = tpu.memref_slice %arg4[%multiple_of3A_230, %dma_wait3A_242] : memref<2560x128xi32, #tpu.memory_space<hbm>> -> memref<8x128xi32, #tpu.memory_space<hbm>>
        tpu.wait_dma2 semaphore(%arg14 : memref<!tpu.dma_semaphore, #tpu.memory_space<semaphore_mem>>) src(%dma_wait3A_243 : memref<8x128xi32, #tpu.memory_space<hbm>>) dst(%dma_wait3A_241 : memref<8x128xi32, #tpu.memory_space<vmem>>)
        %add3A_244 = arith.constant 1 : i32
        %add3A_245 = arith.addi %add3A_209, %add3A_244 : i32
        %lt3A_246 = arith.constant 10 : i32
        %lt3A_247 = arith.cmpi slt, %add3A_245, %lt3A_246 : i32
        %convert_element_type3A_248 = arith.extui %lt3A_247 : i1 to i32
        %cond3A_249 = arith.constant 0 : i32
        %cond3A_250 = arith.cmpi ne, %convert_element_type3A_248, %cond3A_249 : i32
        scf.if %cond3A_250 {
          %add3A_354 = arith.constant 1 : i32
          %add3A_355 = arith.addi %add3A_209, %add3A_354 : i32
          %mul3A_356 = arith.constant 8 : i32
          %mul3A_357 = arith.muli %add3A_355, %mul3A_356 : i32
          %add3A_358 = arith.addi %mul3A_26, %mul3A_357 : i32
          %multiple_of3A_359 = tpu.assume_multiple %add3A_358, 8 : i32
          %dma_start3A_360 = arith.constant 0 : i32
          %dma_start3A_361 = arith.constant 0 : i32
          %dma_start3A_362 = arith.constant 0 : i32
          %dma_start3A_363 = tpu.memref_slice %arg6[%dma_start3A_360, %dma_start3A_361, %dma_start3A_362] : memref<2x8x128xi32, #tpu.memory_space<vmem>> -> memref<1x8x128xi32, #tpu.memory_space<vmem>>
          %dma_start3A_364 = tpu.memref_squeeze %dma_start3A_363 : memref<1x8x128xi32, #tpu.memory_space<vmem>> -> memref<8x128xi32, #tpu.memory_space<vmem>>
          %dma_start3A_365 = arith.constant 0 : i32
          %dma_start3A_366 = tpu.memref_slice %arg3[%multiple_of3A_359, %dma_start3A_365] : memref<2560x128xi32, #tpu.memory_space<hbm>> -> memref<8x128xi32, #tpu.memory_space<hbm>>
          %dma_start3A_367 = arith.constant 0 : i32
          %dma_start3A_368 = arith.constant 0 : i32
          %dma_start3A_369 = tpu.memref_slice %arg6[%dma_start3A_360, %dma_start3A_367, %dma_start3A_368] : memref<2x8x128xi32, #tpu.memory_space<vmem>> -> memref<1x8x128xi32, #tpu.memory_space<vmem>>
          %dma_start3A_370 = tpu.memref_squeeze %dma_start3A_369 : memref<1x8x128xi32, #tpu.memory_space<vmem>> -> memref<8x128xi32, #tpu.memory_space<vmem>>
          %dma_start3A_371 = arith.constant 0 : i32
          %dma_start3A_372 = tpu.memref_slice %arg3[%multiple_of3A_359, %dma_start3A_371] : memref<2560x128xi32, #tpu.memory_space<hbm>> -> memref<8x128xi32, #tpu.memory_space<hbm>>
          tpu.enqueue_dma source(%dma_start3A_372 : memref<8x128xi32, #tpu.memory_space<hbm>>) target(%dma_start3A_370 : memref<8x128xi32, #tpu.memory_space<vmem>>) target_semaphore(%arg13 : memref<!tpu.dma_semaphore, #tpu.memory_space<semaphore_mem>>)
          %add3A_373 = arith.constant 1 : i32
          %add3A_374 = arith.addi %add3A_209, %add3A_373 : i32
          %mul3A_375 = arith.constant 8 : i32
          %mul3A_376 = arith.muli %add3A_374, %mul3A_375 : i32
          %add3A_377 = arith.addi %mul3A_26, %mul3A_376 : i32
          %multiple_of3A_378 = tpu.assume_multiple %add3A_377, 8 : i32
          %dma_start3A_379 = arith.constant 0 : i32
          %dma_start3A_380 = arith.constant 0 : i32
          %dma_start3A_381 = arith.constant 0 : i32
          %dma_start3A_382 = tpu.memref_slice %arg7[%dma_start3A_379, %dma_start3A_380, %dma_start3A_381] : memref<2x8x128xi32, #tpu.memory_space<vmem>> -> memref<1x8x128xi32, #tpu.memory_space<vmem>>
          %dma_start3A_383 = tpu.memref_squeeze %dma_start3A_382 : memref<1x8x128xi32, #tpu.memory_space<vmem>> -> memref<8x128xi32, #tpu.memory_space<vmem>>
          %dma_start3A_384 = arith.constant 0 : i32
          %dma_start3A_385 = tpu.memref_slice %arg4[%multiple_of3A_378, %dma_start3A_384] : memref<2560x128xi32, #tpu.memory_space<hbm>> -> memref<8x128xi32, #tpu.memory_space<hbm>>
          %dma_start3A_386 = arith.constant 0 : i32
          %dma_start3A_387 = arith.constant 0 : i32
          %dma_start3A_388 = tpu.memref_slice %arg7[%dma_start3A_379, %dma_start3A_386, %dma_start3A_387] : memref<2x8x128xi32, #tpu.memory_space<vmem>> -> memref<1x8x128xi32, #tpu.memory_space<vmem>>
          %dma_start3A_389 = tpu.memref_squeeze %dma_start3A_388 : memref<1x8x128xi32, #tpu.memory_space<vmem>> -> memref<8x128xi32, #tpu.memory_space<vmem>>
          %dma_start3A_390 = arith.constant 0 : i32
          %dma_start3A_391 = tpu.memref_slice %arg4[%multiple_of3A_378, %dma_start3A_390] : memref<2560x128xi32, #tpu.memory_space<hbm>> -> memref<8x128xi32, #tpu.memory_space<hbm>>
          tpu.enqueue_dma source(%dma_start3A_391 : memref<8x128xi32, #tpu.memory_space<hbm>>) target(%dma_start3A_389 : memref<8x128xi32, #tpu.memory_space<vmem>>) target_semaphore(%arg14 : memref<!tpu.dma_semaphore, #tpu.memory_space<semaphore_mem>>)
        } else {
        }
        %dma_start3A_251 = arith.constant 1 : i32
        %dma_start3A_252 = arith.constant 0 : i32
        %dma_start3A_253 = arith.constant 0 : i32
        %dma_start3A_254 = arith.constant 0 : i32
        %dma_start3A_255 = tpu.memref_slice %arg6[%dma_start3A_251, %dma_start3A_253, %dma_start3A_254] : memref<2x8x128xi32, #tpu.memory_space<vmem>> -> memref<1x8x128xi32, #tpu.memory_space<vmem>>
        %dma_start3A_256 = tpu.memref_squeeze %dma_start3A_255 : memref<1x8x128xi32, #tpu.memory_space<vmem>> -> memref<8x128xi32, #tpu.memory_space<vmem>>
        %dma_start3A_257 = arith.constant 0 : i32
        %dma_start3A_258 = tpu.memref_slice %dma_start3A_256[%dma_start3A_252, %dma_start3A_257] : memref<8x128xi32, #tpu.memory_space<vmem>> -> memref<1x128xi32, #tpu.memory_space<vmem>>
        %dma_start3A_259 = tpu.memref_squeeze %dma_start3A_258 : memref<1x128xi32, #tpu.memory_space<vmem>> -> memref<128xi32, #tpu.memory_space<vmem>>
        %dma_start3A_260 = arith.constant 0 : i32
        %dma_start3A_261 = arith.constant 0 : i32
        %dma_start3A_262 = tpu.memref_slice %arg2[%dma_start3A_260, %dma_start3A_261] : memref<10000x128xf32, #tpu.memory_space<hbm>> -> memref<10000x128xf32, #tpu.memory_space<hbm>>
        tpu.enqueue_indirect_dma source(%dma_start3A_262 : memref<10000x128xf32, #tpu.memory_space<hbm>>) target(%arg8 : memref<128x128xf32, #tpu.memory_space<vmem>>) offsets(%dma_start3A_259 : memref<128xi32, #tpu.memory_space<vmem>>) semaphore(%arg11 : memref<!tpu.dma_semaphore, #tpu.memory_space<semaphore_mem>>)
        %dma_start3A_263 = arith.constant 1 : i32
        %dma_start3A_264 = arith.constant 1 : i32
        %dma_start3A_265 = arith.constant 0 : i32
        %dma_start3A_266 = arith.constant 0 : i32
        %dma_start3A_267 = tpu.memref_slice %arg6[%dma_start3A_263, %dma_start3A_265, %dma_start3A_266] : memref<2x8x128xi32, #tpu.memory_space<vmem>> -> memref<1x8x128xi32, #tpu.memory_space<vmem>>
        %dma_start3A_268 = tpu.memref_squeeze %dma_start3A_267 : memref<1x8x128xi32, #tpu.memory_space<vmem>> -> memref<8x128xi32, #tpu.memory_space<vmem>>
        %dma_start3A_269 = arith.constant 0 : i32
        %dma_start3A_270 = tpu.memref_slice %dma_start3A_268[%dma_start3A_264, %dma_start3A_269] : memref<8x128xi32, #tpu.memory_space<vmem>> -> memref<1x128xi32, #tpu.memory_space<vmem>>
        %dma_start3A_271 = tpu.memref_squeeze %dma_start3A_270 : memref<1x128xi32, #tpu.memory_space<vmem>> -> memref<128xi32, #tpu.memory_space<vmem>>
        %dma_start3A_272 = arith.constant 0 : i32
        %dma_start3A_273 = arith.constant 0 : i32
        %dma_start3A_274 = tpu.memref_slice %arg2[%dma_start3A_272, %dma_start3A_273] : memref<10000x128xf32, #tpu.memory_space<hbm>> -> memref<10000x128xf32, #tpu.memory_space<hbm>>
        tpu.enqueue_indirect_dma source(%dma_start3A_274 : memref<10000x128xf32, #tpu.memory_space<hbm>>) target(%arg9 : memref<128x128xf32, #tpu.memory_space<vmem>>) offsets(%dma_start3A_271 : memref<128xi32, #tpu.memory_space<vmem>>) semaphore(%arg12 : memref<!tpu.dma_semaphore, #tpu.memory_space<semaphore_mem>>)
        %scan3A_275 = arith.constant 1 : i32
        %scan3A_276 = arith.constant 1 : i32
        %scan3A_277 = arith.constant 0 : i32
        %scan3A_278 = arith.constant 3 : i32
        %scan3A_279 = arith.addi %scan3A_277, %scan3A_278 : i32
        %scan3A_280 = arith.constant 1 : i32
        scf.for %scan3A_354 = %scan3A_277 to %scan3A_279 step %scan3A_280  : i32 {
          %mul3A_355 = arith.constant 2 : i32
          %mul3A_356 = arith.muli %scan3A_354, %mul3A_355 : i32
          %add3A_357 = arith.constant 0 : i32
          %add3A_358 = arith.addi %add3A_357, %mul3A_356 : i32
          %dma_wait3A_359 = arith.constant 0 : i32
          %dma_wait3A_360 = arith.constant 0 : i32
          %dma_wait3A_361 = tpu.memref_slice %arg6[%scan3A_275, %dma_wait3A_359, %dma_wait3A_360] : memref<2x8x128xi32, #tpu.memory_space<vmem>> -> memref<1x8x128xi32, #tpu.memory_space<vmem>>
          %dma_wait3A_362 = tpu.memref_squeeze %dma_wait3A_361 : memref<1x8x128xi32, #tpu.memory_space<vmem>> -> memref<8x128xi32, #tpu.memory_space<vmem>>
          %dma_wait3A_363 = arith.constant 0 : i32
          %dma_wait3A_364 = tpu.memref_slice %dma_wait3A_362[%add3A_358, %dma_wait3A_363] : memref<8x128xi32, #tpu.memory_space<vmem>> -> memref<1x128xi32, #tpu.memory_space<vmem>>
          %dma_wait3A_365 = tpu.memref_squeeze %dma_wait3A_364 : memref<1x128xi32, #tpu.memory_space<vmem>> -> memref<128xi32, #tpu.memory_space<vmem>>
          %dma_wait3A_366 = arith.constant 0 : i32
          %dma_wait3A_367 = arith.constant 0 : i32
          %dma_wait3A_368 = tpu.memref_slice %arg2[%dma_wait3A_366, %dma_wait3A_367] : memref<10000x128xf32, #tpu.memory_space<hbm>> -> memref<10000x128xf32, #tpu.memory_space<hbm>>
          tpu.wait_indirect_dma semaphore(%arg11 : memref<!tpu.dma_semaphore, #tpu.memory_space<semaphore_mem>>) src(%dma_wait3A_368 : memref<10000x128xf32, #tpu.memory_space<hbm>>) dst(%arg8 : memref<128x128xf32, #tpu.memory_space<vmem>>)
          %dma_start3A_369 = arith.constant 0 : i32
          %dma_start3A_370 = arith.constant 0 : i32
          %dma_start3A_371 = tpu.memref_slice %arg7[%scan3A_276, %dma_start3A_369, %dma_start3A_370] : memref<2x8x128xi32, #tpu.memory_space<vmem>> -> memref<1x8x128xi32, #tpu.memory_space<vmem>>
          %dma_start3A_372 = tpu.memref_squeeze %dma_start3A_371 : memref<1x8x128xi32, #tpu.memory_space<vmem>> -> memref<8x128xi32, #tpu.memory_space<vmem>>
          %dma_start3A_373 = arith.constant 0 : i32
          %dma_start3A_374 = tpu.memref_slice %dma_start3A_372[%add3A_358, %dma_start3A_373] : memref<8x128xi32, #tpu.memory_space<vmem>> -> memref<1x128xi32, #tpu.memory_space<vmem>>
          %dma_start3A_375 = tpu.memref_squeeze %dma_start3A_374 : memref<1x128xi32, #tpu.memory_space<vmem>> -> memref<128xi32, #tpu.memory_space<vmem>>
          %dma_start3A_376 = arith.constant 0 : i32
          %dma_start3A_377 = arith.constant 0 : i32
          %dma_start3A_378 = tpu.memref_slice %arg10[%dma_start3A_376, %dma_start3A_377] : memref<10240x128xf32, #tpu.memory_space<vmem_shared>> -> memref<10240x128xf32, #tpu.memory_space<vmem_shared>>
          tpu.enqueue_indirect_dma source(%arg8 : memref<128x128xf32, #tpu.memory_space<vmem>>) target(%dma_start3A_378 : memref<10240x128xf32, #tpu.memory_space<vmem_shared>>) offsets(%dma_start3A_375 : memref<128xi32, #tpu.memory_space<vmem>>) semaphore(%arg15 : memref<!tpu.dma_semaphore, #tpu.memory_space<semaphore_mem>>) {add = true}
          %add3A_379 = arith.constant 1 : i32
          %add3A_380 = arith.addi %add3A_358, %add3A_379 : i32
          %dma_wait3A_381 = arith.constant 0 : i32
          %dma_wait3A_382 = arith.constant 0 : i32
          %dma_wait3A_383 = tpu.memref_slice %arg6[%scan3A_275, %dma_wait3A_381, %dma_wait3A_382] : memref<2x8x128xi32, #tpu.memory_space<vmem>> -> memref<1x8x128xi32, #tpu.memory_space<vmem>>
          %dma_wait3A_384 = tpu.memref_squeeze %dma_wait3A_383 : memref<1x8x128xi32, #tpu.memory_space<vmem>> -> memref<8x128xi32, #tpu.memory_space<vmem>>
          %dma_wait3A_385 = arith.constant 0 : i32
          %dma_wait3A_386 = tpu.memref_slice %dma_wait3A_384[%add3A_380, %dma_wait3A_385] : memref<8x128xi32, #tpu.memory_space<vmem>> -> memref<1x128xi32, #tpu.memory_space<vmem>>
          %dma_wait3A_387 = tpu.memref_squeeze %dma_wait3A_386 : memref<1x128xi32, #tpu.memory_space<vmem>> -> memref<128xi32, #tpu.memory_space<vmem>>
          %dma_wait3A_388 = arith.constant 0 : i32
          %dma_wait3A_389 = arith.constant 0 : i32
          %dma_wait3A_390 = tpu.memref_slice %arg2[%dma_wait3A_388, %dma_wait3A_389] : memref<10000x128xf32, #tpu.memory_space<hbm>> -> memref<10000x128xf32, #tpu.memory_space<hbm>>
          tpu.wait_indirect_dma semaphore(%arg12 : memref<!tpu.dma_semaphore, #tpu.memory_space<semaphore_mem>>) src(%dma_wait3A_390 : memref<10000x128xf32, #tpu.memory_space<hbm>>) dst(%arg9 : memref<128x128xf32, #tpu.memory_space<vmem>>)
          %add3A_391 = arith.constant 1 : i32
          %add3A_392 = arith.addi %add3A_358, %add3A_391 : i32
          %dma_start3A_393 = arith.constant 0 : i32
          %dma_start3A_394 = arith.constant 0 : i32
          %dma_start3A_395 = tpu.memref_slice %arg7[%scan3A_276, %dma_start3A_393, %dma_start3A_394] : memref<2x8x128xi32, #tpu.memory_space<vmem>> -> memref<1x8x128xi32, #tpu.memory_space<vmem>>
          %dma_start3A_396 = tpu.memref_squeeze %dma_start3A_395 : memref<1x8x128xi32, #tpu.memory_space<vmem>> -> memref<8x128xi32, #tpu.memory_space<vmem>>
          %dma_start3A_397 = arith.constant 0 : i32
          %dma_start3A_398 = tpu.memref_slice %dma_start3A_396[%add3A_392, %dma_start3A_397] : memref<8x128xi32, #tpu.memory_space<vmem>> -> memref<1x128xi32, #tpu.memory_space<vmem>>
          %dma_start3A_399 = tpu.memref_squeeze %dma_start3A_398 : memref<1x128xi32, #tpu.memory_space<vmem>> -> memref<128xi32, #tpu.memory_space<vmem>>
          %dma_start3A_400 = arith.constant 0 : i32
          %dma_start3A_401 = arith.constant 0 : i32
          %dma_start3A_402 = tpu.memref_slice %arg10[%dma_start3A_400, %dma_start3A_401] : memref<10240x128xf32, #tpu.memory_space<vmem_shared>> -> memref<10240x128xf32, #tpu.memory_space<vmem_shared>>
          tpu.enqueue_indirect_dma source(%arg9 : memref<128x128xf32, #tpu.memory_space<vmem>>) target(%dma_start3A_402 : memref<10240x128xf32, #tpu.memory_space<vmem_shared>>) offsets(%dma_start3A_399 : memref<128xi32, #tpu.memory_space<vmem>>) semaphore(%arg16 : memref<!tpu.dma_semaphore, #tpu.memory_space<semaphore_mem>>) {add = true}
          %dma_wait3A_403 = arith.constant 0 : i32
          %dma_wait3A_404 = arith.constant 0 : i32
          %dma_wait3A_405 = tpu.memref_slice %arg7[%scan3A_276, %dma_wait3A_403, %dma_wait3A_404] : memref<2x8x128xi32, #tpu.memory_space<vmem>> -> memref<1x8x128xi32, #tpu.memory_space<vmem>>
          %dma_wait3A_406 = tpu.memref_squeeze %dma_wait3A_405 : memref<1x8x128xi32, #tpu.memory_space<vmem>> -> memref<8x128xi32, #tpu.memory_space<vmem>>
          %dma_wait3A_407 = arith.constant 0 : i32
          %dma_wait3A_408 = tpu.memref_slice %dma_wait3A_406[%add3A_358, %dma_wait3A_407] : memref<8x128xi32, #tpu.memory_space<vmem>> -> memref<1x128xi32, #tpu.memory_space<vmem>>
          %dma_wait3A_409 = tpu.memref_squeeze %dma_wait3A_408 : memref<1x128xi32, #tpu.memory_space<vmem>> -> memref<128xi32, #tpu.memory_space<vmem>>
          %dma_wait3A_410 = arith.constant 0 : i32
          %dma_wait3A_411 = arith.constant 0 : i32
          %dma_wait3A_412 = tpu.memref_slice %arg10[%dma_wait3A_410, %dma_wait3A_411] : memref<10240x128xf32, #tpu.memory_space<vmem_shared>> -> memref<10240x128xf32, #tpu.memory_space<vmem_shared>>
          tpu.wait_indirect_dma semaphore(%arg15 : memref<!tpu.dma_semaphore, #tpu.memory_space<semaphore_mem>>) src(%arg8 : memref<128x128xf32, #tpu.memory_space<vmem>>) dst(%dma_wait3A_412 : memref<10240x128xf32, #tpu.memory_space<vmem_shared>>)
          %add3A_413 = arith.constant 2 : i32
          %add3A_414 = arith.addi %add3A_358, %add3A_413 : i32
          %dma_start3A_415 = arith.constant 0 : i32
          %dma_start3A_416 = arith.constant 0 : i32
          %dma_start3A_417 = tpu.memref_slice %arg6[%scan3A_275, %dma_start3A_415, %dma_start3A_416] : memref<2x8x128xi32, #tpu.memory_space<vmem>> -> memref<1x8x128xi32, #tpu.memory_space<vmem>>
          %dma_start3A_418 = tpu.memref_squeeze %dma_start3A_417 : memref<1x8x128xi32, #tpu.memory_space<vmem>> -> memref<8x128xi32, #tpu.memory_space<vmem>>
          %dma_start3A_419 = arith.constant 0 : i32
          %dma_start3A_420 = tpu.memref_slice %dma_start3A_418[%add3A_414, %dma_start3A_419] : memref<8x128xi32, #tpu.memory_space<vmem>> -> memref<1x128xi32, #tpu.memory_space<vmem>>
          %dma_start3A_421 = tpu.memref_squeeze %dma_start3A_420 : memref<1x128xi32, #tpu.memory_space<vmem>> -> memref<128xi32, #tpu.memory_space<vmem>>
          %dma_start3A_422 = arith.constant 0 : i32
          %dma_start3A_423 = arith.constant 0 : i32
          %dma_start3A_424 = tpu.memref_slice %arg2[%dma_start3A_422, %dma_start3A_423] : memref<10000x128xf32, #tpu.memory_space<hbm>> -> memref<10000x128xf32, #tpu.memory_space<hbm>>
          tpu.enqueue_indirect_dma source(%dma_start3A_424 : memref<10000x128xf32, #tpu.memory_space<hbm>>) target(%arg8 : memref<128x128xf32, #tpu.memory_space<vmem>>) offsets(%dma_start3A_421 : memref<128xi32, #tpu.memory_space<vmem>>) semaphore(%arg11 : memref<!tpu.dma_semaphore, #tpu.memory_space<semaphore_mem>>)
          %add3A_425 = arith.constant 1 : i32
          %add3A_426 = arith.addi %add3A_358, %add3A_425 : i32
          %dma_wait3A_427 = arith.constant 0 : i32
          %dma_wait3A_428 = arith.constant 0 : i32
          %dma_wait3A_429 = tpu.memref_slice %arg7[%scan3A_276, %dma_wait3A_427, %dma_wait3A_428] : memref<2x8x128xi32, #tpu.memory_space<vmem>> -> memref<1x8x128xi32, #tpu.memory_space<vmem>>
          %dma_wait3A_430 = tpu.memref_squeeze %dma_wait3A_429 : memref<1x8x128xi32, #tpu.memory_space<vmem>> -> memref<8x128xi32, #tpu.memory_space<vmem>>
          %dma_wait3A_431 = arith.constant 0 : i32
          %dma_wait3A_432 = tpu.memref_slice %dma_wait3A_430[%add3A_426, %dma_wait3A_431] : memref<8x128xi32, #tpu.memory_space<vmem>> -> memref<1x128xi32, #tpu.memory_space<vmem>>
          %dma_wait3A_433 = tpu.memref_squeeze %dma_wait3A_432 : memref<1x128xi32, #tpu.memory_space<vmem>> -> memref<128xi32, #tpu.memory_space<vmem>>
          %dma_wait3A_434 = arith.constant 0 : i32
          %dma_wait3A_435 = arith.constant 0 : i32
          %dma_wait3A_436 = tpu.memref_slice %arg10[%dma_wait3A_434, %dma_wait3A_435] : memref<10240x128xf32, #tpu.memory_space<vmem_shared>> -> memref<10240x128xf32, #tpu.memory_space<vmem_shared>>
          tpu.wait_indirect_dma semaphore(%arg16 : memref<!tpu.dma_semaphore, #tpu.memory_space<semaphore_mem>>) src(%arg9 : memref<128x128xf32, #tpu.memory_space<vmem>>) dst(%dma_wait3A_436 : memref<10240x128xf32, #tpu.memory_space<vmem_shared>>)
          %add3A_437 = arith.constant 3 : i32
          %add3A_438 = arith.addi %add3A_358, %add3A_437 : i32
          %dma_start3A_439 = arith.constant 0 : i32
          %dma_start3A_440 = arith.constant 0 : i32
          %dma_start3A_441 = tpu.memref_slice %arg6[%scan3A_275, %dma_start3A_439, %dma_start3A_440] : memref<2x8x128xi32, #tpu.memory_space<vmem>> -> memref<1x8x128xi32, #tpu.memory_space<vmem>>
          %dma_start3A_442 = tpu.memref_squeeze %dma_start3A_441 : memref<1x8x128xi32, #tpu.memory_space<vmem>> -> memref<8x128xi32, #tpu.memory_space<vmem>>
          %dma_start3A_443 = arith.constant 0 : i32
          %dma_start3A_444 = tpu.memref_slice %dma_start3A_442[%add3A_438, %dma_start3A_443] : memref<8x128xi32, #tpu.memory_space<vmem>> -> memref<1x128xi32, #tpu.memory_space<vmem>>
          %dma_start3A_445 = tpu.memref_squeeze %dma_start3A_444 : memref<1x128xi32, #tpu.memory_space<vmem>> -> memref<128xi32, #tpu.memory_space<vmem>>
          %dma_start3A_446 = arith.constant 0 : i32
          %dma_start3A_447 = arith.constant 0 : i32
          %dma_start3A_448 = tpu.memref_slice %arg2[%dma_start3A_446, %dma_start3A_447] : memref<10000x128xf32, #tpu.memory_space<hbm>> -> memref<10000x128xf32, #tpu.memory_space<hbm>>
          tpu.enqueue_indirect_dma source(%dma_start3A_448 : memref<10000x128xf32, #tpu.memory_space<hbm>>) target(%arg9 : memref<128x128xf32, #tpu.memory_space<vmem>>) offsets(%dma_start3A_445 : memref<128xi32, #tpu.memory_space<vmem>>) semaphore(%arg12 : memref<!tpu.dma_semaphore, #tpu.memory_space<semaphore_mem>>)
        }
        %scan3A_281 = arith.constant 3 : i32
        %dma_wait3A_282 = arith.constant 1 : i32
        %dma_wait3A_283 = arith.constant 6 : i32
        %dma_wait3A_284 = arith.constant 0 : i32
        %dma_wait3A_285 = arith.constant 0 : i32
        %dma_wait3A_286 = tpu.memref_slice %arg6[%dma_wait3A_282, %dma_wait3A_284, %dma_wait3A_285] : memref<2x8x128xi32, #tpu.memory_space<vmem>> -> memref<1x8x128xi32, #tpu.memory_space<vmem>>
        %dma_wait3A_287 = tpu.memref_squeeze %dma_wait3A_286 : memref<1x8x128xi32, #tpu.memory_space<vmem>> -> memref<8x128xi32, #tpu.memory_space<vmem>>
        %dma_wait3A_288 = arith.constant 0 : i32
        %dma_wait3A_289 = tpu.memref_slice %dma_wait3A_287[%dma_wait3A_283, %dma_wait3A_288] : memref<8x128xi32, #tpu.memory_space<vmem>> -> memref<1x128xi32, #tpu.memory_space<vmem>>
        %dma_wait3A_290 = tpu.memref_squeeze %dma_wait3A_289 : memref<1x128xi32, #tpu.memory_space<vmem>> -> memref<128xi32, #tpu.memory_space<vmem>>
        %dma_wait3A_291 = arith.constant 0 : i32
        %dma_wait3A_292 = arith.constant 0 : i32
        %dma_wait3A_293 = tpu.memref_slice %arg2[%dma_wait3A_291, %dma_wait3A_292] : memref<10000x128xf32, #tpu.memory_space<hbm>> -> memref<10000x128xf32, #tpu.memory_space<hbm>>
        tpu.wait_indirect_dma semaphore(%arg11 : memref<!tpu.dma_semaphore, #tpu.memory_space<semaphore_mem>>) src(%dma_wait3A_293 : memref<10000x128xf32, #tpu.memory_space<hbm>>) dst(%arg8 : memref<128x128xf32, #tpu.memory_space<vmem>>)
        %dma_start3A_294 = arith.constant 1 : i32
        %dma_start3A_295 = arith.constant 6 : i32
        %dma_start3A_296 = arith.constant 0 : i32
        %dma_start3A_297 = arith.constant 0 : i32
        %dma_start3A_298 = tpu.memref_slice %arg7[%dma_start3A_294, %dma_start3A_296, %dma_start3A_297] : memref<2x8x128xi32, #tpu.memory_space<vmem>> -> memref<1x8x128xi32, #tpu.memory_space<vmem>>
        %dma_start3A_299 = tpu.memref_squeeze %dma_start3A_298 : memref<1x8x128xi32, #tpu.memory_space<vmem>> -> memref<8x128xi32, #tpu.memory_space<vmem>>
        %dma_start3A_300 = arith.constant 0 : i32
        %dma_start3A_301 = tpu.memref_slice %dma_start3A_299[%dma_start3A_295, %dma_start3A_300] : memref<8x128xi32, #tpu.memory_space<vmem>> -> memref<1x128xi32, #tpu.memory_space<vmem>>
        %dma_start3A_302 = tpu.memref_squeeze %dma_start3A_301 : memref<1x128xi32, #tpu.memory_space<vmem>> -> memref<128xi32, #tpu.memory_space<vmem>>
        %dma_start3A_303 = arith.constant 0 : i32
        %dma_start3A_304 = arith.constant 0 : i32
        %dma_start3A_305 = tpu.memref_slice %arg10[%dma_start3A_303, %dma_start3A_304] : memref<10240x128xf32, #tpu.memory_space<vmem_shared>> -> memref<10240x128xf32, #tpu.memory_space<vmem_shared>>
        tpu.enqueue_indirect_dma source(%arg8 : memref<128x128xf32, #tpu.memory_space<vmem>>) target(%dma_start3A_305 : memref<10240x128xf32, #tpu.memory_space<vmem_shared>>) offsets(%dma_start3A_302 : memref<128xi32, #tpu.memory_space<vmem>>) semaphore(%arg15 : memref<!tpu.dma_semaphore, #tpu.memory_space<semaphore_mem>>) {add = true}
        %dma_wait3A_306 = arith.constant 1 : i32
        %dma_wait3A_307 = arith.constant 7 : i32
        %dma_wait3A_308 = arith.constant 0 : i32
        %dma_wait3A_309 = arith.constant 0 : i32
        %dma_wait3A_310 = tpu.memref_slice %arg6[%dma_wait3A_306, %dma_wait3A_308, %dma_wait3A_309] : memref<2x8x128xi32, #tpu.memory_space<vmem>> -> memref<1x8x128xi32, #tpu.memory_space<vmem>>
        %dma_wait3A_311 = tpu.memref_squeeze %dma_wait3A_310 : memref<1x8x128xi32, #tpu.memory_space<vmem>> -> memref<8x128xi32, #tpu.memory_space<vmem>>
        %dma_wait3A_312 = arith.constant 0 : i32
        %dma_wait3A_313 = tpu.memref_slice %dma_wait3A_311[%dma_wait3A_307, %dma_wait3A_312] : memref<8x128xi32, #tpu.memory_space<vmem>> -> memref<1x128xi32, #tpu.memory_space<vmem>>
        %dma_wait3A_314 = tpu.memref_squeeze %dma_wait3A_313 : memref<1x128xi32, #tpu.memory_space<vmem>> -> memref<128xi32, #tpu.memory_space<vmem>>
        %dma_wait3A_315 = arith.constant 0 : i32
        %dma_wait3A_316 = arith.constant 0 : i32
        %dma_wait3A_317 = tpu.memref_slice %arg2[%dma_wait3A_315, %dma_wait3A_316] : memref<10000x128xf32, #tpu.memory_space<hbm>> -> memref<10000x128xf32, #tpu.memory_space<hbm>>
        tpu.wait_indirect_dma semaphore(%arg12 : memref<!tpu.dma_semaphore, #tpu.memory_space<semaphore_mem>>) src(%dma_wait3A_317 : memref<10000x128xf32, #tpu.memory_space<hbm>>) dst(%arg9 : memref<128x128xf32, #tpu.memory_space<vmem>>)
        %dma_start3A_318 = arith.constant 1 : i32
        %dma_start3A_319 = arith.constant 7 : i32
        %dma_start3A_320 = arith.constant 0 : i32
        %dma_start3A_321 = arith.constant 0 : i32
        %dma_start3A_322 = tpu.memref_slice %arg7[%dma_start3A_318, %dma_start3A_320, %dma_start3A_321] : memref<2x8x128xi32, #tpu.memory_space<vmem>> -> memref<1x8x128xi32, #tpu.memory_space<vmem>>
        %dma_start3A_323 = tpu.memref_squeeze %dma_start3A_322 : memref<1x8x128xi32, #tpu.memory_space<vmem>> -> memref<8x128xi32, #tpu.memory_space<vmem>>
        %dma_start3A_324 = arith.constant 0 : i32
        %dma_start3A_325 = tpu.memref_slice %dma_start3A_323[%dma_start3A_319, %dma_start3A_324] : memref<8x128xi32, #tpu.memory_space<vmem>> -> memref<1x128xi32, #tpu.memory_space<vmem>>
        %dma_start3A_326 = tpu.memref_squeeze %dma_start3A_325 : memref<1x128xi32, #tpu.memory_space<vmem>> -> memref<128xi32, #tpu.memory_space<vmem>>
        %dma_start3A_327 = arith.constant 0 : i32
        %dma_start3A_328 = arith.constant 0 : i32
        %dma_start3A_329 = tpu.memref_slice %arg10[%dma_start3A_327, %dma_start3A_328] : memref<10240x128xf32, #tpu.memory_space<vmem_shared>> -> memref<10240x128xf32, #tpu.memory_space<vmem_shared>>
        tpu.enqueue_indirect_dma source(%arg9 : memref<128x128xf32, #tpu.memory_space<vmem>>) target(%dma_start3A_329 : memref<10240x128xf32, #tpu.memory_space<vmem_shared>>) offsets(%dma_start3A_326 : memref<128xi32, #tpu.memory_space<vmem>>) semaphore(%arg16 : memref<!tpu.dma_semaphore, #tpu.memory_space<semaphore_mem>>) {add = true}
        %dma_wait3A_330 = arith.constant 1 : i32
        %dma_wait3A_331 = arith.constant 6 : i32
        %dma_wait3A_332 = arith.constant 0 : i32
        %dma_wait3A_333 = arith.constant 0 : i32
        %dma_wait3A_334 = tpu.memref_slice %arg7[%dma_wait3A_330, %dma_wait3A_332, %dma_wait3A_333] : memref<2x8x128xi32, #tpu.memory_space<vmem>> -> memref<1x8x128xi32, #tpu.memory_space<vmem>>
        %dma_wait3A_335 = tpu.memref_squeeze %dma_wait3A_334 : memref<1x8x128xi32, #tpu.memory_space<vmem>> -> memref<8x128xi32, #tpu.memory_space<vmem>>
        %dma_wait3A_336 = arith.constant 0 : i32
        %dma_wait3A_337 = tpu.memref_slice %dma_wait3A_335[%dma_wait3A_331, %dma_wait3A_336] : memref<8x128xi32, #tpu.memory_space<vmem>> -> memref<1x128xi32, #tpu.memory_space<vmem>>
        %dma_wait3A_338 = tpu.memref_squeeze %dma_wait3A_337 : memref<1x128xi32, #tpu.memory_space<vmem>> -> memref<128xi32, #tpu.memory_space<vmem>>
        %dma_wait3A_339 = arith.constant 0 : i32
        %dma_wait3A_340 = arith.constant 0 : i32
        %dma_wait3A_341 = tpu.memref_slice %arg10[%dma_wait3A_339, %dma_wait3A_340] : memref<10240x128xf32, #tpu.memory_space<vmem_shared>> -> memref<10240x128xf32, #tpu.memory_space<vmem_shared>>
        tpu.wait_indirect_dma semaphore(%arg15 : memref<!tpu.dma_semaphore, #tpu.memory_space<semaphore_mem>>) src(%arg8 : memref<128x128xf32, #tpu.memory_space<vmem>>) dst(%dma_wait3A_341 : memref<10240x128xf32, #tpu.memory_space<vmem_shared>>)
        %dma_wait3A_342 = arith.constant 1 : i32
        %dma_wait3A_343 = arith.constant 7 : i32
        %dma_wait3A_344 = arith.constant 0 : i32
        %dma_wait3A_345 = arith.constant 0 : i32
        %dma_wait3A_346 = tpu.memref_slice %arg7[%dma_wait3A_342, %dma_wait3A_344, %dma_wait3A_345] : memref<2x8x128xi32, #tpu.memory_space<vmem>> -> memref<1x8x128xi32, #tpu.memory_space<vmem>>
        %dma_wait3A_347 = tpu.memref_squeeze %dma_wait3A_346 : memref<1x8x128xi32, #tpu.memory_space<vmem>> -> memref<8x128xi32, #tpu.memory_space<vmem>>
        %dma_wait3A_348 = arith.constant 0 : i32
        %dma_wait3A_349 = tpu.memref_slice %dma_wait3A_347[%dma_wait3A_343, %dma_wait3A_348] : memref<8x128xi32, #tpu.memory_space<vmem>> -> memref<1x128xi32, #tpu.memory_space<vmem>>
        %dma_wait3A_350 = tpu.memref_squeeze %dma_wait3A_349 : memref<1x128xi32, #tpu.memory_space<vmem>> -> memref<128xi32, #tpu.memory_space<vmem>>
        %dma_wait3A_351 = arith.constant 0 : i32
        %dma_wait3A_352 = arith.constant 0 : i32
        %dma_wait3A_353 = tpu.memref_slice %arg10[%dma_wait3A_351, %dma_wait3A_352] : memref<10240x128xf32, #tpu.memory_space<vmem_shared>> -> memref<10240x128xf32, #tpu.memory_space<vmem_shared>>
        tpu.wait_indirect_dma semaphore(%arg16 : memref<!tpu.dma_semaphore, #tpu.memory_space<semaphore_mem>>) src(%arg9 : memref<128x128xf32, #tpu.memory_space<vmem>>) dst(%dma_wait3A_353 : memref<10240x128xf32, #tpu.memory_space<vmem_shared>>)
      }
      %scan3A_60 = arith.constant 5 : i32
    } else {
    }
    %eq3A_11 = arith.constant 1 : i32
    %eq3A_12 = arith.cmpi eq, %arg0, %eq3A_11 : i32
    %convert_element_type3A_13 = arith.extui %eq3A_12 : i1 to i32
    %cond3A_14 = arith.constant 0 : i32
    %cond3A_15 = arith.cmpi ne, %convert_element_type3A_13, %cond3A_14 : i32
    scf.if %cond3A_15 {
      %mul3A_25 = arith.constant 80 : i32
      %mul3A_26 = arith.muli %arg1, %mul3A_25 : i32
      %add3A = arith.constant 1280 : i32
      %add3A_27 = arith.addi %add3A, %mul3A_26 : i32
      %add3A_28 = arith.constant 0 : i32
      %add3A_29 = arith.addi %add3A_27, %add3A_28 : i32
      %multiple_of3A = tpu.assume_multiple %add3A_29, 8 : i32
      %dma_start3A = arith.constant 0 : i32
      %dma_start3A_30 = arith.constant 0 : i32
      %dma_start3A_31 = arith.constant 0 : i32
      %dma_start3A_32 = tpu.memref_slice %arg6[%dma_start3A, %dma_start3A_30, %dma_start3A_31] : memref<2x8x128xi32, #tpu.memory_space<vmem>> -> memref<1x8x128xi32, #tpu.memory_space<vmem>>
      %dma_start3A_33 = tpu.memref_squeeze %dma_start3A_32 : memref<1x8x128xi32, #tpu.memory_space<vmem>> -> memref<8x128xi32, #tpu.memory_space<vmem>>
      %dma_start3A_34 = arith.constant 0 : i32
      %dma_start3A_35 = tpu.memref_slice %arg3[%multiple_of3A, %dma_start3A_34] : memref<2560x128xi32, #tpu.memory_space<hbm>> -> memref<8x128xi32, #tpu.memory_space<hbm>>
      %dma_start3A_36 = arith.constant 0 : i32
      %dma_start3A_37 = arith.constant 0 : i32
      %dma_start3A_38 = tpu.memref_slice %arg6[%dma_start3A, %dma_start3A_36, %dma_start3A_37] : memref<2x8x128xi32, #tpu.memory_space<vmem>> -> memref<1x8x128xi32, #tpu.memory_space<vmem>>
      %dma_start3A_39 = tpu.memref_squeeze %dma_start3A_38 : memref<1x8x128xi32, #tpu.memory_space<vmem>> -> memref<8x128xi32, #tpu.memory_space<vmem>>
      %dma_start3A_40 = arith.constant 0 : i32
      %dma_start3A_41 = tpu.memref_slice %arg3[%multiple_of3A, %dma_start3A_40] : memref<2560x128xi32, #tpu.memory_space<hbm>> -> memref<8x128xi32, #tpu.memory_space<hbm>>
      tpu.enqueue_dma source(%dma_start3A_41 : memref<8x128xi32, #tpu.memory_space<hbm>>) target(%dma_start3A_39 : memref<8x128xi32, #tpu.memory_space<vmem>>) target_semaphore(%arg13 : memref<!tpu.dma_semaphore, #tpu.memory_space<semaphore_mem>>)
      %add3A_42 = arith.constant 0 : i32
      %add3A_43 = arith.addi %add3A_27, %add3A_42 : i32
      %multiple_of3A_44 = tpu.assume_multiple %add3A_43, 8 : i32
      %dma_start3A_45 = arith.constant 0 : i32
      %dma_start3A_46 = arith.constant 0 : i32
      %dma_start3A_47 = arith.constant 0 : i32
      %dma_start3A_48 = tpu.memref_slice %arg7[%dma_start3A_45, %dma_start3A_46, %dma_start3A_47] : memref<2x8x128xi32, #tpu.memory_space<vmem>> -> memref<1x8x128xi32, #tpu.memory_space<vmem>>
      %dma_start3A_49 = tpu.memref_squeeze %dma_start3A_48 : memref<1x8x128xi32, #tpu.memory_space<vmem>> -> memref<8x128xi32, #tpu.memory_space<vmem>>
      %dma_start3A_50 = arith.constant 0 : i32
      %dma_start3A_51 = tpu.memref_slice %arg4[%multiple_of3A_44, %dma_start3A_50] : memref<2560x128xi32, #tpu.memory_space<hbm>> -> memref<8x128xi32, #tpu.memory_space<hbm>>
      %dma_start3A_52 = arith.constant 0 : i32
      %dma_start3A_53 = arith.constant 0 : i32
      %dma_start3A_54 = tpu.memref_slice %arg7[%dma_start3A_45, %dma_start3A_52, %dma_start3A_53] : memref<2x8x128xi32, #tpu.memory_space<vmem>> -> memref<1x8x128xi32, #tpu.memory_space<vmem>>
      %dma_start3A_55 = tpu.memref_squeeze %dma_start3A_54 : memref<1x8x128xi32, #tpu.memory_space<vmem>> -> memref<8x128xi32, #tpu.memory_space<vmem>>
      %dma_start3A_56 = arith.constant 0 : i32
      %dma_start3A_57 = tpu.memref_slice %arg4[%multiple_of3A_44, %dma_start3A_56] : memref<2560x128xi32, #tpu.memory_space<hbm>> -> memref<8x128xi32, #tpu.memory_space<hbm>>
      tpu.enqueue_dma source(%dma_start3A_57 : memref<8x128xi32, #tpu.memory_space<hbm>>) target(%dma_start3A_55 : memref<8x128xi32, #tpu.memory_space<vmem>>) target_semaphore(%arg14 : memref<!tpu.dma_semaphore, #tpu.memory_space<semaphore_mem>>)
      %scan3A_58 = arith.constant 0 : i32
      %scan3A_59 = arith.constant 5 : i32
      %scan3A_60 = arith.addi %scan3A_58, %scan3A_59 : i32
      %scan3A_61 = arith.constant 1 : i32
      scf.for %scan3A_63 = %scan3A_58 to %scan3A_60 step %scan3A_61  : i32 {
        %mul3A_64 = arith.constant 2 : i32
        %mul3A_65 = arith.muli %scan3A_63, %mul3A_64 : i32
        %add3A_66 = arith.constant 0 : i32
        %add3A_67 = arith.addi %add3A_66, %mul3A_65 : i32
        %mul3A_68 = arith.constant 8 : i32
        %mul3A_69 = arith.muli %add3A_67, %mul3A_68 : i32
        %add3A_70 = arith.addi %add3A_27, %mul3A_69 : i32
        %multiple_of3A_71 = tpu.assume_multiple %add3A_70, 8 : i32
        %dma_wait3A = arith.constant 0 : i32
        %dma_wait3A_72 = arith.constant 0 : i32
        %dma_wait3A_73 = arith.constant 0 : i32
        %dma_wait3A_74 = tpu.memref_slice %arg6[%dma_wait3A, %dma_wait3A_72, %dma_wait3A_73] : memref<2x8x128xi32, #tpu.memory_space<vmem>> -> memref<1x8x128xi32, #tpu.memory_space<vmem>>
        %dma_wait3A_75 = tpu.memref_squeeze %dma_wait3A_74 : memref<1x8x128xi32, #tpu.memory_space<vmem>> -> memref<8x128xi32, #tpu.memory_space<vmem>>
        %dma_wait3A_76 = arith.constant 0 : i32
        %dma_wait3A_77 = tpu.memref_slice %arg3[%multiple_of3A_71, %dma_wait3A_76] : memref<2560x128xi32, #tpu.memory_space<hbm>> -> memref<8x128xi32, #tpu.memory_space<hbm>>
        %dma_wait3A_78 = arith.constant 0 : i32
        %dma_wait3A_79 = arith.constant 0 : i32
        %dma_wait3A_80 = tpu.memref_slice %arg6[%dma_wait3A, %dma_wait3A_78, %dma_wait3A_79] : memref<2x8x128xi32, #tpu.memory_space<vmem>> -> memref<1x8x128xi32, #tpu.memory_space<vmem>>
        %dma_wait3A_81 = tpu.memref_squeeze %dma_wait3A_80 : memref<1x8x128xi32, #tpu.memory_space<vmem>> -> memref<8x128xi32, #tpu.memory_space<vmem>>
        %dma_wait3A_82 = arith.constant 0 : i32
        %dma_wait3A_83 = tpu.memref_slice %arg3[%multiple_of3A_71, %dma_wait3A_82] : memref<2560x128xi32, #tpu.memory_space<hbm>> -> memref<8x128xi32, #tpu.memory_space<hbm>>
        tpu.wait_dma2 semaphore(%arg13 : memref<!tpu.dma_semaphore, #tpu.memory_space<semaphore_mem>>) src(%dma_wait3A_83 : memref<8x128xi32, #tpu.memory_space<hbm>>) dst(%dma_wait3A_81 : memref<8x128xi32, #tpu.memory_space<vmem>>)
        %mul3A_84 = arith.constant 8 : i32
        %mul3A_85 = arith.muli %add3A_67, %mul3A_84 : i32
        %add3A_86 = arith.addi %add3A_27, %mul3A_85 : i32
        %multiple_of3A_87 = tpu.assume_multiple %add3A_86, 8 : i32
        %dma_wait3A_88 = arith.constant 0 : i32
        %dma_wait3A_89 = arith.constant 0 : i32
        %dma_wait3A_90 = arith.constant 0 : i32
        %dma_wait3A_91 = tpu.memref_slice %arg7[%dma_wait3A_88, %dma_wait3A_89, %dma_wait3A_90] : memref<2x8x128xi32, #tpu.memory_space<vmem>> -> memref<1x8x128xi32, #tpu.memory_space<vmem>>
        %dma_wait3A_92 = tpu.memref_squeeze %dma_wait3A_91 : memref<1x8x128xi32, #tpu.memory_space<vmem>> -> memref<8x128xi32, #tpu.memory_space<vmem>>
        %dma_wait3A_93 = arith.constant 0 : i32
        %dma_wait3A_94 = tpu.memref_slice %arg4[%multiple_of3A_87, %dma_wait3A_93] : memref<2560x128xi32, #tpu.memory_space<hbm>> -> memref<8x128xi32, #tpu.memory_space<hbm>>
        %dma_wait3A_95 = arith.constant 0 : i32
        %dma_wait3A_96 = arith.constant 0 : i32
        %dma_wait3A_97 = tpu.memref_slice %arg7[%dma_wait3A_88, %dma_wait3A_95, %dma_wait3A_96] : memref<2x8x128xi32, #tpu.memory_space<vmem>> -> memref<1x8x128xi32, #tpu.memory_space<vmem>>
        %dma_wait3A_98 = tpu.memref_squeeze %dma_wait3A_97 : memref<1x8x128xi32, #tpu.memory_space<vmem>> -> memref<8x128xi32, #tpu.memory_space<vmem>>
        %dma_wait3A_99 = arith.constant 0 : i32
        %dma_wait3A_100 = tpu.memref_slice %arg4[%multiple_of3A_87, %dma_wait3A_99] : memref<2560x128xi32, #tpu.memory_space<hbm>> -> memref<8x128xi32, #tpu.memory_space<hbm>>
        tpu.wait_dma2 semaphore(%arg14 : memref<!tpu.dma_semaphore, #tpu.memory_space<semaphore_mem>>) src(%dma_wait3A_100 : memref<8x128xi32, #tpu.memory_space<hbm>>) dst(%dma_wait3A_98 : memref<8x128xi32, #tpu.memory_space<vmem>>)
        %add3A_101 = arith.constant 1 : i32
        %add3A_102 = arith.addi %add3A_67, %add3A_101 : i32
        %lt3A = arith.constant 10 : i32
        %lt3A_103 = arith.cmpi slt, %add3A_102, %lt3A : i32
        %convert_element_type3A_104 = arith.extui %lt3A_103 : i1 to i32
        %cond3A_105 = arith.constant 0 : i32
        %cond3A_106 = arith.cmpi ne, %convert_element_type3A_104, %cond3A_105 : i32
        scf.if %cond3A_106 {
          %add3A_356 = arith.constant 1 : i32
          %add3A_357 = arith.addi %add3A_67, %add3A_356 : i32
          %mul3A_358 = arith.constant 8 : i32
          %mul3A_359 = arith.muli %add3A_357, %mul3A_358 : i32
          %add3A_360 = arith.addi %add3A_27, %mul3A_359 : i32
          %multiple_of3A_361 = tpu.assume_multiple %add3A_360, 8 : i32
          %dma_start3A_362 = arith.constant 1 : i32
          %dma_start3A_363 = arith.constant 0 : i32
          %dma_start3A_364 = arith.constant 0 : i32
          %dma_start3A_365 = tpu.memref_slice %arg6[%dma_start3A_362, %dma_start3A_363, %dma_start3A_364] : memref<2x8x128xi32, #tpu.memory_space<vmem>> -> memref<1x8x128xi32, #tpu.memory_space<vmem>>
          %dma_start3A_366 = tpu.memref_squeeze %dma_start3A_365 : memref<1x8x128xi32, #tpu.memory_space<vmem>> -> memref<8x128xi32, #tpu.memory_space<vmem>>
          %dma_start3A_367 = arith.constant 0 : i32
          %dma_start3A_368 = tpu.memref_slice %arg3[%multiple_of3A_361, %dma_start3A_367] : memref<2560x128xi32, #tpu.memory_space<hbm>> -> memref<8x128xi32, #tpu.memory_space<hbm>>
          %dma_start3A_369 = arith.constant 0 : i32
          %dma_start3A_370 = arith.constant 0 : i32
          %dma_start3A_371 = tpu.memref_slice %arg6[%dma_start3A_362, %dma_start3A_369, %dma_start3A_370] : memref<2x8x128xi32, #tpu.memory_space<vmem>> -> memref<1x8x128xi32, #tpu.memory_space<vmem>>
          %dma_start3A_372 = tpu.memref_squeeze %dma_start3A_371 : memref<1x8x128xi32, #tpu.memory_space<vmem>> -> memref<8x128xi32, #tpu.memory_space<vmem>>
          %dma_start3A_373 = arith.constant 0 : i32
          %dma_start3A_374 = tpu.memref_slice %arg3[%multiple_of3A_361, %dma_start3A_373] : memref<2560x128xi32, #tpu.memory_space<hbm>> -> memref<8x128xi32, #tpu.memory_space<hbm>>
          tpu.enqueue_dma source(%dma_start3A_374 : memref<8x128xi32, #tpu.memory_space<hbm>>) target(%dma_start3A_372 : memref<8x128xi32, #tpu.memory_space<vmem>>) target_semaphore(%arg13 : memref<!tpu.dma_semaphore, #tpu.memory_space<semaphore_mem>>)
          %add3A_375 = arith.constant 1 : i32
          %add3A_376 = arith.addi %add3A_67, %add3A_375 : i32
          %mul3A_377 = arith.constant 8 : i32
          %mul3A_378 = arith.muli %add3A_376, %mul3A_377 : i32
          %add3A_379 = arith.addi %add3A_27, %mul3A_378 : i32
          %multiple_of3A_380 = tpu.assume_multiple %add3A_379, 8 : i32
          %dma_start3A_381 = arith.constant 1 : i32
          %dma_start3A_382 = arith.constant 0 : i32
          %dma_start3A_383 = arith.constant 0 : i32
          %dma_start3A_384 = tpu.memref_slice %arg7[%dma_start3A_381, %dma_start3A_382, %dma_start3A_383] : memref<2x8x128xi32, #tpu.memory_space<vmem>> -> memref<1x8x128xi32, #tpu.memory_space<vmem>>
          %dma_start3A_385 = tpu.memref_squeeze %dma_start3A_384 : memref<1x8x128xi32, #tpu.memory_space<vmem>> -> memref<8x128xi32, #tpu.memory_space<vmem>>
          %dma_start3A_386 = arith.constant 0 : i32
          %dma_start3A_387 = tpu.memref_slice %arg4[%multiple_of3A_380, %dma_start3A_386] : memref<2560x128xi32, #tpu.memory_space<hbm>> -> memref<8x128xi32, #tpu.memory_space<hbm>>
          %dma_start3A_388 = arith.constant 0 : i32
          %dma_start3A_389 = arith.constant 0 : i32
          %dma_start3A_390 = tpu.memref_slice %arg7[%dma_start3A_381, %dma_start3A_388, %dma_start3A_389] : memref<2x8x128xi32, #tpu.memory_space<vmem>> -> memref<1x8x128xi32, #tpu.memory_space<vmem>>
          %dma_start3A_391 = tpu.memref_squeeze %dma_start3A_390 : memref<1x8x128xi32, #tpu.memory_space<vmem>> -> memref<8x128xi32, #tpu.memory_space<vmem>>
          %dma_start3A_392 = arith.constant 0 : i32
          %dma_start3A_393 = tpu.memref_slice %arg4[%multiple_of3A_380, %dma_start3A_392] : memref<2560x128xi32, #tpu.memory_space<hbm>> -> memref<8x128xi32, #tpu.memory_space<hbm>>
          tpu.enqueue_dma source(%dma_start3A_393 : memref<8x128xi32, #tpu.memory_space<hbm>>) target(%dma_start3A_391 : memref<8x128xi32, #tpu.memory_space<vmem>>) target_semaphore(%arg14 : memref<!tpu.dma_semaphore, #tpu.memory_space<semaphore_mem>>)
        } else {
        }
        %dma_start3A_107 = arith.constant 0 : i32
        %dma_start3A_108 = arith.constant 0 : i32
        %dma_start3A_109 = arith.constant 0 : i32
        %dma_start3A_110 = arith.constant 0 : i32
        %dma_start3A_111 = tpu.memref_slice %arg6[%dma_start3A_107, %dma_start3A_109, %dma_start3A_110] : memref<2x8x128xi32, #tpu.memory_space<vmem>> -> memref<1x8x128xi32, #tpu.memory_space<vmem>>
        %dma_start3A_112 = tpu.memref_squeeze %dma_start3A_111 : memref<1x8x128xi32, #tpu.memory_space<vmem>> -> memref<8x128xi32, #tpu.memory_space<vmem>>
        %dma_start3A_113 = arith.constant 0 : i32
        %dma_start3A_114 = tpu.memref_slice %dma_start3A_112[%dma_start3A_108, %dma_start3A_113] : memref<8x128xi32, #tpu.memory_space<vmem>> -> memref<1x128xi32, #tpu.memory_space<vmem>>
        %dma_start3A_115 = tpu.memref_squeeze %dma_start3A_114 : memref<1x128xi32, #tpu.memory_space<vmem>> -> memref<128xi32, #tpu.memory_space<vmem>>
        %dma_start3A_116 = arith.constant 0 : i32
        %dma_start3A_117 = arith.constant 0 : i32
        %dma_start3A_118 = tpu.memref_slice %arg2[%dma_start3A_116, %dma_start3A_117] : memref<10000x128xf32, #tpu.memory_space<hbm>> -> memref<10000x128xf32, #tpu.memory_space<hbm>>
        tpu.enqueue_indirect_dma source(%dma_start3A_118 : memref<10000x128xf32, #tpu.memory_space<hbm>>) target(%arg8 : memref<128x128xf32, #tpu.memory_space<vmem>>) offsets(%dma_start3A_115 : memref<128xi32, #tpu.memory_space<vmem>>) semaphore(%arg11 : memref<!tpu.dma_semaphore, #tpu.memory_space<semaphore_mem>>)
        %dma_start3A_119 = arith.constant 0 : i32
        %dma_start3A_120 = arith.constant 1 : i32
        %dma_start3A_121 = arith.constant 0 : i32
        %dma_start3A_122 = arith.constant 0 : i32
        %dma_start3A_123 = tpu.memref_slice %arg6[%dma_start3A_119, %dma_start3A_121, %dma_start3A_122] : memref<2x8x128xi32, #tpu.memory_space<vmem>> -> memref<1x8x128xi32, #tpu.memory_space<vmem>>
        %dma_start3A_124 = tpu.memref_squeeze %dma_start3A_123 : memref<1x8x128xi32, #tpu.memory_space<vmem>> -> memref<8x128xi32, #tpu.memory_space<vmem>>
        %dma_start3A_125 = arith.constant 0 : i32
        %dma_start3A_126 = tpu.memref_slice %dma_start3A_124[%dma_start3A_120, %dma_start3A_125] : memref<8x128xi32, #tpu.memory_space<vmem>> -> memref<1x128xi32, #tpu.memory_space<vmem>>
        %dma_start3A_127 = tpu.memref_squeeze %dma_start3A_126 : memref<1x128xi32, #tpu.memory_space<vmem>> -> memref<128xi32, #tpu.memory_space<vmem>>
        %dma_start3A_128 = arith.constant 0 : i32
        %dma_start3A_129 = arith.constant 0 : i32
        %dma_start3A_130 = tpu.memref_slice %arg2[%dma_start3A_128, %dma_start3A_129] : memref<10000x128xf32, #tpu.memory_space<hbm>> -> memref<10000x128xf32, #tpu.memory_space<hbm>>
        tpu.enqueue_indirect_dma source(%dma_start3A_130 : memref<10000x128xf32, #tpu.memory_space<hbm>>) target(%arg9 : memref<128x128xf32, #tpu.memory_space<vmem>>) offsets(%dma_start3A_127 : memref<128xi32, #tpu.memory_space<vmem>>) semaphore(%arg12 : memref<!tpu.dma_semaphore, #tpu.memory_space<semaphore_mem>>)
        %scan3A_131 = arith.constant 0 : i32
        %scan3A_132 = arith.constant 0 : i32
        %scan3A_133 = arith.constant 0 : i32
        %scan3A_134 = arith.constant 3 : i32
        %scan3A_135 = arith.addi %scan3A_133, %scan3A_134 : i32
        %scan3A_136 = arith.constant 1 : i32
        scf.for %scan3A_356 = %scan3A_133 to %scan3A_135 step %scan3A_136  : i32 {
          %mul3A_357 = arith.constant 2 : i32
          %mul3A_358 = arith.muli %scan3A_356, %mul3A_357 : i32
          %add3A_359 = arith.constant 0 : i32
          %add3A_360 = arith.addi %add3A_359, %mul3A_358 : i32
          %dma_wait3A_361 = arith.constant 0 : i32
          %dma_wait3A_362 = arith.constant 0 : i32
          %dma_wait3A_363 = tpu.memref_slice %arg6[%scan3A_131, %dma_wait3A_361, %dma_wait3A_362] : memref<2x8x128xi32, #tpu.memory_space<vmem>> -> memref<1x8x128xi32, #tpu.memory_space<vmem>>
          %dma_wait3A_364 = tpu.memref_squeeze %dma_wait3A_363 : memref<1x8x128xi32, #tpu.memory_space<vmem>> -> memref<8x128xi32, #tpu.memory_space<vmem>>
          %dma_wait3A_365 = arith.constant 0 : i32
          %dma_wait3A_366 = tpu.memref_slice %dma_wait3A_364[%add3A_360, %dma_wait3A_365] : memref<8x128xi32, #tpu.memory_space<vmem>> -> memref<1x128xi32, #tpu.memory_space<vmem>>
          %dma_wait3A_367 = tpu.memref_squeeze %dma_wait3A_366 : memref<1x128xi32, #tpu.memory_space<vmem>> -> memref<128xi32, #tpu.memory_space<vmem>>
          %dma_wait3A_368 = arith.constant 0 : i32
          %dma_wait3A_369 = arith.constant 0 : i32
          %dma_wait3A_370 = tpu.memref_slice %arg2[%dma_wait3A_368, %dma_wait3A_369] : memref<10000x128xf32, #tpu.memory_space<hbm>> -> memref<10000x128xf32, #tpu.memory_space<hbm>>
          tpu.wait_indirect_dma semaphore(%arg11 : memref<!tpu.dma_semaphore, #tpu.memory_space<semaphore_mem>>) src(%dma_wait3A_370 : memref<10000x128xf32, #tpu.memory_space<hbm>>) dst(%arg8 : memref<128x128xf32, #tpu.memory_space<vmem>>)
          %dma_start3A_371 = arith.constant 0 : i32
          %dma_start3A_372 = arith.constant 0 : i32
          %dma_start3A_373 = tpu.memref_slice %arg7[%scan3A_132, %dma_start3A_371, %dma_start3A_372] : memref<2x8x128xi32, #tpu.memory_space<vmem>> -> memref<1x8x128xi32, #tpu.memory_space<vmem>>
          %dma_start3A_374 = tpu.memref_squeeze %dma_start3A_373 : memref<1x8x128xi32, #tpu.memory_space<vmem>> -> memref<8x128xi32, #tpu.memory_space<vmem>>
          %dma_start3A_375 = arith.constant 0 : i32
          %dma_start3A_376 = tpu.memref_slice %dma_start3A_374[%add3A_360, %dma_start3A_375] : memref<8x128xi32, #tpu.memory_space<vmem>> -> memref<1x128xi32, #tpu.memory_space<vmem>>
          %dma_start3A_377 = tpu.memref_squeeze %dma_start3A_376 : memref<1x128xi32, #tpu.memory_space<vmem>> -> memref<128xi32, #tpu.memory_space<vmem>>
          %dma_start3A_378 = arith.constant 0 : i32
          %dma_start3A_379 = arith.constant 0 : i32
          %dma_start3A_380 = tpu.memref_slice %arg10[%dma_start3A_378, %dma_start3A_379] : memref<10240x128xf32, #tpu.memory_space<vmem_shared>> -> memref<10240x128xf32, #tpu.memory_space<vmem_shared>>
          tpu.enqueue_indirect_dma source(%arg8 : memref<128x128xf32, #tpu.memory_space<vmem>>) target(%dma_start3A_380 : memref<10240x128xf32, #tpu.memory_space<vmem_shared>>) offsets(%dma_start3A_377 : memref<128xi32, #tpu.memory_space<vmem>>) semaphore(%arg15 : memref<!tpu.dma_semaphore, #tpu.memory_space<semaphore_mem>>) {add = true}
          %add3A_381 = arith.constant 1 : i32
          %add3A_382 = arith.addi %add3A_360, %add3A_381 : i32
          %dma_wait3A_383 = arith.constant 0 : i32
          %dma_wait3A_384 = arith.constant 0 : i32
          %dma_wait3A_385 = tpu.memref_slice %arg6[%scan3A_131, %dma_wait3A_383, %dma_wait3A_384] : memref<2x8x128xi32, #tpu.memory_space<vmem>> -> memref<1x8x128xi32, #tpu.memory_space<vmem>>
          %dma_wait3A_386 = tpu.memref_squeeze %dma_wait3A_385 : memref<1x8x128xi32, #tpu.memory_space<vmem>> -> memref<8x128xi32, #tpu.memory_space<vmem>>
          %dma_wait3A_387 = arith.constant 0 : i32
          %dma_wait3A_388 = tpu.memref_slice %dma_wait3A_386[%add3A_382, %dma_wait3A_387] : memref<8x128xi32, #tpu.memory_space<vmem>> -> memref<1x128xi32, #tpu.memory_space<vmem>>
          %dma_wait3A_389 = tpu.memref_squeeze %dma_wait3A_388 : memref<1x128xi32, #tpu.memory_space<vmem>> -> memref<128xi32, #tpu.memory_space<vmem>>
          %dma_wait3A_390 = arith.constant 0 : i32
          %dma_wait3A_391 = arith.constant 0 : i32
          %dma_wait3A_392 = tpu.memref_slice %arg2[%dma_wait3A_390, %dma_wait3A_391] : memref<10000x128xf32, #tpu.memory_space<hbm>> -> memref<10000x128xf32, #tpu.memory_space<hbm>>
          tpu.wait_indirect_dma semaphore(%arg12 : memref<!tpu.dma_semaphore, #tpu.memory_space<semaphore_mem>>) src(%dma_wait3A_392 : memref<10000x128xf32, #tpu.memory_space<hbm>>) dst(%arg9 : memref<128x128xf32, #tpu.memory_space<vmem>>)
          %add3A_393 = arith.constant 1 : i32
          %add3A_394 = arith.addi %add3A_360, %add3A_393 : i32
          %dma_start3A_395 = arith.constant 0 : i32
          %dma_start3A_396 = arith.constant 0 : i32
          %dma_start3A_397 = tpu.memref_slice %arg7[%scan3A_132, %dma_start3A_395, %dma_start3A_396] : memref<2x8x128xi32, #tpu.memory_space<vmem>> -> memref<1x8x128xi32, #tpu.memory_space<vmem>>
          %dma_start3A_398 = tpu.memref_squeeze %dma_start3A_397 : memref<1x8x128xi32, #tpu.memory_space<vmem>> -> memref<8x128xi32, #tpu.memory_space<vmem>>
          %dma_start3A_399 = arith.constant 0 : i32
          %dma_start3A_400 = tpu.memref_slice %dma_start3A_398[%add3A_394, %dma_start3A_399] : memref<8x128xi32, #tpu.memory_space<vmem>> -> memref<1x128xi32, #tpu.memory_space<vmem>>
          %dma_start3A_401 = tpu.memref_squeeze %dma_start3A_400 : memref<1x128xi32, #tpu.memory_space<vmem>> -> memref<128xi32, #tpu.memory_space<vmem>>
          %dma_start3A_402 = arith.constant 0 : i32
          %dma_start3A_403 = arith.constant 0 : i32
          %dma_start3A_404 = tpu.memref_slice %arg10[%dma_start3A_402, %dma_start3A_403] : memref<10240x128xf32, #tpu.memory_space<vmem_shared>> -> memref<10240x128xf32, #tpu.memory_space<vmem_shared>>
          tpu.enqueue_indirect_dma source(%arg9 : memref<128x128xf32, #tpu.memory_space<vmem>>) target(%dma_start3A_404 : memref<10240x128xf32, #tpu.memory_space<vmem_shared>>) offsets(%dma_start3A_401 : memref<128xi32, #tpu.memory_space<vmem>>) semaphore(%arg16 : memref<!tpu.dma_semaphore, #tpu.memory_space<semaphore_mem>>) {add = true}
          %dma_wait3A_405 = arith.constant 0 : i32
          %dma_wait3A_406 = arith.constant 0 : i32
          %dma_wait3A_407 = tpu.memref_slice %arg7[%scan3A_132, %dma_wait3A_405, %dma_wait3A_406] : memref<2x8x128xi32, #tpu.memory_space<vmem>> -> memref<1x8x128xi32, #tpu.memory_space<vmem>>
          %dma_wait3A_408 = tpu.memref_squeeze %dma_wait3A_407 : memref<1x8x128xi32, #tpu.memory_space<vmem>> -> memref<8x128xi32, #tpu.memory_space<vmem>>
          %dma_wait3A_409 = arith.constant 0 : i32
          %dma_wait3A_410 = tpu.memref_slice %dma_wait3A_408[%add3A_360, %dma_wait3A_409] : memref<8x128xi32, #tpu.memory_space<vmem>> -> memref<1x128xi32, #tpu.memory_space<vmem>>
          %dma_wait3A_411 = tpu.memref_squeeze %dma_wait3A_410 : memref<1x128xi32, #tpu.memory_space<vmem>> -> memref<128xi32, #tpu.memory_space<vmem>>
          %dma_wait3A_412 = arith.constant 0 : i32
          %dma_wait3A_413 = arith.constant 0 : i32
          %dma_wait3A_414 = tpu.memref_slice %arg10[%dma_wait3A_412, %dma_wait3A_413] : memref<10240x128xf32, #tpu.memory_space<vmem_shared>> -> memref<10240x128xf32, #tpu.memory_space<vmem_shared>>
          tpu.wait_indirect_dma semaphore(%arg15 : memref<!tpu.dma_semaphore, #tpu.memory_space<semaphore_mem>>) src(%arg8 : memref<128x128xf32, #tpu.memory_space<vmem>>) dst(%dma_wait3A_414 : memref<10240x128xf32, #tpu.memory_space<vmem_shared>>)
          %add3A_415 = arith.constant 2 : i32
          %add3A_416 = arith.addi %add3A_360, %add3A_415 : i32
          %dma_start3A_417 = arith.constant 0 : i32
          %dma_start3A_418 = arith.constant 0 : i32
          %dma_start3A_419 = tpu.memref_slice %arg6[%scan3A_131, %dma_start3A_417, %dma_start3A_418] : memref<2x8x128xi32, #tpu.memory_space<vmem>> -> memref<1x8x128xi32, #tpu.memory_space<vmem>>
          %dma_start3A_420 = tpu.memref_squeeze %dma_start3A_419 : memref<1x8x128xi32, #tpu.memory_space<vmem>> -> memref<8x128xi32, #tpu.memory_space<vmem>>
          %dma_start3A_421 = arith.constant 0 : i32
          %dma_start3A_422 = tpu.memref_slice %dma_start3A_420[%add3A_416, %dma_start3A_421] : memref<8x128xi32, #tpu.memory_space<vmem>> -> memref<1x128xi32, #tpu.memory_space<vmem>>
          %dma_start3A_423 = tpu.memref_squeeze %dma_start3A_422 : memref<1x128xi32, #tpu.memory_space<vmem>> -> memref<128xi32, #tpu.memory_space<vmem>>
          %dma_start3A_424 = arith.constant 0 : i32
          %dma_start3A_425 = arith.constant 0 : i32
          %dma_start3A_426 = tpu.memref_slice %arg2[%dma_start3A_424, %dma_start3A_425] : memref<10000x128xf32, #tpu.memory_space<hbm>> -> memref<10000x128xf32, #tpu.memory_space<hbm>>
          tpu.enqueue_indirect_dma source(%dma_start3A_426 : memref<10000x128xf32, #tpu.memory_space<hbm>>) target(%arg8 : memref<128x128xf32, #tpu.memory_space<vmem>>) offsets(%dma_start3A_423 : memref<128xi32, #tpu.memory_space<vmem>>) semaphore(%arg11 : memref<!tpu.dma_semaphore, #tpu.memory_space<semaphore_mem>>)
          %add3A_427 = arith.constant 1 : i32
          %add3A_428 = arith.addi %add3A_360, %add3A_427 : i32
          %dma_wait3A_429 = arith.constant 0 : i32
          %dma_wait3A_430 = arith.constant 0 : i32
          %dma_wait3A_431 = tpu.memref_slice %arg7[%scan3A_132, %dma_wait3A_429, %dma_wait3A_430] : memref<2x8x128xi32, #tpu.memory_space<vmem>> -> memref<1x8x128xi32, #tpu.memory_space<vmem>>
          %dma_wait3A_432 = tpu.memref_squeeze %dma_wait3A_431 : memref<1x8x128xi32, #tpu.memory_space<vmem>> -> memref<8x128xi32, #tpu.memory_space<vmem>>
          %dma_wait3A_433 = arith.constant 0 : i32
          %dma_wait3A_434 = tpu.memref_slice %dma_wait3A_432[%add3A_428, %dma_wait3A_433] : memref<8x128xi32, #tpu.memory_space<vmem>> -> memref<1x128xi32, #tpu.memory_space<vmem>>
          %dma_wait3A_435 = tpu.memref_squeeze %dma_wait3A_434 : memref<1x128xi32, #tpu.memory_space<vmem>> -> memref<128xi32, #tpu.memory_space<vmem>>
          %dma_wait3A_436 = arith.constant 0 : i32
          %dma_wait3A_437 = arith.constant 0 : i32
          %dma_wait3A_438 = tpu.memref_slice %arg10[%dma_wait3A_436, %dma_wait3A_437] : memref<10240x128xf32, #tpu.memory_space<vmem_shared>> -> memref<10240x128xf32, #tpu.memory_space<vmem_shared>>
          tpu.wait_indirect_dma semaphore(%arg16 : memref<!tpu.dma_semaphore, #tpu.memory_space<semaphore_mem>>) src(%arg9 : memref<128x128xf32, #tpu.memory_space<vmem>>) dst(%dma_wait3A_438 : memref<10240x128xf32, #tpu.memory_space<vmem_shared>>)
          %add3A_439 = arith.constant 3 : i32
          %add3A_440 = arith.addi %add3A_360, %add3A_439 : i32
          %dma_start3A_441 = arith.constant 0 : i32
          %dma_start3A_442 = arith.constant 0 : i32
          %dma_start3A_443 = tpu.memref_slice %arg6[%scan3A_131, %dma_start3A_441, %dma_start3A_442] : memref<2x8x128xi32, #tpu.memory_space<vmem>> -> memref<1x8x128xi32, #tpu.memory_space<vmem>>
          %dma_start3A_444 = tpu.memref_squeeze %dma_start3A_443 : memref<1x8x128xi32, #tpu.memory_space<vmem>> -> memref<8x128xi32, #tpu.memory_space<vmem>>
          %dma_start3A_445 = arith.constant 0 : i32
          %dma_start3A_446 = tpu.memref_slice %dma_start3A_444[%add3A_440, %dma_start3A_445] : memref<8x128xi32, #tpu.memory_space<vmem>> -> memref<1x128xi32, #tpu.memory_space<vmem>>
          %dma_start3A_447 = tpu.memref_squeeze %dma_start3A_446 : memref<1x128xi32, #tpu.memory_space<vmem>> -> memref<128xi32, #tpu.memory_space<vmem>>
          %dma_start3A_448 = arith.constant 0 : i32
          %dma_start3A_449 = arith.constant 0 : i32
          %dma_start3A_450 = tpu.memref_slice %arg2[%dma_start3A_448, %dma_start3A_449] : memref<10000x128xf32, #tpu.memory_space<hbm>> -> memref<10000x128xf32, #tpu.memory_space<hbm>>
          tpu.enqueue_indirect_dma source(%dma_start3A_450 : memref<10000x128xf32, #tpu.memory_space<hbm>>) target(%arg9 : memref<128x128xf32, #tpu.memory_space<vmem>>) offsets(%dma_start3A_447 : memref<128xi32, #tpu.memory_space<vmem>>) semaphore(%arg12 : memref<!tpu.dma_semaphore, #tpu.memory_space<semaphore_mem>>)
        }
        %scan3A_137 = arith.constant 3 : i32
        %dma_wait3A_138 = arith.constant 0 : i32
        %dma_wait3A_139 = arith.constant 6 : i32
        %dma_wait3A_140 = arith.constant 0 : i32
        %dma_wait3A_141 = arith.constant 0 : i32
        %dma_wait3A_142 = tpu.memref_slice %arg6[%dma_wait3A_138, %dma_wait3A_140, %dma_wait3A_141] : memref<2x8x128xi32, #tpu.memory_space<vmem>> -> memref<1x8x128xi32, #tpu.memory_space<vmem>>
        %dma_wait3A_143 = tpu.memref_squeeze %dma_wait3A_142 : memref<1x8x128xi32, #tpu.memory_space<vmem>> -> memref<8x128xi32, #tpu.memory_space<vmem>>
        %dma_wait3A_144 = arith.constant 0 : i32
        %dma_wait3A_145 = tpu.memref_slice %dma_wait3A_143[%dma_wait3A_139, %dma_wait3A_144] : memref<8x128xi32, #tpu.memory_space<vmem>> -> memref<1x128xi32, #tpu.memory_space<vmem>>
        %dma_wait3A_146 = tpu.memref_squeeze %dma_wait3A_145 : memref<1x128xi32, #tpu.memory_space<vmem>> -> memref<128xi32, #tpu.memory_space<vmem>>
        %dma_wait3A_147 = arith.constant 0 : i32
        %dma_wait3A_148 = arith.constant 0 : i32
        %dma_wait3A_149 = tpu.memref_slice %arg2[%dma_wait3A_147, %dma_wait3A_148] : memref<10000x128xf32, #tpu.memory_space<hbm>> -> memref<10000x128xf32, #tpu.memory_space<hbm>>
        tpu.wait_indirect_dma semaphore(%arg11 : memref<!tpu.dma_semaphore, #tpu.memory_space<semaphore_mem>>) src(%dma_wait3A_149 : memref<10000x128xf32, #tpu.memory_space<hbm>>) dst(%arg8 : memref<128x128xf32, #tpu.memory_space<vmem>>)
        %dma_start3A_150 = arith.constant 0 : i32
        %dma_start3A_151 = arith.constant 6 : i32
        %dma_start3A_152 = arith.constant 0 : i32
        %dma_start3A_153 = arith.constant 0 : i32
        %dma_start3A_154 = tpu.memref_slice %arg7[%dma_start3A_150, %dma_start3A_152, %dma_start3A_153] : memref<2x8x128xi32, #tpu.memory_space<vmem>> -> memref<1x8x128xi32, #tpu.memory_space<vmem>>
        %dma_start3A_155 = tpu.memref_squeeze %dma_start3A_154 : memref<1x8x128xi32, #tpu.memory_space<vmem>> -> memref<8x128xi32, #tpu.memory_space<vmem>>
        %dma_start3A_156 = arith.constant 0 : i32
        %dma_start3A_157 = tpu.memref_slice %dma_start3A_155[%dma_start3A_151, %dma_start3A_156] : memref<8x128xi32, #tpu.memory_space<vmem>> -> memref<1x128xi32, #tpu.memory_space<vmem>>
        %dma_start3A_158 = tpu.memref_squeeze %dma_start3A_157 : memref<1x128xi32, #tpu.memory_space<vmem>> -> memref<128xi32, #tpu.memory_space<vmem>>
        %dma_start3A_159 = arith.constant 0 : i32
        %dma_start3A_160 = arith.constant 0 : i32
        %dma_start3A_161 = tpu.memref_slice %arg10[%dma_start3A_159, %dma_start3A_160] : memref<10240x128xf32, #tpu.memory_space<vmem_shared>> -> memref<10240x128xf32, #tpu.memory_space<vmem_shared>>
        tpu.enqueue_indirect_dma source(%arg8 : memref<128x128xf32, #tpu.memory_space<vmem>>) target(%dma_start3A_161 : memref<10240x128xf32, #tpu.memory_space<vmem_shared>>) offsets(%dma_start3A_158 : memref<128xi32, #tpu.memory_space<vmem>>) semaphore(%arg15 : memref<!tpu.dma_semaphore, #tpu.memory_space<semaphore_mem>>) {add = true}
        %dma_wait3A_162 = arith.constant 0 : i32
        %dma_wait3A_163 = arith.constant 7 : i32
        %dma_wait3A_164 = arith.constant 0 : i32
        %dma_wait3A_165 = arith.constant 0 : i32
        %dma_wait3A_166 = tpu.memref_slice %arg6[%dma_wait3A_162, %dma_wait3A_164, %dma_wait3A_165] : memref<2x8x128xi32, #tpu.memory_space<vmem>> -> memref<1x8x128xi32, #tpu.memory_space<vmem>>
        %dma_wait3A_167 = tpu.memref_squeeze %dma_wait3A_166 : memref<1x8x128xi32, #tpu.memory_space<vmem>> -> memref<8x128xi32, #tpu.memory_space<vmem>>
        %dma_wait3A_168 = arith.constant 0 : i32
        %dma_wait3A_169 = tpu.memref_slice %dma_wait3A_167[%dma_wait3A_163, %dma_wait3A_168] : memref<8x128xi32, #tpu.memory_space<vmem>> -> memref<1x128xi32, #tpu.memory_space<vmem>>
        %dma_wait3A_170 = tpu.memref_squeeze %dma_wait3A_169 : memref<1x128xi32, #tpu.memory_space<vmem>> -> memref<128xi32, #tpu.memory_space<vmem>>
        %dma_wait3A_171 = arith.constant 0 : i32
        %dma_wait3A_172 = arith.constant 0 : i32
        %dma_wait3A_173 = tpu.memref_slice %arg2[%dma_wait3A_171, %dma_wait3A_172] : memref<10000x128xf32, #tpu.memory_space<hbm>> -> memref<10000x128xf32, #tpu.memory_space<hbm>>
        tpu.wait_indirect_dma semaphore(%arg12 : memref<!tpu.dma_semaphore, #tpu.memory_space<semaphore_mem>>) src(%dma_wait3A_173 : memref<10000x128xf32, #tpu.memory_space<hbm>>) dst(%arg9 : memref<128x128xf32, #tpu.memory_space<vmem>>)
        %dma_start3A_174 = arith.constant 0 : i32
        %dma_start3A_175 = arith.constant 7 : i32
        %dma_start3A_176 = arith.constant 0 : i32
        %dma_start3A_177 = arith.constant 0 : i32
        %dma_start3A_178 = tpu.memref_slice %arg7[%dma_start3A_174, %dma_start3A_176, %dma_start3A_177] : memref<2x8x128xi32, #tpu.memory_space<vmem>> -> memref<1x8x128xi32, #tpu.memory_space<vmem>>
        %dma_start3A_179 = tpu.memref_squeeze %dma_start3A_178 : memref<1x8x128xi32, #tpu.memory_space<vmem>> -> memref<8x128xi32, #tpu.memory_space<vmem>>
        %dma_start3A_180 = arith.constant 0 : i32
        %dma_start3A_181 = tpu.memref_slice %dma_start3A_179[%dma_start3A_175, %dma_start3A_180] : memref<8x128xi32, #tpu.memory_space<vmem>> -> memref<1x128xi32, #tpu.memory_space<vmem>>
        %dma_start3A_182 = tpu.memref_squeeze %dma_start3A_181 : memref<1x128xi32, #tpu.memory_space<vmem>> -> memref<128xi32, #tpu.memory_space<vmem>>
        %dma_start3A_183 = arith.constant 0 : i32
        %dma_start3A_184 = arith.constant 0 : i32
        %dma_start3A_185 = tpu.memref_slice %arg10[%dma_start3A_183, %dma_start3A_184] : memref<10240x128xf32, #tpu.memory_space<vmem_shared>> -> memref<10240x128xf32, #tpu.memory_space<vmem_shared>>
        tpu.enqueue_indirect_dma source(%arg9 : memref<128x128xf32, #tpu.memory_space<vmem>>) target(%dma_start3A_185 : memref<10240x128xf32, #tpu.memory_space<vmem_shared>>) offsets(%dma_start3A_182 : memref<128xi32, #tpu.memory_space<vmem>>) semaphore(%arg16 : memref<!tpu.dma_semaphore, #tpu.memory_space<semaphore_mem>>) {add = true}
        %dma_wait3A_186 = arith.constant 0 : i32
        %dma_wait3A_187 = arith.constant 6 : i32
        %dma_wait3A_188 = arith.constant 0 : i32
        %dma_wait3A_189 = arith.constant 0 : i32
        %dma_wait3A_190 = tpu.memref_slice %arg7[%dma_wait3A_186, %dma_wait3A_188, %dma_wait3A_189] : memref<2x8x128xi32, #tpu.memory_space<vmem>> -> memref<1x8x128xi32, #tpu.memory_space<vmem>>
        %dma_wait3A_191 = tpu.memref_squeeze %dma_wait3A_190 : memref<1x8x128xi32, #tpu.memory_space<vmem>> -> memref<8x128xi32, #tpu.memory_space<vmem>>
        %dma_wait3A_192 = arith.constant 0 : i32
        %dma_wait3A_193 = tpu.memref_slice %dma_wait3A_191[%dma_wait3A_187, %dma_wait3A_192] : memref<8x128xi32, #tpu.memory_space<vmem>> -> memref<1x128xi32, #tpu.memory_space<vmem>>
        %dma_wait3A_194 = tpu.memref_squeeze %dma_wait3A_193 : memref<1x128xi32, #tpu.memory_space<vmem>> -> memref<128xi32, #tpu.memory_space<vmem>>
        %dma_wait3A_195 = arith.constant 0 : i32
        %dma_wait3A_196 = arith.constant 0 : i32
        %dma_wait3A_197 = tpu.memref_slice %arg10[%dma_wait3A_195, %dma_wait3A_196] : memref<10240x128xf32, #tpu.memory_space<vmem_shared>> -> memref<10240x128xf32, #tpu.memory_space<vmem_shared>>
        tpu.wait_indirect_dma semaphore(%arg15 : memref<!tpu.dma_semaphore, #tpu.memory_space<semaphore_mem>>) src(%arg8 : memref<128x128xf32, #tpu.memory_space<vmem>>) dst(%dma_wait3A_197 : memref<10240x128xf32, #tpu.memory_space<vmem_shared>>)
        %dma_wait3A_198 = arith.constant 0 : i32
        %dma_wait3A_199 = arith.constant 7 : i32
        %dma_wait3A_200 = arith.constant 0 : i32
        %dma_wait3A_201 = arith.constant 0 : i32
        %dma_wait3A_202 = tpu.memref_slice %arg7[%dma_wait3A_198, %dma_wait3A_200, %dma_wait3A_201] : memref<2x8x128xi32, #tpu.memory_space<vmem>> -> memref<1x8x128xi32, #tpu.memory_space<vmem>>
        %dma_wait3A_203 = tpu.memref_squeeze %dma_wait3A_202 : memref<1x8x128xi32, #tpu.memory_space<vmem>> -> memref<8x128xi32, #tpu.memory_space<vmem>>
        %dma_wait3A_204 = arith.constant 0 : i32
        %dma_wait3A_205 = tpu.memref_slice %dma_wait3A_203[%dma_wait3A_199, %dma_wait3A_204] : memref<8x128xi32, #tpu.memory_space<vmem>> -> memref<1x128xi32, #tpu.memory_space<vmem>>
        %dma_wait3A_206 = tpu.memref_squeeze %dma_wait3A_205 : memref<1x128xi32, #tpu.memory_space<vmem>> -> memref<128xi32, #tpu.memory_space<vmem>>
        %dma_wait3A_207 = arith.constant 0 : i32
        %dma_wait3A_208 = arith.constant 0 : i32
        %dma_wait3A_209 = tpu.memref_slice %arg10[%dma_wait3A_207, %dma_wait3A_208] : memref<10240x128xf32, #tpu.memory_space<vmem_shared>> -> memref<10240x128xf32, #tpu.memory_space<vmem_shared>>
        tpu.wait_indirect_dma semaphore(%arg16 : memref<!tpu.dma_semaphore, #tpu.memory_space<semaphore_mem>>) src(%arg9 : memref<128x128xf32, #tpu.memory_space<vmem>>) dst(%dma_wait3A_209 : memref<10240x128xf32, #tpu.memory_space<vmem_shared>>)
        %add3A_210 = arith.constant 1 : i32
        %add3A_211 = arith.addi %add3A_67, %add3A_210 : i32
        %mul3A_212 = arith.constant 8 : i32
        %mul3A_213 = arith.muli %add3A_211, %mul3A_212 : i32
        %add3A_214 = arith.addi %add3A_27, %mul3A_213 : i32
        %multiple_of3A_215 = tpu.assume_multiple %add3A_214, 8 : i32
        %dma_wait3A_216 = arith.constant 1 : i32
        %dma_wait3A_217 = arith.constant 0 : i32
        %dma_wait3A_218 = arith.constant 0 : i32
        %dma_wait3A_219 = tpu.memref_slice %arg6[%dma_wait3A_216, %dma_wait3A_217, %dma_wait3A_218] : memref<2x8x128xi32, #tpu.memory_space<vmem>> -> memref<1x8x128xi32, #tpu.memory_space<vmem>>
        %dma_wait3A_220 = tpu.memref_squeeze %dma_wait3A_219 : memref<1x8x128xi32, #tpu.memory_space<vmem>> -> memref<8x128xi32, #tpu.memory_space<vmem>>
        %dma_wait3A_221 = arith.constant 0 : i32
        %dma_wait3A_222 = tpu.memref_slice %arg3[%multiple_of3A_215, %dma_wait3A_221] : memref<2560x128xi32, #tpu.memory_space<hbm>> -> memref<8x128xi32, #tpu.memory_space<hbm>>
        %dma_wait3A_223 = arith.constant 0 : i32
        %dma_wait3A_224 = arith.constant 0 : i32
        %dma_wait3A_225 = tpu.memref_slice %arg6[%dma_wait3A_216, %dma_wait3A_223, %dma_wait3A_224] : memref<2x8x128xi32, #tpu.memory_space<vmem>> -> memref<1x8x128xi32, #tpu.memory_space<vmem>>
        %dma_wait3A_226 = tpu.memref_squeeze %dma_wait3A_225 : memref<1x8x128xi32, #tpu.memory_space<vmem>> -> memref<8x128xi32, #tpu.memory_space<vmem>>
        %dma_wait3A_227 = arith.constant 0 : i32
        %dma_wait3A_228 = tpu.memref_slice %arg3[%multiple_of3A_215, %dma_wait3A_227] : memref<2560x128xi32, #tpu.memory_space<hbm>> -> memref<8x128xi32, #tpu.memory_space<hbm>>
        tpu.wait_dma2 semaphore(%arg13 : memref<!tpu.dma_semaphore, #tpu.memory_space<semaphore_mem>>) src(%dma_wait3A_228 : memref<8x128xi32, #tpu.memory_space<hbm>>) dst(%dma_wait3A_226 : memref<8x128xi32, #tpu.memory_space<vmem>>)
        %mul3A_229 = arith.constant 8 : i32
        %mul3A_230 = arith.muli %add3A_211, %mul3A_229 : i32
        %add3A_231 = arith.addi %add3A_27, %mul3A_230 : i32
        %multiple_of3A_232 = tpu.assume_multiple %add3A_231, 8 : i32
        %dma_wait3A_233 = arith.constant 1 : i32
        %dma_wait3A_234 = arith.constant 0 : i32
        %dma_wait3A_235 = arith.constant 0 : i32
        %dma_wait3A_236 = tpu.memref_slice %arg7[%dma_wait3A_233, %dma_wait3A_234, %dma_wait3A_235] : memref<2x8x128xi32, #tpu.memory_space<vmem>> -> memref<1x8x128xi32, #tpu.memory_space<vmem>>
        %dma_wait3A_237 = tpu.memref_squeeze %dma_wait3A_236 : memref<1x8x128xi32, #tpu.memory_space<vmem>> -> memref<8x128xi32, #tpu.memory_space<vmem>>
        %dma_wait3A_238 = arith.constant 0 : i32
        %dma_wait3A_239 = tpu.memref_slice %arg4[%multiple_of3A_232, %dma_wait3A_238] : memref<2560x128xi32, #tpu.memory_space<hbm>> -> memref<8x128xi32, #tpu.memory_space<hbm>>
        %dma_wait3A_240 = arith.constant 0 : i32
        %dma_wait3A_241 = arith.constant 0 : i32
        %dma_wait3A_242 = tpu.memref_slice %arg7[%dma_wait3A_233, %dma_wait3A_240, %dma_wait3A_241] : memref<2x8x128xi32, #tpu.memory_space<vmem>> -> memref<1x8x128xi32, #tpu.memory_space<vmem>>
        %dma_wait3A_243 = tpu.memref_squeeze %dma_wait3A_242 : memref<1x8x128xi32, #tpu.memory_space<vmem>> -> memref<8x128xi32, #tpu.memory_space<vmem>>
        %dma_wait3A_244 = arith.constant 0 : i32
        %dma_wait3A_245 = tpu.memref_slice %arg4[%multiple_of3A_232, %dma_wait3A_244] : memref<2560x128xi32, #tpu.memory_space<hbm>> -> memref<8x128xi32, #tpu.memory_space<hbm>>
        tpu.wait_dma2 semaphore(%arg14 : memref<!tpu.dma_semaphore, #tpu.memory_space<semaphore_mem>>) src(%dma_wait3A_245 : memref<8x128xi32, #tpu.memory_space<hbm>>) dst(%dma_wait3A_243 : memref<8x128xi32, #tpu.memory_space<vmem>>)
        %add3A_246 = arith.constant 1 : i32
        %add3A_247 = arith.addi %add3A_211, %add3A_246 : i32
        %lt3A_248 = arith.constant 10 : i32
        %lt3A_249 = arith.cmpi slt, %add3A_247, %lt3A_248 : i32
        %convert_element_type3A_250 = arith.extui %lt3A_249 : i1 to i32
        %cond3A_251 = arith.constant 0 : i32
        %cond3A_252 = arith.cmpi ne, %convert_element_type3A_250, %cond3A_251 : i32
        scf.if %cond3A_252 {
          %add3A_356 = arith.constant 1 : i32
          %add3A_357 = arith.addi %add3A_211, %add3A_356 : i32
          %mul3A_358 = arith.constant 8 : i32
          %mul3A_359 = arith.muli %add3A_357, %mul3A_358 : i32
          %add3A_360 = arith.addi %add3A_27, %mul3A_359 : i32
          %multiple_of3A_361 = tpu.assume_multiple %add3A_360, 8 : i32
          %dma_start3A_362 = arith.constant 0 : i32
          %dma_start3A_363 = arith.constant 0 : i32
          %dma_start3A_364 = arith.constant 0 : i32
          %dma_start3A_365 = tpu.memref_slice %arg6[%dma_start3A_362, %dma_start3A_363, %dma_start3A_364] : memref<2x8x128xi32, #tpu.memory_space<vmem>> -> memref<1x8x128xi32, #tpu.memory_space<vmem>>
          %dma_start3A_366 = tpu.memref_squeeze %dma_start3A_365 : memref<1x8x128xi32, #tpu.memory_space<vmem>> -> memref<8x128xi32, #tpu.memory_space<vmem>>
          %dma_start3A_367 = arith.constant 0 : i32
          %dma_start3A_368 = tpu.memref_slice %arg3[%multiple_of3A_361, %dma_start3A_367] : memref<2560x128xi32, #tpu.memory_space<hbm>> -> memref<8x128xi32, #tpu.memory_space<hbm>>
          %dma_start3A_369 = arith.constant 0 : i32
          %dma_start3A_370 = arith.constant 0 : i32
          %dma_start3A_371 = tpu.memref_slice %arg6[%dma_start3A_362, %dma_start3A_369, %dma_start3A_370] : memref<2x8x128xi32, #tpu.memory_space<vmem>> -> memref<1x8x128xi32, #tpu.memory_space<vmem>>
          %dma_start3A_372 = tpu.memref_squeeze %dma_start3A_371 : memref<1x8x128xi32, #tpu.memory_space<vmem>> -> memref<8x128xi32, #tpu.memory_space<vmem>>
          %dma_start3A_373 = arith.constant 0 : i32
          %dma_start3A_374 = tpu.memref_slice %arg3[%multiple_of3A_361, %dma_start3A_373] : memref<2560x128xi32, #tpu.memory_space<hbm>> -> memref<8x128xi32, #tpu.memory_space<hbm>>
          tpu.enqueue_dma source(%dma_start3A_374 : memref<8x128xi32, #tpu.memory_space<hbm>>) target(%dma_start3A_372 : memref<8x128xi32, #tpu.memory_space<vmem>>) target_semaphore(%arg13 : memref<!tpu.dma_semaphore, #tpu.memory_space<semaphore_mem>>)
          %add3A_375 = arith.constant 1 : i32
          %add3A_376 = arith.addi %add3A_211, %add3A_375 : i32
          %mul3A_377 = arith.constant 8 : i32
          %mul3A_378 = arith.muli %add3A_376, %mul3A_377 : i32
          %add3A_379 = arith.addi %add3A_27, %mul3A_378 : i32
          %multiple_of3A_380 = tpu.assume_multiple %add3A_379, 8 : i32
          %dma_start3A_381 = arith.constant 0 : i32
          %dma_start3A_382 = arith.constant 0 : i32
          %dma_start3A_383 = arith.constant 0 : i32
          %dma_start3A_384 = tpu.memref_slice %arg7[%dma_start3A_381, %dma_start3A_382, %dma_start3A_383] : memref<2x8x128xi32, #tpu.memory_space<vmem>> -> memref<1x8x128xi32, #tpu.memory_space<vmem>>
          %dma_start3A_385 = tpu.memref_squeeze %dma_start3A_384 : memref<1x8x128xi32, #tpu.memory_space<vmem>> -> memref<8x128xi32, #tpu.memory_space<vmem>>
          %dma_start3A_386 = arith.constant 0 : i32
          %dma_start3A_387 = tpu.memref_slice %arg4[%multiple_of3A_380, %dma_start3A_386] : memref<2560x128xi32, #tpu.memory_space<hbm>> -> memref<8x128xi32, #tpu.memory_space<hbm>>
          %dma_start3A_388 = arith.constant 0 : i32
          %dma_start3A_389 = arith.constant 0 : i32
          %dma_start3A_390 = tpu.memref_slice %arg7[%dma_start3A_381, %dma_start3A_388, %dma_start3A_389] : memref<2x8x128xi32, #tpu.memory_space<vmem>> -> memref<1x8x128xi32, #tpu.memory_space<vmem>>
          %dma_start3A_391 = tpu.memref_squeeze %dma_start3A_390 : memref<1x8x128xi32, #tpu.memory_space<vmem>> -> memref<8x128xi32, #tpu.memory_space<vmem>>
          %dma_start3A_392 = arith.constant 0 : i32
          %dma_start3A_393 = tpu.memref_slice %arg4[%multiple_of3A_380, %dma_start3A_392] : memref<2560x128xi32, #tpu.memory_space<hbm>> -> memref<8x128xi32, #tpu.memory_space<hbm>>
          tpu.enqueue_dma source(%dma_start3A_393 : memref<8x128xi32, #tpu.memory_space<hbm>>) target(%dma_start3A_391 : memref<8x128xi32, #tpu.memory_space<vmem>>) target_semaphore(%arg14 : memref<!tpu.dma_semaphore, #tpu.memory_space<semaphore_mem>>)
        } else {
        }
        %dma_start3A_253 = arith.constant 1 : i32
        %dma_start3A_254 = arith.constant 0 : i32
        %dma_start3A_255 = arith.constant 0 : i32
        %dma_start3A_256 = arith.constant 0 : i32
        %dma_start3A_257 = tpu.memref_slice %arg6[%dma_start3A_253, %dma_start3A_255, %dma_start3A_256] : memref<2x8x128xi32, #tpu.memory_space<vmem>> -> memref<1x8x128xi32, #tpu.memory_space<vmem>>
        %dma_start3A_258 = tpu.memref_squeeze %dma_start3A_257 : memref<1x8x128xi32, #tpu.memory_space<vmem>> -> memref<8x128xi32, #tpu.memory_space<vmem>>
        %dma_start3A_259 = arith.constant 0 : i32
        %dma_start3A_260 = tpu.memref_slice %dma_start3A_258[%dma_start3A_254, %dma_start3A_259] : memref<8x128xi32, #tpu.memory_space<vmem>> -> memref<1x128xi32, #tpu.memory_space<vmem>>
        %dma_start3A_261 = tpu.memref_squeeze %dma_start3A_260 : memref<1x128xi32, #tpu.memory_space<vmem>> -> memref<128xi32, #tpu.memory_space<vmem>>
        %dma_start3A_262 = arith.constant 0 : i32
        %dma_start3A_263 = arith.constant 0 : i32
        %dma_start3A_264 = tpu.memref_slice %arg2[%dma_start3A_262, %dma_start3A_263] : memref<10000x128xf32, #tpu.memory_space<hbm>> -> memref<10000x128xf32, #tpu.memory_space<hbm>>
        tpu.enqueue_indirect_dma source(%dma_start3A_264 : memref<10000x128xf32, #tpu.memory_space<hbm>>) target(%arg8 : memref<128x128xf32, #tpu.memory_space<vmem>>) offsets(%dma_start3A_261 : memref<128xi32, #tpu.memory_space<vmem>>) semaphore(%arg11 : memref<!tpu.dma_semaphore, #tpu.memory_space<semaphore_mem>>)
        %dma_start3A_265 = arith.constant 1 : i32
        %dma_start3A_266 = arith.constant 1 : i32
        %dma_start3A_267 = arith.constant 0 : i32
        %dma_start3A_268 = arith.constant 0 : i32
        %dma_start3A_269 = tpu.memref_slice %arg6[%dma_start3A_265, %dma_start3A_267, %dma_start3A_268] : memref<2x8x128xi32, #tpu.memory_space<vmem>> -> memref<1x8x128xi32, #tpu.memory_space<vmem>>
        %dma_start3A_270 = tpu.memref_squeeze %dma_start3A_269 : memref<1x8x128xi32, #tpu.memory_space<vmem>> -> memref<8x128xi32, #tpu.memory_space<vmem>>
        %dma_start3A_271 = arith.constant 0 : i32
        %dma_start3A_272 = tpu.memref_slice %dma_start3A_270[%dma_start3A_266, %dma_start3A_271] : memref<8x128xi32, #tpu.memory_space<vmem>> -> memref<1x128xi32, #tpu.memory_space<vmem>>
        %dma_start3A_273 = tpu.memref_squeeze %dma_start3A_272 : memref<1x128xi32, #tpu.memory_space<vmem>> -> memref<128xi32, #tpu.memory_space<vmem>>
        %dma_start3A_274 = arith.constant 0 : i32
        %dma_start3A_275 = arith.constant 0 : i32
        %dma_start3A_276 = tpu.memref_slice %arg2[%dma_start3A_274, %dma_start3A_275] : memref<10000x128xf32, #tpu.memory_space<hbm>> -> memref<10000x128xf32, #tpu.memory_space<hbm>>
        tpu.enqueue_indirect_dma source(%dma_start3A_276 : memref<10000x128xf32, #tpu.memory_space<hbm>>) target(%arg9 : memref<128x128xf32, #tpu.memory_space<vmem>>) offsets(%dma_start3A_273 : memref<128xi32, #tpu.memory_space<vmem>>) semaphore(%arg12 : memref<!tpu.dma_semaphore, #tpu.memory_space<semaphore_mem>>)
        %scan3A_277 = arith.constant 1 : i32
        %scan3A_278 = arith.constant 1 : i32
        %scan3A_279 = arith.constant 0 : i32
        %scan3A_280 = arith.constant 3 : i32
        %scan3A_281 = arith.addi %scan3A_279, %scan3A_280 : i32
        %scan3A_282 = arith.constant 1 : i32
        scf.for %scan3A_356 = %scan3A_279 to %scan3A_281 step %scan3A_282  : i32 {
          %mul3A_357 = arith.constant 2 : i32
          %mul3A_358 = arith.muli %scan3A_356, %mul3A_357 : i32
          %add3A_359 = arith.constant 0 : i32
          %add3A_360 = arith.addi %add3A_359, %mul3A_358 : i32
          %dma_wait3A_361 = arith.constant 0 : i32
          %dma_wait3A_362 = arith.constant 0 : i32
          %dma_wait3A_363 = tpu.memref_slice %arg6[%scan3A_277, %dma_wait3A_361, %dma_wait3A_362] : memref<2x8x128xi32, #tpu.memory_space<vmem>> -> memref<1x8x128xi32, #tpu.memory_space<vmem>>
          %dma_wait3A_364 = tpu.memref_squeeze %dma_wait3A_363 : memref<1x8x128xi32, #tpu.memory_space<vmem>> -> memref<8x128xi32, #tpu.memory_space<vmem>>
          %dma_wait3A_365 = arith.constant 0 : i32
          %dma_wait3A_366 = tpu.memref_slice %dma_wait3A_364[%add3A_360, %dma_wait3A_365] : memref<8x128xi32, #tpu.memory_space<vmem>> -> memref<1x128xi32, #tpu.memory_space<vmem>>
          %dma_wait3A_367 = tpu.memref_squeeze %dma_wait3A_366 : memref<1x128xi32, #tpu.memory_space<vmem>> -> memref<128xi32, #tpu.memory_space<vmem>>
          %dma_wait3A_368 = arith.constant 0 : i32
          %dma_wait3A_369 = arith.constant 0 : i32
          %dma_wait3A_370 = tpu.memref_slice %arg2[%dma_wait3A_368, %dma_wait3A_369] : memref<10000x128xf32, #tpu.memory_space<hbm>> -> memref<10000x128xf32, #tpu.memory_space<hbm>>
          tpu.wait_indirect_dma semaphore(%arg11 : memref<!tpu.dma_semaphore, #tpu.memory_space<semaphore_mem>>) src(%dma_wait3A_370 : memref<10000x128xf32, #tpu.memory_space<hbm>>) dst(%arg8 : memref<128x128xf32, #tpu.memory_space<vmem>>)
          %dma_start3A_371 = arith.constant 0 : i32
          %dma_start3A_372 = arith.constant 0 : i32
          %dma_start3A_373 = tpu.memref_slice %arg7[%scan3A_278, %dma_start3A_371, %dma_start3A_372] : memref<2x8x128xi32, #tpu.memory_space<vmem>> -> memref<1x8x128xi32, #tpu.memory_space<vmem>>
          %dma_start3A_374 = tpu.memref_squeeze %dma_start3A_373 : memref<1x8x128xi32, #tpu.memory_space<vmem>> -> memref<8x128xi32, #tpu.memory_space<vmem>>
          %dma_start3A_375 = arith.constant 0 : i32
          %dma_start3A_376 = tpu.memref_slice %dma_start3A_374[%add3A_360, %dma_start3A_375] : memref<8x128xi32, #tpu.memory_space<vmem>> -> memref<1x128xi32, #tpu.memory_space<vmem>>
          %dma_start3A_377 = tpu.memref_squeeze %dma_start3A_376 : memref<1x128xi32, #tpu.memory_space<vmem>> -> memref<128xi32, #tpu.memory_space<vmem>>
          %dma_start3A_378 = arith.constant 0 : i32
          %dma_start3A_379 = arith.constant 0 : i32
          %dma_start3A_380 = tpu.memref_slice %arg10[%dma_start3A_378, %dma_start3A_379] : memref<10240x128xf32, #tpu.memory_space<vmem_shared>> -> memref<10240x128xf32, #tpu.memory_space<vmem_shared>>
          tpu.enqueue_indirect_dma source(%arg8 : memref<128x128xf32, #tpu.memory_space<vmem>>) target(%dma_start3A_380 : memref<10240x128xf32, #tpu.memory_space<vmem_shared>>) offsets(%dma_start3A_377 : memref<128xi32, #tpu.memory_space<vmem>>) semaphore(%arg15 : memref<!tpu.dma_semaphore, #tpu.memory_space<semaphore_mem>>) {add = true}
          %add3A_381 = arith.constant 1 : i32
          %add3A_382 = arith.addi %add3A_360, %add3A_381 : i32
          %dma_wait3A_383 = arith.constant 0 : i32
          %dma_wait3A_384 = arith.constant 0 : i32
          %dma_wait3A_385 = tpu.memref_slice %arg6[%scan3A_277, %dma_wait3A_383, %dma_wait3A_384] : memref<2x8x128xi32, #tpu.memory_space<vmem>> -> memref<1x8x128xi32, #tpu.memory_space<vmem>>
          %dma_wait3A_386 = tpu.memref_squeeze %dma_wait3A_385 : memref<1x8x128xi32, #tpu.memory_space<vmem>> -> memref<8x128xi32, #tpu.memory_space<vmem>>
          %dma_wait3A_387 = arith.constant 0 : i32
          %dma_wait3A_388 = tpu.memref_slice %dma_wait3A_386[%add3A_382, %dma_wait3A_387] : memref<8x128xi32, #tpu.memory_space<vmem>> -> memref<1x128xi32, #tpu.memory_space<vmem>>
          %dma_wait3A_389 = tpu.memref_squeeze %dma_wait3A_388 : memref<1x128xi32, #tpu.memory_space<vmem>> -> memref<128xi32, #tpu.memory_space<vmem>>
          %dma_wait3A_390 = arith.constant 0 : i32
          %dma_wait3A_391 = arith.constant 0 : i32
          %dma_wait3A_392 = tpu.memref_slice %arg2[%dma_wait3A_390, %dma_wait3A_391] : memref<10000x128xf32, #tpu.memory_space<hbm>> -> memref<10000x128xf32, #tpu.memory_space<hbm>>
          tpu.wait_indirect_dma semaphore(%arg12 : memref<!tpu.dma_semaphore, #tpu.memory_space<semaphore_mem>>) src(%dma_wait3A_392 : memref<10000x128xf32, #tpu.memory_space<hbm>>) dst(%arg9 : memref<128x128xf32, #tpu.memory_space<vmem>>)
          %add3A_393 = arith.constant 1 : i32
          %add3A_394 = arith.addi %add3A_360, %add3A_393 : i32
          %dma_start3A_395 = arith.constant 0 : i32
          %dma_start3A_396 = arith.constant 0 : i32
          %dma_start3A_397 = tpu.memref_slice %arg7[%scan3A_278, %dma_start3A_395, %dma_start3A_396] : memref<2x8x128xi32, #tpu.memory_space<vmem>> -> memref<1x8x128xi32, #tpu.memory_space<vmem>>
          %dma_start3A_398 = tpu.memref_squeeze %dma_start3A_397 : memref<1x8x128xi32, #tpu.memory_space<vmem>> -> memref<8x128xi32, #tpu.memory_space<vmem>>
          %dma_start3A_399 = arith.constant 0 : i32
          %dma_start3A_400 = tpu.memref_slice %dma_start3A_398[%add3A_394, %dma_start3A_399] : memref<8x128xi32, #tpu.memory_space<vmem>> -> memref<1x128xi32, #tpu.memory_space<vmem>>
          %dma_start3A_401 = tpu.memref_squeeze %dma_start3A_400 : memref<1x128xi32, #tpu.memory_space<vmem>> -> memref<128xi32, #tpu.memory_space<vmem>>
          %dma_start3A_402 = arith.constant 0 : i32
          %dma_start3A_403 = arith.constant 0 : i32
          %dma_start3A_404 = tpu.memref_slice %arg10[%dma_start3A_402, %dma_start3A_403] : memref<10240x128xf32, #tpu.memory_space<vmem_shared>> -> memref<10240x128xf32, #tpu.memory_space<vmem_shared>>
          tpu.enqueue_indirect_dma source(%arg9 : memref<128x128xf32, #tpu.memory_space<vmem>>) target(%dma_start3A_404 : memref<10240x128xf32, #tpu.memory_space<vmem_shared>>) offsets(%dma_start3A_401 : memref<128xi32, #tpu.memory_space<vmem>>) semaphore(%arg16 : memref<!tpu.dma_semaphore, #tpu.memory_space<semaphore_mem>>) {add = true}
          %dma_wait3A_405 = arith.constant 0 : i32
          %dma_wait3A_406 = arith.constant 0 : i32
          %dma_wait3A_407 = tpu.memref_slice %arg7[%scan3A_278, %dma_wait3A_405, %dma_wait3A_406] : memref<2x8x128xi32, #tpu.memory_space<vmem>> -> memref<1x8x128xi32, #tpu.memory_space<vmem>>
          %dma_wait3A_408 = tpu.memref_squeeze %dma_wait3A_407 : memref<1x8x128xi32, #tpu.memory_space<vmem>> -> memref<8x128xi32, #tpu.memory_space<vmem>>
          %dma_wait3A_409 = arith.constant 0 : i32
          %dma_wait3A_410 = tpu.memref_slice %dma_wait3A_408[%add3A_360, %dma_wait3A_409] : memref<8x128xi32, #tpu.memory_space<vmem>> -> memref<1x128xi32, #tpu.memory_space<vmem>>
          %dma_wait3A_411 = tpu.memref_squeeze %dma_wait3A_410 : memref<1x128xi32, #tpu.memory_space<vmem>> -> memref<128xi32, #tpu.memory_space<vmem>>
          %dma_wait3A_412 = arith.constant 0 : i32
          %dma_wait3A_413 = arith.constant 0 : i32
          %dma_wait3A_414 = tpu.memref_slice %arg10[%dma_wait3A_412, %dma_wait3A_413] : memref<10240x128xf32, #tpu.memory_space<vmem_shared>> -> memref<10240x128xf32, #tpu.memory_space<vmem_shared>>
          tpu.wait_indirect_dma semaphore(%arg15 : memref<!tpu.dma_semaphore, #tpu.memory_space<semaphore_mem>>) src(%arg8 : memref<128x128xf32, #tpu.memory_space<vmem>>) dst(%dma_wait3A_414 : memref<10240x128xf32, #tpu.memory_space<vmem_shared>>)
          %add3A_415 = arith.constant 2 : i32
          %add3A_416 = arith.addi %add3A_360, %add3A_415 : i32
          %dma_start3A_417 = arith.constant 0 : i32
          %dma_start3A_418 = arith.constant 0 : i32
          %dma_start3A_419 = tpu.memref_slice %arg6[%scan3A_277, %dma_start3A_417, %dma_start3A_418] : memref<2x8x128xi32, #tpu.memory_space<vmem>> -> memref<1x8x128xi32, #tpu.memory_space<vmem>>
          %dma_start3A_420 = tpu.memref_squeeze %dma_start3A_419 : memref<1x8x128xi32, #tpu.memory_space<vmem>> -> memref<8x128xi32, #tpu.memory_space<vmem>>
          %dma_start3A_421 = arith.constant 0 : i32
          %dma_start3A_422 = tpu.memref_slice %dma_start3A_420[%add3A_416, %dma_start3A_421] : memref<8x128xi32, #tpu.memory_space<vmem>> -> memref<1x128xi32, #tpu.memory_space<vmem>>
          %dma_start3A_423 = tpu.memref_squeeze %dma_start3A_422 : memref<1x128xi32, #tpu.memory_space<vmem>> -> memref<128xi32, #tpu.memory_space<vmem>>
          %dma_start3A_424 = arith.constant 0 : i32
          %dma_start3A_425 = arith.constant 0 : i32
          %dma_start3A_426 = tpu.memref_slice %arg2[%dma_start3A_424, %dma_start3A_425] : memref<10000x128xf32, #tpu.memory_space<hbm>> -> memref<10000x128xf32, #tpu.memory_space<hbm>>
          tpu.enqueue_indirect_dma source(%dma_start3A_426 : memref<10000x128xf32, #tpu.memory_space<hbm>>) target(%arg8 : memref<128x128xf32, #tpu.memory_space<vmem>>) offsets(%dma_start3A_423 : memref<128xi32, #tpu.memory_space<vmem>>) semaphore(%arg11 : memref<!tpu.dma_semaphore, #tpu.memory_space<semaphore_mem>>)
          %add3A_427 = arith.constant 1 : i32
          %add3A_428 = arith.addi %add3A_360, %add3A_427 : i32
          %dma_wait3A_429 = arith.constant 0 : i32
          %dma_wait3A_430 = arith.constant 0 : i32
          %dma_wait3A_431 = tpu.memref_slice %arg7[%scan3A_278, %dma_wait3A_429, %dma_wait3A_430] : memref<2x8x128xi32, #tpu.memory_space<vmem>> -> memref<1x8x128xi32, #tpu.memory_space<vmem>>
          %dma_wait3A_432 = tpu.memref_squeeze %dma_wait3A_431 : memref<1x8x128xi32, #tpu.memory_space<vmem>> -> memref<8x128xi32, #tpu.memory_space<vmem>>
          %dma_wait3A_433 = arith.constant 0 : i32
          %dma_wait3A_434 = tpu.memref_slice %dma_wait3A_432[%add3A_428, %dma_wait3A_433] : memref<8x128xi32, #tpu.memory_space<vmem>> -> memref<1x128xi32, #tpu.memory_space<vmem>>
          %dma_wait3A_435 = tpu.memref_squeeze %dma_wait3A_434 : memref<1x128xi32, #tpu.memory_space<vmem>> -> memref<128xi32, #tpu.memory_space<vmem>>
          %dma_wait3A_436 = arith.constant 0 : i32
          %dma_wait3A_437 = arith.constant 0 : i32
          %dma_wait3A_438 = tpu.memref_slice %arg10[%dma_wait3A_436, %dma_wait3A_437] : memref<10240x128xf32, #tpu.memory_space<vmem_shared>> -> memref<10240x128xf32, #tpu.memory_space<vmem_shared>>
          tpu.wait_indirect_dma semaphore(%arg16 : memref<!tpu.dma_semaphore, #tpu.memory_space<semaphore_mem>>) src(%arg9 : memref<128x128xf32, #tpu.memory_space<vmem>>) dst(%dma_wait3A_438 : memref<10240x128xf32, #tpu.memory_space<vmem_shared>>)
          %add3A_439 = arith.constant 3 : i32
          %add3A_440 = arith.addi %add3A_360, %add3A_439 : i32
          %dma_start3A_441 = arith.constant 0 : i32
          %dma_start3A_442 = arith.constant 0 : i32
          %dma_start3A_443 = tpu.memref_slice %arg6[%scan3A_277, %dma_start3A_441, %dma_start3A_442] : memref<2x8x128xi32, #tpu.memory_space<vmem>> -> memref<1x8x128xi32, #tpu.memory_space<vmem>>
          %dma_start3A_444 = tpu.memref_squeeze %dma_start3A_443 : memref<1x8x128xi32, #tpu.memory_space<vmem>> -> memref<8x128xi32, #tpu.memory_space<vmem>>
          %dma_start3A_445 = arith.constant 0 : i32
          %dma_start3A_446 = tpu.memref_slice %dma_start3A_444[%add3A_440, %dma_start3A_445] : memref<8x128xi32, #tpu.memory_space<vmem>> -> memref<1x128xi32, #tpu.memory_space<vmem>>
          %dma_start3A_447 = tpu.memref_squeeze %dma_start3A_446 : memref<1x128xi32, #tpu.memory_space<vmem>> -> memref<128xi32, #tpu.memory_space<vmem>>
          %dma_start3A_448 = arith.constant 0 : i32
          %dma_start3A_449 = arith.constant 0 : i32
          %dma_start3A_450 = tpu.memref_slice %arg2[%dma_start3A_448, %dma_start3A_449] : memref<10000x128xf32, #tpu.memory_space<hbm>> -> memref<10000x128xf32, #tpu.memory_space<hbm>>
          tpu.enqueue_indirect_dma source(%dma_start3A_450 : memref<10000x128xf32, #tpu.memory_space<hbm>>) target(%arg9 : memref<128x128xf32, #tpu.memory_space<vmem>>) offsets(%dma_start3A_447 : memref<128xi32, #tpu.memory_space<vmem>>) semaphore(%arg12 : memref<!tpu.dma_semaphore, #tpu.memory_space<semaphore_mem>>)
        }
        %scan3A_283 = arith.constant 3 : i32
        %dma_wait3A_284 = arith.constant 1 : i32
        %dma_wait3A_285 = arith.constant 6 : i32
        %dma_wait3A_286 = arith.constant 0 : i32
        %dma_wait3A_287 = arith.constant 0 : i32
        %dma_wait3A_288 = tpu.memref_slice %arg6[%dma_wait3A_284, %dma_wait3A_286, %dma_wait3A_287] : memref<2x8x128xi32, #tpu.memory_space<vmem>> -> memref<1x8x128xi32, #tpu.memory_space<vmem>>
        %dma_wait3A_289 = tpu.memref_squeeze %dma_wait3A_288 : memref<1x8x128xi32, #tpu.memory_space<vmem>> -> memref<8x128xi32, #tpu.memory_space<vmem>>
        %dma_wait3A_290 = arith.constant 0 : i32
        %dma_wait3A_291 = tpu.memref_slice %dma_wait3A_289[%dma_wait3A_285, %dma_wait3A_290] : memref<8x128xi32, #tpu.memory_space<vmem>> -> memref<1x128xi32, #tpu.memory_space<vmem>>
        %dma_wait3A_292 = tpu.memref_squeeze %dma_wait3A_291 : memref<1x128xi32, #tpu.memory_space<vmem>> -> memref<128xi32, #tpu.memory_space<vmem>>
        %dma_wait3A_293 = arith.constant 0 : i32
        %dma_wait3A_294 = arith.constant 0 : i32
        %dma_wait3A_295 = tpu.memref_slice %arg2[%dma_wait3A_293, %dma_wait3A_294] : memref<10000x128xf32, #tpu.memory_space<hbm>> -> memref<10000x128xf32, #tpu.memory_space<hbm>>
        tpu.wait_indirect_dma semaphore(%arg11 : memref<!tpu.dma_semaphore, #tpu.memory_space<semaphore_mem>>) src(%dma_wait3A_295 : memref<10000x128xf32, #tpu.memory_space<hbm>>) dst(%arg8 : memref<128x128xf32, #tpu.memory_space<vmem>>)
        %dma_start3A_296 = arith.constant 1 : i32
        %dma_start3A_297 = arith.constant 6 : i32
        %dma_start3A_298 = arith.constant 0 : i32
        %dma_start3A_299 = arith.constant 0 : i32
        %dma_start3A_300 = tpu.memref_slice %arg7[%dma_start3A_296, %dma_start3A_298, %dma_start3A_299] : memref<2x8x128xi32, #tpu.memory_space<vmem>> -> memref<1x8x128xi32, #tpu.memory_space<vmem>>
        %dma_start3A_301 = tpu.memref_squeeze %dma_start3A_300 : memref<1x8x128xi32, #tpu.memory_space<vmem>> -> memref<8x128xi32, #tpu.memory_space<vmem>>
        %dma_start3A_302 = arith.constant 0 : i32
        %dma_start3A_303 = tpu.memref_slice %dma_start3A_301[%dma_start3A_297, %dma_start3A_302] : memref<8x128xi32, #tpu.memory_space<vmem>> -> memref<1x128xi32, #tpu.memory_space<vmem>>
        %dma_start3A_304 = tpu.memref_squeeze %dma_start3A_303 : memref<1x128xi32, #tpu.memory_space<vmem>> -> memref<128xi32, #tpu.memory_space<vmem>>
        %dma_start3A_305 = arith.constant 0 : i32
        %dma_start3A_306 = arith.constant 0 : i32
        %dma_start3A_307 = tpu.memref_slice %arg10[%dma_start3A_305, %dma_start3A_306] : memref<10240x128xf32, #tpu.memory_space<vmem_shared>> -> memref<10240x128xf32, #tpu.memory_space<vmem_shared>>
        tpu.enqueue_indirect_dma source(%arg8 : memref<128x128xf32, #tpu.memory_space<vmem>>) target(%dma_start3A_307 : memref<10240x128xf32, #tpu.memory_space<vmem_shared>>) offsets(%dma_start3A_304 : memref<128xi32, #tpu.memory_space<vmem>>) semaphore(%arg15 : memref<!tpu.dma_semaphore, #tpu.memory_space<semaphore_mem>>) {add = true}
        %dma_wait3A_308 = arith.constant 1 : i32
        %dma_wait3A_309 = arith.constant 7 : i32
        %dma_wait3A_310 = arith.constant 0 : i32
        %dma_wait3A_311 = arith.constant 0 : i32
        %dma_wait3A_312 = tpu.memref_slice %arg6[%dma_wait3A_308, %dma_wait3A_310, %dma_wait3A_311] : memref<2x8x128xi32, #tpu.memory_space<vmem>> -> memref<1x8x128xi32, #tpu.memory_space<vmem>>
        %dma_wait3A_313 = tpu.memref_squeeze %dma_wait3A_312 : memref<1x8x128xi32, #tpu.memory_space<vmem>> -> memref<8x128xi32, #tpu.memory_space<vmem>>
        %dma_wait3A_314 = arith.constant 0 : i32
        %dma_wait3A_315 = tpu.memref_slice %dma_wait3A_313[%dma_wait3A_309, %dma_wait3A_314] : memref<8x128xi32, #tpu.memory_space<vmem>> -> memref<1x128xi32, #tpu.memory_space<vmem>>
        %dma_wait3A_316 = tpu.memref_squeeze %dma_wait3A_315 : memref<1x128xi32, #tpu.memory_space<vmem>> -> memref<128xi32, #tpu.memory_space<vmem>>
        %dma_wait3A_317 = arith.constant 0 : i32
        %dma_wait3A_318 = arith.constant 0 : i32
        %dma_wait3A_319 = tpu.memref_slice %arg2[%dma_wait3A_317, %dma_wait3A_318] : memref<10000x128xf32, #tpu.memory_space<hbm>> -> memref<10000x128xf32, #tpu.memory_space<hbm>>
        tpu.wait_indirect_dma semaphore(%arg12 : memref<!tpu.dma_semaphore, #tpu.memory_space<semaphore_mem>>) src(%dma_wait3A_319 : memref<10000x128xf32, #tpu.memory_space<hbm>>) dst(%arg9 : memref<128x128xf32, #tpu.memory_space<vmem>>)
        %dma_start3A_320 = arith.constant 1 : i32
        %dma_start3A_321 = arith.constant 7 : i32
        %dma_start3A_322 = arith.constant 0 : i32
        %dma_start3A_323 = arith.constant 0 : i32
        %dma_start3A_324 = tpu.memref_slice %arg7[%dma_start3A_320, %dma_start3A_322, %dma_start3A_323] : memref<2x8x128xi32, #tpu.memory_space<vmem>> -> memref<1x8x128xi32, #tpu.memory_space<vmem>>
        %dma_start3A_325 = tpu.memref_squeeze %dma_start3A_324 : memref<1x8x128xi32, #tpu.memory_space<vmem>> -> memref<8x128xi32, #tpu.memory_space<vmem>>
        %dma_start3A_326 = arith.constant 0 : i32
        %dma_start3A_327 = tpu.memref_slice %dma_start3A_325[%dma_start3A_321, %dma_start3A_326] : memref<8x128xi32, #tpu.memory_space<vmem>> -> memref<1x128xi32, #tpu.memory_space<vmem>>
        %dma_start3A_328 = tpu.memref_squeeze %dma_start3A_327 : memref<1x128xi32, #tpu.memory_space<vmem>> -> memref<128xi32, #tpu.memory_space<vmem>>
        %dma_start3A_329 = arith.constant 0 : i32
        %dma_start3A_330 = arith.constant 0 : i32
        %dma_start3A_331 = tpu.memref_slice %arg10[%dma_start3A_329, %dma_start3A_330] : memref<10240x128xf32, #tpu.memory_space<vmem_shared>> -> memref<10240x128xf32, #tpu.memory_space<vmem_shared>>
        tpu.enqueue_indirect_dma source(%arg9 : memref<128x128xf32, #tpu.memory_space<vmem>>) target(%dma_start3A_331 : memref<10240x128xf32, #tpu.memory_space<vmem_shared>>) offsets(%dma_start3A_328 : memref<128xi32, #tpu.memory_space<vmem>>) semaphore(%arg16 : memref<!tpu.dma_semaphore, #tpu.memory_space<semaphore_mem>>) {add = true}
        %dma_wait3A_332 = arith.constant 1 : i32
        %dma_wait3A_333 = arith.constant 6 : i32
        %dma_wait3A_334 = arith.constant 0 : i32
        %dma_wait3A_335 = arith.constant 0 : i32
        %dma_wait3A_336 = tpu.memref_slice %arg7[%dma_wait3A_332, %dma_wait3A_334, %dma_wait3A_335] : memref<2x8x128xi32, #tpu.memory_space<vmem>> -> memref<1x8x128xi32, #tpu.memory_space<vmem>>
        %dma_wait3A_337 = tpu.memref_squeeze %dma_wait3A_336 : memref<1x8x128xi32, #tpu.memory_space<vmem>> -> memref<8x128xi32, #tpu.memory_space<vmem>>
        %dma_wait3A_338 = arith.constant 0 : i32
        %dma_wait3A_339 = tpu.memref_slice %dma_wait3A_337[%dma_wait3A_333, %dma_wait3A_338] : memref<8x128xi32, #tpu.memory_space<vmem>> -> memref<1x128xi32, #tpu.memory_space<vmem>>
        %dma_wait3A_340 = tpu.memref_squeeze %dma_wait3A_339 : memref<1x128xi32, #tpu.memory_space<vmem>> -> memref<128xi32, #tpu.memory_space<vmem>>
        %dma_wait3A_341 = arith.constant 0 : i32
        %dma_wait3A_342 = arith.constant 0 : i32
        %dma_wait3A_343 = tpu.memref_slice %arg10[%dma_wait3A_341, %dma_wait3A_342] : memref<10240x128xf32, #tpu.memory_space<vmem_shared>> -> memref<10240x128xf32, #tpu.memory_space<vmem_shared>>
        tpu.wait_indirect_dma semaphore(%arg15 : memref<!tpu.dma_semaphore, #tpu.memory_space<semaphore_mem>>) src(%arg8 : memref<128x128xf32, #tpu.memory_space<vmem>>) dst(%dma_wait3A_343 : memref<10240x128xf32, #tpu.memory_space<vmem_shared>>)
        %dma_wait3A_344 = arith.constant 1 : i32
        %dma_wait3A_345 = arith.constant 7 : i32
        %dma_wait3A_346 = arith.constant 0 : i32
        %dma_wait3A_347 = arith.constant 0 : i32
        %dma_wait3A_348 = tpu.memref_slice %arg7[%dma_wait3A_344, %dma_wait3A_346, %dma_wait3A_347] : memref<2x8x128xi32, #tpu.memory_space<vmem>> -> memref<1x8x128xi32, #tpu.memory_space<vmem>>
        %dma_wait3A_349 = tpu.memref_squeeze %dma_wait3A_348 : memref<1x8x128xi32, #tpu.memory_space<vmem>> -> memref<8x128xi32, #tpu.memory_space<vmem>>
        %dma_wait3A_350 = arith.constant 0 : i32
        %dma_wait3A_351 = tpu.memref_slice %dma_wait3A_349[%dma_wait3A_345, %dma_wait3A_350] : memref<8x128xi32, #tpu.memory_space<vmem>> -> memref<1x128xi32, #tpu.memory_space<vmem>>
        %dma_wait3A_352 = tpu.memref_squeeze %dma_wait3A_351 : memref<1x128xi32, #tpu.memory_space<vmem>> -> memref<128xi32, #tpu.memory_space<vmem>>
        %dma_wait3A_353 = arith.constant 0 : i32
        %dma_wait3A_354 = arith.constant 0 : i32
        %dma_wait3A_355 = tpu.memref_slice %arg10[%dma_wait3A_353, %dma_wait3A_354] : memref<10240x128xf32, #tpu.memory_space<vmem_shared>> -> memref<10240x128xf32, #tpu.memory_space<vmem_shared>>
        tpu.wait_indirect_dma semaphore(%arg16 : memref<!tpu.dma_semaphore, #tpu.memory_space<semaphore_mem>>) src(%arg9 : memref<128x128xf32, #tpu.memory_space<vmem>>) dst(%dma_wait3A_355 : memref<10240x128xf32, #tpu.memory_space<vmem_shared>>)
      }
      %scan3A_62 = arith.constant 5 : i32
    } else {
    }
    %barrier3A_16 = arith.constant 0 : index
    tpu.barrier barrier_id(%barrier3A_16)
    %mul3A = arith.constant 624 : i32
    %mul3A_17 = arith.muli %arg1, %mul3A : i32
    %mul3A_18 = arith.constant 624 : i32
    %mul3A_19 = arith.muli %arg1, %mul3A_18 : i32
    "tpu.region"() ({
      %run_scoped3A = tpu.sem_alloc : memref<!tpu.dma_semaphore, #tpu.memory_space<semaphore_mem>>
      %dma_start3A = arith.constant 0 : i32
      %dma_start3A_25 = arith.constant 0 : i32
      %dma_start3A_26 = tpu.memref_slice %arg5[%arg0, %dma_start3A, %dma_start3A_25] : memref<2x10000x128xf32, #tpu.memory_space<hbm>> -> memref<1x10000x128xf32, #tpu.memory_space<hbm>>
      %dma_start3A_27 = tpu.memref_squeeze %dma_start3A_26 : memref<1x10000x128xf32, #tpu.memory_space<hbm>> -> memref<10000x128xf32, #tpu.memory_space<hbm>>
      %dma_start3A_28 = arith.constant 0 : i32
      %dma_start3A_29 = tpu.memref_slice %dma_start3A_27[%mul3A_19, %dma_start3A_28] : memref<10000x128xf32, #tpu.memory_space<hbm>> -> memref<624x128xf32, #tpu.memory_space<hbm>>
      %dma_start3A_30 = arith.constant 0 : i32
      %dma_start3A_31 = tpu.memref_slice %arg10[%mul3A_17, %dma_start3A_30] : memref<10240x128xf32, #tpu.memory_space<vmem_shared>> -> memref<624x128xf32, #tpu.memory_space<vmem_shared>>
      tpu.enqueue_dma source(%dma_start3A_31 : memref<624x128xf32, #tpu.memory_space<vmem_shared>>) target(%dma_start3A_29 : memref<624x128xf32, #tpu.memory_space<hbm>>) target_semaphore(%run_scoped3A : memref<!tpu.dma_semaphore, #tpu.memory_space<semaphore_mem>>)
      %dma_wait3A = arith.constant 0 : i32
      %dma_wait3A_32 = arith.constant 0 : i32
      %dma_wait3A_33 = tpu.memref_slice %arg5[%arg0, %dma_wait3A, %dma_wait3A_32] : memref<2x10000x128xf32, #tpu.memory_space<hbm>> -> memref<1x10000x128xf32, #tpu.memory_space<hbm>>
      %dma_wait3A_34 = tpu.memref_squeeze %dma_wait3A_33 : memref<1x10000x128xf32, #tpu.memory_space<hbm>> -> memref<10000x128xf32, #tpu.memory_space<hbm>>
      %dma_wait3A_35 = arith.constant 0 : i32
      %dma_wait3A_36 = tpu.memref_slice %dma_wait3A_34[%mul3A_19, %dma_wait3A_35] : memref<10000x128xf32, #tpu.memory_space<hbm>> -> memref<624x128xf32, #tpu.memory_space<hbm>>
      %dma_wait3A_37 = arith.constant 0 : i32
      %dma_wait3A_38 = tpu.memref_slice %arg10[%mul3A_17, %dma_wait3A_37] : memref<10240x128xf32, #tpu.memory_space<vmem_shared>> -> memref<624x128xf32, #tpu.memory_space<vmem_shared>>
      tpu.wait_dma2 semaphore(%run_scoped3A : memref<!tpu.dma_semaphore, #tpu.memory_space<semaphore_mem>>) src(%dma_wait3A_38 : memref<624x128xf32, #tpu.memory_space<vmem_shared>>) dst(%dma_wait3A_36 : memref<624x128xf32, #tpu.memory_space<hbm>>)
      tpu.yield
    }) : () -> ()
    %eq3A_20 = arith.constant 15 : i32
    %eq3A_21 = arith.cmpi eq, %arg1, %eq3A_20 : i32
    %convert_element_type3A_22 = arith.extui %eq3A_21 : i1 to i32
    %cond3A_23 = arith.constant 0 : i32
    %cond3A_24 = arith.cmpi ne, %convert_element_type3A_22, %cond3A_23 : i32
    scf.if %cond3A_24 {
      "tpu.region"() ({
        %run_scoped3A = tpu.sem_alloc : memref<!tpu.dma_semaphore, #tpu.memory_space<semaphore_mem>>
        %dma_start3A = arith.constant 0 : i32
        %dma_start3A_25 = arith.constant 0 : i32
        %dma_start3A_26 = tpu.memref_slice %arg5[%arg0, %dma_start3A, %dma_start3A_25] : memref<2x10000x128xf32, #tpu.memory_space<hbm>> -> memref<1x10000x128xf32, #tpu.memory_space<hbm>>
        %dma_start3A_27 = tpu.memref_squeeze %dma_start3A_26 : memref<1x10000x128xf32, #tpu.memory_space<hbm>> -> memref<10000x128xf32, #tpu.memory_space<hbm>>
        %dma_start3A_28 = arith.constant 9984 : i32
        %dma_start3A_29 = arith.constant 0 : i32
        %dma_start3A_30 = tpu.memref_slice %dma_start3A_27[%dma_start3A_28, %dma_start3A_29] : memref<10000x128xf32, #tpu.memory_space<hbm>> -> memref<16x128xf32, #tpu.memory_space<hbm>>
        %dma_start3A_31 = arith.constant 9984 : i32
        %dma_start3A_32 = arith.constant 0 : i32
        %dma_start3A_33 = tpu.memref_slice %arg10[%dma_start3A_31, %dma_start3A_32] : memref<10240x128xf32, #tpu.memory_space<vmem_shared>> -> memref<16x128xf32, #tpu.memory_space<vmem_shared>>
        tpu.enqueue_dma source(%dma_start3A_33 : memref<16x128xf32, #tpu.memory_space<vmem_shared>>) target(%dma_start3A_30 : memref<16x128xf32, #tpu.memory_space<hbm>>) target_semaphore(%run_scoped3A : memref<!tpu.dma_semaphore, #tpu.memory_space<semaphore_mem>>)
        %dma_wait3A = arith.constant 0 : i32
        %dma_wait3A_34 = arith.constant 0 : i32
        %dma_wait3A_35 = tpu.memref_slice %arg5[%arg0, %dma_wait3A, %dma_wait3A_34] : memref<2x10000x128xf32, #tpu.memory_space<hbm>> -> memref<1x10000x128xf32, #tpu.memory_space<hbm>>
        %dma_wait3A_36 = tpu.memref_squeeze %dma_wait3A_35 : memref<1x10000x128xf32, #tpu.memory_space<hbm>> -> memref<10000x128xf32, #tpu.memory_space<hbm>>
        %dma_wait3A_37 = arith.constant 9984 : i32
        %dma_wait3A_38 = arith.constant 0 : i32
        %dma_wait3A_39 = tpu.memref_slice %dma_wait3A_36[%dma_wait3A_37, %dma_wait3A_38] : memref<10000x128xf32, #tpu.memory_space<hbm>> -> memref<16x128xf32, #tpu.memory_space<hbm>>
        %dma_wait3A_40 = arith.constant 9984 : i32
        %dma_wait3A_41 = arith.constant 0 : i32
        %dma_wait3A_42 = tpu.memref_slice %arg10[%dma_wait3A_40, %dma_wait3A_41] : memref<10240x128xf32, #tpu.memory_space<vmem_shared>> -> memref<16x128xf32, #tpu.memory_space<vmem_shared>>
        tpu.wait_dma2 semaphore(%run_scoped3A : memref<!tpu.dma_semaphore, #tpu.memory_space<semaphore_mem>>) src(%dma_wait3A_42 : memref<16x128xf32, #tpu.memory_space<vmem_shared>>) dst(%dma_wait3A_39 : memref<16x128xf32, #tpu.memory_space<hbm>>)
        tpu.yield
      }) : () -> ()
    } else {
    }
    return
  }
}

module attributes {stable_mosaic.version = 14 : i64} {
  func.func @_lin_body(%arg0: i32, %arg1: memref<1000x128xf32, #tpu.memory_space<vmem>>, %arg2: memref<128x128xf32, #tpu.memory_space<vmem>>, %arg3: memref<1x128xf32, #tpu.memory_space<vmem>>, %arg4: memref<1000x128xf32, #tpu.memory_space<vmem>>) attributes {dimension_semantics = [#tpu.dimension_semantics<arbitrary>], iteration_bounds = array<i64: 10>, scalar_prefetch = 0 : i64, scratch_operands = 0 : i64, tpu.core_type = #tpu.core_type<tc>, window_params = [{transform_indices = @transform_0, window_bounds = array<i64: 1000, 128>}, {pipeline_mode = #tpu.pipeline_mode<synchronous>, transform_indices = @transform_1, window_bounds = array<i64: 128, 128>}, {pipeline_mode = #tpu.pipeline_mode<synchronous>, transform_indices = @transform_2, window_bounds = array<i64: 1, 128>}, {transform_indices = @transform_3, window_bounds = array<i64: 1000, 128>}]} {
    %get3A = arith.constant 0 : index
    %get3A_0 = arith.constant 0 : index
    %get3A_1 = vector.load %arg1[%get3A, %get3A_0] : memref<1000x128xf32, #tpu.memory_space<vmem>>, vector<1000x128xf32>
    %get3A_2 = arith.constant 0 : index
    %get3A_3 = arith.constant 0 : index
    %get3A_4 = vector.load %arg2[%get3A_2, %get3A_3] : memref<128x128xf32, #tpu.memory_space<vmem>>, vector<128x128xf32>
    %dot_general3A = arith.constant dense<0.000000e+00> : vector<1000x128xf32>
    %dot_general3A_5 = tpu.matmul %get3A_1, %get3A_4, %dot_general3A {dimension_numbers = #tpu.dot_dimension_numbers<[1], [0], [0], [1], [0, 0, 1, 1], [], []>, transpose_lhs_hint = false} : vector<1000x128xf32>, vector<128x128xf32>, vector<1000x128xf32> -> vector<1000x128xf32>
    %get3A_6 = arith.constant 0 : index
    %get3A_7 = arith.constant 0 : index
    %get3A_8 = vector.load %arg3[%get3A_6, %get3A_7] : memref<1x128xf32, #tpu.memory_space<vmem>>, vector<1x128xf32>
    %add3A = vector.broadcast %get3A_8 : vector<1x128xf32> to vector<1000x128xf32>
    %add3A_9 = arith.addf %dot_general3A_5, %add3A : vector<1000x128xf32>
    %swap3A = arith.constant 0 : index
    %swap3A_10 = arith.constant 0 : index
    %swap3A_11 = vector.load %arg4[%swap3A, %swap3A_10] : memref<1000x128xf32, #tpu.memory_space<vmem>>, vector<1000x128xf32>
    tpu.vector_store %arg4[%swap3A, %swap3A_10], %add3A_9 {strides = array<i32>} : memref<1000x128xf32, #tpu.memory_space<vmem>>, vector<1000x128xf32>,
    return
  }
  func.func @transform_0(%arg0: i32) -> (i32, i32) {
    %c0_i32 = arith.constant 0 : i32
    %c0_i32_0 = arith.constant 0 : i32
    return %arg0, %c0_i32 : i32, i32
  }
  func.func @transform_1(%arg0: i32) -> (i32, i32) {
    %c0_i32 = arith.constant 0 : i32
    %c0_i32_0 = arith.constant 0 : i32
    %c0_i32_1 = arith.constant 0 : i32
    return %c0_i32, %c0_i32_0 : i32, i32
  }
  func.func @transform_2(%arg0: i32) -> (i32, i32) {
    %c0_i32 = arith.constant 0 : i32
    %c0_i32_0 = arith.constant 0 : i32
    %c0_i32_1 = arith.constant 0 : i32
    return %c0_i32, %c0_i32_0 : i32, i32
  }
  func.func @transform_3(%arg0: i32) -> (i32, i32) {
    %c0_i32 = arith.constant 0 : i32
    %c0_i32_0 = arith.constant 0 : i32
    return %arg0, %c0_i32 : i32, i32
  }
}

module attributes {stable_mosaic.version = 14 : i64} {
  func.func @_gru_lin_body(%arg0: i32, %arg1: memref<1x1000x128xf32, #tpu.memory_space<vmem>>, %arg2: memref<1x1000x128xf32, #tpu.memory_space<vmem>>, %arg3: memref<1000x128xf32, #tpu.memory_space<vmem>>, %arg4: memref<128x384xf32, #tpu.memory_space<vmem>>, %arg5: memref<1x384xf32, #tpu.memory_space<vmem>>, %arg6: memref<128x384xf32, #tpu.memory_space<vmem>>, %arg7: memref<1x384xf32, #tpu.memory_space<vmem>>, %arg8: memref<128x128xf32, #tpu.memory_space<vmem>>, %arg9: memref<1x128xf32, #tpu.memory_space<vmem>>, %arg10: memref<1000x128xf32, #tpu.memory_space<vmem>>, %arg11: memref<1000x128xf32, #tpu.memory_space<vmem>>) attributes {dimension_semantics = [#tpu.dimension_semantics<arbitrary>], iteration_bounds = array<i64: 10>, scalar_prefetch = 0 : i64, scratch_operands = 0 : i64, tpu.core_type = #tpu.core_type<tc>, window_params = [{transform_indices = @transform_0, window_bounds = array<i64: 1, 1000, 128>}, {transform_indices = @transform_1, window_bounds = array<i64: 1, 1000, 128>}, {transform_indices = @transform_2, window_bounds = array<i64: 1000, 128>}, {pipeline_mode = #tpu.pipeline_mode<synchronous>, transform_indices = @transform_3, window_bounds = array<i64: 128, 384>}, {pipeline_mode = #tpu.pipeline_mode<synchronous>, transform_indices = @transform_4, window_bounds = array<i64: 1, 384>}, {pipeline_mode = #tpu.pipeline_mode<synchronous>, transform_indices = @transform_5, window_bounds = array<i64: 128, 384>}, {pipeline_mode = #tpu.pipeline_mode<synchronous>, transform_indices = @transform_6, window_bounds = array<i64: 1, 384>}, {pipeline_mode = #tpu.pipeline_mode<synchronous>, transform_indices = @transform_7, window_bounds = array<i64: 128, 128>}, {pipeline_mode = #tpu.pipeline_mode<synchronous>, transform_indices = @transform_8, window_bounds = array<i64: 1, 128>}, {transform_indices = @transform_9, window_bounds = array<i64: 1000, 128>}, {transform_indices = @transform_10, window_bounds = array<i64: 1000, 128>}]} {
    %get3A = arith.constant 0 : index
    %get3A_0 = arith.constant 0 : index
    %get3A_1 = arith.constant 0 : index
    %get3A_2 = vector.load %arg1[%get3A, %get3A_0, %get3A_1] : memref<1x1000x128xf32, #tpu.memory_space<vmem>>, vector<1x1000x128xf32>
    %get3A_3 = vector.shape_cast %get3A_2 : vector<1x1000x128xf32> to vector<1000x128xf32>
    %get3A_4 = arith.constant 0 : index
    %get3A_5 = arith.constant 0 : index
    %get3A_6 = arith.constant 0 : index
    %get3A_7 = vector.load %arg2[%get3A_4, %get3A_5, %get3A_6] : memref<1x1000x128xf32, #tpu.memory_space<vmem>>, vector<1x1000x128xf32>
    %get3A_8 = vector.shape_cast %get3A_7 : vector<1x1000x128xf32> to vector<1000x128xf32>
    %add3A = arith.addf %get3A_3, %get3A_8 : vector<1000x128xf32>
    %get3A_9 = arith.constant 0 : index
    %get3A_10 = arith.constant 0 : index
    %get3A_11 = vector.load %arg3[%get3A_9, %get3A_10] : memref<1000x128xf32, #tpu.memory_space<vmem>>, vector<1000x128xf32>
    %get3A_12 = arith.constant 0 : index
    %get3A_13 = arith.constant 0 : index
    %get3A_14 = vector.load %arg4[%get3A_12, %get3A_13] : memref<128x384xf32, #tpu.memory_space<vmem>>, vector<128x384xf32>
    %dot_general3A = arith.constant dense<0.000000e+00> : vector<1000x384xf32>
    %dot_general3A_15 = tpu.matmul %add3A, %get3A_14, %dot_general3A {dimension_numbers = #tpu.dot_dimension_numbers<[1], [0], [0], [1], [0, 0, 1, 1], [], []>, transpose_lhs_hint = false} : vector<1000x128xf32>, vector<128x384xf32>, vector<1000x384xf32> -> vector<1000x384xf32>
    %get3A_16 = arith.constant 0 : index
    %get3A_17 = arith.constant 0 : index
    %get3A_18 = vector.load %arg5[%get3A_16, %get3A_17] : memref<1x384xf32, #tpu.memory_space<vmem>>, vector<1x384xf32>
    %add3A_19 = vector.broadcast %get3A_18 : vector<1x384xf32> to vector<1000x384xf32>
    %add3A_20 = arith.addf %dot_general3A_15, %add3A_19 : vector<1000x384xf32>
    %get3A_21 = arith.constant 0 : index
    %get3A_22 = arith.constant 0 : index
    %get3A_23 = vector.load %arg6[%get3A_21, %get3A_22] : memref<128x384xf32, #tpu.memory_space<vmem>>, vector<128x384xf32>
    %dot_general3A_24 = arith.constant dense<0.000000e+00> : vector<1000x384xf32>
    %dot_general3A_25 = tpu.matmul %get3A_11, %get3A_23, %dot_general3A_24 {dimension_numbers = #tpu.dot_dimension_numbers<[1], [0], [0], [1], [0, 0, 1, 1], [], []>, transpose_lhs_hint = false} : vector<1000x128xf32>, vector<128x384xf32>, vector<1000x384xf32> -> vector<1000x384xf32>
    %get3A_26 = arith.constant 0 : index
    %get3A_27 = arith.constant 0 : index
    %get3A_28 = vector.load %arg7[%get3A_26, %get3A_27] : memref<1x384xf32, #tpu.memory_space<vmem>>, vector<1x384xf32>
    %add3A_29 = vector.broadcast %get3A_28 : vector<1x384xf32> to vector<1000x384xf32>
    %add3A_30 = arith.addf %dot_general3A_25, %add3A_29 : vector<1000x384xf32>
    %slice3A = vector.extract_strided_slice %add3A_20 {offsets = [0, 0], sizes = [1000, 128], strides = [1, 1]} : vector<1000x384xf32> to vector<1000x128xf32>
    %slice3A_31 = vector.extract_strided_slice %add3A_30 {offsets = [0, 0], sizes = [1000, 128], strides = [1, 1]} : vector<1000x384xf32> to vector<1000x128xf32>
    %add3A_32 = arith.addf %slice3A, %slice3A_31 : vector<1000x128xf32>
    %logistic3A = arith.negf %add3A_32 : vector<1000x128xf32>
    %logistic3A_33 = math.exp %logistic3A : vector<1000x128xf32>
    %logistic3A_34 = arith.constant 1.000000e+00 : f32
    %logistic3A_35 = vector.broadcast %logistic3A_34 : f32 to vector<1000x128xf32>
    %logistic3A_36 = arith.addf %logistic3A_35, %logistic3A_33 : vector<1000x128xf32>
    %logistic3A_37 = arith.divf %logistic3A_35, %logistic3A_36 : vector<1000x128xf32>
    %slice3A_38 = vector.extract_strided_slice %add3A_20 {offsets = [0, 128], sizes = [1000, 128], strides = [1, 1]} : vector<1000x384xf32> to vector<1000x128xf32>
    %slice3A_39 = vector.extract_strided_slice %add3A_30 {offsets = [0, 128], sizes = [1000, 128], strides = [1, 1]} : vector<1000x384xf32> to vector<1000x128xf32>
    %add3A_40 = arith.addf %slice3A_38, %slice3A_39 : vector<1000x128xf32>
    %logistic3A_41 = arith.negf %add3A_40 : vector<1000x128xf32>
    %logistic3A_42 = math.exp %logistic3A_41 : vector<1000x128xf32>
    %logistic3A_43 = arith.constant 1.000000e+00 : f32
    %logistic3A_44 = vector.broadcast %logistic3A_43 : f32 to vector<1000x128xf32>
    %logistic3A_45 = arith.addf %logistic3A_44, %logistic3A_42 : vector<1000x128xf32>
    %logistic3A_46 = arith.divf %logistic3A_44, %logistic3A_45 : vector<1000x128xf32>
    %slice3A_47 = vector.extract_strided_slice %add3A_20 {offsets = [0, 256], sizes = [1000, 128], strides = [1, 1]} : vector<1000x384xf32> to vector<1000x128xf32>
    %slice3A_48 = vector.extract_strided_slice %add3A_30 {offsets = [0, 256], sizes = [1000, 128], strides = [1, 1]} : vector<1000x384xf32> to vector<1000x128xf32>
    %mul3A = arith.mulf %logistic3A_37, %slice3A_48 : vector<1000x128xf32>
    %add3A_49 = arith.addf %slice3A_47, %mul3A : vector<1000x128xf32>
    %tanh3A = math.tanh %add3A_49 : vector<1000x128xf32>
    %sub3A = arith.constant 1.000000e+00 : f32
    %sub3A_50 = vector.broadcast %sub3A : f32 to vector<1000x128xf32>
    %sub3A_51 = arith.subf %sub3A_50, %logistic3A_46 : vector<1000x128xf32>
    %mul3A_52 = arith.mulf %sub3A_51, %tanh3A : vector<1000x128xf32>
    %mul3A_53 = arith.mulf %logistic3A_46, %get3A_11 : vector<1000x128xf32>
    %add3A_54 = arith.addf %mul3A_52, %mul3A_53 : vector<1000x128xf32>
    %swap3A = arith.constant 0 : index
    %swap3A_55 = arith.constant 0 : index
    %swap3A_56 = vector.load %arg10[%swap3A, %swap3A_55] : memref<1000x128xf32, #tpu.memory_space<vmem>>, vector<1000x128xf32>
    tpu.vector_store %arg10[%swap3A, %swap3A_55], %add3A_54 {strides = array<i32>} : memref<1000x128xf32, #tpu.memory_space<vmem>>, vector<1000x128xf32>,
    %get3A_57 = arith.constant 0 : index
    %get3A_58 = arith.constant 0 : index
    %get3A_59 = vector.load %arg8[%get3A_57, %get3A_58] : memref<128x128xf32, #tpu.memory_space<vmem>>, vector<128x128xf32>
    %dot_general3A_60 = arith.constant dense<0.000000e+00> : vector<1000x128xf32>
    %dot_general3A_61 = tpu.matmul %add3A_54, %get3A_59, %dot_general3A_60 {dimension_numbers = #tpu.dot_dimension_numbers<[1], [0], [0], [1], [0, 0, 1, 1], [], []>, transpose_lhs_hint = false} : vector<1000x128xf32>, vector<128x128xf32>, vector<1000x128xf32> -> vector<1000x128xf32>
    %get3A_62 = arith.constant 0 : index
    %get3A_63 = arith.constant 0 : index
    %get3A_64 = vector.load %arg9[%get3A_62, %get3A_63] : memref<1x128xf32, #tpu.memory_space<vmem>>, vector<1x128xf32>
    %add3A_65 = vector.broadcast %get3A_64 : vector<1x128xf32> to vector<1000x128xf32>
    %add3A_66 = arith.addf %dot_general3A_61, %add3A_65 : vector<1000x128xf32>
    %swap3A_67 = arith.constant 0 : index
    %swap3A_68 = arith.constant 0 : index
    %swap3A_69 = vector.load %arg11[%swap3A_67, %swap3A_68] : memref<1000x128xf32, #tpu.memory_space<vmem>>, vector<1000x128xf32>
    tpu.vector_store %arg11[%swap3A_67, %swap3A_68], %add3A_66 {strides = array<i32>} : memref<1000x128xf32, #tpu.memory_space<vmem>>, vector<1000x128xf32>,
    return
  }
  func.func @transform_0(%arg0: i32) -> (i32, i32, i32) {
    %c0_i32 = arith.constant 0 : i32
    %c0_i32_0 = arith.constant 0 : i32
    %c0_i32_1 = arith.constant 0 : i32
    return %c0_i32, %arg0, %c0_i32_0 : i32, i32, i32
  }
  func.func @transform_1(%arg0: i32) -> (i32, i32, i32) {
    %c1_i32 = arith.constant 1 : i32
    %c0_i32 = arith.constant 0 : i32
    %c0_i32_0 = arith.constant 0 : i32
    return %c1_i32, %arg0, %c0_i32 : i32, i32, i32
  }
  func.func @transform_2(%arg0: i32) -> (i32, i32) {
    %c0_i32 = arith.constant 0 : i32
    %c0_i32_0 = arith.constant 0 : i32
    return %arg0, %c0_i32 : i32, i32
  }
  func.func @transform_3(%arg0: i32) -> (i32, i32) {
    %c0_i32 = arith.constant 0 : i32
    %c0_i32_0 = arith.constant 0 : i32
    %c0_i32_1 = arith.constant 0 : i32
    return %c0_i32, %c0_i32_0 : i32, i32
  }
  func.func @transform_4(%arg0: i32) -> (i32, i32) {
    %c0_i32 = arith.constant 0 : i32
    %c0_i32_0 = arith.constant 0 : i32
    %c0_i32_1 = arith.constant 0 : i32
    return %c0_i32, %c0_i32_0 : i32, i32
  }
  func.func @transform_5(%arg0: i32) -> (i32, i32) {
    %c0_i32 = arith.constant 0 : i32
    %c0_i32_0 = arith.constant 0 : i32
    %c0_i32_1 = arith.constant 0 : i32
    return %c0_i32, %c0_i32_0 : i32, i32
  }
  func.func @transform_6(%arg0: i32) -> (i32, i32) {
    %c0_i32 = arith.constant 0 : i32
    %c0_i32_0 = arith.constant 0 : i32
    %c0_i32_1 = arith.constant 0 : i32
    return %c0_i32, %c0_i32_0 : i32, i32
  }
  func.func @transform_7(%arg0: i32) -> (i32, i32) {
    %c0_i32 = arith.constant 0 : i32
    %c0_i32_0 = arith.constant 0 : i32
    %c0_i32_1 = arith.constant 0 : i32
    return %c0_i32, %c0_i32_0 : i32, i32
  }
  func.func @transform_8(%arg0: i32) -> (i32, i32) {
    %c0_i32 = arith.constant 0 : i32
    %c0_i32_0 = arith.constant 0 : i32
    %c0_i32_1 = arith.constant 0 : i32
    return %c0_i32, %c0_i32_0 : i32, i32
  }
  func.func @transform_9(%arg0: i32) -> (i32, i32) {
    %c0_i32 = arith.constant 0 : i32
    %c0_i32_0 = arith.constant 0 : i32
    return %arg0, %c0_i32 : i32, i32
  }
  func.func @transform_10(%arg0: i32) -> (i32, i32) {
    %c0_i32 = arith.constant 0 : i32
    %c0_i32_0 = arith.constant 0 : i32
    return %arg0, %c0_i32 : i32, i32
  }
}

module attributes {stable_mosaic.version = 14 : i64} {
  func.func @_gru_ln_body(%arg0: i32, %arg1: memref<1x1000x128xf32, #tpu.memory_space<vmem>>, %arg2: memref<1x1000x128xf32, #tpu.memory_space<vmem>>, %arg3: memref<1000x128xf32, #tpu.memory_space<vmem>>, %arg4: memref<1000x128xf32, #tpu.memory_space<vmem>>, %arg5: memref<128x384xf32, #tpu.memory_space<vmem>>, %arg6: memref<1x384xf32, #tpu.memory_space<vmem>>, %arg7: memref<128x384xf32, #tpu.memory_space<vmem>>, %arg8: memref<1x384xf32, #tpu.memory_space<vmem>>, %arg9: memref<1x128xf32, #tpu.memory_space<vmem>>, %arg10: memref<1x128xf32, #tpu.memory_space<vmem>>, %arg11: memref<1000x128xf32, #tpu.memory_space<vmem>>) attributes {dimension_semantics = [#tpu.dimension_semantics<arbitrary>], iteration_bounds = array<i64: 10>, scalar_prefetch = 0 : i64, scratch_operands = 0 : i64, tpu.core_type = #tpu.core_type<tc>, window_params = [{transform_indices = @transform_0, window_bounds = array<i64: 1, 1000, 128>}, {transform_indices = @transform_1, window_bounds = array<i64: 1, 1000, 128>}, {transform_indices = @transform_2, window_bounds = array<i64: 1000, 128>}, {transform_indices = @transform_3, window_bounds = array<i64: 1000, 128>}, {pipeline_mode = #tpu.pipeline_mode<synchronous>, transform_indices = @transform_4, window_bounds = array<i64: 128, 384>}, {pipeline_mode = #tpu.pipeline_mode<synchronous>, transform_indices = @transform_5, window_bounds = array<i64: 1, 384>}, {pipeline_mode = #tpu.pipeline_mode<synchronous>, transform_indices = @transform_6, window_bounds = array<i64: 128, 384>}, {pipeline_mode = #tpu.pipeline_mode<synchronous>, transform_indices = @transform_7, window_bounds = array<i64: 1, 384>}, {pipeline_mode = #tpu.pipeline_mode<synchronous>, transform_indices = @transform_8, window_bounds = array<i64: 1, 128>}, {pipeline_mode = #tpu.pipeline_mode<synchronous>, transform_indices = @transform_9, window_bounds = array<i64: 1, 128>}, {transform_indices = @transform_10, window_bounds = array<i64: 1000, 128>}]} {
    %get3A = arith.constant 0 : index
    %get3A_0 = arith.constant 0 : index
    %get3A_1 = arith.constant 0 : index
    %get3A_2 = vector.load %arg1[%get3A, %get3A_0, %get3A_1] : memref<1x1000x128xf32, #tpu.memory_space<vmem>>, vector<1x1000x128xf32>
    %get3A_3 = vector.shape_cast %get3A_2 : vector<1x1000x128xf32> to vector<1000x128xf32>
    %get3A_4 = arith.constant 0 : index
    %get3A_5 = arith.constant 0 : index
    %get3A_6 = arith.constant 0 : index
    %get3A_7 = vector.load %arg2[%get3A_4, %get3A_5, %get3A_6] : memref<1x1000x128xf32, #tpu.memory_space<vmem>>, vector<1x1000x128xf32>
    %get3A_8 = vector.shape_cast %get3A_7 : vector<1x1000x128xf32> to vector<1000x128xf32>
    %add3A = arith.addf %get3A_3, %get3A_8 : vector<1000x128xf32>
    %get3A_9 = arith.constant 0 : index
    %get3A_10 = arith.constant 0 : index
    %get3A_11 = vector.load %arg3[%get3A_9, %get3A_10] : memref<1000x128xf32, #tpu.memory_space<vmem>>, vector<1000x128xf32>
    %get3A_12 = arith.constant 0 : index
    %get3A_13 = arith.constant 0 : index
    %get3A_14 = vector.load %arg5[%get3A_12, %get3A_13] : memref<128x384xf32, #tpu.memory_space<vmem>>, vector<128x384xf32>
    %dot_general3A = arith.constant dense<0.000000e+00> : vector<1000x384xf32>
    %dot_general3A_15 = tpu.matmul %add3A, %get3A_14, %dot_general3A {dimension_numbers = #tpu.dot_dimension_numbers<[1], [0], [0], [1], [0, 0, 1, 1], [], []>, transpose_lhs_hint = false} : vector<1000x128xf32>, vector<128x384xf32>, vector<1000x384xf32> -> vector<1000x384xf32>
    %get3A_16 = arith.constant 0 : index
    %get3A_17 = arith.constant 0 : index
    %get3A_18 = vector.load %arg6[%get3A_16, %get3A_17] : memref<1x384xf32, #tpu.memory_space<vmem>>, vector<1x384xf32>
    %add3A_19 = vector.broadcast %get3A_18 : vector<1x384xf32> to vector<1000x384xf32>
    %add3A_20 = arith.addf %dot_general3A_15, %add3A_19 : vector<1000x384xf32>
    %get3A_21 = arith.constant 0 : index
    %get3A_22 = arith.constant 0 : index
    %get3A_23 = vector.load %arg7[%get3A_21, %get3A_22] : memref<128x384xf32, #tpu.memory_space<vmem>>, vector<128x384xf32>
    %dot_general3A_24 = arith.constant dense<0.000000e+00> : vector<1000x384xf32>
    %dot_general3A_25 = tpu.matmul %get3A_11, %get3A_23, %dot_general3A_24 {dimension_numbers = #tpu.dot_dimension_numbers<[1], [0], [0], [1], [0, 0, 1, 1], [], []>, transpose_lhs_hint = false} : vector<1000x128xf32>, vector<128x384xf32>, vector<1000x384xf32> -> vector<1000x384xf32>
    %get3A_26 = arith.constant 0 : index
    %get3A_27 = arith.constant 0 : index
    %get3A_28 = vector.load %arg8[%get3A_26, %get3A_27] : memref<1x384xf32, #tpu.memory_space<vmem>>, vector<1x384xf32>
    %add3A_29 = vector.broadcast %get3A_28 : vector<1x384xf32> to vector<1000x384xf32>
    %add3A_30 = arith.addf %dot_general3A_25, %add3A_29 : vector<1000x384xf32>
    %slice3A = vector.extract_strided_slice %add3A_20 {offsets = [0, 0], sizes = [1000, 128], strides = [1, 1]} : vector<1000x384xf32> to vector<1000x128xf32>
    %slice3A_31 = vector.extract_strided_slice %add3A_30 {offsets = [0, 0], sizes = [1000, 128], strides = [1, 1]} : vector<1000x384xf32> to vector<1000x128xf32>
    %add3A_32 = arith.addf %slice3A, %slice3A_31 : vector<1000x128xf32>
    %logistic3A = arith.negf %add3A_32 : vector<1000x128xf32>
    %logistic3A_33 = math.exp %logistic3A : vector<1000x128xf32>
    %logistic3A_34 = arith.constant 1.000000e+00 : f32
    %logistic3A_35 = vector.broadcast %logistic3A_34 : f32 to vector<1000x128xf32>
    %logistic3A_36 = arith.addf %logistic3A_35, %logistic3A_33 : vector<1000x128xf32>
    %logistic3A_37 = arith.divf %logistic3A_35, %logistic3A_36 : vector<1000x128xf32>
    %slice3A_38 = vector.extract_strided_slice %add3A_20 {offsets = [0, 128], sizes = [1000, 128], strides = [1, 1]} : vector<1000x384xf32> to vector<1000x128xf32>
    %slice3A_39 = vector.extract_strided_slice %add3A_30 {offsets = [0, 128], sizes = [1000, 128], strides = [1, 1]} : vector<1000x384xf32> to vector<1000x128xf32>
    %add3A_40 = arith.addf %slice3A_38, %slice3A_39 : vector<1000x128xf32>
    %logistic3A_41 = arith.negf %add3A_40 : vector<1000x128xf32>
    %logistic3A_42 = math.exp %logistic3A_41 : vector<1000x128xf32>
    %logistic3A_43 = arith.constant 1.000000e+00 : f32
    %logistic3A_44 = vector.broadcast %logistic3A_43 : f32 to vector<1000x128xf32>
    %logistic3A_45 = arith.addf %logistic3A_44, %logistic3A_42 : vector<1000x128xf32>
    %logistic3A_46 = arith.divf %logistic3A_44, %logistic3A_45 : vector<1000x128xf32>
    %slice3A_47 = vector.extract_strided_slice %add3A_20 {offsets = [0, 256], sizes = [1000, 128], strides = [1, 1]} : vector<1000x384xf32> to vector<1000x128xf32>
    %slice3A_48 = vector.extract_strided_slice %add3A_30 {offsets = [0, 256], sizes = [1000, 128], strides = [1, 1]} : vector<1000x384xf32> to vector<1000x128xf32>
    %mul3A = arith.mulf %logistic3A_37, %slice3A_48 : vector<1000x128xf32>
    %add3A_49 = arith.addf %slice3A_47, %mul3A : vector<1000x128xf32>
    %tanh3A = math.tanh %add3A_49 : vector<1000x128xf32>
    %sub3A = arith.constant 1.000000e+00 : f32
    %sub3A_50 = vector.broadcast %sub3A : f32 to vector<1000x128xf32>
    %sub3A_51 = arith.subf %sub3A_50, %logistic3A_46 : vector<1000x128xf32>
    %mul3A_52 = arith.mulf %sub3A_51, %tanh3A : vector<1000x128xf32>
    %mul3A_53 = arith.mulf %logistic3A_46, %get3A_11 : vector<1000x128xf32>
    %add3A_54 = arith.addf %mul3A_52, %mul3A_53 : vector<1000x128xf32>
    %get3A_55 = arith.constant 0 : index
    %get3A_56 = arith.constant 0 : index
    %get3A_57 = vector.load %arg4[%get3A_55, %get3A_56] : memref<1000x128xf32, #tpu.memory_space<vmem>>, vector<1000x128xf32>
    %add3A_58 = arith.addf %add3A_54, %get3A_57 : vector<1000x128xf32>
    %reduce_sum3A = arith.constant dense<0.000000e+00> : vector<1000xf32>
    %reduce_sum3A_59 = vector.multi_reduction <add>, %add3A_58, %reduce_sum3A [1] : vector<1000x128xf32> to vector<1000xf32>
    %broadcast_in_dim3A = vector.shape_cast %reduce_sum3A_59 : vector<1000xf32> to vector<1000x1xf32>
    %div3A = arith.constant 1.280000e+02 : f32
    %div3A_60 = vector.broadcast %div3A : f32 to vector<1000x1xf32>
    %div3A_61 = arith.divf %broadcast_in_dim3A, %div3A_60 : vector<1000x1xf32>
    %sub3A_62 = vector.broadcast %div3A_61 : vector<1000x1xf32> to vector<1000x128xf32>
    %sub3A_63 = arith.subf %add3A_58, %sub3A_62 : vector<1000x128xf32>
    %mul3A_64 = arith.mulf %sub3A_63, %sub3A_63 : vector<1000x128xf32>
    %reduce_sum3A_65 = arith.constant dense<0.000000e+00> : vector<1000xf32>
    %reduce_sum3A_66 = vector.multi_reduction <add>, %mul3A_64, %reduce_sum3A_65 [1] : vector<1000x128xf32> to vector<1000xf32>
    %broadcast_in_dim3A_67 = vector.shape_cast %reduce_sum3A_66 : vector<1000xf32> to vector<1000x1xf32>
    %div3A_68 = arith.constant 1.280000e+02 : f32
    %div3A_69 = vector.broadcast %div3A_68 : f32 to vector<1000x1xf32>
    %div3A_70 = arith.divf %broadcast_in_dim3A_67, %div3A_69 : vector<1000x1xf32>
    %add3A_71 = arith.constant 9.99999974E-6 : f32
    %add3A_72 = vector.broadcast %add3A_71 : f32 to vector<1000x1xf32>
    %add3A_73 = arith.addf %div3A_70, %add3A_72 : vector<1000x1xf32>
    %rsqrt3A = math.rsqrt %add3A_73 : vector<1000x1xf32>
    %mul3A_74 = vector.broadcast %rsqrt3A : vector<1000x1xf32> to vector<1000x128xf32>
    %mul3A_75 = arith.mulf %sub3A_63, %mul3A_74 : vector<1000x128xf32>
    %get3A_76 = arith.constant 0 : index
    %get3A_77 = arith.constant 0 : index
    %get3A_78 = vector.load %arg9[%get3A_76, %get3A_77] : memref<1x128xf32, #tpu.memory_space<vmem>>, vector<1x128xf32>
    %mul3A_79 = vector.broadcast %get3A_78 : vector<1x128xf32> to vector<1000x128xf32>
    %mul3A_80 = arith.mulf %mul3A_75, %mul3A_79 : vector<1000x128xf32>
    %get3A_81 = arith.constant 0 : index
    %get3A_82 = arith.constant 0 : index
    %get3A_83 = vector.load %arg10[%get3A_81, %get3A_82] : memref<1x128xf32, #tpu.memory_space<vmem>>, vector<1x128xf32>
    %add3A_84 = vector.broadcast %get3A_83 : vector<1x128xf32> to vector<1000x128xf32>
    %add3A_85 = arith.addf %mul3A_80, %add3A_84 : vector<1000x128xf32>
    %ge3A = arith.constant 0.000000e+00 : f32
    %ge3A_86 = vector.broadcast %ge3A : f32 to vector<1000x128xf32>
    %ge3A_87 = arith.cmpf oge, %add3A_85, %ge3A_86 : vector<1000x128xf32>
    %mul3A_88 = arith.constant 0.00999999977 : f32
    %mul3A_89 = vector.broadcast %mul3A_88 : f32 to vector<1000x128xf32>
    %mul3A_90 = arith.mulf %mul3A_89, %add3A_85 : vector<1000x128xf32>
    %select_n3A = arith.select %ge3A_87, %add3A_85, %mul3A_90 : vector<1000x128xi1>, vector<1000x128xf32>
    %swap3A = arith.constant 0 : index
    %swap3A_91 = arith.constant 0 : index
    %swap3A_92 = vector.load %arg11[%swap3A, %swap3A_91] : memref<1000x128xf32, #tpu.memory_space<vmem>>, vector<1000x128xf32>
    tpu.vector_store %arg11[%swap3A, %swap3A_91], %select_n3A {strides = array<i32>} : memref<1000x128xf32, #tpu.memory_space<vmem>>, vector<1000x128xf32>,
    return
  }
  func.func @transform_0(%arg0: i32) -> (i32, i32, i32) {
    %c0_i32 = arith.constant 0 : i32
    %c0_i32_0 = arith.constant 0 : i32
    %c0_i32_1 = arith.constant 0 : i32
    return %c0_i32, %arg0, %c0_i32_0 : i32, i32, i32
  }
  func.func @transform_1(%arg0: i32) -> (i32, i32, i32) {
    %c1_i32 = arith.constant 1 : i32
    %c0_i32 = arith.constant 0 : i32
    %c0_i32_0 = arith.constant 0 : i32
    return %c1_i32, %arg0, %c0_i32 : i32, i32, i32
  }
  func.func @transform_2(%arg0: i32) -> (i32, i32) {
    %c0_i32 = arith.constant 0 : i32
    %c0_i32_0 = arith.constant 0 : i32
    return %arg0, %c0_i32 : i32, i32
  }
  func.func @transform_3(%arg0: i32) -> (i32, i32) {
    %c0_i32 = arith.constant 0 : i32
    %c0_i32_0 = arith.constant 0 : i32
    return %arg0, %c0_i32 : i32, i32
  }
  func.func @transform_4(%arg0: i32) -> (i32, i32) {
    %c0_i32 = arith.constant 0 : i32
    %c0_i32_0 = arith.constant 0 : i32
    %c0_i32_1 = arith.constant 0 : i32
    return %c0_i32, %c0_i32_0 : i32, i32
  }
  func.func @transform_5(%arg0: i32) -> (i32, i32) {
    %c0_i32 = arith.constant 0 : i32
    %c0_i32_0 = arith.constant 0 : i32
    %c0_i32_1 = arith.constant 0 : i32
    return %c0_i32, %c0_i32_0 : i32, i32
  }
  func.func @transform_6(%arg0: i32) -> (i32, i32) {
    %c0_i32 = arith.constant 0 : i32
    %c0_i32_0 = arith.constant 0 : i32
    %c0_i32_1 = arith.constant 0 : i32
    return %c0_i32, %c0_i32_0 : i32, i32
  }
  func.func @transform_7(%arg0: i32) -> (i32, i32) {
    %c0_i32 = arith.constant 0 : i32
    %c0_i32_0 = arith.constant 0 : i32
    %c0_i32_1 = arith.constant 0 : i32
    return %c0_i32, %c0_i32_0 : i32, i32
  }
  func.func @transform_8(%arg0: i32) -> (i32, i32) {
    %c0_i32 = arith.constant 0 : i32
    %c0_i32_0 = arith.constant 0 : i32
    %c0_i32_1 = arith.constant 0 : i32
    return %c0_i32, %c0_i32_0 : i32, i32
  }
  func.func @transform_9(%arg0: i32) -> (i32, i32) {
    %c0_i32 = arith.constant 0 : i32
    %c0_i32_0 = arith.constant 0 : i32
    %c0_i32_1 = arith.constant 0 : i32
    return %c0_i32, %c0_i32_0 : i32, i32
  }
  func.func @transform_10(%arg0: i32) -> (i32, i32) {
    %c0_i32 = arith.constant 0 : i32
    %c0_i32_0 = arith.constant 0 : i32
    return %arg0, %c0_i32 : i32, i32
  }
}

</mosaic_0001>

<sc_bundles>
// kernel: kernel.10.cloned.1.call-start
scs
__scs_entry_jumppad:
0x0: {  	(pc) =	sbr.rel $0x88, $3  }
0x1: {  	(tag) =	ssettag $0x0;
	lr =	simm.s32 $0x1  }
0x2: {  	[smem:$0x3F97] =	sst lr;
	_ =	strace $0xD0000000  }
0x3: {  	_ = 	snop  }
0x4: {  	_ = 	snop  }
0x5: {  	_ = 	snop  }
0x6: {  	_ = 	snop  }
0x7: {  	_ = 	snop  }
__scs_overlays_trampoline_lowered:
0x8: {  	[smem:$0x3FA6] =	sst s0  }
0x9: {  	[smem:$0x3FA7] =	sst s1  }
0xa: {  	[smem:$0x3FA8] =	sst s2  }
0xb: {  	[smem:$0x3FA9] =	sst s3  }
0xc: {  	[smem:$0x3FAA] =	sst s4  }
0xd: {  	[smem:$0x3FAB] =	sst s5  }
0xe: {  	[smem:$0x3FAC] =	sst s6  }
0xf: {  	[smem:$0x3FAD] =	sst s7  }
0x10: {  	[smem:$0x3FAE] =	sst s8  }
0x11: {  	[smem:$0x3FAF] =	sst s9;
	s0 =	simm.s32 @!p0 $0x0  }
0x12: {  	s1 =	sld [smem:$0x3F95];
	s0 =	simm.s32 @p0 $0x1  }
0x13: {  	[smem:$0x3FB0] =	sst s0;
	s0 =	simm.s32 @!p1 $0x0  }
0x14: {  	s2 =	sld [smem:$0x3F94];
	s0 =	simm.s32 @p1 $0x1  }
0x15: {  	[smem:$0x3FB1] =	sst s0;
	s0 =	simm.s32 @!p2 $0x0  }
0x16: {  	s3 =	sld [smem:$0x3FDB];
	s0 =	simm.s32 @p2 $0x1  }
0x17: {  	s4 =	simm.s32 $0x1BF5;
	[smem:$0x3FB3] =	sst s0  }
0x18: {  	s0 =	sld [smem:$0x3F96];
	_ =	swait.ge [sflag:s4], $0x0  }
0x19: {  	s7 =	sld [smem:$0x3F97]  }
0x1a: {  	s8 =	sadd.s32 $0xFFFFE003, lr  }
0x1b: {  	s9 =	sadd.s32 $0xFFFFFEF7, lr;
	s5 =	simm.s32 $0xFFFFFFFF;
	p2 =	slt.u32 s8, $0xFFFFF086  }
0x1c: {  	p1 =	slt.u32 s9, $0xF7A;
	s5 =	simm.s32 @!p2 $0x0  }
0x1d: {  	s5 =	simm.s32 @p1 $0x1;
	p0 =	seq.s32 s7, s2  }
0x1e: {  	s7 =	smul.u32 @!p0 $0xF7A, s2;
	p2 =	seq.s32 @!p0 s5, $0x0  }
0x1f: {  	s9 =	smul.u32 $0xF7A, s1;
	s8 =	simm.s32 @!p0 $0x1BF5;
	p2 =	por !p2, p0  }
0x20: {  	[sflag:s8] =	ssyncset.s32 @!p0 $0xFFFFF086;
	s6 =	sadd.s32 @!p0 s3, s7;
	s7 =	simm.s32 @!p0 $0x108  }
0x21: {  	s3 =	sadd.s32 s3, s9;
	s6 =	sadd.s32 @!p0 $0x88, s6;
	s7 =	simm.s32 @p2 $0x1082  }
0x22: {  	[simem:s7], [sflag:s8] =	dma.local @!p0 [hbm:s6], $0xF7A  }
0x23: {  	s9 =	sor.u32 $0xD0000000, s2;
	s6 =	simm.s32 $0x108;
	_ =	swait.ge @!p0 [sflag:s8], $0x0  }
0x24: {  	s3 =	sadd.s32 $0x88, s3;
	s6 =	simm.s32 @!p1 $0x1082;
	[sflag:s4] =	ssyncset.s32 $0xFFFFF086  }
0x25: {  	[simem:s6], [sflag:s4] =	dma.local [hbm:s3], $0xF7A  }
0x26: {  	[smem:$0x3F97] =	sst s1;
	(tag) =	ssettag s2;
	_ =	strace s9  }
0x27: {  	s1 =	sld [smem:$0x3FA7]  }
0x28: {  	s2 =	sld [smem:$0x3FA8]  }
0x29: {  	s4 =	sld [smem:$0x3FAA]  }
0x2a: {  	p0 =	seq.s32 s5, $0x0;
	s5 =	sld [smem:$0x3FAB]  }
0x2b: {  	s6 =	sld [smem:$0x3FAC]  }
0x2c: {  	s7 =	sld [smem:$0x3FAD]  }
0x2d: {  	s3 =	simm.s32 $0x108;
	s8 =	sld [smem:$0x3FAE]  }
0x2e: {  	s3 =	simm.s32 @!p0 $0x1082;
	s9 =	sld [smem:$0x3FAF]  }
0x2f: {  	lr =	sadd.s32 s0, s3;
	s0 =	sld [smem:$0x3FA6]  }
0x30: {  	s3 =	sld [smem:$0x3FA9]  }
0x31: {  	[smem:$0x3FB2] =	sst s10  }
0x32: {  	s10 =	sld [smem:$0x3FB0];
	_ =	sdelay $0x3  }
0x33: {  	p0 =	seq.s32 s10, $0x1;
	s10 =	sld [smem:$0x3FB2];
	_ =	sdelay $0x3  }
0x34: {  	[smem:$0x3FB2] =	sst s10  }
0x35: {  	s10 =	sld [smem:$0x3FB1];
	_ =	sdelay $0x3  }
0x36: {  	p1 =	seq.s32 s10, $0x1;
	s10 =	sld [smem:$0x3FB2];
	_ =	sdelay $0x3  }
0x37: {  	[smem:$0x3FB2] =	sst s10  }
0x38: {  	s10 =	sld [smem:$0x3FB3]  }
0x39: {  	_ = 	snop;
	(pc) =	sbr.ind lr, $3  }
0x3a: {  	_ = 	snop  }
0x3b: {  	_ = 	snop  }
0x3c: {  	p2 =	seq.s32 s10, $0x1;
	s10 =	sld [smem:$0x3FB2]  }
0x3d: {  	_ =	shalt  }
0x3e: {  	_ =	shalt  }
0x3f: {  	_ =	shalt  }
0x40: {  	_ =	shalt  }
0x41: {  	_ =	shalt  }
0x42: {  	_ =	shalt  }
0x43: {  	_ =	shalt  }
0x44: {  	_ =	shalt  }
0x45: {  	_ =	shalt  }
0x46: {  	_ =	shalt  }
0x47: {  	_ =	shalt  }
0x48: {  	_ =	shalt  }
0x49: {  	_ =	shalt  }
0x4a: {  	_ =	shalt  }
0x4b: {  	_ =	shalt  }
0x4c: {  	_ =	shalt  }
0x4d: {  	_ =	shalt  }
0x4e: {  	_ =	shalt  }
0x4f: {  	_ =	shalt  }
0x50: {  	_ =	shalt  }
0x51: {  	_ =	shalt  }
0x52: {  	_ =	shalt  }
0x53: {  	_ =	shalt  }
0x54: {  	_ =	shalt  }
0x55: {  	_ =	shalt  }
0x56: {  	_ =	shalt  }
0x57: {  	_ =	shalt  }
0x58: {  	_ =	shalt  }
0x59: {  	_ =	shalt  }
0x5a: {  	_ =	shalt  }
0x5b: {  	_ =	shalt  }
0x5c: {  	_ =	shalt  }
0x5d: {  	_ =	shalt  }
0x5e: {  	_ =	shalt  }
0x5f: {  	_ =	shalt  }
0x60: {  	_ =	shalt  }
0x61: {  	_ =	shalt  }
0x62: {  	_ =	shalt  }
0x63: {  	_ =	shalt  }
0x64: {  	_ =	shalt  }
0x65: {  	_ =	shalt  }
0x66: {  	_ =	shalt  }
0x67: {  	_ =	shalt  }
0x68: {  	_ =	shalt  }
0x69: {  	_ =	shalt  }
0x6a: {  	_ =	shalt  }
0x6b: {  	_ =	shalt  }
0x6c: {  	_ =	shalt  }
0x6d: {  	_ =	shalt  }
0x6e: {  	_ =	shalt  }
0x6f: {  	_ =	shalt  }
0x70: {  	_ =	shalt  }
0x71: {  	_ =	shalt  }
0x72: {  	_ =	shalt  }
0x73: {  	_ =	shalt  }
0x74: {  	_ =	shalt  }
0x75: {  	_ =	shalt  }
0x76: {  	_ =	shalt  }
0x77: {  	_ =	shalt  }
0x78: {  	_ =	shalt  }
0x79: {  	_ =	shalt  }
0x7a: {  	_ =	shalt  }
0x7b: {  	_ =	shalt  }
0x7c: {  	_ =	shalt  }
0x7d: {  	_ =	shalt  }
0x7e: {  	_ =	shalt  }
0x7f: {  	_ =	shalt  }
0x80: {  	_ =	shalt  }
0x81: {  	_ =	shalt  }
0x82: {  	_ =	shalt  }
0x83: {  	_ =	shalt  }
0x84: {  	_ =	shalt  }
0x85: {  	_ =	shalt  }
0x86: {  	_ =	shalt  }
0x87: {  	_ =	shalt  }
.Lfunc_end0:
.L_simem_size_0:
called_computation.1_lowered:
.L_overlay_start_0:
0x88: {  	s2 =	sld [smem:$0x3FD9]  }
0x89: {  	s3 =	sld [smem:$0x3FFE];
	_ =	sdelay $0x1  }
0x8a: {  	s1 =	srdreg.scid  }
0x8b: {  	s0 =	sand.u32 $0x1, s1  }
0x8c: {  	s17 =	sshll.u32 s0, $0xA;
	s2 =	sadd.s32 s3, s2  }
0x8d: {  	s2 =	sadd.s32 s2, s17  }
0x8e: {  	[smem:$0x3FBE] =	sst s2  }
0x8f: {  	_ = 	snop  }
0x90: {  	s2 =	sld [smem:$0x3FD0];
	(tm) =	ssettm $0x1  }
0x91: {  	s18 =	sld [smem:$0x3FFB];
	_ =	sdelay $0x3  }
0x92: {  	_ =	strace s18  }
0x93: {  	s3 =	sld [smem:$0x3FFC];
	_ =	sdelay $0x3  }
0x94: {  	_ =	strace s3  }
0x95: {  	s3 =	sld [smem:$0x3FFD];
	_ =	sdelay $0x3  }
0x96: {  	_ =	strace s3  }
0x97: {  	_ =	strace $0x8FFFFFFF  }
0x98: {  	s19 =	sld [smem:$0x3FDB];
	_ =	sdelay $0x1  }
0x99: {  	s4 =	simm.s32 $_scs_section_size  }
0x9a: {  	s5 =	simm.s32 $_size__tile_overlayer_lowered;
	s6 =	simm.s32 $_tile_overlayer_lowered  }
0x9b: {  	s22 =	simm.s32 $0x1BFF;
	s21 =	sshll.u32 s6, $0x1;
	s3 =	sadd.s32 s4, s19  }
0x9c: {  	s7 =	simm.s32 $0x0;
	s20 =	sshll.u32 s5, $0x1;
	s5 =	sadd.s32 s21, s3  }
0x9d: {  	[timem:s7], [sflag:s22] =	dma.local [hbm:s5], s20  }
0x9e: {  	_ =	swait.ge [sflag:s22], s20  }
0x9f: {  	s4 =	ssub.s32 $0x0, s20;
	[sflag:s22] =	ssyncset.done $0x0  }
0xa0: {  	[sflag:s22] =	ssyncadd.s32 s4;
	_ =	sdelay $0x1  }
0xa1: {  	s23 =	simm.s32 $0x1B8B  }
0xa2: {  	_ =	swait.ge [sflag:s23], $0x1  }
0xa3: {  	[sflag:s23] =	ssyncset.done $0x0  }
0xa4: {  	s25 =	simm.s32 $0x1B8E;
	s24 =	sld [smem:$0x3FFE];
	[sflag:s23] =	ssyncadd.s32 $0xFFFFFFFF  }
0xa5: {  	s26 =	simm.s32 $execute0_lowered;
	[smem:$0x3FD2] =	sst s25  }
0xa6: {  	s5 =	sshll.u32 s26, $0x1;
	_ =	strace $0x80000049;
	[dreg:$0x1] =	wrdreg $0xFFFFFFFF  }
0xa7: {  	s28 =	simm.s32 $_size_execute0_lowered;
	s3 =	sadd.s32 s3, s5;
	[dreg:$0x0] =	wrdreg $0x0  }
0xa8: {  	s5 =	sshll.u32 s28, $0x1;
	[dreg:$0x2] =	wrdreg s3  }
0xa9: {  	[dreg:$0x3] =	wrdreg s5  }
0xaa: {  	[dreg:$0x4] =	wrdreg $0xC0  }
0xab: {  	_ =	task [dreg:s7], $0x5FFFF  }
0xac: {  	[dreg:$0x1] =	wrdreg $0xFFFFFFFF  }
0xad: {  	[dreg:$0x0] =	wrdreg $0x60  }
0xae: {  	[dreg:$0x2] =	wrdreg s2  }
0xaf: {  	[dreg:$0x3] =	wrdreg s24  }
0xb0: {  	[dreg:$0x4] =	wrdreg $0x90000  }
0xb1: {  	[dreg:$0x5] =	wrdreg $0x9  }
0xb2: {  	_ =	task.clear_ibuf [dreg:s7], $0x6FFFF;
	_ =	strace $0x90000049  }
0xb3: {  	s29 =	simm.s32 $0x9;
	_ =	strace $0x8000004B  }
0xb4: {  	_ =	swait.ge [sflag:s29], $0x1  }
0xb5: {  	[sflag:s29] =	ssyncadd.s32 $0xFFFFFFFF  }
0xb6: {  	_ =	strace $0x9000004B  }
0xb7: {  	_ =	sfence  }
0xb8: {  	s30 =	sld [smem:$0x0];
	_ =	sdelay $0x2  }
0xb9: {  	s31 =	sshll.u32 s1, $0xD;
	s1 =	sshrl.u32 s1, $0x2  }
0xba: {  	s3 =	sand.u32 $0x4000, s31;
	s1 =	sadd.s32 s1, s30  }
0xbb: {  	s0 =	sor.u32 s3, s0;
	s1 =	sshll.u32 s1, $0x11  }
0xbc: {  	s0 =	sor.u32 s1, s0  }
0xbd: {  	s0 =	sadd.s32 $0x8F2B, s0  }
0xbe: {  	[sflag:s0] =	ssyncadd.remote.s32 $0x1  }
0xbf: {  	_ =	sfence.sel $0xFFFF  }
0xc0: {  	[dreg:$0x0] =	wrdreg $0xFFFFFFFF;
	(pc) =	sbr.abs _section_cstart, $3  }
0xc1: {  	[dreg:$0x1] =	wrdreg $0xFFFFFFFF  }
0xc2: {  	_ =	task.clear_ibuf [dreg:s7], $0x2FFFF;
	_ =	strace $0x9FFFFFFF  }
0xc3: {  	(tm) =	ssettm $0x7FFFFFFF  }
tec
execute0_lowered:
.L_overlay_start_1:
0x0: {  	(tag) =	ssettag $0x1  }
0x1: {  	s1 =	rddreg [dreg:$0x0]  }
0x2: {  	s0 =	rddreg [dreg:$0x1]  }
0x3: {  	s2 =	rddreg [dreg:$0x2]  }
0x4: {  	s3 =	simm.s32 $0x0;
	s4 =	srdreg.scid;
	s11 =	stileid.u32  }
0x5: {  	s16 =	simm.s32 $0x1000;
	s18 =	simm.s32 $0x7;
	s31 =	simm.s32 $0x800  }
0x6: {  	s19 =	simm.s32 $0x3;
	s20 =	simm.s32 $0x4;
	s21 =	simm.s32 $0x400  }
0x7: {  	s22 =	simm.s32 $0xC00;
	s28 =	simm.s32 $0x5000;
	s7 =	smul.u32 $0x50000, s11  }
0x8: {  	s29 =	simm.s32 $0x1;
	s30 =	simm.s32 $0x2;
	s10 =	smul.u32 $0x500, s11  }
0x9: {  	[smem:$0x7FF] =	sst s3;
	s4 =	sand.u32 $0x1, s4;
	s26 =	smul.u32 $0x4E000, s11  }
0xa: {  	s8 =	sadd.s32 $0xC000, s0;
	s9 =	sadd.s32 $0x2000, s0;
	s17 =	smul.u32 $0x2700, s11  }
0xb: {  	p1 =	sne.s32 s11, $0xF;
	s5 =	smul.u32 $0x27100, s4;
	s6 =	ssub.s32 $0x2, s4  }
0xc: {  	s11 =	simm.s32 $0x180;
	s24 =	sshrl.u32 s6, $0x1;
	s25 =	sshrl.u32 s7, $0x2  }
0xd: {  	s7 =	sadd.s32 s9, s10;
	s0 =	sadd.s32 s5, s0;
	s5 =	ssub.s32 s6, s24  }
0xe: {  	s12 =	sadd.s32 s25, s2;
	s6 =	sadd.s32 s8, s10;
	s10 =	sadd.s32 $0x5000, s10  }
0xf: {  	_ =	strace $0x8000004A;
	s8 =	sadd.s32 s8, s10;
	[dreg:$0x4] =	wrdreg s12  }
0x10: {  	p0 =	seq.s32 s4, $0x1;
	s13 =	sadd.s32 s9, s10;
	[dreg:$0x5] =	wrdreg s8  }
0x11: {  	s4 =	sshrl.u32 s26, $0x2;
	s5 =	smax.u32 s5, $0x1;
	[dreg:$0x6] =	wrdreg s13  }
0x12: {  	s15 =	sadd.s32 s4, s2;
	s23 =	sadd.s32 $0x4000, s12;
	[dreg:$0x8] =	wrdreg s5  }
0x13: {  	s14 =	sadd.s32 $0x16000, s0;
	s24 =	sadd.s32 $0x8000, s12;
	[dreg:$0x9] =	wrdreg s23  }
0x14: {  	s25 =	sadd.s32 $0xC000, s12;
	s26 =	sadd.s32 $0x10000, s12;
	[dreg:$0xa] =	wrdreg s24  }
0x15: {  	s0 =	sshrl.u32 s15, $0x3;
	s9 =	simm.s32 $0x6;
	[dreg:$0xb] =	wrdreg s25  }
0x16: {  	s12 =	simm.s32 $0x900;
	s15 =	simm.s32 $0x280;
	[dreg:$0xc] =	wrdreg s26  }
0x17: {  	s10 =	simm.s32 $0x300;
	s8 =	sadd.s32 $0x138000, s2;
	[dreg:$0x7] =	wrdreg s14  }
.Ltmp0:
0x18: {  	s4 =	sadd.s32 s17, s14;
	[dreg:$0xe] =	wrdreg s0;
	(pc) =	sbr.rel .LBB2_1-.Ltmp0, $4  }
0x19: {  	s26 =	simm.s32 $0x80;
	s13 =	simm.s32 $0x980;
	s14 =	simm.s32 $0x200  }
0x1a: {  	s23 =	simm.s32 $0xA00;
	s24 =	simm.s32 $0xA80;
	s25 =	simm.s32 $0x0  }
0x1b: {  	[dreg:$0xd] =	wrdreg s4;
	s0 =	sshrl.u32 @!p1 s8, $0x3;
	s4 =	simm.s32 $0x880  }
0x1c: {  	v0 =	vimm.f32 $0.0e+00;
	s8 =	simm.s32 $0x100;
	[dreg:$0xf] =	wrdreg s0;
	s0 =	simm.s32 $0x5  }
.LBB2_6:
0x1d: {  	[sflag:s9] =	ssyncadd.s32 $0xFFFFC000;
	s18 =	simm.s32 $0x7;
	s25 =	rddreg [dreg:$0x10]  }
.LBB2_10:
0x1e: {  	s5 =	stileid.u32;
	[bflag:$0x0] =	sbarrier.arrive $0xFFFF  }
0x1f: {  	s5 =	sshll.u32 s5, $0x6;
	s8 =	rddreg [dreg:$0xd]  }
0x20: {  	s17 =	rddreg [dreg:$0xe];
	s5 =	sor.u32 $0x1C07, s5  }
0x21: {  	[hbm:s8], [sflag:s5] =	dma.local [spmem:s17], $0x2700  }
0x22: {  	_ =	swait.ge [sflag:s18], $0x2700  }
0x23: {  	[sflag:s18] =	ssyncset.done $0x0;
	s17 =	rddreg [dreg:$0x7]  }
0x24: {  	s8 =	rddreg [dreg:$0xf];
	[sflag:s18] =	ssyncadd.s32 $0xFFFFD900;
	s17 =	sadd.s32 @!p1 $0x27000, s17  }
0x25: {  	[hbm:s17], [sflag:s5] =	dma.local @!p1 [spmem:s8], $0x100  }
0x26: {  	s5 =	simm.s32 @!p1 $0x7  }
0x27: {  	_ =	swait.ge @!p1 [sflag:s5], $0x100  }
0x28: {  	s25 =	sadd.s32 $0x1, s25;
	s24 =	rddreg [dreg:$0x8]  }
0x29: {  	p2 =	sne.s32 s25, s24  }
.Ltmp1:
0x2a: {  	s31 =	simm.s32 $0x800;
	(pc) =	sbr.rel @!p2 .LBB2_11-.Ltmp1, $4  }
0x2b: {  	s4 =	simm.s32 $0x880;
	s11 =	simm.s32 $0x180;
	s12 =	simm.s32 $0x900  }
0x2c: {  	s13 =	simm.s32 $0x980;
	s14 =	simm.s32 $0x200;
	s15 =	simm.s32 $0x280  }
0x2d: {  	s23 =	simm.s32 $0xA00;
	s10 =	simm.s32 $0x300;
	[sflag:s5] =	ssyncset.done @!p1 $0x0  }
0x2e: {  	s8 =	simm.s32 $0x100;
	[sflag:s5] =	ssyncadd.s32 @!p1 $0xFFFFFF00;
	s24 =	simm.s32 $0xA80  }
.LBB2_1:
0x2f: {  	[dreg:$0x10] =	wrdreg s25;
	s5 =	simm.s32 $0x0;
	s17 =	simm.s32 $0x200  }
.LBB2_2:
0x30: {  	p2 =	sne.s32 s17, $0xFE00;
	[tilespmem:s5+$0x1070] =	vst v0  }
0x31: {  	[tilespmem:s5+$0x1000] =	vst v0  }
0x32: {  	[tilespmem:s5+$0x1010] =	vst v0  }
.Ltmp2:
0x33: {  	[tilespmem:s5+$0x1020] =	vst v0;
	(pc) =	sbr.rel @p2 .LBB2_2-.Ltmp2, $4  }
0x34: {  	[tilespmem:s5+$0x1030] =	vst v0  }
0x35: {  	[tilespmem:s5+$0x1040] =	vst v0  }
0x36: {  	[tilespmem:s5+$0x1050] =	vst v0  }
0x37: {  	[tilespmem:s5+$0x1060] =	vst v0;
	s5 =	sshra.s32 s17, $0x2;
	s17 =	sadd.s32 $0x200, s17  }
0x38: {  	[tilespmem:s5+$0x1070] =	vst v0  }
0x39: {  	[tilespmem:s5+$0x1000] =	vst v0  }
0x3a: {  	[tilespmem:s5+$0x1010] =	vst v0  }
0x3b: {  	[tilespmem:s5+$0x1020] =	vst v0  }
0x3c: {  	[tilespmem:s5+$0x1030] =	vst v0  }
0x3d: {  	[tilespmem:s5+$0x1040] =	vst v0  }
0x3e: {  	[tilespmem:s5+$0x1050] =	vst v0  }
0x3f: {  	[tilespmem:s5+$0x1060] =	vst v0;
	s25 =	rddreg [dreg:$0x4]  }
0x40: {  	[spmem:s25] =	stream.linear.scatter [tilespmem:s16], [sflag:$0x7], $0x4000, $0x38;
	[tilespmem:$0x1D000] =	vst v63  }
0x41: {  	_ =	swait.ge [sflag:s18], $0x4000  }
0x42: {  	[sflag:s18] =	ssyncset.done $0x0  }
0x43: {  	s17 =	rddreg [dreg:$0x9];
	[sflag:s18] =	ssyncadd.s32 $0xFFFFC000  }
0x44: {  	[spmem:s17] =	stream.linear.scatter [tilespmem:s16], [sflag:$0x7], $0x4000, $0x38;
	[tilespmem:$0x1D000] =	vst v63  }
0x45: {  	_ =	swait.ge [sflag:s18], $0x4000  }
0x46: {  	[sflag:s18] =	ssyncset.done $0x0  }
0x47: {  	s25 =	rddreg [dreg:$0xa];
	[sflag:s18] =	ssyncadd.s32 $0xFFFFC000  }
0x48: {  	[spmem:s25] =	stream.linear.scatter [tilespmem:s16], [sflag:$0x7], $0x4000, $0x38;
	[tilespmem:$0x1D000] =	vst v63  }
0x49: {  	_ =	swait.ge [sflag:s18], $0x4000  }
0x4a: {  	[sflag:s18] =	ssyncset.done $0x0  }
0x4b: {  	s17 =	rddreg [dreg:$0xb];
	[sflag:s18] =	ssyncadd.s32 $0xFFFFC000  }
0x4c: {  	[spmem:s17] =	stream.linear.scatter [tilespmem:s16], [sflag:$0x7], $0x4000, $0x38;
	[tilespmem:$0x1D000] =	vst v63  }
0x4d: {  	_ =	swait.ge [sflag:s18], $0x4000  }
0x4e: {  	[sflag:s18] =	ssyncset.done $0x0  }
0x4f: {  	s25 =	rddreg [dreg:$0xc];
	[sflag:s18] =	ssyncadd.s32 $0xFFFFC000  }
0x50: {  	[spmem:s25] =	stream.linear.scatter [tilespmem:s16], [sflag:$0x7], $0x4000, $0x38;
	[tilespmem:$0x1D000] =	vst v63  }
.Ltmp3:
0x51: {  	_ =	swait.ge [sflag:s18], $0x4000;
	(pc) =	sbr.rel @!p0 .LBB2_4-.Ltmp3, $4  }
0x52: {  	[sflag:s18] =	ssyncset.done $0x0  }
0x53: {  	[sflag:s18] =	ssyncadd.s32 $0xFFFFC000  }
0x54: {  	[bflag:$0x0] =	sbarrier.arrive $0xFFFF  }
0x55: {  	s5 =	simm.s32 $0x0  }
0x56: {  	s17 =	rddreg [dreg:$0x5]  }
0x57: {  	[tilespmem:s5], [sflag:$0x3] =	stream.linear.gather [hbm4b:s17+s5], $0x400, $0x38;
	[tilespmem:$0x1D000] =	vst v63  }
0x58: {  	s25 =	rddreg [dreg:$0x6]  }
0x59: {  	[tilespmem:s31], [sflag:$0x4] =	stream.linear.gather [hbm4b:s25+s5], $0x400, $0x38;
	[tilespmem:$0x1D000] =	vst v63  }
0x5a: {  	_ =	swait.ge [sflag:s19], $0x400  }
0x5b: {  	[sflag:s19] =	ssyncset.done $0x0  }
0x5c: {  	[sflag:s19] =	ssyncadd.s32 $0xFFFFFC00  }
0x5d: {  	_ =	swait.ge [sflag:s20], $0x400  }
0x5e: {  	s18 =	sadd.s32 $0x0, s6;
	[sflag:s20] =	ssyncset.done $0x0  }
0x5f: {  	s5 =	sadd.s32 $0x5080, s18;
	s25 =	sadd.s32 $0x0, s7;
	[sflag:s20] =	ssyncadd.s32 $0xFFFFFC00  }
0x60: {  	[tilespmem:s21], [sflag:$0x3] =	stream.linear.gather [hbm4b:s5+s3], $0x400, $0x38;
	[tilespmem:$0x1D000] =	vst v63  }
0x61: {  	s18 =	sadd.s32 $0x5080, s25  }
0x62: {  	[tilespmem:s22], [sflag:$0x4] =	stream.linear.gather [hbm4b:s18+s3], $0x400, $0x38;
	[tilespmem:$0x1D000] =	vst v63  }
0x63: {  	_ = 	snop  }
0x64: {  	[tilespmem:s16], [sflag:$0x1] =	stream.indirect.gather [hbm4b:s1+s26], $0x80, s3, s26, $0xb8;
	[tilespmem:$0x1D000] =	vst v63  }
0x65: {  	_ = 	snop  }
0x66: {  	[tilespmem:s28], [sflag:$0x2] =	stream.indirect.gather [hbm4b:s1+s26], $0x80, s26, s26, $0xb8;
	[tilespmem:$0x1D000] =	vst v63  }
0x67: {  	_ =	swait.ge [sflag:s29], $0x4000  }
0x68: {  	[sflag:s29] =	ssyncset.done $0x0  }
0x69: {  	[sflag:s29] =	ssyncadd.s32 $0xFFFFC000  }
0x6a: {  	[spmem:s2] =	stream.indirect.scatter.add.f32 [tilespmem:s16], [sflag:$0x5], $0x80, s31, s26, $0xb8;
	[tilespmem:$0x1D000] =	vst v63  }
0x6b: {  	_ =	swait.ge [sflag:s30], $0x4000  }
0x6c: {  	[sflag:s30] =	ssyncset.done $0x0  }
0x6d: {  	[sflag:s30] =	ssyncadd.s32 $0xFFFFC000  }
0x6e: {  	[spmem:s2] =	stream.indirect.scatter.add.f32 [tilespmem:s28], [sflag:$0x6], $0x80, s4, s26, $0xb8;
	[tilespmem:$0x1D000] =	vst v63  }
0x6f: {  	_ =	swait.ge [sflag:s0], $0x4000  }
0x70: {  	[sflag:s0] =	ssyncset.done $0x0  }
0x71: {  	[sflag:s0] =	ssyncadd.s32 $0xFFFFC000  }
0x72: {  	[tilespmem:s16], [sflag:$0x1] =	stream.indirect.gather [hbm4b:s1+s26], $0x80, s8, s26, $0xb8;
	[tilespmem:$0x1D000] =	vst v63  }
0x73: {  	_ =	swait.ge [sflag:s9], $0x4000  }
0x74: {  	[sflag:s9] =	ssyncset.done $0x0  }
0x75: {  	[sflag:s9] =	ssyncadd.s32 $0xFFFFC000  }
0x76: {  	[tilespmem:s28], [sflag:$0x2] =	stream.indirect.gather [hbm4b:s1+s26], $0x80, s11, s26, $0xb8;
	[tilespmem:$0x1D000] =	vst v63  }
0x77: {  	_ =	swait.ge [sflag:s29], $0x4000  }
0x78: {  	[sflag:s29] =	ssyncset.done $0x0  }
0x79: {  	[sflag:s29] =	ssyncadd.s32 $0xFFFFC000  }
0x7a: {  	[spmem:s2] =	stream.indirect.scatter.add.f32 [tilespmem:s16], [sflag:$0x5], $0x80, s12, s26, $0xb8;
	[tilespmem:$0x1D000] =	vst v63  }
0x7b: {  	_ =	swait.ge [sflag:s30], $0x4000  }
0x7c: {  	[sflag:s30] =	ssyncset.done $0x0  }
0x7d: {  	[sflag:s30] =	ssyncadd.s32 $0xFFFFC000  }
0x7e: {  	[spmem:s2] =	stream.indirect.scatter.add.f32 [tilespmem:s28], [sflag:$0x6], $0x80, s13, s26, $0xb8;
	[tilespmem:$0x1D000] =	vst v63  }
0x7f: {  	_ =	swait.ge [sflag:s0], $0x4000  }
0x80: {  	[sflag:s0] =	ssyncset.done $0x0  }
0x81: {  	[sflag:s0] =	ssyncadd.s32 $0xFFFFC000  }
0x82: {  	[tilespmem:s16], [sflag:$0x1] =	stream.indirect.gather [hbm4b:s1+s26], $0x80, s14, s26, $0xb8;
	[tilespmem:$0x1D000] =	vst v63  }
0x83: {  	_ =	swait.ge [sflag:s9], $0x4000  }
0x84: {  	[sflag:s9] =	ssyncset.done $0x0  }
0x85: {  	[sflag:s9] =	ssyncadd.s32 $0xFFFFC000  }
0x86: {  	[tilespmem:s28], [sflag:$0x2] =	stream.indirect.gather [hbm4b:s1+s26], $0x80, s15, s26, $0xb8;
	[tilespmem:$0x1D000] =	vst v63  }
0x87: {  	_ =	swait.ge [sflag:s29], $0x4000  }
0x88: {  	[sflag:s29] =	ssyncset.done $0x0  }
0x89: {  	[sflag:s29] =	ssyncadd.s32 $0xFFFFC000  }
0x8a: {  	[spmem:s2] =	stream.indirect.scatter.add.f32 [tilespmem:s16], [sflag:$0x5], $0x80, s23, s26, $0xb8;
	[tilespmem:$0x1D000] =	vst v63  }
0x8b: {  	_ =	swait.ge [sflag:s30], $0x4000  }
0x8c: {  	[sflag:s30] =	ssyncset.done $0x0  }
0x8d: {  	[sflag:s30] =	ssyncadd.s32 $0xFFFFC000  }
0x8e: {  	[spmem:s2] =	stream.indirect.scatter.add.f32 [tilespmem:s28], [sflag:$0x6], $0x80, s24, s26, $0xb8;
	[tilespmem:$0x1D000] =	vst v63  }
0x8f: {  	_ =	swait.ge [sflag:s0], $0x4000  }
0x90: {  	[sflag:s0] =	ssyncset.done $0x0  }
0x91: {  	[sflag:s0] =	ssyncadd.s32 $0xFFFFC000  }
0x92: {  	[tilespmem:s16], [sflag:$0x1] =	stream.indirect.gather [hbm4b:s1+s26], $0x80, s10, s26, $0xb8;
	[tilespmem:$0x1D000] =	vst v63  }
0x93: {  	_ =	swait.ge [sflag:s9], $0x4000  }
0x94: {  	[sflag:s9] =	ssyncset.done $0x0  }
0x95: {  	s24 =	simm.s32 $0x380;
	[sflag:s9] =	ssyncadd.s32 $0xFFFFC000  }
0x96: {  	[tilespmem:s28], [sflag:$0x2] =	stream.indirect.gather [hbm4b:s1+s26], $0x80, s24, s26, $0xb8;
	[tilespmem:$0x1D000] =	vst v63  }
0x97: {  	_ =	swait.ge [sflag:s29], $0x4000  }
0x98: {  	[sflag:s29] =	ssyncset.done $0x0  }
0x99: {  	s25 =	simm.s32 $0xB00;
	[sflag:s29] =	ssyncadd.s32 $0xFFFFC000  }
0x9a: {  	[spmem:s2] =	stream.indirect.scatter.add.f32 [tilespmem:s16], [sflag:$0x5], $0x80, s25, s26, $0xb8;
	[tilespmem:$0x1D000] =	vst v63  }
0x9b: {  	_ =	swait.ge [sflag:s30], $0x4000  }
0x9c: {  	[sflag:s30] =	ssyncset.done $0x0  }
0x9d: {  	s31 =	simm.s32 $0xB80;
	[sflag:s30] =	ssyncadd.s32 $0xFFFFC000  }
0x9e: {  	[spmem:s2] =	stream.indirect.scatter.add.f32 [tilespmem:s28], [sflag:$0x6], $0x80, s31, s26, $0xb8;
	[tilespmem:$0x1D000] =	vst v63  }
0x9f: {  	_ =	swait.ge [sflag:s0], $0x4000  }
0xa0: {  	[sflag:s0] =	ssyncset.done $0x0  }
0xa1: {  	[sflag:s0] =	ssyncadd.s32 $0xFFFFC000  }
0xa2: {  	_ =	swait.ge [sflag:s9], $0x4000  }
0xa3: {  	[sflag:s9] =	ssyncset.done $0x0  }
0xa4: {  	[sflag:s9] =	ssyncadd.s32 $0xFFFFC000  }
0xa5: {  	_ =	swait.ge [sflag:s19], $0x400  }
0xa6: {  	[sflag:s19] =	ssyncset.done $0x0  }
0xa7: {  	[sflag:s19] =	ssyncadd.s32 $0xFFFFFC00  }
0xa8: {  	p2 =	por $0x0, $0x0;
	_ =	swait.ge [sflag:s20], $0x400  }
0xa9: {  	s17 =	sadd.s32 @!p2 $0x0, s7;
	s5 =	sadd.s32 @!p2 $0x0, s6;
	[sflag:s20] =	ssyncset.done $0x0  }
0xaa: {  	s5 =	sadd.s32 @!p2 $0x5100, s5;
	s18 =	simm.s32 @!p2 $0x0;
	[sflag:s20] =	ssyncadd.s32 $0xFFFFFC00  }
0xab: {  	[tilespmem:s18], [sflag:$0x3] =	stream.linear.gather @!p2 [hbm4b:s5+s18], $0x400, $0x38;
	[tilespmem:$0x1D000] =	vst v63  }
0xac: {  	s5 =	sadd.s32 @!p2 $0x5100, s17;
	s17 =	simm.s32 @!p2 $0x800  }
0xad: {  	[tilespmem:s17], [sflag:$0x4] =	stream.linear.gather @!p2 [hbm4b:s5+s18], $0x400, $0x38;
	[tilespmem:$0x1D000] =	vst v63  }
0xae: {  	_ = 	snop  }
0xaf: {  	[tilespmem:s16], [sflag:$0x1] =	stream.indirect.gather [hbm4b:s1+s26], $0x80, s21, s26, $0xb8;
	[tilespmem:$0x1D000] =	vst v63  }
0xb0: {  	s5 =	simm.s32 $0x480  }
0xb1: {  	[tilespmem:s28], [sflag:$0x2] =	stream.indirect.gather [hbm4b:s1+s26], $0x80, s5, s26, $0xb8;
	[tilespmem:$0x1D000] =	vst v63  }
0xb2: {  	_ =	swait.ge [sflag:s29], $0x4000  }
0xb3: {  	[sflag:s29] =	ssyncset.done $0x0  }
0xb4: {  	[sflag:s29] =	ssyncadd.s32 $0xFFFFC000  }
0xb5: {  	[spmem:s2] =	stream.indirect.scatter.add.f32 [tilespmem:s16], [sflag:$0x5], $0x80, s22, s26, $0xb8;
	[tilespmem:$0x1D000] =	vst v63  }
0xb6: {  	_ =	swait.ge [sflag:s30], $0x4000  }
0xb7: {  	[sflag:s30] =	ssyncset.done $0x0  }
0xb8: {  	s8 =	simm.s32 $0xC80;
	[sflag:s30] =	ssyncadd.s32 $0xFFFFC000  }
0xb9: {  	[spmem:s2] =	stream.indirect.scatter.add.f32 [tilespmem:s28], [sflag:$0x6], $0x80, s8, s26, $0xb8;
	[tilespmem:$0x1D000] =	vst v63  }
0xba: {  	_ =	swait.ge [sflag:s0], $0x4000  }
0xbb: {  	[sflag:s0] =	ssyncset.done $0x0  }
0xbc: {  	s10 =	simm.s32 $0x500;
	[sflag:s0] =	ssyncadd.s32 $0xFFFFC000  }
0xbd: {  	[tilespmem:s16], [sflag:$0x1] =	stream.indirect.gather [hbm4b:s1+s26], $0x80, s10, s26, $0xb8;
	[tilespmem:$0x1D000] =	vst v63  }
0xbe: {  	_ =	swait.ge [sflag:s9], $0x4000  }
0xbf: {  	[sflag:s9] =	ssyncset.done $0x0  }
0xc0: {  	s11 =	simm.s32 $0x580;
	[sflag:s9] =	ssyncadd.s32 $0xFFFFC000  }
0xc1: {  	[tilespmem:s28], [sflag:$0x2] =	stream.indirect.gather [hbm4b:s1+s26], $0x80, s11, s26, $0xb8;
	[tilespmem:$0x1D000] =	vst v63  }
0xc2: {  	_ =	swait.ge [sflag:s29], $0x4000  }
0xc3: {  	[sflag:s29] =	ssyncset.done $0x0  }
0xc4: {  	s12 =	simm.s32 $0xD00;
	[sflag:s29] =	ssyncadd.s32 $0xFFFFC000  }
0xc5: {  	[spmem:s2] =	stream.indirect.scatter.add.f32 [tilespmem:s16], [sflag:$0x5], $0x80, s12, s26, $0xb8;
	[tilespmem:$0x1D000] =	vst v63  }
0xc6: {  	_ =	swait.ge [sflag:s30], $0x4000  }
0xc7: {  	[sflag:s30] =	ssyncset.done $0x0  }
0xc8: {  	s13 =	simm.s32 $0xD80;
	[sflag:s30] =	ssyncadd.s32 $0xFFFFC000  }
0xc9: {  	[spmem:s2] =	stream.indirect.scatter.add.f32 [tilespmem:s28], [sflag:$0x6], $0x80, s13, s26, $0xb8;
	[tilespmem:$0x1D000] =	vst v63  }
0xca: {  	_ =	swait.ge [sflag:s0], $0x4000  }
0xcb: {  	[sflag:s0] =	ssyncset.done $0x0  }
0xcc: {  	s14 =	simm.s32 $0x600;
	[sflag:s0] =	ssyncadd.s32 $0xFFFFC000  }
0xcd: {  	[tilespmem:s16], [sflag:$0x1] =	stream.indirect.gather [hbm4b:s1+s26], $0x80, s14, s26, $0xb8;
	[tilespmem:$0x1D000] =	vst v63  }
0xce: {  	_ =	swait.ge [sflag:s9], $0x4000  }
0xcf: {  	[sflag:s9] =	ssyncset.done $0x0  }
0xd0: {  	s15 =	simm.s32 $0x680;
	[sflag:s9] =	ssyncadd.s32 $0xFFFFC000  }
0xd1: {  	[tilespmem:s28], [sflag:$0x2] =	stream.indirect.gather [hbm4b:s1+s26], $0x80, s15, s26, $0xb8;
	[tilespmem:$0x1D000] =	vst v63  }
0xd2: {  	_ =	swait.ge [sflag:s29], $0x4000  }
0xd3: {  	[sflag:s29] =	ssyncset.done $0x0  }
0xd4: {  	s17 =	simm.s32 $0xE00;
	[sflag:s29] =	ssyncadd.s32 $0xFFFFC000  }
0xd5: {  	[spmem:s2] =	stream.indirect.scatter.add.f32 [tilespmem:s16], [sflag:$0x5], $0x80, s17, s26, $0xb8;
	[tilespmem:$0x1D000] =	vst v63  }
0xd6: {  	_ =	swait.ge [sflag:s30], $0x4000  }
0xd7: {  	[sflag:s30] =	ssyncset.done $0x0  }
0xd8: {  	s18 =	simm.s32 $0xE80;
	[sflag:s30] =	ssyncadd.s32 $0xFFFFC000  }
0xd9: {  	[spmem:s2] =	stream.indirect.scatter.add.f32 [tilespmem:s28], [sflag:$0x6], $0x80, s18, s26, $0xb8;
	[tilespmem:$0x1D000] =	vst v63  }
0xda: {  	_ =	swait.ge [sflag:s0], $0x4000  }
0xdb: {  	[sflag:s0] =	ssyncset.done $0x0  }
0xdc: {  	s23 =	simm.s32 $0x700;
	[sflag:s0] =	ssyncadd.s32 $0xFFFFC000  }
0xdd: {  	[tilespmem:s16], [sflag:$0x1] =	stream.indirect.gather [hbm4b:s1+s26], $0x80, s23, s26, $0xb8;
	[tilespmem:$0x1D000] =	vst v63  }
0xde: {  	_ =	swait.ge [sflag:s9], $0x4000  }
0xdf: {  	[sflag:s9] =	ssyncset.done $0x0  }
0xe0: {  	s24 =	simm.s32 $0x780;
	[sflag:s9] =	ssyncadd.s32 $0xFFFFC000  }
0xe1: {  	[tilespmem:s28], [sflag:$0x2] =	stream.indirect.gather [hbm4b:s1+s26], $0x80, s24, s26, $0xb8;
	[tilespmem:$0x1D000] =	vst v63  }
0xe2: {  	_ =	swait.ge [sflag:s29], $0x4000  }
0xe3: {  	[sflag:s29] =	ssyncset.done $0x0  }
0xe4: {  	s25 =	simm.s32 $0xF00;
	[sflag:s29] =	ssyncadd.s32 $0xFFFFC000  }
0xe5: {  	[spmem:s2] =	stream.indirect.scatter.add.f32 [tilespmem:s16], [sflag:$0x5], $0x80, s25, s26, $0xb8;
	[tilespmem:$0x1D000] =	vst v63  }
0xe6: {  	_ =	swait.ge [sflag:s30], $0x4000  }
0xe7: {  	s4 =	simm.s32 $0x380;
	[sflag:s30] =	ssyncset.done $0x0  }
0xe8: {  	s31 =	simm.s32 $0xF80;
	s5 =	simm.s32 $0x100;
	[sflag:s30] =	ssyncadd.s32 $0xFFFFC000  }
0xe9: {  	[spmem:s2] =	stream.indirect.scatter.add.f32 [tilespmem:s28], [sflag:$0x6], $0x80, s31, s26, $0xb8;
	[tilespmem:$0x1D000] =	vst v63  }
0xea: {  	s8 =	simm.s32 $0x800;
	s10 =	simm.s32 $0x300;
	_ =	swait.ge [sflag:s0], $0x4000  }
0xeb: {  	s11 =	simm.s32 $0x100;
	s12 =	simm.s32 $0x180;
	[sflag:s0] =	ssyncset.done $0x0  }
0xec: {  	s13 =	simm.s32 $0x900;
	s14 =	simm.s32 $0x980;
	[sflag:s0] =	ssyncadd.s32 $0xFFFFC000  }
0xed: {  	s15 =	simm.s32 $0x200;
	s23 =	simm.s32 $0x280;
	_ =	swait.ge [sflag:s9], $0x4000  }
0xee: {  	s24 =	simm.s32 $0xA00;
	s25 =	simm.s32 $0xA80;
	[sflag:s9] =	ssyncset.done $0x0  }
.LBB2_8:
0xef: {  	[sflag:s9] =	ssyncadd.s32 $0xFFFFC000;
	s17 =	smov.u32 s5;
	s5 =	sadd.s32 $0x100, s5  }
0xf0: {  	_ =	swait.ge [sflag:s19], $0x400;
	p2 =	sne.s32 s5, $0x500  }
0xf1: {  	[sflag:s19] =	ssyncset.done $0x0  }
0xf2: {  	[sflag:s19] =	ssyncadd.s32 $0xFFFFFC00  }
0xf3: {  	_ =	swait.ge [sflag:s20], $0x400  }
0xf4: {  	s18 =	sadd.s32 s17, s6;
	[sflag:s20] =	ssyncset.done $0x0  }
0xf5: {  	s31 =	sadd.s32 s17, s7;
	s18 =	sadd.s32 $0x5080, s18;
	[sflag:s20] =	ssyncadd.s32 $0xFFFFFC00  }
0xf6: {  	[tilespmem:s21], [sflag:$0x3] =	stream.linear.gather [hbm4b:s18+s3], $0x400, $0x38;
	[tilespmem:$0x1D000] =	vst v63  }
0xf7: {  	s18 =	sadd.s32 $0x5080, s31  }
0xf8: {  	[tilespmem:s22], [sflag:$0x4] =	stream.linear.gather [hbm4b:s18+s3], $0x400, $0x38;
	[tilespmem:$0x1D000] =	vst v63  }
0xf9: {  	_ = 	snop  }
0xfa: {  	[tilespmem:s16], [sflag:$0x1] =	stream.indirect.gather [hbm4b:s1+s26], $0x80, s3, s26, $0xb8;
	[tilespmem:$0x1D000] =	vst v63  }
0xfb: {  	_ = 	snop  }
0xfc: {  	[tilespmem:s28], [sflag:$0x2] =	stream.indirect.gather [hbm4b:s1+s26], $0x80, s26, s26, $0xb8;
	[tilespmem:$0x1D000] =	vst v63  }
0xfd: {  	_ =	swait.ge [sflag:s29], $0x4000  }
0xfe: {  	[sflag:s29] =	ssyncset.done $0x0  }
0xff: {  	[sflag:s29] =	ssyncadd.s32 $0xFFFFC000  }
0x100: {  	[spmem:s2] =	stream.indirect.scatter.add.f32 [tilespmem:s16], [sflag:$0x5], $0x80, s8, s26, $0xb8;
	[tilespmem:$0x1D000] =	vst v63  }
0x101: {  	_ =	swait.ge [sflag:s30], $0x4000  }
0x102: {  	[sflag:s30] =	ssyncset.done $0x0  }
0x103: {  	s18 =	simm.s32 $0x880;
	[sflag:s30] =	ssyncadd.s32 $0xFFFFC000  }
0x104: {  	[spmem:s2] =	stream.indirect.scatter.add.f32 [tilespmem:s28], [sflag:$0x6], $0x80, s18, s26, $0xb8;
	[tilespmem:$0x1D000] =	vst v63  }
0x105: {  	_ =	swait.ge [sflag:s0], $0x4000  }
0x106: {  	[sflag:s0] =	ssyncset.done $0x0  }
0x107: {  	[sflag:s0] =	ssyncadd.s32 $0xFFFFC000  }
0x108: {  	[tilespmem:s16], [sflag:$0x1] =	stream.indirect.gather [hbm4b:s1+s26], $0x80, s11, s26, $0xb8;
	[tilespmem:$0x1D000] =	vst v63  }
0x109: {  	_ =	swait.ge [sflag:s9], $0x4000  }
0x10a: {  	[sflag:s9] =	ssyncset.done $0x0  }
0x10b: {  	[sflag:s9] =	ssyncadd.s32 $0xFFFFC000  }
0x10c: {  	[tilespmem:s28], [sflag:$0x2] =	stream.indirect.gather [hbm4b:s1+s26], $0x80, s12, s26, $0xb8;
	[tilespmem:$0x1D000] =	vst v63  }
0x10d: {  	_ =	swait.ge [sflag:s29], $0x4000  }
0x10e: {  	[sflag:s29] =	ssyncset.done $0x0  }
0x10f: {  	[sflag:s29] =	ssyncadd.s32 $0xFFFFC000  }
0x110: {  	[spmem:s2] =	stream.indirect.scatter.add.f32 [tilespmem:s16], [sflag:$0x5], $0x80, s13, s26, $0xb8;
	[tilespmem:$0x1D000] =	vst v63  }
0x111: {  	_ =	swait.ge [sflag:s30], $0x4000  }
0x112: {  	[sflag:s30] =	ssyncset.done $0x0  }
0x113: {  	[sflag:s30] =	ssyncadd.s32 $0xFFFFC000  }
0x114: {  	[spmem:s2] =	stream.indirect.scatter.add.f32 [tilespmem:s28], [sflag:$0x6], $0x80, s14, s26, $0xb8;
	[tilespmem:$0x1D000] =	vst v63  }
0x115: {  	_ =	swait.ge [sflag:s0], $0x4000  }
0x116: {  	[sflag:s0] =	ssyncset.done $0x0  }
0x117: {  	[sflag:s0] =	ssyncadd.s32 $0xFFFFC000  }
0x118: {  	[tilespmem:s16], [sflag:$0x1] =	stream.indirect.gather [hbm4b:s1+s26], $0x80, s15, s26, $0xb8;
	[tilespmem:$0x1D000] =	vst v63  }
0x119: {  	_ =	swait.ge [sflag:s9], $0x4000  }
0x11a: {  	[sflag:s9] =	ssyncset.done $0x0  }
0x11b: {  	[sflag:s9] =	ssyncadd.s32 $0xFFFFC000  }
0x11c: {  	[tilespmem:s28], [sflag:$0x2] =	stream.indirect.gather [hbm4b:s1+s26], $0x80, s23, s26, $0xb8;
	[tilespmem:$0x1D000] =	vst v63  }
0x11d: {  	_ =	swait.ge [sflag:s29], $0x4000  }
0x11e: {  	[sflag:s29] =	ssyncset.done $0x0  }
0x11f: {  	[sflag:s29] =	ssyncadd.s32 $0xFFFFC000  }
0x120: {  	[spmem:s2] =	stream.indirect.scatter.add.f32 [tilespmem:s16], [sflag:$0x5], $0x80, s24, s26, $0xb8;
	[tilespmem:$0x1D000] =	vst v63  }
0x121: {  	_ =	swait.ge [sflag:s30], $0x4000  }
0x122: {  	[sflag:s30] =	ssyncset.done $0x0  }
0x123: {  	[sflag:s30] =	ssyncadd.s32 $0xFFFFC000  }
0x124: {  	[spmem:s2] =	stream.indirect.scatter.add.f32 [tilespmem:s28], [sflag:$0x6], $0x80, s25, s26, $0xb8;
	[tilespmem:$0x1D000] =	vst v63  }
0x125: {  	_ =	swait.ge [sflag:s0], $0x4000  }
0x126: {  	[sflag:s0] =	ssyncset.done $0x0  }
0x127: {  	[sflag:s0] =	ssyncadd.s32 $0xFFFFC000  }
0x128: {  	[tilespmem:s16], [sflag:$0x1] =	stream.indirect.gather [hbm4b:s1+s26], $0x80, s10, s26, $0xb8;
	[tilespmem:$0x1D000] =	vst v63  }
0x129: {  	_ =	swait.ge [sflag:s9], $0x4000  }
0x12a: {  	[sflag:s9] =	ssyncset.done $0x0  }
0x12b: {  	[sflag:s9] =	ssyncadd.s32 $0xFFFFC000  }
0x12c: {  	[tilespmem:s28], [sflag:$0x2] =	stream.indirect.gather [hbm4b:s1+s26], $0x80, s4, s26, $0xb8;
	[tilespmem:$0x1D000] =	vst v63  }
0x12d: {  	_ =	swait.ge [sflag:s29], $0x4000  }
0x12e: {  	[sflag:s29] =	ssyncset.done $0x0  }
0x12f: {  	s18 =	simm.s32 $0xB00;
	[sflag:s29] =	ssyncadd.s32 $0xFFFFC000  }
0x130: {  	[spmem:s2] =	stream.indirect.scatter.add.f32 [tilespmem:s16], [sflag:$0x5], $0x80, s18, s26, $0xb8;
	[tilespmem:$0x1D000] =	vst v63  }
0x131: {  	_ =	swait.ge [sflag:s30], $0x4000  }
0x132: {  	[sflag:s30] =	ssyncset.done $0x0  }
0x133: {  	s18 =	simm.s32 $0xB80;
	[sflag:s30] =	ssyncadd.s32 $0xFFFFC000  }
0x134: {  	[spmem:s2] =	stream.indirect.scatter.add.f32 [tilespmem:s28], [sflag:$0x6], $0x80, s18, s26, $0xb8;
	[tilespmem:$0x1D000] =	vst v63  }
0x135: {  	_ =	swait.ge [sflag:s0], $0x4000  }
0x136: {  	[sflag:s0] =	ssyncset.done $0x0  }
0x137: {  	[sflag:s0] =	ssyncadd.s32 $0xFFFFC000  }
0x138: {  	_ =	swait.ge [sflag:s9], $0x4000  }
0x139: {  	[sflag:s9] =	ssyncset.done $0x0  }
0x13a: {  	[sflag:s9] =	ssyncadd.s32 $0xFFFFC000  }
0x13b: {  	_ =	swait.ge [sflag:s19], $0x400  }
0x13c: {  	[sflag:s19] =	ssyncset.done $0x0  }
0x13d: {  	[sflag:s19] =	ssyncadd.s32 $0xFFFFFC00  }
0x13e: {  	p3 =	seq.s32 s17, $0x400;
	_ =	swait.ge [sflag:s20], $0x400  }
0x13f: {  	s18 =	sadd.s32 @!p3 s17, s6;
	s17 =	sadd.s32 @!p3 s17, s7;
	[sflag:s20] =	ssyncset.done $0x0  }
0x140: {  	s31 =	simm.s32 @!p3 $0x0;
	s18 =	sadd.s32 @!p3 $0x5100, s18;
	[sflag:s20] =	ssyncadd.s32 $0xFFFFFC00  }
0x141: {  	[tilespmem:s31], [sflag:$0x3] =	stream.linear.gather @!p3 [hbm4b:s18+s31], $0x400, $0x38;
	[tilespmem:$0x1D000] =	vst v63  }
0x142: {  	s17 =	sadd.s32 @!p3 $0x5100, s17;
	s18 =	simm.s32 @!p3 $0x800  }
0x143: {  	[tilespmem:s18], [sflag:$0x4] =	stream.linear.gather @!p3 [hbm4b:s17+s31], $0x400, $0x38;
	[tilespmem:$0x1D000] =	vst v63  }
0x144: {  	s17 =	simm.s32 $0x480;
	_ =	sdelay $0x1  }
0x145: {  	[tilespmem:s16], [sflag:$0x1] =	stream.indirect.gather [hbm4b:s1+s26], $0x80, s21, s26, $0xb8;
	[tilespmem:$0x1D000] =	vst v63  }
0x146: {  	_ = 	snop  }
0x147: {  	[tilespmem:s28], [sflag:$0x2] =	stream.indirect.gather [hbm4b:s1+s26], $0x80, s17, s26, $0xb8;
	[tilespmem:$0x1D000] =	vst v63  }
0x148: {  	s17 =	simm.s32 $0xC80  }
0x149: {  	_ =	swait.ge [sflag:s29], $0x4000  }
0x14a: {  	[sflag:s29] =	ssyncset.done $0x0  }
0x14b: {  	[sflag:s29] =	ssyncadd.s32 $0xFFFFC000  }
0x14c: {  	[spmem:s2] =	stream.indirect.scatter.add.f32 [tilespmem:s16], [sflag:$0x5], $0x80, s22, s26, $0xb8;
	[tilespmem:$0x1D000] =	vst v63  }
0x14d: {  	_ =	swait.ge [sflag:s30], $0x4000  }
0x14e: {  	[sflag:s30] =	ssyncset.done $0x0  }
0x14f: {  	[sflag:s30] =	ssyncadd.s32 $0xFFFFC000  }
0x150: {  	[spmem:s2] =	stream.indirect.scatter.add.f32 [tilespmem:s28], [sflag:$0x6], $0x80, s17, s26, $0xb8;
	[tilespmem:$0x1D000] =	vst v63  }
0x151: {  	s17 =	simm.s32 $0x500  }
0x152: {  	_ =	swait.ge [sflag:s0], $0x4000  }
0x153: {  	[sflag:s0] =	ssyncset.done $0x0  }
0x154: {  	[sflag:s0] =	ssyncadd.s32 $0xFFFFC000  }
0x155: {  	[tilespmem:s16], [sflag:$0x1] =	stream.indirect.gather [hbm4b:s1+s26], $0x80, s17, s26, $0xb8;
	[tilespmem:$0x1D000] =	vst v63  }
0x156: {  	s17 =	simm.s32 $0x580  }
0x157: {  	_ =	swait.ge [sflag:s9], $0x4000  }
0x158: {  	[sflag:s9] =	ssyncset.done $0x0  }
0x159: {  	[sflag:s9] =	ssyncadd.s32 $0xFFFFC000  }
0x15a: {  	[tilespmem:s28], [sflag:$0x2] =	stream.indirect.gather [hbm4b:s1+s26], $0x80, s17, s26, $0xb8;
	[tilespmem:$0x1D000] =	vst v63  }
0x15b: {  	s17 =	simm.s32 $0xD00  }
0x15c: {  	_ =	swait.ge [sflag:s29], $0x4000  }
0x15d: {  	[sflag:s29] =	ssyncset.done $0x0  }
0x15e: {  	[sflag:s29] =	ssyncadd.s32 $0xFFFFC000  }
0x15f: {  	[spmem:s2] =	stream.indirect.scatter.add.f32 [tilespmem:s16], [sflag:$0x5], $0x80, s17, s26, $0xb8;
	[tilespmem:$0x1D000] =	vst v63  }
0x160: {  	s17 =	simm.s32 $0xD80  }
0x161: {  	_ =	swait.ge [sflag:s30], $0x4000  }
0x162: {  	[sflag:s30] =	ssyncset.done $0x0  }
0x163: {  	[sflag:s30] =	ssyncadd.s32 $0xFFFFC000  }
0x164: {  	[spmem:s2] =	stream.indirect.scatter.add.f32 [tilespmem:s28], [sflag:$0x6], $0x80, s17, s26, $0xb8;
	[tilespmem:$0x1D000] =	vst v63  }
0x165: {  	s17 =	simm.s32 $0x600  }
0x166: {  	_ =	swait.ge [sflag:s0], $0x4000  }
0x167: {  	[sflag:s0] =	ssyncset.done $0x0  }
0x168: {  	[sflag:s0] =	ssyncadd.s32 $0xFFFFC000  }
0x169: {  	[tilespmem:s16], [sflag:$0x1] =	stream.indirect.gather [hbm4b:s1+s26], $0x80, s17, s26, $0xb8;
	[tilespmem:$0x1D000] =	vst v63  }
0x16a: {  	s17 =	simm.s32 $0x680  }
0x16b: {  	_ =	swait.ge [sflag:s9], $0x4000  }
0x16c: {  	[sflag:s9] =	ssyncset.done $0x0  }
0x16d: {  	[sflag:s9] =	ssyncadd.s32 $0xFFFFC000  }
0x16e: {  	[tilespmem:s28], [sflag:$0x2] =	stream.indirect.gather [hbm4b:s1+s26], $0x80, s17, s26, $0xb8;
	[tilespmem:$0x1D000] =	vst v63  }
0x16f: {  	s17 =	simm.s32 $0xE00  }
0x170: {  	_ =	swait.ge [sflag:s29], $0x4000  }
0x171: {  	[sflag:s29] =	ssyncset.done $0x0  }
0x172: {  	[sflag:s29] =	ssyncadd.s32 $0xFFFFC000  }
0x173: {  	[spmem:s2] =	stream.indirect.scatter.add.f32 [tilespmem:s16], [sflag:$0x5], $0x80, s17, s26, $0xb8;
	[tilespmem:$0x1D000] =	vst v63  }
0x174: {  	s17 =	simm.s32 $0xE80  }
0x175: {  	_ =	swait.ge [sflag:s30], $0x4000  }
0x176: {  	[sflag:s30] =	ssyncset.done $0x0  }
0x177: {  	[sflag:s30] =	ssyncadd.s32 $0xFFFFC000  }
0x178: {  	[spmem:s2] =	stream.indirect.scatter.add.f32 [tilespmem:s28], [sflag:$0x6], $0x80, s17, s26, $0xb8;
	[tilespmem:$0x1D000] =	vst v63  }
0x179: {  	s17 =	simm.s32 $0x700  }
0x17a: {  	_ =	swait.ge [sflag:s0], $0x4000  }
0x17b: {  	[sflag:s0] =	ssyncset.done $0x0  }
0x17c: {  	[sflag:s0] =	ssyncadd.s32 $0xFFFFC000  }
0x17d: {  	[tilespmem:s16], [sflag:$0x1] =	stream.indirect.gather [hbm4b:s1+s26], $0x80, s17, s26, $0xb8;
	[tilespmem:$0x1D000] =	vst v63  }
0x17e: {  	s17 =	simm.s32 $0x780  }
0x17f: {  	_ =	swait.ge [sflag:s9], $0x4000  }
0x180: {  	[sflag:s9] =	ssyncset.done $0x0  }
0x181: {  	[sflag:s9] =	ssyncadd.s32 $0xFFFFC000  }
0x182: {  	[tilespmem:s28], [sflag:$0x2] =	stream.indirect.gather [hbm4b:s1+s26], $0x80, s17, s26, $0xb8;
	[tilespmem:$0x1D000] =	vst v63  }
0x183: {  	s17 =	simm.s32 $0xF00  }
0x184: {  	_ =	swait.ge [sflag:s29], $0x4000  }
0x185: {  	[sflag:s29] =	ssyncset.done $0x0  }
0x186: {  	[sflag:s29] =	ssyncadd.s32 $0xFFFFC000  }
0x187: {  	[spmem:s2] =	stream.indirect.scatter.add.f32 [tilespmem:s16], [sflag:$0x5], $0x80, s17, s26, $0xb8;
	[tilespmem:$0x1D000] =	vst v63  }
0x188: {  	s17 =	simm.s32 $0xF80  }
0x189: {  	_ =	swait.ge [sflag:s30], $0x4000  }
0x18a: {  	[sflag:s30] =	ssyncset.done $0x0  }
0x18b: {  	[sflag:s30] =	ssyncadd.s32 $0xFFFFC000  }
0x18c: {  	[spmem:s2] =	stream.indirect.scatter.add.f32 [tilespmem:s28], [sflag:$0x6], $0x80, s17, s26, $0xb8;
	[tilespmem:$0x1D000] =	vst v63  }
.Ltmp4:
0x18d: {  	_ =	swait.ge [sflag:s0], $0x4000;
	(pc) =	sbr.rel @p2 .LBB2_8-.Ltmp4, $4  }
0x18e: {  	[sflag:s0] =	ssyncset.done $0x0  }
0x18f: {  	[sflag:s0] =	ssyncadd.s32 $0xFFFFC000  }
0x190: {  	_ =	swait.ge [sflag:s9], $0x4000  }
0x191: {  	[sflag:s9] =	ssyncset.done $0x0  }
.Ltmp5:
0x192: {  	(pc) =	sbr.rel .LBB2_10-.Ltmp5, $2  }
0x193: {  	_ =	sdelay $0x2  }
0x194: {  	[sflag:s9] =	ssyncadd.s32 $0xFFFFC000;
	s18 =	simm.s32 $0x7;
	s25 =	rddreg [dreg:$0x10]  }
.LBB2_4:
0x195: {  	[tilespmem:s5], [sflag:$0x3] =	stream.linear.gather [hbm4b:s6+s5], $0x400, $0x38;
	[tilespmem:$0x1D000] =	vst v63  }
0x196: {  	_ = 	snop  }
0x197: {  	[tilespmem:s31], [sflag:$0x4] =	stream.linear.gather [hbm4b:s7+s5], $0x400, $0x38;
	[tilespmem:$0x1D000] =	vst v63  }
0x198: {  	_ =	swait.ge [sflag:s19], $0x400  }
0x199: {  	[sflag:s19] =	ssyncset.done $0x0  }
0x19a: {  	[sflag:s19] =	ssyncadd.s32 $0xFFFFFC00  }
0x19b: {  	_ =	swait.ge [sflag:s20], $0x400  }
0x19c: {  	s17 =	sadd.s32 $0x0, s6;
	[sflag:s20] =	ssyncset.done $0x0  }
0x19d: {  	s5 =	sadd.s32 $0x80, s17;
	s17 =	sadd.s32 $0x0, s7;
	[sflag:s20] =	ssyncadd.s32 $0xFFFFFC00  }
0x19e: {  	[tilespmem:s21], [sflag:$0x3] =	stream.linear.gather [hbm4b:s5+s3], $0x400, $0x38;
	[tilespmem:$0x1D000] =	vst v63  }
0x19f: {  	s18 =	sadd.s32 $0x80, s17  }
0x1a0: {  	[tilespmem:s22], [sflag:$0x4] =	stream.linear.gather [hbm4b:s18+s3], $0x400, $0x38;
	[tilespmem:$0x1D000] =	vst v63  }
0x1a1: {  	_ = 	snop  }
0x1a2: {  	[tilespmem:s16], [sflag:$0x1] =	stream.indirect.gather [hbm4b:s1+s26], $0x80, s3, s26, $0xb8;
	[tilespmem:$0x1D000] =	vst v63  }
0x1a3: {  	_ = 	snop  }
0x1a4: {  	[tilespmem:s28], [sflag:$0x2] =	stream.indirect.gather [hbm4b:s1+s26], $0x80, s26, s26, $0xb8;
	[tilespmem:$0x1D000] =	vst v63  }
0x1a5: {  	_ =	swait.ge [sflag:s29], $0x4000  }
0x1a6: {  	[sflag:s29] =	ssyncset.done $0x0  }
0x1a7: {  	[sflag:s29] =	ssyncadd.s32 $0xFFFFC000  }
0x1a8: {  	[spmem:s2] =	stream.indirect.scatter.add.f32 [tilespmem:s16], [sflag:$0x5], $0x80, s31, s26, $0xb8;
	[tilespmem:$0x1D000] =	vst v63  }
0x1a9: {  	_ =	swait.ge [sflag:s30], $0x4000  }
0x1aa: {  	[sflag:s30] =	ssyncset.done $0x0  }
0x1ab: {  	[sflag:s30] =	ssyncadd.s32 $0xFFFFC000  }
0x1ac: {  	[spmem:s2] =	stream.indirect.scatter.add.f32 [tilespmem:s28], [sflag:$0x6], $0x80, s4, s26, $0xb8;
	[tilespmem:$0x1D000] =	vst v63  }
0x1ad: {  	_ =	swait.ge [sflag:s0], $0x4000  }
0x1ae: {  	[sflag:s0] =	ssyncset.done $0x0  }
0x1af: {  	[sflag:s0] =	ssyncadd.s32 $0xFFFFC000  }
0x1b0: {  	[tilespmem:s16], [sflag:$0x1] =	stream.indirect.gather [hbm4b:s1+s26], $0x80, s8, s26, $0xb8;
	[tilespmem:$0x1D000] =	vst v63  }
0x1b1: {  	_ =	swait.ge [sflag:s9], $0x4000  }
0x1b2: {  	[sflag:s9] =	ssyncset.done $0x0  }
0x1b3: {  	[sflag:s9] =	ssyncadd.s32 $0xFFFFC000  }
0x1b4: {  	[tilespmem:s28], [sflag:$0x2] =	stream.indirect.gather [hbm4b:s1+s26], $0x80, s11, s26, $0xb8;
	[tilespmem:$0x1D000] =	vst v63  }
0x1b5: {  	_ =	swait.ge [sflag:s29], $0x4000  }
0x1b6: {  	[sflag:s29] =	ssyncset.done $0x0  }
0x1b7: {  	[sflag:s29] =	ssyncadd.s32 $0xFFFFC000  }
0x1b8: {  	[spmem:s2] =	stream.indirect.scatter.add.f32 [tilespmem:s16], [sflag:$0x5], $0x80, s12, s26, $0xb8;
	[tilespmem:$0x1D000] =	vst v63  }
0x1b9: {  	_ =	swait.ge [sflag:s30], $0x4000  }
0x1ba: {  	[sflag:s30] =	ssyncset.done $0x0  }
0x1bb: {  	[sflag:s30] =	ssyncadd.s32 $0xFFFFC000  }
0x1bc: {  	[spmem:s2] =	stream.indirect.scatter.add.f32 [tilespmem:s28], [sflag:$0x6], $0x80, s13, s26, $0xb8;
	[tilespmem:$0x1D000] =	vst v63  }
0x1bd: {  	_ =	swait.ge [sflag:s0], $0x4000  }
0x1be: {  	[sflag:s0] =	ssyncset.done $0x0  }
0x1bf: {  	[sflag:s0] =	ssyncadd.s32 $0xFFFFC000  }
0x1c0: {  	[tilespmem:s16], [sflag:$0x1] =	stream.indirect.gather [hbm4b:s1+s26], $0x80, s14, s26, $0xb8;
	[tilespmem:$0x1D000] =	vst v63  }
0x1c1: {  	_ =	swait.ge [sflag:s9], $0x4000  }
0x1c2: {  	[sflag:s9] =	ssyncset.done $0x0  }
0x1c3: {  	[sflag:s9] =	ssyncadd.s32 $0xFFFFC000  }
0x1c4: {  	[tilespmem:s28], [sflag:$0x2] =	stream.indirect.gather [hbm4b:s1+s26], $0x80, s15, s26, $0xb8;
	[tilespmem:$0x1D000] =	vst v63  }
0x1c5: {  	_ =	swait.ge [sflag:s29], $0x4000  }
0x1c6: {  	[sflag:s29] =	ssyncset.done $0x0  }
0x1c7: {  	[sflag:s29] =	ssyncadd.s32 $0xFFFFC000  }
0x1c8: {  	[spmem:s2] =	stream.indirect.scatter.add.f32 [tilespmem:s16], [sflag:$0x5], $0x80, s23, s26, $0xb8;
	[tilespmem:$0x1D000] =	vst v63  }
0x1c9: {  	_ =	swait.ge [sflag:s30], $0x4000  }
0x1ca: {  	[sflag:s30] =	ssyncset.done $0x0  }
0x1cb: {  	[sflag:s30] =	ssyncadd.s32 $0xFFFFC000  }
0x1cc: {  	[spmem:s2] =	stream.indirect.scatter.add.f32 [tilespmem:s28], [sflag:$0x6], $0x80, s24, s26, $0xb8;
	[tilespmem:$0x1D000] =	vst v63  }
0x1cd: {  	_ =	swait.ge [sflag:s0], $0x4000  }
0x1ce: {  	[sflag:s0] =	ssyncset.done $0x0  }
0x1cf: {  	[sflag:s0] =	ssyncadd.s32 $0xFFFFC000  }
0x1d0: {  	[tilespmem:s16], [sflag:$0x1] =	stream.indirect.gather [hbm4b:s1+s26], $0x80, s10, s26, $0xb8;
	[tilespmem:$0x1D000] =	vst v63  }
0x1d1: {  	_ =	swait.ge [sflag:s9], $0x4000  }
0x1d2: {  	[sflag:s9] =	ssyncset.done $0x0  }
0x1d3: {  	s24 =	simm.s32 $0x380;
	[sflag:s9] =	ssyncadd.s32 $0xFFFFC000  }
0x1d4: {  	[tilespmem:s28], [sflag:$0x2] =	stream.indirect.gather [hbm4b:s1+s26], $0x80, s24, s26, $0xb8;
	[tilespmem:$0x1D000] =	vst v63  }
0x1d5: {  	_ =	swait.ge [sflag:s29], $0x4000  }
0x1d6: {  	[sflag:s29] =	ssyncset.done $0x0  }
0x1d7: {  	s25 =	simm.s32 $0xB00;
	[sflag:s29] =	ssyncadd.s32 $0xFFFFC000  }
0x1d8: {  	[spmem:s2] =	stream.indirect.scatter.add.f32 [tilespmem:s16], [sflag:$0x5], $0x80, s25, s26, $0xb8;
	[tilespmem:$0x1D000] =	vst v63  }
0x1d9: {  	_ =	swait.ge [sflag:s30], $0x4000  }
0x1da: {  	[sflag:s30] =	ssyncset.done $0x0  }
0x1db: {  	s31 =	simm.s32 $0xB80;
	[sflag:s30] =	ssyncadd.s32 $0xFFFFC000  }
0x1dc: {  	[spmem:s2] =	stream.indirect.scatter.add.f32 [tilespmem:s28], [sflag:$0x6], $0x80, s31, s26, $0xb8;
	[tilespmem:$0x1D000] =	vst v63  }
0x1dd: {  	_ =	swait.ge [sflag:s0], $0x4000  }
0x1de: {  	[sflag:s0] =	ssyncset.done $0x0  }
0x1df: {  	[sflag:s0] =	ssyncadd.s32 $0xFFFFC000  }
0x1e0: {  	_ =	swait.ge [sflag:s9], $0x4000  }
0x1e1: {  	[sflag:s9] =	ssyncset.done $0x0  }
0x1e2: {  	[sflag:s9] =	ssyncadd.s32 $0xFFFFC000  }
0x1e3: {  	_ =	swait.ge [sflag:s19], $0x400  }
0x1e4: {  	[sflag:s19] =	ssyncset.done $0x0  }
0x1e5: {  	[sflag:s19] =	ssyncadd.s32 $0xFFFFFC00  }
0x1e6: {  	p2 =	por $0x0, $0x0;
	_ =	swait.ge [sflag:s20], $0x400  }
0x1e7: {  	s17 =	sadd.s32 @!p2 $0x0, s7;
	s5 =	sadd.s32 @!p2 $0x0, s6;
	[sflag:s20] =	ssyncset.done $0x0  }
0x1e8: {  	s5 =	sadd.s32 @!p2 $0x100, s5;
	s4 =	simm.s32 @!p2 $0x0;
	[sflag:s20] =	ssyncadd.s32 $0xFFFFFC00  }
0x1e9: {  	[tilespmem:s4], [sflag:$0x3] =	stream.linear.gather @!p2 [hbm4b:s5+s4], $0x400, $0x38;
	[tilespmem:$0x1D000] =	vst v63  }
0x1ea: {  	s5 =	sadd.s32 @!p2 $0x100, s17;
	s17 =	simm.s32 @!p2 $0x800  }
0x1eb: {  	[tilespmem:s17], [sflag:$0x4] =	stream.linear.gather @!p2 [hbm4b:s5+s4], $0x400, $0x38;
	[tilespmem:$0x1D000] =	vst v63  }
0x1ec: {  	_ = 	snop  }
0x1ed: {  	[tilespmem:s16], [sflag:$0x1] =	stream.indirect.gather [hbm4b:s1+s26], $0x80, s21, s26, $0xb8;
	[tilespmem:$0x1D000] =	vst v63  }
0x1ee: {  	s5 =	simm.s32 $0x480  }
0x1ef: {  	[tilespmem:s28], [sflag:$0x2] =	stream.indirect.gather [hbm4b:s1+s26], $0x80, s5, s26, $0xb8;
	[tilespmem:$0x1D000] =	vst v63  }
0x1f0: {  	_ =	swait.ge [sflag:s29], $0x4000  }
0x1f1: {  	[sflag:s29] =	ssyncset.done $0x0  }
0x1f2: {  	[sflag:s29] =	ssyncadd.s32 $0xFFFFC000  }
0x1f3: {  	[spmem:s2] =	stream.indirect.scatter.add.f32 [tilespmem:s16], [sflag:$0x5], $0x80, s22, s26, $0xb8;
	[tilespmem:$0x1D000] =	vst v63  }
0x1f4: {  	_ =	swait.ge [sflag:s30], $0x4000  }
0x1f5: {  	[sflag:s30] =	ssyncset.done $0x0  }
0x1f6: {  	s8 =	simm.s32 $0xC80;
	[sflag:s30] =	ssyncadd.s32 $0xFFFFC000  }
0x1f7: {  	[spmem:s2] =	stream.indirect.scatter.add.f32 [tilespmem:s28], [sflag:$0x6], $0x80, s8, s26, $0xb8;
	[tilespmem:$0x1D000] =	vst v63  }
0x1f8: {  	_ =	swait.ge [sflag:s0], $0x4000  }
0x1f9: {  	[sflag:s0] =	ssyncset.done $0x0  }
0x1fa: {  	s10 =	simm.s32 $0x500;
	[sflag:s0] =	ssyncadd.s32 $0xFFFFC000  }
0x1fb: {  	[tilespmem:s16], [sflag:$0x1] =	stream.indirect.gather [hbm4b:s1+s26], $0x80, s10, s26, $0xb8;
	[tilespmem:$0x1D000] =	vst v63  }
0x1fc: {  	_ =	swait.ge [sflag:s9], $0x4000  }
0x1fd: {  	[sflag:s9] =	ssyncset.done $0x0  }
0x1fe: {  	s11 =	simm.s32 $0x580;
	[sflag:s9] =	ssyncadd.s32 $0xFFFFC000  }
0x1ff: {  	[tilespmem:s28], [sflag:$0x2] =	stream.indirect.gather [hbm4b:s1+s26], $0x80, s11, s26, $0xb8;
	[tilespmem:$0x1D000] =	vst v63  }
0x200: {  	_ =	swait.ge [sflag:s29], $0x4000  }
0x201: {  	[sflag:s29] =	ssyncset.done $0x0  }
0x202: {  	s12 =	simm.s32 $0xD00;
	[sflag:s29] =	ssyncadd.s32 $0xFFFFC000  }
0x203: {  	[spmem:s2] =	stream.indirect.scatter.add.f32 [tilespmem:s16], [sflag:$0x5], $0x80, s12, s26, $0xb8;
	[tilespmem:$0x1D000] =	vst v63  }
0x204: {  	_ =	swait.ge [sflag:s30], $0x4000  }
0x205: {  	[sflag:s30] =	ssyncset.done $0x0  }
0x206: {  	s13 =	simm.s32 $0xD80;
	[sflag:s30] =	ssyncadd.s32 $0xFFFFC000  }
0x207: {  	[spmem:s2] =	stream.indirect.scatter.add.f32 [tilespmem:s28], [sflag:$0x6], $0x80, s13, s26, $0xb8;
	[tilespmem:$0x1D000] =	vst v63  }
0x208: {  	_ =	swait.ge [sflag:s0], $0x4000  }
0x209: {  	[sflag:s0] =	ssyncset.done $0x0  }
0x20a: {  	s14 =	simm.s32 $0x600;
	[sflag:s0] =	ssyncadd.s32 $0xFFFFC000  }
0x20b: {  	[tilespmem:s16], [sflag:$0x1] =	stream.indirect.gather [hbm4b:s1+s26], $0x80, s14, s26, $0xb8;
	[tilespmem:$0x1D000] =	vst v63  }
0x20c: {  	_ =	swait.ge [sflag:s9], $0x4000  }
0x20d: {  	[sflag:s9] =	ssyncset.done $0x0  }
0x20e: {  	s15 =	simm.s32 $0x680;
	[sflag:s9] =	ssyncadd.s32 $0xFFFFC000  }
0x20f: {  	[tilespmem:s28], [sflag:$0x2] =	stream.indirect.gather [hbm4b:s1+s26], $0x80, s15, s26, $0xb8;
	[tilespmem:$0x1D000] =	vst v63  }
0x210: {  	_ =	swait.ge [sflag:s29], $0x4000  }
0x211: {  	[sflag:s29] =	ssyncset.done $0x0  }
0x212: {  	s17 =	simm.s32 $0xE00;
	[sflag:s29] =	ssyncadd.s32 $0xFFFFC000  }
0x213: {  	[spmem:s2] =	stream.indirect.scatter.add.f32 [tilespmem:s16], [sflag:$0x5], $0x80, s17, s26, $0xb8;
	[tilespmem:$0x1D000] =	vst v63  }
0x214: {  	_ =	swait.ge [sflag:s30], $0x4000  }
0x215: {  	[sflag:s30] =	ssyncset.done $0x0  }
0x216: {  	s18 =	simm.s32 $0xE80;
	[sflag:s30] =	ssyncadd.s32 $0xFFFFC000  }
0x217: {  	[spmem:s2] =	stream.indirect.scatter.add.f32 [tilespmem:s28], [sflag:$0x6], $0x80, s18, s26, $0xb8;
	[tilespmem:$0x1D000] =	vst v63  }
0x218: {  	_ =	swait.ge [sflag:s0], $0x4000  }
0x219: {  	[sflag:s0] =	ssyncset.done $0x0  }
0x21a: {  	s23 =	simm.s32 $0x700;
	[sflag:s0] =	ssyncadd.s32 $0xFFFFC000  }
0x21b: {  	[tilespmem:s16], [sflag:$0x1] =	stream.indirect.gather [hbm4b:s1+s26], $0x80, s23, s26, $0xb8;
	[tilespmem:$0x1D000] =	vst v63  }
0x21c: {  	_ =	swait.ge [sflag:s9], $0x4000  }
0x21d: {  	[sflag:s9] =	ssyncset.done $0x0  }
0x21e: {  	s24 =	simm.s32 $0x780;
	[sflag:s9] =	ssyncadd.s32 $0xFFFFC000  }
0x21f: {  	[tilespmem:s28], [sflag:$0x2] =	stream.indirect.gather [hbm4b:s1+s26], $0x80, s24, s26, $0xb8;
	[tilespmem:$0x1D000] =	vst v63  }
0x220: {  	_ =	swait.ge [sflag:s29], $0x4000  }
0x221: {  	[sflag:s29] =	ssyncset.done $0x0  }
0x222: {  	s25 =	simm.s32 $0xF00;
	[sflag:s29] =	ssyncadd.s32 $0xFFFFC000  }
0x223: {  	[spmem:s2] =	stream.indirect.scatter.add.f32 [tilespmem:s16], [sflag:$0x5], $0x80, s25, s26, $0xb8;
	[tilespmem:$0x1D000] =	vst v63  }
0x224: {  	_ =	swait.ge [sflag:s30], $0x4000  }
0x225: {  	s31 =	simm.s32 $0xF80;
	[sflag:s30] =	ssyncset.done $0x0  }
0x226: {  	s4 =	simm.s32 $0x380;
	s5 =	simm.s32 $0x100;
	[sflag:s30] =	ssyncadd.s32 $0xFFFFC000  }
0x227: {  	[spmem:s2] =	stream.indirect.scatter.add.f32 [tilespmem:s28], [sflag:$0x6], $0x80, s31, s26, $0xb8;
	[tilespmem:$0x1D000] =	vst v63  }
0x228: {  	s8 =	simm.s32 $0x800;
	s10 =	simm.s32 $0x300;
	_ =	swait.ge [sflag:s0], $0x4000  }
0x229: {  	s11 =	simm.s32 $0x100;
	s12 =	simm.s32 $0x180;
	[sflag:s0] =	ssyncset.done $0x0  }
0x22a: {  	s13 =	simm.s32 $0x900;
	s14 =	simm.s32 $0x980;
	[sflag:s0] =	ssyncadd.s32 $0xFFFFC000  }
0x22b: {  	s15 =	simm.s32 $0x200;
	s23 =	simm.s32 $0x280;
	_ =	swait.ge [sflag:s9], $0x4000  }
0x22c: {  	s24 =	simm.s32 $0xA00;
	s25 =	simm.s32 $0xA80;
	[sflag:s9] =	ssyncset.done $0x0  }
.LBB2_5:
0x22d: {  	[sflag:s9] =	ssyncadd.s32 $0xFFFFC000;
	s17 =	smov.u32 s5;
	s5 =	sadd.s32 $0x100, s5  }
0x22e: {  	_ =	swait.ge [sflag:s19], $0x400;
	p2 =	seq.s32 s5, $0x500  }
0x22f: {  	[sflag:s19] =	ssyncset.done $0x0  }
0x230: {  	[sflag:s19] =	ssyncadd.s32 $0xFFFFFC00  }
0x231: {  	_ =	swait.ge [sflag:s20], $0x400  }
0x232: {  	s18 =	sadd.s32 s17, s6;
	[sflag:s20] =	ssyncset.done $0x0  }
0x233: {  	s31 =	sadd.s32 s17, s7;
	s18 =	sadd.s32 $0x80, s18;
	[sflag:s20] =	ssyncadd.s32 $0xFFFFFC00  }
0x234: {  	[tilespmem:s21], [sflag:$0x3] =	stream.linear.gather [hbm4b:s18+s3], $0x400, $0x38;
	[tilespmem:$0x1D000] =	vst v63  }
0x235: {  	s18 =	sadd.s32 $0x80, s31  }
0x236: {  	[tilespmem:s22], [sflag:$0x4] =	stream.linear.gather [hbm4b:s18+s3], $0x400, $0x38;
	[tilespmem:$0x1D000] =	vst v63  }
0x237: {  	_ = 	snop  }
0x238: {  	[tilespmem:s16], [sflag:$0x1] =	stream.indirect.gather [hbm4b:s1+s26], $0x80, s3, s26, $0xb8;
	[tilespmem:$0x1D000] =	vst v63  }
0x239: {  	_ = 	snop  }
0x23a: {  	[tilespmem:s28], [sflag:$0x2] =	stream.indirect.gather [hbm4b:s1+s26], $0x80, s26, s26, $0xb8;
	[tilespmem:$0x1D000] =	vst v63  }
0x23b: {  	_ =	swait.ge [sflag:s29], $0x4000  }
0x23c: {  	[sflag:s29] =	ssyncset.done $0x0  }
0x23d: {  	[sflag:s29] =	ssyncadd.s32 $0xFFFFC000  }
0x23e: {  	[spmem:s2] =	stream.indirect.scatter.add.f32 [tilespmem:s16], [sflag:$0x5], $0x80, s8, s26, $0xb8;
	[tilespmem:$0x1D000] =	vst v63  }
0x23f: {  	_ =	swait.ge [sflag:s30], $0x4000  }
0x240: {  	[sflag:s30] =	ssyncset.done $0x0  }
0x241: {  	s18 =	simm.s32 $0x880;
	[sflag:s30] =	ssyncadd.s32 $0xFFFFC000  }
0x242: {  	[spmem:s2] =	stream.indirect.scatter.add.f32 [tilespmem:s28], [sflag:$0x6], $0x80, s18, s26, $0xb8;
	[tilespmem:$0x1D000] =	vst v63  }
0x243: {  	_ =	swait.ge [sflag:s0], $0x4000  }
0x244: {  	[sflag:s0] =	ssyncset.done $0x0  }
0x245: {  	[sflag:s0] =	ssyncadd.s32 $0xFFFFC000  }
0x246: {  	[tilespmem:s16], [sflag:$0x1] =	stream.indirect.gather [hbm4b:s1+s26], $0x80, s11, s26, $0xb8;
	[tilespmem:$0x1D000] =	vst v63  }
0x247: {  	_ =	swait.ge [sflag:s9], $0x4000  }
0x248: {  	[sflag:s9] =	ssyncset.done $0x0  }
0x249: {  	[sflag:s9] =	ssyncadd.s32 $0xFFFFC000  }
0x24a: {  	[tilespmem:s28], [sflag:$0x2] =	stream.indirect.gather [hbm4b:s1+s26], $0x80, s12, s26, $0xb8;
	[tilespmem:$0x1D000] =	vst v63  }
0x24b: {  	_ =	swait.ge [sflag:s29], $0x4000  }
0x24c: {  	[sflag:s29] =	ssyncset.done $0x0  }
0x24d: {  	[sflag:s29] =	ssyncadd.s32 $0xFFFFC000  }
0x24e: {  	[spmem:s2] =	stream.indirect.scatter.add.f32 [tilespmem:s16], [sflag:$0x5], $0x80, s13, s26, $0xb8;
	[tilespmem:$0x1D000] =	vst v63  }
0x24f: {  	_ =	swait.ge [sflag:s30], $0x4000  }
0x250: {  	[sflag:s30] =	ssyncset.done $0x0  }
0x251: {  	[sflag:s30] =	ssyncadd.s32 $0xFFFFC000  }
0x252: {  	[spmem:s2] =	stream.indirect.scatter.add.f32 [tilespmem:s28], [sflag:$0x6], $0x80, s14, s26, $0xb8;
	[tilespmem:$0x1D000] =	vst v63  }
0x253: {  	_ =	swait.ge [sflag:s0], $0x4000  }
0x254: {  	[sflag:s0] =	ssyncset.done $0x0  }
0x255: {  	[sflag:s0] =	ssyncadd.s32 $0xFFFFC000  }
0x256: {  	[tilespmem:s16], [sflag:$0x1] =	stream.indirect.gather [hbm4b:s1+s26], $0x80, s15, s26, $0xb8;
	[tilespmem:$0x1D000] =	vst v63  }
0x257: {  	_ =	swait.ge [sflag:s9], $0x4000  }
0x258: {  	[sflag:s9] =	ssyncset.done $0x0  }
0x259: {  	[sflag:s9] =	ssyncadd.s32 $0xFFFFC000  }
0x25a: {  	[tilespmem:s28], [sflag:$0x2] =	stream.indirect.gather [hbm4b:s1+s26], $0x80, s23, s26, $0xb8;
	[tilespmem:$0x1D000] =	vst v63  }
0x25b: {  	_ =	swait.ge [sflag:s29], $0x4000  }
0x25c: {  	[sflag:s29] =	ssyncset.done $0x0  }
0x25d: {  	[sflag:s29] =	ssyncadd.s32 $0xFFFFC000  }
0x25e: {  	[spmem:s2] =	stream.indirect.scatter.add.f32 [tilespmem:s16], [sflag:$0x5], $0x80, s24, s26, $0xb8;
	[tilespmem:$0x1D000] =	vst v63  }
0x25f: {  	_ =	swait.ge [sflag:s30], $0x4000  }
0x260: {  	[sflag:s30] =	ssyncset.done $0x0  }
0x261: {  	[sflag:s30] =	ssyncadd.s32 $0xFFFFC000  }
0x262: {  	[spmem:s2] =	stream.indirect.scatter.add.f32 [tilespmem:s28], [sflag:$0x6], $0x80, s25, s26, $0xb8;
	[tilespmem:$0x1D000] =	vst v63  }
0x263: {  	_ =	swait.ge [sflag:s0], $0x4000  }
0x264: {  	[sflag:s0] =	ssyncset.done $0x0  }
0x265: {  	[sflag:s0] =	ssyncadd.s32 $0xFFFFC000  }
0x266: {  	[tilespmem:s16], [sflag:$0x1] =	stream.indirect.gather [hbm4b:s1+s26], $0x80, s10, s26, $0xb8;
	[tilespmem:$0x1D000] =	vst v63  }
0x267: {  	_ =	swait.ge [sflag:s9], $0x4000  }
0x268: {  	[sflag:s9] =	ssyncset.done $0x0  }
0x269: {  	[sflag:s9] =	ssyncadd.s32 $0xFFFFC000  }
0x26a: {  	[tilespmem:s28], [sflag:$0x2] =	stream.indirect.gather [hbm4b:s1+s26], $0x80, s4, s26, $0xb8;
	[tilespmem:$0x1D000] =	vst v63  }
0x26b: {  	_ =	swait.ge [sflag:s29], $0x4000  }
0x26c: {  	[sflag:s29] =	ssyncset.done $0x0  }
0x26d: {  	s18 =	simm.s32 $0xB00;
	[sflag:s29] =	ssyncadd.s32 $0xFFFFC000  }
0x26e: {  	[spmem:s2] =	stream.indirect.scatter.add.f32 [tilespmem:s16], [sflag:$0x5], $0x80, s18, s26, $0xb8;
	[tilespmem:$0x1D000] =	vst v63  }
0x26f: {  	_ =	swait.ge [sflag:s30], $0x4000  }
0x270: {  	[sflag:s30] =	ssyncset.done $0x0  }
0x271: {  	s18 =	simm.s32 $0xB80;
	[sflag:s30] =	ssyncadd.s32 $0xFFFFC000  }
0x272: {  	[spmem:s2] =	stream.indirect.scatter.add.f32 [tilespmem:s28], [sflag:$0x6], $0x80, s18, s26, $0xb8;
	[tilespmem:$0x1D000] =	vst v63  }
0x273: {  	_ =	swait.ge [sflag:s0], $0x4000  }
0x274: {  	[sflag:s0] =	ssyncset.done $0x0  }
0x275: {  	[sflag:s0] =	ssyncadd.s32 $0xFFFFC000  }
0x276: {  	_ =	swait.ge [sflag:s9], $0x4000  }
0x277: {  	[sflag:s9] =	ssyncset.done $0x0  }
0x278: {  	[sflag:s9] =	ssyncadd.s32 $0xFFFFC000  }
0x279: {  	_ =	swait.ge [sflag:s19], $0x400  }
0x27a: {  	[sflag:s19] =	ssyncset.done $0x0  }
0x27b: {  	[sflag:s19] =	ssyncadd.s32 $0xFFFFFC00  }
0x27c: {  	p3 =	seq.s32 s17, $0x400;
	_ =	swait.ge [sflag:s20], $0x400  }
0x27d: {  	s18 =	sadd.s32 @!p3 s17, s6;
	s17 =	sadd.s32 @!p3 s17, s7;
	[sflag:s20] =	ssyncset.done $0x0  }
0x27e: {  	s31 =	simm.s32 @!p3 $0x0;
	s18 =	sadd.s32 @!p3 $0x100, s18;
	[sflag:s20] =	ssyncadd.s32 $0xFFFFFC00  }
0x27f: {  	[tilespmem:s31], [sflag:$0x3] =	stream.linear.gather @!p3 [hbm4b:s18+s31], $0x400, $0x38;
	[tilespmem:$0x1D000] =	vst v63  }
0x280: {  	s17 =	sadd.s32 @!p3 $0x100, s17;
	s18 =	simm.s32 @!p3 $0x800  }
0x281: {  	[tilespmem:s18], [sflag:$0x4] =	stream.linear.gather @!p3 [hbm4b:s17+s31], $0x400, $0x38;
	[tilespmem:$0x1D000] =	vst v63  }
0x282: {  	s17 =	simm.s32 $0x480;
	_ =	sdelay $0x1  }
0x283: {  	[tilespmem:s16], [sflag:$0x1] =	stream.indirect.gather [hbm4b:s1+s26], $0x80, s21, s26, $0xb8;
	[tilespmem:$0x1D000] =	vst v63  }
0x284: {  	_ = 	snop  }
0x285: {  	[tilespmem:s28], [sflag:$0x2] =	stream.indirect.gather [hbm4b:s1+s26], $0x80, s17, s26, $0xb8;
	[tilespmem:$0x1D000] =	vst v63  }
0x286: {  	s17 =	simm.s32 $0xC80  }
0x287: {  	_ =	swait.ge [sflag:s29], $0x4000  }
0x288: {  	[sflag:s29] =	ssyncset.done $0x0  }
0x289: {  	[sflag:s29] =	ssyncadd.s32 $0xFFFFC000  }
0x28a: {  	[spmem:s2] =	stream.indirect.scatter.add.f32 [tilespmem:s16], [sflag:$0x5], $0x80, s22, s26, $0xb8;
	[tilespmem:$0x1D000] =	vst v63  }
0x28b: {  	_ =	swait.ge [sflag:s30], $0x4000  }
0x28c: {  	[sflag:s30] =	ssyncset.done $0x0  }
0x28d: {  	[sflag:s30] =	ssyncadd.s32 $0xFFFFC000  }
0x28e: {  	[spmem:s2] =	stream.indirect.scatter.add.f32 [tilespmem:s28], [sflag:$0x6], $0x80, s17, s26, $0xb8;
	[tilespmem:$0x1D000] =	vst v63  }
0x28f: {  	s17 =	simm.s32 $0x500  }
0x290: {  	_ =	swait.ge [sflag:s0], $0x4000  }
0x291: {  	[sflag:s0] =	ssyncset.done $0x0  }
0x292: {  	[sflag:s0] =	ssyncadd.s32 $0xFFFFC000  }
0x293: {  	[tilespmem:s16], [sflag:$0x1] =	stream.indirect.gather [hbm4b:s1+s26], $0x80, s17, s26, $0xb8;
	[tilespmem:$0x1D000] =	vst v63  }
0x294: {  	s17 =	simm.s32 $0x580  }
0x295: {  	_ =	swait.ge [sflag:s9], $0x4000  }
0x296: {  	[sflag:s9] =	ssyncset.done $0x0  }
0x297: {  	[sflag:s9] =	ssyncadd.s32 $0xFFFFC000  }
0x298: {  	[tilespmem:s28], [sflag:$0x2] =	stream.indirect.gather [hbm4b:s1+s26], $0x80, s17, s26, $0xb8;
	[tilespmem:$0x1D000] =	vst v63  }
0x299: {  	s17 =	simm.s32 $0xD00  }
0x29a: {  	_ =	swait.ge [sflag:s29], $0x4000  }
0x29b: {  	[sflag:s29] =	ssyncset.done $0x0  }
0x29c: {  	[sflag:s29] =	ssyncadd.s32 $0xFFFFC000  }
0x29d: {  	[spmem:s2] =	stream.indirect.scatter.add.f32 [tilespmem:s16], [sflag:$0x5], $0x80, s17, s26, $0xb8;
	[tilespmem:$0x1D000] =	vst v63  }
0x29e: {  	s17 =	simm.s32 $0xD80  }
0x29f: {  	_ =	swait.ge [sflag:s30], $0x4000  }
0x2a0: {  	[sflag:s30] =	ssyncset.done $0x0  }
0x2a1: {  	[sflag:s30] =	ssyncadd.s32 $0xFFFFC000  }
0x2a2: {  	[spmem:s2] =	stream.indirect.scatter.add.f32 [tilespmem:s28], [sflag:$0x6], $0x80, s17, s26, $0xb8;
	[tilespmem:$0x1D000] =	vst v63  }
0x2a3: {  	s17 =	simm.s32 $0x600  }
0x2a4: {  	_ =	swait.ge [sflag:s0], $0x4000  }
0x2a5: {  	[sflag:s0] =	ssyncset.done $0x0  }
0x2a6: {  	[sflag:s0] =	ssyncadd.s32 $0xFFFFC000  }
0x2a7: {  	[tilespmem:s16], [sflag:$0x1] =	stream.indirect.gather [hbm4b:s1+s26], $0x80, s17, s26, $0xb8;
	[tilespmem:$0x1D000] =	vst v63  }
0x2a8: {  	s17 =	simm.s32 $0x680  }
0x2a9: {  	_ =	swait.ge [sflag:s9], $0x4000  }
0x2aa: {  	[sflag:s9] =	ssyncset.done $0x0  }
0x2ab: {  	[sflag:s9] =	ssyncadd.s32 $0xFFFFC000  }
0x2ac: {  	[tilespmem:s28], [sflag:$0x2] =	stream.indirect.gather [hbm4b:s1+s26], $0x80, s17, s26, $0xb8;
	[tilespmem:$0x1D000] =	vst v63  }
0x2ad: {  	s17 =	simm.s32 $0xE00  }
0x2ae: {  	_ =	swait.ge [sflag:s29], $0x4000  }
0x2af: {  	[sflag:s29] =	ssyncset.done $0x0  }
0x2b0: {  	[sflag:s29] =	ssyncadd.s32 $0xFFFFC000  }
0x2b1: {  	[spmem:s2] =	stream.indirect.scatter.add.f32 [tilespmem:s16], [sflag:$0x5], $0x80, s17, s26, $0xb8;
	[tilespmem:$0x1D000] =	vst v63  }
0x2b2: {  	s17 =	simm.s32 $0xE80  }
0x2b3: {  	_ =	swait.ge [sflag:s30], $0x4000  }
0x2b4: {  	[sflag:s30] =	ssyncset.done $0x0  }
0x2b5: {  	[sflag:s30] =	ssyncadd.s32 $0xFFFFC000  }
0x2b6: {  	[spmem:s2] =	stream.indirect.scatter.add.f32 [tilespmem:s28], [sflag:$0x6], $0x80, s17, s26, $0xb8;
	[tilespmem:$0x1D000] =	vst v63  }
0x2b7: {  	s17 =	simm.s32 $0x700  }
0x2b8: {  	_ =	swait.ge [sflag:s0], $0x4000  }
0x2b9: {  	[sflag:s0] =	ssyncset.done $0x0  }
0x2ba: {  	[sflag:s0] =	ssyncadd.s32 $0xFFFFC000  }
0x2bb: {  	[tilespmem:s16], [sflag:$0x1] =	stream.indirect.gather [hbm4b:s1+s26], $0x80, s17, s26, $0xb8;
	[tilespmem:$0x1D000] =	vst v63  }
0x2bc: {  	s17 =	simm.s32 $0x780  }
0x2bd: {  	_ =	swait.ge [sflag:s9], $0x4000  }
0x2be: {  	[sflag:s9] =	ssyncset.done $0x0  }
0x2bf: {  	[sflag:s9] =	ssyncadd.s32 $0xFFFFC000  }
0x2c0: {  	[tilespmem:s28], [sflag:$0x2] =	stream.indirect.gather [hbm4b:s1+s26], $0x80, s17, s26, $0xb8;
	[tilespmem:$0x1D000] =	vst v63  }
0x2c1: {  	s17 =	simm.s32 $0xF00  }
0x2c2: {  	_ =	swait.ge [sflag:s29], $0x4000  }
0x2c3: {  	[sflag:s29] =	ssyncset.done $0x0  }
0x2c4: {  	[sflag:s29] =	ssyncadd.s32 $0xFFFFC000  }
0x2c5: {  	[spmem:s2] =	stream.indirect.scatter.add.f32 [tilespmem:s16], [sflag:$0x5], $0x80, s17, s26, $0xb8;
	[tilespmem:$0x1D000] =	vst v63  }
0x2c6: {  	s17 =	simm.s32 $0xF80  }
0x2c7: {  	_ =	swait.ge [sflag:s30], $0x4000  }
0x2c8: {  	[sflag:s30] =	ssyncset.done $0x0  }
0x2c9: {  	[sflag:s30] =	ssyncadd.s32 $0xFFFFC000  }
0x2ca: {  	[spmem:s2] =	stream.indirect.scatter.add.f32 [tilespmem:s28], [sflag:$0x6], $0x80, s17, s26, $0xb8;
	[tilespmem:$0x1D000] =	vst v63  }
.Ltmp6:
0x2cb: {  	_ =	swait.ge [sflag:s0], $0x4000;
	(pc) =	sbr.rel @!p2 .LBB2_5-.Ltmp6, $4  }
0x2cc: {  	[sflag:s0] =	ssyncset.done $0x0  }
0x2cd: {  	[sflag:s0] =	ssyncadd.s32 $0xFFFFC000  }
0x2ce: {  	_ =	swait.ge [sflag:s9], $0x4000  }
0x2cf: {  	[sflag:s9] =	ssyncset.done $0x0  }
.Ltmp7:
0x2d0: {  	_ = 	snop;
	(pc) =	sbr.rel .LBB2_6-.Ltmp7, $1  }
0x2d1: {  	_ =	sdelay $0x3  }
.LBB2_11:
0x2d2: {  	_ =	sfence.sel $0x180000  }
0x2d3: {  	[bflag:$0x0] =	sbarrier.arrive $0xFFFF  }
0x2d4: {  	_ =	strace $0x9000004A  }
0x2d5: {  	s0 =	stileid.u32;
	[bflag:$0x2] =	sbarrier.arrive $0xFFFF  }
0x2d6: {  	p0 =	sne.s32 s0, $0x0;
	s0 =	rddreg [dreg:$0x3]  }
0x2d7: {  	s0 =	sadd.s32 @!p0 $0x100000, s0  }
0x2d8: {  	[sflag:s0] =	ssyncadd.tile.s32 @!p0 $0x1;
	_ =	shalt  }
.Lfunc_end2:
_tile_overlayer_lowered:
.L_overlay_start_2:
0x2d9: {  	(tag) =	ssettag $0x2  }
0x2da: {  	s0 =	rddreg [dreg:$0x0];
	s2 =	stileid.u32  }
0x2db: {  	s1 =	rddreg [dreg:$0x1];
	p0 =	sne.s32 s2, $0x0  }
0x2dc: {  	s3 =	rddreg [dreg:$0x2];
	[bflag:$0x3] =	sbarrier.arrive $0xFFFF;
	s2 =	simm.s32 @!p0 $0x1C07  }
0x2dd: {  	[timem:s3], [sflag:s2] =	dma.local @!p0 [hbm:s0], s1  }
0x2de: {  	s0 =	simm.s32 @!p0 $0x7  }
0x2df: {  	_ =	swait.ge @!p0 [sflag:s0], s1  }
0x2e0: {  	s1 =	ssub.s32 @!p0 $0x0, s1;
	[sflag:s0] =	ssyncset.done @!p0 $0x0  }
0x2e1: {  	[sflag:s0] =	ssyncadd.s32 @!p0 s1  }
0x2e2: {  	[bflag:$0x3] =	sbarrier.arrive $0xFFFF  }
0x2e3: {  	_ =	shalt  }

// kernel: kernel.7.cloned.1.call-start
scs
__scs_entry_jumppad:
0x0: {  	(pc) =	sbr.rel $0x88, $3  }
0x1: {  	(tag) =	ssettag $0x0;
	lr =	simm.s32 $0x1  }
0x2: {  	[smem:$0x3F97] =	sst lr;
	_ =	strace $0xD0000000  }
0x3: {  	_ = 	snop  }
0x4: {  	_ = 	snop  }
0x5: {  	_ = 	snop  }
0x6: {  	_ = 	snop  }
0x7: {  	_ = 	snop  }
__scs_overlays_trampoline_lowered:
0x8: {  	[smem:$0x3FA6] =	sst s0  }
0x9: {  	[smem:$0x3FA7] =	sst s1  }
0xa: {  	[smem:$0x3FA8] =	sst s2  }
0xb: {  	[smem:$0x3FA9] =	sst s3  }
0xc: {  	[smem:$0x3FAA] =	sst s4  }
0xd: {  	[smem:$0x3FAB] =	sst s5  }
0xe: {  	[smem:$0x3FAC] =	sst s6  }
0xf: {  	[smem:$0x3FAD] =	sst s7  }
0x10: {  	[smem:$0x3FAE] =	sst s8  }
0x11: {  	[smem:$0x3FAF] =	sst s9;
	s0 =	simm.s32 @!p0 $0x0  }
0x12: {  	s1 =	sld [smem:$0x3F95];
	s0 =	simm.s32 @p0 $0x1  }
0x13: {  	[smem:$0x3FB0] =	sst s0;
	s0 =	simm.s32 @!p1 $0x0  }
0x14: {  	s2 =	sld [smem:$0x3F94];
	s0 =	simm.s32 @p1 $0x1  }
0x15: {  	[smem:$0x3FB1] =	sst s0;
	s0 =	simm.s32 @!p2 $0x0  }
0x16: {  	s3 =	sld [smem:$0x3FDB];
	s0 =	simm.s32 @p2 $0x1  }
0x17: {  	s4 =	simm.s32 $0x1BF5;
	[smem:$0x3FB3] =	sst s0  }
0x18: {  	s0 =	sld [smem:$0x3F96];
	_ =	swait.ge [sflag:s4], $0x0  }
0x19: {  	s7 =	sld [smem:$0x3F97]  }
0x1a: {  	s8 =	sadd.s32 $0xFFFFE003, lr  }
0x1b: {  	s9 =	sadd.s32 $0xFFFFFEF7, lr;
	s5 =	simm.s32 $0xFFFFFFFF;
	p2 =	slt.u32 s8, $0xFFFFF086  }
0x1c: {  	p1 =	slt.u32 s9, $0xF7A;
	s5 =	simm.s32 @!p2 $0x0  }
0x1d: {  	s5 =	simm.s32 @p1 $0x1;
	p0 =	seq.s32 s7, s2  }
0x1e: {  	s7 =	smul.u32 @!p0 $0xF7A, s2;
	p2 =	seq.s32 @!p0 s5, $0x0  }
0x1f: {  	s9 =	smul.u32 $0xF7A, s1;
	s8 =	simm.s32 @!p0 $0x1BF5;
	p2 =	por !p2, p0  }
0x20: {  	[sflag:s8] =	ssyncset.s32 @!p0 $0xFFFFF086;
	s6 =	sadd.s32 @!p0 s3, s7;
	s7 =	simm.s32 @!p0 $0x108  }
0x21: {  	s3 =	sadd.s32 s3, s9;
	s6 =	sadd.s32 @!p0 $0x88, s6;
	s7 =	simm.s32 @p2 $0x1082  }
0x22: {  	[simem:s7], [sflag:s8] =	dma.local @!p0 [hbm:s6], $0xF7A  }
0x23: {  	s9 =	sor.u32 $0xD0000000, s2;
	s6 =	simm.s32 $0x108;
	_ =	swait.ge @!p0 [sflag:s8], $0x0  }
0x24: {  	s3 =	sadd.s32 $0x88, s3;
	s6 =	simm.s32 @!p1 $0x1082;
	[sflag:s4] =	ssyncset.s32 $0xFFFFF086  }
0x25: {  	[simem:s6], [sflag:s4] =	dma.local [hbm:s3], $0xF7A  }
0x26: {  	[smem:$0x3F97] =	sst s1;
	(tag) =	ssettag s2;
	_ =	strace s9  }
0x27: {  	s1 =	sld [smem:$0x3FA7]  }
0x28: {  	s2 =	sld [smem:$0x3FA8]  }
0x29: {  	s4 =	sld [smem:$0x3FAA]  }
0x2a: {  	p0 =	seq.s32 s5, $0x0;
	s5 =	sld [smem:$0x3FAB]  }
0x2b: {  	s6 =	sld [smem:$0x3FAC]  }
0x2c: {  	s7 =	sld [smem:$0x3FAD]  }
0x2d: {  	s3 =	simm.s32 $0x108;
	s8 =	sld [smem:$0x3FAE]  }
0x2e: {  	s3 =	simm.s32 @!p0 $0x1082;
	s9 =	sld [smem:$0x3FAF]  }
0x2f: {  	lr =	sadd.s32 s0, s3;
	s0 =	sld [smem:$0x3FA6]  }
0x30: {  	s3 =	sld [smem:$0x3FA9]  }
0x31: {  	[smem:$0x3FB2] =	sst s10  }
0x32: {  	s10 =	sld [smem:$0x3FB0];
	_ =	sdelay $0x3  }
0x33: {  	p0 =	seq.s32 s10, $0x1;
	s10 =	sld [smem:$0x3FB2];
	_ =	sdelay $0x3  }
0x34: {  	[smem:$0x3FB2] =	sst s10  }
0x35: {  	s10 =	sld [smem:$0x3FB1];
	_ =	sdelay $0x3  }
0x36: {  	p1 =	seq.s32 s10, $0x1;
	s10 =	sld [smem:$0x3FB2];
	_ =	sdelay $0x3  }
0x37: {  	[smem:$0x3FB2] =	sst s10  }
0x38: {  	s10 =	sld [smem:$0x3FB3]  }
0x39: {  	_ = 	snop;
	(pc) =	sbr.ind lr, $3  }
0x3a: {  	_ = 	snop  }
0x3b: {  	_ = 	snop  }
0x3c: {  	p2 =	seq.s32 s10, $0x1;
	s10 =	sld [smem:$0x3FB2]  }
0x3d: {  	_ =	shalt  }
0x3e: {  	_ =	shalt  }
0x3f: {  	_ =	shalt  }
0x40: {  	_ =	shalt  }
0x41: {  	_ =	shalt  }
0x42: {  	_ =	shalt  }
0x43: {  	_ =	shalt  }
0x44: {  	_ =	shalt  }
0x45: {  	_ =	shalt  }
0x46: {  	_ =	shalt  }
0x47: {  	_ =	shalt  }
0x48: {  	_ =	shalt  }
0x49: {  	_ =	shalt  }
0x4a: {  	_ =	shalt  }
0x4b: {  	_ =	shalt  }
0x4c: {  	_ =	shalt  }
0x4d: {  	_ =	shalt  }
0x4e: {  	_ =	shalt  }
0x4f: {  	_ =	shalt  }
0x50: {  	_ =	shalt  }
0x51: {  	_ =	shalt  }
0x52: {  	_ =	shalt  }
0x53: {  	_ =	shalt  }
0x54: {  	_ =	shalt  }
0x55: {  	_ =	shalt  }
0x56: {  	_ =	shalt  }
0x57: {  	_ =	shalt  }
0x58: {  	_ =	shalt  }
0x59: {  	_ =	shalt  }
0x5a: {  	_ =	shalt  }
0x5b: {  	_ =	shalt  }
0x5c: {  	_ =	shalt  }
0x5d: {  	_ =	shalt  }
0x5e: {  	_ =	shalt  }
0x5f: {  	_ =	shalt  }
0x60: {  	_ =	shalt  }
0x61: {  	_ =	shalt  }
0x62: {  	_ =	shalt  }
0x63: {  	_ =	shalt  }
0x64: {  	_ =	shalt  }
0x65: {  	_ =	shalt  }
0x66: {  	_ =	shalt  }
0x67: {  	_ =	shalt  }
0x68: {  	_ =	shalt  }
0x69: {  	_ =	shalt  }
0x6a: {  	_ =	shalt  }
0x6b: {  	_ =	shalt  }
0x6c: {  	_ =	shalt  }
0x6d: {  	_ =	shalt  }
0x6e: {  	_ =	shalt  }
0x6f: {  	_ =	shalt  }
0x70: {  	_ =	shalt  }
0x71: {  	_ =	shalt  }
0x72: {  	_ =	shalt  }
0x73: {  	_ =	shalt  }
0x74: {  	_ =	shalt  }
0x75: {  	_ =	shalt  }
0x76: {  	_ =	shalt  }
0x77: {  	_ =	shalt  }
0x78: {  	_ =	shalt  }
0x79: {  	_ =	shalt  }
0x7a: {  	_ =	shalt  }
0x7b: {  	_ =	shalt  }
0x7c: {  	_ =	shalt  }
0x7d: {  	_ =	shalt  }
0x7e: {  	_ =	shalt  }
0x7f: {  	_ =	shalt  }
0x80: {  	_ =	shalt  }
0x81: {  	_ =	shalt  }
0x82: {  	_ =	shalt  }
0x83: {  	_ =	shalt  }
0x84: {  	_ =	shalt  }
0x85: {  	_ =	shalt  }
0x86: {  	_ =	shalt  }
0x87: {  	_ =	shalt  }
.Lfunc_end0:
.L_simem_size_0:
called_computation_lowered:
.L_overlay_start_0:
0x88: {  	s2 =	sld [smem:$0x3FD9]  }
0x89: {  	s3 =	sld [smem:$0x3FFE];
	_ =	sdelay $0x1  }
0x8a: {  	s1 =	srdreg.scid  }
0x8b: {  	s0 =	sand.u32 $0x1, s1  }
0x8c: {  	s17 =	sshll.u32 s0, $0xA;
	s2 =	sadd.s32 s3, s2  }
0x8d: {  	s2 =	sadd.s32 s2, s17  }
0x8e: {  	[smem:$0x3FBE] =	sst s2  }
0x8f: {  	_ = 	snop  }
0x90: {  	s2 =	sld [smem:$0x3FD0];
	(tm) =	ssettm $0x1  }
0x91: {  	s18 =	sld [smem:$0x3FFB];
	_ =	sdelay $0x3  }
0x92: {  	_ =	strace s18  }
0x93: {  	s3 =	sld [smem:$0x3FFC];
	_ =	sdelay $0x3  }
0x94: {  	_ =	strace s3  }
0x95: {  	s3 =	sld [smem:$0x3FFD];
	_ =	sdelay $0x3  }
0x96: {  	_ =	strace s3  }
0x97: {  	_ =	strace $0x8FFFFFFF  }
0x98: {  	s19 =	sld [smem:$0x3FDB];
	_ =	sdelay $0x1  }
0x99: {  	s4 =	simm.s32 $_scs_section_size  }
0x9a: {  	s5 =	simm.s32 $_size__tile_overlayer_lowered;
	s6 =	simm.s32 $_tile_overlayer_lowered  }
0x9b: {  	s22 =	simm.s32 $0x1BFF;
	s21 =	sshll.u32 s6, $0x1;
	s3 =	sadd.s32 s4, s19  }
0x9c: {  	s7 =	simm.s32 $0x0;
	s20 =	sshll.u32 s5, $0x1;
	s5 =	sadd.s32 s21, s3  }
0x9d: {  	[timem:s7], [sflag:s22] =	dma.local [hbm:s5], s20  }
0x9e: {  	_ =	swait.ge [sflag:s22], s20  }
0x9f: {  	s4 =	ssub.s32 $0x0, s20;
	[sflag:s22] =	ssyncset.done $0x0  }
0xa0: {  	[sflag:s22] =	ssyncadd.s32 s4;
	_ =	sdelay $0x1  }
0xa1: {  	s23 =	simm.s32 $0x1B8B  }
0xa2: {  	_ =	swait.ge [sflag:s23], $0x1  }
0xa3: {  	[sflag:s23] =	ssyncset.done $0x0  }
0xa4: {  	s25 =	simm.s32 $0x1B8E;
	s24 =	sld [smem:$0x3FFE];
	[sflag:s23] =	ssyncadd.s32 $0xFFFFFFFF  }
0xa5: {  	s26 =	simm.s32 $execute0_lowered;
	[smem:$0x3FD2] =	sst s25  }
0xa6: {  	s5 =	sshll.u32 s26, $0x1;
	_ =	strace $0x80000046;
	[dreg:$0x1] =	wrdreg $0xFFFFFFFF  }
0xa7: {  	s28 =	simm.s32 $_size_execute0_lowered;
	s3 =	sadd.s32 s3, s5;
	[dreg:$0x0] =	wrdreg $0x0  }
0xa8: {  	s5 =	sshll.u32 s28, $0x1;
	[dreg:$0x2] =	wrdreg s3  }
0xa9: {  	[dreg:$0x3] =	wrdreg s5  }
0xaa: {  	[dreg:$0x4] =	wrdreg $0xC0  }
0xab: {  	_ =	task [dreg:s7], $0x5FFFF  }
0xac: {  	[dreg:$0x1] =	wrdreg $0xFFFFFFFF  }
0xad: {  	[dreg:$0x0] =	wrdreg $0x60  }
0xae: {  	[dreg:$0x2] =	wrdreg s2  }
0xaf: {  	[dreg:$0x3] =	wrdreg s24  }
0xb0: {  	[dreg:$0x4] =	wrdreg $0x90000  }
0xb1: {  	[dreg:$0x5] =	wrdreg $0x9  }
0xb2: {  	_ =	task.clear_ibuf [dreg:s7], $0x6FFFF;
	_ =	strace $0x90000046  }
0xb3: {  	s29 =	simm.s32 $0x9;
	_ =	strace $0x80000048  }
0xb4: {  	_ =	swait.ge [sflag:s29], $0x1  }
0xb5: {  	[sflag:s29] =	ssyncadd.s32 $0xFFFFFFFF  }
0xb6: {  	_ =	strace $0x90000048  }
0xb7: {  	_ =	sfence  }
0xb8: {  	s30 =	sld [smem:$0x0];
	_ =	sdelay $0x2  }
0xb9: {  	s31 =	sshll.u32 s1, $0xD;
	s1 =	sshrl.u32 s1, $0x2  }
0xba: {  	s3 =	sand.u32 $0x4000, s31;
	s1 =	sadd.s32 s1, s30  }
0xbb: {  	s0 =	sor.u32 s3, s0;
	s1 =	sshll.u32 s1, $0x11  }
0xbc: {  	s0 =	sor.u32 s1, s0  }
0xbd: {  	s0 =	sadd.s32 $0x8F2B, s0  }
0xbe: {  	[sflag:s0] =	ssyncadd.remote.s32 $0x1  }
0xbf: {  	_ =	sfence.sel $0xFFFF  }
0xc0: {  	[dreg:$0x0] =	wrdreg $0xFFFFFFFF;
	(pc) =	sbr.abs _section_cstart, $3  }
0xc1: {  	[dreg:$0x1] =	wrdreg $0xFFFFFFFF  }
0xc2: {  	_ =	task.clear_ibuf [dreg:s7], $0x2FFFF;
	_ =	strace $0x9FFFFFFF  }
0xc3: {  	(tm) =	ssettm $0x7FFFFFFF  }
tec
execute0_lowered:
.L_overlay_start_1:
0x0: {  	(tag) =	ssettag $0x1  }
0x1: {  	s1 =	rddreg [dreg:$0x0]  }
0x2: {  	s0 =	rddreg [dreg:$0x1]  }
0x3: {  	s2 =	rddreg [dreg:$0x2]  }
0x4: {  	s3 =	simm.s32 $0x0;
	s4 =	srdreg.scid;
	s11 =	stileid.u32  }
0x5: {  	s16 =	simm.s32 $0x1000;
	s18 =	simm.s32 $0x7;
	s31 =	simm.s32 $0x800  }
0x6: {  	s19 =	simm.s32 $0x3;
	s20 =	simm.s32 $0x4;
	s21 =	simm.s32 $0x400  }
0x7: {  	s22 =	simm.s32 $0xC00;
	s28 =	simm.s32 $0x5000;
	s7 =	smul.u32 $0x50000, s11  }
0x8: {  	s29 =	simm.s32 $0x1;
	s30 =	simm.s32 $0x2;
	s10 =	smul.u32 $0x500, s11  }
0x9: {  	[smem:$0x7FF] =	sst s3;
	s4 =	sand.u32 $0x1, s4;
	s26 =	smul.u32 $0x4E000, s11  }
0xa: {  	s8 =	sadd.s32 $0xC000, s0;
	s9 =	sadd.s32 $0x2000, s0;
	s17 =	smul.u32 $0x2700, s11  }
0xb: {  	p1 =	sne.s32 s11, $0xF;
	s5 =	smul.u32 $0x27100, s4;
	s6 =	ssub.s32 $0x2, s4  }
0xc: {  	s11 =	simm.s32 $0x180;
	s24 =	sshrl.u32 s6, $0x1;
	s25 =	sshrl.u32 s7, $0x2  }
0xd: {  	s7 =	sadd.s32 s9, s10;
	s0 =	sadd.s32 s5, s0;
	s5 =	ssub.s32 s6, s24  }
0xe: {  	s12 =	sadd.s32 s25, s2;
	s6 =	sadd.s32 s8, s10;
	s10 =	sadd.s32 $0x5000, s10  }
0xf: {  	_ =	strace $0x80000047;
	s8 =	sadd.s32 s8, s10;
	[dreg:$0x4] =	wrdreg s12  }
0x10: {  	p0 =	seq.s32 s4, $0x1;
	s13 =	sadd.s32 s9, s10;
	[dreg:$0x5] =	wrdreg s8  }
0x11: {  	s4 =	sshrl.u32 s26, $0x2;
	s5 =	smax.u32 s5, $0x1;
	[dreg:$0x6] =	wrdreg s13  }
0x12: {  	s15 =	sadd.s32 s4, s2;
	s23 =	sadd.s32 $0x4000, s12;
	[dreg:$0x8] =	wrdreg s5  }
0x13: {  	s14 =	sadd.s32 $0x16000, s0;
	s24 =	sadd.s32 $0x8000, s12;
	[dreg:$0x9] =	wrdreg s23  }
0x14: {  	s25 =	sadd.s32 $0xC000, s12;
	s26 =	sadd.s32 $0x10000, s12;
	[dreg:$0xa] =	wrdreg s24  }
0x15: {  	s0 =	sshrl.u32 s15, $0x3;
	s9 =	simm.s32 $0x6;
	[dreg:$0xb] =	wrdreg s25  }
0x16: {  	s12 =	simm.s32 $0x900;
	s15 =	simm.s32 $0x280;
	[dreg:$0xc] =	wrdreg s26  }
0x17: {  	s10 =	simm.s32 $0x300;
	s8 =	sadd.s32 $0x138000, s2;
	[dreg:$0x7] =	wrdreg s14  }
.Ltmp0:
0x18: {  	s4 =	sadd.s32 s17, s14;
	[dreg:$0xe] =	wrdreg s0;
	(pc) =	sbr.rel .LBB2_1-.Ltmp0, $4  }
0x19: {  	s26 =	simm.s32 $0x80;
	s13 =	simm.s32 $0x980;
	s14 =	simm.s32 $0x200  }
0x1a: {  	s23 =	simm.s32 $0xA00;
	s24 =	simm.s32 $0xA80;
	s25 =	simm.s32 $0x0  }
0x1b: {  	[dreg:$0xd] =	wrdreg s4;
	s0 =	sshrl.u32 @!p1 s8, $0x3;
	s4 =	simm.s32 $0x880  }
0x1c: {  	v0 =	vimm.f32 $0.0e+00;
	s8 =	simm.s32 $0x100;
	[dreg:$0xf] =	wrdreg s0;
	s0 =	simm.s32 $0x5  }
.LBB2_6:
0x1d: {  	[sflag:s9] =	ssyncadd.s32 $0xFFFFC000;
	s18 =	simm.s32 $0x7;
	s25 =	rddreg [dreg:$0x10]  }
.LBB2_10:
0x1e: {  	s5 =	stileid.u32;
	[bflag:$0x0] =	sbarrier.arrive $0xFFFF  }
0x1f: {  	s5 =	sshll.u32 s5, $0x6;
	s8 =	rddreg [dreg:$0xd]  }
0x20: {  	s17 =	rddreg [dreg:$0xe];
	s5 =	sor.u32 $0x1C07, s5  }
0x21: {  	[hbm:s8], [sflag:s5] =	dma.local [spmem:s17], $0x2700  }
0x22: {  	_ =	swait.ge [sflag:s18], $0x2700  }
0x23: {  	[sflag:s18] =	ssyncset.done $0x0;
	s17 =	rddreg [dreg:$0x7]  }
0x24: {  	s8 =	rddreg [dreg:$0xf];
	[sflag:s18] =	ssyncadd.s32 $0xFFFFD900;
	s17 =	sadd.s32 @!p1 $0x27000, s17  }
0x25: {  	[hbm:s17], [sflag:s5] =	dma.local @!p1 [spmem:s8], $0x100  }
0x26: {  	s5 =	simm.s32 @!p1 $0x7  }
0x27: {  	_ =	swait.ge @!p1 [sflag:s5], $0x100  }
0x28: {  	s25 =	sadd.s32 $0x1, s25;
	s24 =	rddreg [dreg:$0x8]  }
0x29: {  	p2 =	sne.s32 s25, s24  }
.Ltmp1:
0x2a: {  	s31 =	simm.s32 $0x800;
	(pc) =	sbr.rel @!p2 .LBB2_11-.Ltmp1, $4  }
0x2b: {  	s4 =	simm.s32 $0x880;
	s11 =	simm.s32 $0x180;
	s12 =	simm.s32 $0x900  }
0x2c: {  	s13 =	simm.s32 $0x980;
	s14 =	simm.s32 $0x200;
	s15 =	simm.s32 $0x280  }
0x2d: {  	s23 =	simm.s32 $0xA00;
	s10 =	simm.s32 $0x300;
	[sflag:s5] =	ssyncset.done @!p1 $0x0  }
0x2e: {  	s8 =	simm.s32 $0x100;
	[sflag:s5] =	ssyncadd.s32 @!p1 $0xFFFFFF00;
	s24 =	simm.s32 $0xA80  }
.LBB2_1:
0x2f: {  	[dreg:$0x10] =	wrdreg s25;
	s5 =	simm.s32 $0x0;
	s17 =	simm.s32 $0x200  }
.LBB2_2:
0x30: {  	p2 =	sne.s32 s17, $0xFE00;
	[tilespmem:s5+$0x1070] =	vst v0  }
0x31: {  	[tilespmem:s5+$0x1000] =	vst v0  }
0x32: {  	[tilespmem:s5+$0x1010] =	vst v0  }
.Ltmp2:
0x33: {  	[tilespmem:s5+$0x1020] =	vst v0;
	(pc) =	sbr.rel @p2 .LBB2_2-.Ltmp2, $4  }
0x34: {  	[tilespmem:s5+$0x1030] =	vst v0  }
0x35: {  	[tilespmem:s5+$0x1040] =	vst v0  }
0x36: {  	[tilespmem:s5+$0x1050] =	vst v0  }
0x37: {  	[tilespmem:s5+$0x1060] =	vst v0;
	s5 =	sshra.s32 s17, $0x2;
	s17 =	sadd.s32 $0x200, s17  }
0x38: {  	[tilespmem:s5+$0x1070] =	vst v0  }
0x39: {  	[tilespmem:s5+$0x1000] =	vst v0  }
0x3a: {  	[tilespmem:s5+$0x1010] =	vst v0  }
0x3b: {  	[tilespmem:s5+$0x1020] =	vst v0  }
0x3c: {  	[tilespmem:s5+$0x1030] =	vst v0  }
0x3d: {  	[tilespmem:s5+$0x1040] =	vst v0  }
0x3e: {  	[tilespmem:s5+$0x1050] =	vst v0  }
0x3f: {  	[tilespmem:s5+$0x1060] =	vst v0;
	s25 =	rddreg [dreg:$0x4]  }
0x40: {  	[spmem:s25] =	stream.linear.scatter [tilespmem:s16], [sflag:$0x7], $0x4000, $0x38;
	[tilespmem:$0x1D000] =	vst v63  }
0x41: {  	_ =	swait.ge [sflag:s18], $0x4000  }
0x42: {  	[sflag:s18] =	ssyncset.done $0x0  }
0x43: {  	s17 =	rddreg [dreg:$0x9];
	[sflag:s18] =	ssyncadd.s32 $0xFFFFC000  }
0x44: {  	[spmem:s17] =	stream.linear.scatter [tilespmem:s16], [sflag:$0x7], $0x4000, $0x38;
	[tilespmem:$0x1D000] =	vst v63  }
0x45: {  	_ =	swait.ge [sflag:s18], $0x4000  }
0x46: {  	[sflag:s18] =	ssyncset.done $0x0  }
0x47: {  	s25 =	rddreg [dreg:$0xa];
	[sflag:s18] =	ssyncadd.s32 $0xFFFFC000  }
0x48: {  	[spmem:s25] =	stream.linear.scatter [tilespmem:s16], [sflag:$0x7], $0x4000, $0x38;
	[tilespmem:$0x1D000] =	vst v63  }
0x49: {  	_ =	swait.ge [sflag:s18], $0x4000  }
0x4a: {  	[sflag:s18] =	ssyncset.done $0x0  }
0x4b: {  	s17 =	rddreg [dreg:$0xb];
	[sflag:s18] =	ssyncadd.s32 $0xFFFFC000  }
0x4c: {  	[spmem:s17] =	stream.linear.scatter [tilespmem:s16], [sflag:$0x7], $0x4000, $0x38;
	[tilespmem:$0x1D000] =	vst v63  }
0x4d: {  	_ =	swait.ge [sflag:s18], $0x4000  }
0x4e: {  	[sflag:s18] =	ssyncset.done $0x0  }
0x4f: {  	s25 =	rddreg [dreg:$0xc];
	[sflag:s18] =	ssyncadd.s32 $0xFFFFC000  }
0x50: {  	[spmem:s25] =	stream.linear.scatter [tilespmem:s16], [sflag:$0x7], $0x4000, $0x38;
	[tilespmem:$0x1D000] =	vst v63  }
.Ltmp3:
0x51: {  	_ =	swait.ge [sflag:s18], $0x4000;
	(pc) =	sbr.rel @!p0 .LBB2_4-.Ltmp3, $4  }
0x52: {  	[sflag:s18] =	ssyncset.done $0x0  }
0x53: {  	[sflag:s18] =	ssyncadd.s32 $0xFFFFC000  }
0x54: {  	[bflag:$0x0] =	sbarrier.arrive $0xFFFF  }
0x55: {  	s5 =	simm.s32 $0x0  }
0x56: {  	s17 =	rddreg [dreg:$0x5]  }
0x57: {  	[tilespmem:s5], [sflag:$0x3] =	stream.linear.gather [hbm4b:s17+s5], $0x400, $0x38;
	[tilespmem:$0x1D000] =	vst v63  }
0x58: {  	s25 =	rddreg [dreg:$0x6]  }
0x59: {  	[tilespmem:s31], [sflag:$0x4] =	stream.linear.gather [hbm4b:s25+s5], $0x400, $0x38;
	[tilespmem:$0x1D000] =	vst v63  }
0x5a: {  	_ =	swait.ge [sflag:s19], $0x400  }
0x5b: {  	[sflag:s19] =	ssyncset.done $0x0  }
0x5c: {  	[sflag:s19] =	ssyncadd.s32 $0xFFFFFC00  }
0x5d: {  	_ =	swait.ge [sflag:s20], $0x400  }
0x5e: {  	s18 =	sadd.s32 $0x0, s6;
	[sflag:s20] =	ssyncset.done $0x0  }
0x5f: {  	s5 =	sadd.s32 $0x5080, s18;
	s25 =	sadd.s32 $0x0, s7;
	[sflag:s20] =	ssyncadd.s32 $0xFFFFFC00  }
0x60: {  	[tilespmem:s21], [sflag:$0x3] =	stream.linear.gather [hbm4b:s5+s3], $0x400, $0x38;
	[tilespmem:$0x1D000] =	vst v63  }
0x61: {  	s18 =	sadd.s32 $0x5080, s25  }
0x62: {  	[tilespmem:s22], [sflag:$0x4] =	stream.linear.gather [hbm4b:s18+s3], $0x400, $0x38;
	[tilespmem:$0x1D000] =	vst v63  }
0x63: {  	_ = 	snop  }
0x64: {  	[tilespmem:s16], [sflag:$0x1] =	stream.indirect.gather [hbm4b:s1+s26], $0x80, s3, s26, $0xb8;
	[tilespmem:$0x1D000] =	vst v63  }
0x65: {  	_ = 	snop  }
0x66: {  	[tilespmem:s28], [sflag:$0x2] =	stream.indirect.gather [hbm4b:s1+s26], $0x80, s26, s26, $0xb8;
	[tilespmem:$0x1D000] =	vst v63  }
0x67: {  	_ =	swait.ge [sflag:s29], $0x4000  }
0x68: {  	[sflag:s29] =	ssyncset.done $0x0  }
0x69: {  	[sflag:s29] =	ssyncadd.s32 $0xFFFFC000  }
0x6a: {  	[spmem:s2] =	stream.indirect.scatter.add.f32 [tilespmem:s16], [sflag:$0x5], $0x80, s31, s26, $0xb8;
	[tilespmem:$0x1D000] =	vst v63  }
0x6b: {  	_ =	swait.ge [sflag:s30], $0x4000  }
0x6c: {  	[sflag:s30] =	ssyncset.done $0x0  }
0x6d: {  	[sflag:s30] =	ssyncadd.s32 $0xFFFFC000  }
0x6e: {  	[spmem:s2] =	stream.indirect.scatter.add.f32 [tilespmem:s28], [sflag:$0x6], $0x80, s4, s26, $0xb8;
	[tilespmem:$0x1D000] =	vst v63  }
0x6f: {  	_ =	swait.ge [sflag:s0], $0x4000  }
0x70: {  	[sflag:s0] =	ssyncset.done $0x0  }
0x71: {  	[sflag:s0] =	ssyncadd.s32 $0xFFFFC000  }
0x72: {  	[tilespmem:s16], [sflag:$0x1] =	stream.indirect.gather [hbm4b:s1+s26], $0x80, s8, s26, $0xb8;
	[tilespmem:$0x1D000] =	vst v63  }
0x73: {  	_ =	swait.ge [sflag:s9], $0x4000  }
0x74: {  	[sflag:s9] =	ssyncset.done $0x0  }
0x75: {  	[sflag:s9] =	ssyncadd.s32 $0xFFFFC000  }
0x76: {  	[tilespmem:s28], [sflag:$0x2] =	stream.indirect.gather [hbm4b:s1+s26], $0x80, s11, s26, $0xb8;
	[tilespmem:$0x1D000] =	vst v63  }
0x77: {  	_ =	swait.ge [sflag:s29], $0x4000  }
0x78: {  	[sflag:s29] =	ssyncset.done $0x0  }
0x79: {  	[sflag:s29] =	ssyncadd.s32 $0xFFFFC000  }
0x7a: {  	[spmem:s2] =	stream.indirect.scatter.add.f32 [tilespmem:s16], [sflag:$0x5], $0x80, s12, s26, $0xb8;
	[tilespmem:$0x1D000] =	vst v63  }
0x7b: {  	_ =	swait.ge [sflag:s30], $0x4000  }
0x7c: {  	[sflag:s30] =	ssyncset.done $0x0  }
0x7d: {  	[sflag:s30] =	ssyncadd.s32 $0xFFFFC000  }
0x7e: {  	[spmem:s2] =	stream.indirect.scatter.add.f32 [tilespmem:s28], [sflag:$0x6], $0x80, s13, s26, $0xb8;
	[tilespmem:$0x1D000] =	vst v63  }
0x7f: {  	_ =	swait.ge [sflag:s0], $0x4000  }
0x80: {  	[sflag:s0] =	ssyncset.done $0x0  }
0x81: {  	[sflag:s0] =	ssyncadd.s32 $0xFFFFC000  }
0x82: {  	[tilespmem:s16], [sflag:$0x1] =	stream.indirect.gather [hbm4b:s1+s26], $0x80, s14, s26, $0xb8;
	[tilespmem:$0x1D000] =	vst v63  }
0x83: {  	_ =	swait.ge [sflag:s9], $0x4000  }
0x84: {  	[sflag:s9] =	ssyncset.done $0x0  }
0x85: {  	[sflag:s9] =	ssyncadd.s32 $0xFFFFC000  }
0x86: {  	[tilespmem:s28], [sflag:$0x2] =	stream.indirect.gather [hbm4b:s1+s26], $0x80, s15, s26, $0xb8;
	[tilespmem:$0x1D000] =	vst v63  }
0x87: {  	_ =	swait.ge [sflag:s29], $0x4000  }
0x88: {  	[sflag:s29] =	ssyncset.done $0x0  }
0x89: {  	[sflag:s29] =	ssyncadd.s32 $0xFFFFC000  }
0x8a: {  	[spmem:s2] =	stream.indirect.scatter.add.f32 [tilespmem:s16], [sflag:$0x5], $0x80, s23, s26, $0xb8;
	[tilespmem:$0x1D000] =	vst v63  }
0x8b: {  	_ =	swait.ge [sflag:s30], $0x4000  }
0x8c: {  	[sflag:s30] =	ssyncset.done $0x0  }
0x8d: {  	[sflag:s30] =	ssyncadd.s32 $0xFFFFC000  }
0x8e: {  	[spmem:s2] =	stream.indirect.scatter.add.f32 [tilespmem:s28], [sflag:$0x6], $0x80, s24, s26, $0xb8;
	[tilespmem:$0x1D000] =	vst v63  }
0x8f: {  	_ =	swait.ge [sflag:s0], $0x4000  }
0x90: {  	[sflag:s0] =	ssyncset.done $0x0  }
0x91: {  	[sflag:s0] =	ssyncadd.s32 $0xFFFFC000  }
0x92: {  	[tilespmem:s16], [sflag:$0x1] =	stream.indirect.gather [hbm4b:s1+s26], $0x80, s10, s26, $0xb8;
	[tilespmem:$0x1D000] =	vst v63  }
0x93: {  	_ =	swait.ge [sflag:s9], $0x4000  }
0x94: {  	[sflag:s9] =	ssyncset.done $0x0  }
0x95: {  	s24 =	simm.s32 $0x380;
	[sflag:s9] =	ssyncadd.s32 $0xFFFFC000  }
0x96: {  	[tilespmem:s28], [sflag:$0x2] =	stream.indirect.gather [hbm4b:s1+s26], $0x80, s24, s26, $0xb8;
	[tilespmem:$0x1D000] =	vst v63  }
0x97: {  	_ =	swait.ge [sflag:s29], $0x4000  }
0x98: {  	[sflag:s29] =	ssyncset.done $0x0  }
0x99: {  	s25 =	simm.s32 $0xB00;
	[sflag:s29] =	ssyncadd.s32 $0xFFFFC000  }
0x9a: {  	[spmem:s2] =	stream.indirect.scatter.add.f32 [tilespmem:s16], [sflag:$0x5], $0x80, s25, s26, $0xb8;
	[tilespmem:$0x1D000] =	vst v63  }
0x9b: {  	_ =	swait.ge [sflag:s30], $0x4000  }
0x9c: {  	[sflag:s30] =	ssyncset.done $0x0  }
0x9d: {  	s31 =	simm.s32 $0xB80;
	[sflag:s30] =	ssyncadd.s32 $0xFFFFC000  }
0x9e: {  	[spmem:s2] =	stream.indirect.scatter.add.f32 [tilespmem:s28], [sflag:$0x6], $0x80, s31, s26, $0xb8;
	[tilespmem:$0x1D000] =	vst v63  }
0x9f: {  	_ =	swait.ge [sflag:s0], $0x4000  }
0xa0: {  	[sflag:s0] =	ssyncset.done $0x0  }
0xa1: {  	[sflag:s0] =	ssyncadd.s32 $0xFFFFC000  }
0xa2: {  	_ =	swait.ge [sflag:s9], $0x4000  }
0xa3: {  	[sflag:s9] =	ssyncset.done $0x0  }
0xa4: {  	[sflag:s9] =	ssyncadd.s32 $0xFFFFC000  }
0xa5: {  	_ =	swait.ge [sflag:s19], $0x400  }
0xa6: {  	[sflag:s19] =	ssyncset.done $0x0  }
0xa7: {  	[sflag:s19] =	ssyncadd.s32 $0xFFFFFC00  }
0xa8: {  	p2 =	por $0x0, $0x0;
	_ =	swait.ge [sflag:s20], $0x400  }
0xa9: {  	s17 =	sadd.s32 @!p2 $0x0, s7;
	s5 =	sadd.s32 @!p2 $0x0, s6;
	[sflag:s20] =	ssyncset.done $0x0  }
0xaa: {  	s5 =	sadd.s32 @!p2 $0x5100, s5;
	s18 =	simm.s32 @!p2 $0x0;
	[sflag:s20] =	ssyncadd.s32 $0xFFFFFC00  }
0xab: {  	[tilespmem:s18], [sflag:$0x3] =	stream.linear.gather @!p2 [hbm4b:s5+s18], $0x400, $0x38;
	[tilespmem:$0x1D000] =	vst v63  }
0xac: {  	s5 =	sadd.s32 @!p2 $0x5100, s17;
	s17 =	simm.s32 @!p2 $0x800  }
0xad: {  	[tilespmem:s17], [sflag:$0x4] =	stream.linear.gather @!p2 [hbm4b:s5+s18], $0x400, $0x38;
	[tilespmem:$0x1D000] =	vst v63  }
0xae: {  	_ = 	snop  }
0xaf: {  	[tilespmem:s16], [sflag:$0x1] =	stream.indirect.gather [hbm4b:s1+s26], $0x80, s21, s26, $0xb8;
	[tilespmem:$0x1D000] =	vst v63  }
0xb0: {  	s5 =	simm.s32 $0x480  }
0xb1: {  	[tilespmem:s28], [sflag:$0x2] =	stream.indirect.gather [hbm4b:s1+s26], $0x80, s5, s26, $0xb8;
	[tilespmem:$0x1D000] =	vst v63  }
0xb2: {  	_ =	swait.ge [sflag:s29], $0x4000  }
0xb3: {  	[sflag:s29] =	ssyncset.done $0x0  }
0xb4: {  	[sflag:s29] =	ssyncadd.s32 $0xFFFFC000  }
0xb5: {  	[spmem:s2] =	stream.indirect.scatter.add.f32 [tilespmem:s16], [sflag:$0x5], $0x80, s22, s26, $0xb8;
	[tilespmem:$0x1D000] =	vst v63  }
0xb6: {  	_ =	swait.ge [sflag:s30], $0x4000  }
0xb7: {  	[sflag:s30] =	ssyncset.done $0x0  }
0xb8: {  	s8 =	simm.s32 $0xC80;
	[sflag:s30] =	ssyncadd.s32 $0xFFFFC000  }
0xb9: {  	[spmem:s2] =	stream.indirect.scatter.add.f32 [tilespmem:s28], [sflag:$0x6], $0x80, s8, s26, $0xb8;
	[tilespmem:$0x1D000] =	vst v63  }
0xba: {  	_ =	swait.ge [sflag:s0], $0x4000  }
0xbb: {  	[sflag:s0] =	ssyncset.done $0x0  }
0xbc: {  	s10 =	simm.s32 $0x500;
	[sflag:s0] =	ssyncadd.s32 $0xFFFFC000  }
0xbd: {  	[tilespmem:s16], [sflag:$0x1] =	stream.indirect.gather [hbm4b:s1+s26], $0x80, s10, s26, $0xb8;
	[tilespmem:$0x1D000] =	vst v63  }
0xbe: {  	_ =	swait.ge [sflag:s9], $0x4000  }
0xbf: {  	[sflag:s9] =	ssyncset.done $0x0  }
0xc0: {  	s11 =	simm.s32 $0x580;
	[sflag:s9] =	ssyncadd.s32 $0xFFFFC000  }
0xc1: {  	[tilespmem:s28], [sflag:$0x2] =	stream.indirect.gather [hbm4b:s1+s26], $0x80, s11, s26, $0xb8;
	[tilespmem:$0x1D000] =	vst v63  }
0xc2: {  	_ =	swait.ge [sflag:s29], $0x4000  }
0xc3: {  	[sflag:s29] =	ssyncset.done $0x0  }
0xc4: {  	s12 =	simm.s32 $0xD00;
	[sflag:s29] =	ssyncadd.s32 $0xFFFFC000  }
0xc5: {  	[spmem:s2] =	stream.indirect.scatter.add.f32 [tilespmem:s16], [sflag:$0x5], $0x80, s12, s26, $0xb8;
	[tilespmem:$0x1D000] =	vst v63  }
0xc6: {  	_ =	swait.ge [sflag:s30], $0x4000  }
0xc7: {  	[sflag:s30] =	ssyncset.done $0x0  }
0xc8: {  	s13 =	simm.s32 $0xD80;
	[sflag:s30] =	ssyncadd.s32 $0xFFFFC000  }
0xc9: {  	[spmem:s2] =	stream.indirect.scatter.add.f32 [tilespmem:s28], [sflag:$0x6], $0x80, s13, s26, $0xb8;
	[tilespmem:$0x1D000] =	vst v63  }
0xca: {  	_ =	swait.ge [sflag:s0], $0x4000  }
0xcb: {  	[sflag:s0] =	ssyncset.done $0x0  }
0xcc: {  	s14 =	simm.s32 $0x600;
	[sflag:s0] =	ssyncadd.s32 $0xFFFFC000  }
0xcd: {  	[tilespmem:s16], [sflag:$0x1] =	stream.indirect.gather [hbm4b:s1+s26], $0x80, s14, s26, $0xb8;
	[tilespmem:$0x1D000] =	vst v63  }
0xce: {  	_ =	swait.ge [sflag:s9], $0x4000  }
0xcf: {  	[sflag:s9] =	ssyncset.done $0x0  }
0xd0: {  	s15 =	simm.s32 $0x680;
	[sflag:s9] =	ssyncadd.s32 $0xFFFFC000  }
0xd1: {  	[tilespmem:s28], [sflag:$0x2] =	stream.indirect.gather [hbm4b:s1+s26], $0x80, s15, s26, $0xb8;
	[tilespmem:$0x1D000] =	vst v63  }
0xd2: {  	_ =	swait.ge [sflag:s29], $0x4000  }
0xd3: {  	[sflag:s29] =	ssyncset.done $0x0  }
0xd4: {  	s17 =	simm.s32 $0xE00;
	[sflag:s29] =	ssyncadd.s32 $0xFFFFC000  }
0xd5: {  	[spmem:s2] =	stream.indirect.scatter.add.f32 [tilespmem:s16], [sflag:$0x5], $0x80, s17, s26, $0xb8;
	[tilespmem:$0x1D000] =	vst v63  }
0xd6: {  	_ =	swait.ge [sflag:s30], $0x4000  }
0xd7: {  	[sflag:s30] =	ssyncset.done $0x0  }
0xd8: {  	s18 =	simm.s32 $0xE80;
	[sflag:s30] =	ssyncadd.s32 $0xFFFFC000  }
0xd9: {  	[spmem:s2] =	stream.indirect.scatter.add.f32 [tilespmem:s28], [sflag:$0x6], $0x80, s18, s26, $0xb8;
	[tilespmem:$0x1D000] =	vst v63  }
0xda: {  	_ =	swait.ge [sflag:s0], $0x4000  }
0xdb: {  	[sflag:s0] =	ssyncset.done $0x0  }
0xdc: {  	s23 =	simm.s32 $0x700;
	[sflag:s0] =	ssyncadd.s32 $0xFFFFC000  }
0xdd: {  	[tilespmem:s16], [sflag:$0x1] =	stream.indirect.gather [hbm4b:s1+s26], $0x80, s23, s26, $0xb8;
	[tilespmem:$0x1D000] =	vst v63  }
0xde: {  	_ =	swait.ge [sflag:s9], $0x4000  }
0xdf: {  	[sflag:s9] =	ssyncset.done $0x0  }
0xe0: {  	s24 =	simm.s32 $0x780;
	[sflag:s9] =	ssyncadd.s32 $0xFFFFC000  }
0xe1: {  	[tilespmem:s28], [sflag:$0x2] =	stream.indirect.gather [hbm4b:s1+s26], $0x80, s24, s26, $0xb8;
	[tilespmem:$0x1D000] =	vst v63  }
0xe2: {  	_ =	swait.ge [sflag:s29], $0x4000  }
0xe3: {  	[sflag:s29] =	ssyncset.done $0x0  }
0xe4: {  	s25 =	simm.s32 $0xF00;
	[sflag:s29] =	ssyncadd.s32 $0xFFFFC000  }
0xe5: {  	[spmem:s2] =	stream.indirect.scatter.add.f32 [tilespmem:s16], [sflag:$0x5], $0x80, s25, s26, $0xb8;
	[tilespmem:$0x1D000] =	vst v63  }
0xe6: {  	_ =	swait.ge [sflag:s30], $0x4000  }
0xe7: {  	s4 =	simm.s32 $0x380;
	[sflag:s30] =	ssyncset.done $0x0  }
0xe8: {  	s31 =	simm.s32 $0xF80;
	s5 =	simm.s32 $0x100;
	[sflag:s30] =	ssyncadd.s32 $0xFFFFC000  }
0xe9: {  	[spmem:s2] =	stream.indirect.scatter.add.f32 [tilespmem:s28], [sflag:$0x6], $0x80, s31, s26, $0xb8;
	[tilespmem:$0x1D000] =	vst v63  }
0xea: {  	s8 =	simm.s32 $0x800;
	s10 =	simm.s32 $0x300;
	_ =	swait.ge [sflag:s0], $0x4000  }
0xeb: {  	s11 =	simm.s32 $0x100;
	s12 =	simm.s32 $0x180;
	[sflag:s0] =	ssyncset.done $0x0  }
0xec: {  	s13 =	simm.s32 $0x900;
	s14 =	simm.s32 $0x980;
	[sflag:s0] =	ssyncadd.s32 $0xFFFFC000  }
0xed: {  	s15 =	simm.s32 $0x200;
	s23 =	simm.s32 $0x280;
	_ =	swait.ge [sflag:s9], $0x4000  }
0xee: {  	s24 =	simm.s32 $0xA00;
	s25 =	simm.s32 $0xA80;
	[sflag:s9] =	ssyncset.done $0x0  }
.LBB2_8:
0xef: {  	[sflag:s9] =	ssyncadd.s32 $0xFFFFC000;
	s17 =	smov.u32 s5;
	s5 =	sadd.s32 $0x100, s5  }
0xf0: {  	_ =	swait.ge [sflag:s19], $0x400;
	p2 =	sne.s32 s5, $0x500  }
0xf1: {  	[sflag:s19] =	ssyncset.done $0x0  }
0xf2: {  	[sflag:s19] =	ssyncadd.s32 $0xFFFFFC00  }
0xf3: {  	_ =	swait.ge [sflag:s20], $0x400  }
0xf4: {  	s18 =	sadd.s32 s17, s6;
	[sflag:s20] =	ssyncset.done $0x0  }
0xf5: {  	s31 =	sadd.s32 s17, s7;
	s18 =	sadd.s32 $0x5080, s18;
	[sflag:s20] =	ssyncadd.s32 $0xFFFFFC00  }
0xf6: {  	[tilespmem:s21], [sflag:$0x3] =	stream.linear.gather [hbm4b:s18+s3], $0x400, $0x38;
	[tilespmem:$0x1D000] =	vst v63  }
0xf7: {  	s18 =	sadd.s32 $0x5080, s31  }
0xf8: {  	[tilespmem:s22], [sflag:$0x4] =	stream.linear.gather [hbm4b:s18+s3], $0x400, $0x38;
	[tilespmem:$0x1D000] =	vst v63  }
0xf9: {  	_ = 	snop  }
0xfa: {  	[tilespmem:s16], [sflag:$0x1] =	stream.indirect.gather [hbm4b:s1+s26], $0x80, s3, s26, $0xb8;
	[tilespmem:$0x1D000] =	vst v63  }
0xfb: {  	_ = 	snop  }
0xfc: {  	[tilespmem:s28], [sflag:$0x2] =	stream.indirect.gather [hbm4b:s1+s26], $0x80, s26, s26, $0xb8;
	[tilespmem:$0x1D000] =	vst v63  }
0xfd: {  	_ =	swait.ge [sflag:s29], $0x4000  }
0xfe: {  	[sflag:s29] =	ssyncset.done $0x0  }
0xff: {  	[sflag:s29] =	ssyncadd.s32 $0xFFFFC000  }
0x100: {  	[spmem:s2] =	stream.indirect.scatter.add.f32 [tilespmem:s16], [sflag:$0x5], $0x80, s8, s26, $0xb8;
	[tilespmem:$0x1D000] =	vst v63  }
0x101: {  	_ =	swait.ge [sflag:s30], $0x4000  }
0x102: {  	[sflag:s30] =	ssyncset.done $0x0  }
0x103: {  	s18 =	simm.s32 $0x880;
	[sflag:s30] =	ssyncadd.s32 $0xFFFFC000  }
0x104: {  	[spmem:s2] =	stream.indirect.scatter.add.f32 [tilespmem:s28], [sflag:$0x6], $0x80, s18, s26, $0xb8;
	[tilespmem:$0x1D000] =	vst v63  }
0x105: {  	_ =	swait.ge [sflag:s0], $0x4000  }
0x106: {  	[sflag:s0] =	ssyncset.done $0x0  }
0x107: {  	[sflag:s0] =	ssyncadd.s32 $0xFFFFC000  }
0x108: {  	[tilespmem:s16], [sflag:$0x1] =	stream.indirect.gather [hbm4b:s1+s26], $0x80, s11, s26, $0xb8;
	[tilespmem:$0x1D000] =	vst v63  }
0x109: {  	_ =	swait.ge [sflag:s9], $0x4000  }
0x10a: {  	[sflag:s9] =	ssyncset.done $0x0  }
0x10b: {  	[sflag:s9] =	ssyncadd.s32 $0xFFFFC000  }
0x10c: {  	[tilespmem:s28], [sflag:$0x2] =	stream.indirect.gather [hbm4b:s1+s26], $0x80, s12, s26, $0xb8;
	[tilespmem:$0x1D000] =	vst v63  }
0x10d: {  	_ =	swait.ge [sflag:s29], $0x4000  }
0x10e: {  	[sflag:s29] =	ssyncset.done $0x0  }
0x10f: {  	[sflag:s29] =	ssyncadd.s32 $0xFFFFC000  }
0x110: {  	[spmem:s2] =	stream.indirect.scatter.add.f32 [tilespmem:s16], [sflag:$0x5], $0x80, s13, s26, $0xb8;
	[tilespmem:$0x1D000] =	vst v63  }
0x111: {  	_ =	swait.ge [sflag:s30], $0x4000  }
0x112: {  	[sflag:s30] =	ssyncset.done $0x0  }
0x113: {  	[sflag:s30] =	ssyncadd.s32 $0xFFFFC000  }
0x114: {  	[spmem:s2] =	stream.indirect.scatter.add.f32 [tilespmem:s28], [sflag:$0x6], $0x80, s14, s26, $0xb8;
	[tilespmem:$0x1D000] =	vst v63  }
0x115: {  	_ =	swait.ge [sflag:s0], $0x4000  }
0x116: {  	[sflag:s0] =	ssyncset.done $0x0  }
0x117: {  	[sflag:s0] =	ssyncadd.s32 $0xFFFFC000  }
0x118: {  	[tilespmem:s16], [sflag:$0x1] =	stream.indirect.gather [hbm4b:s1+s26], $0x80, s15, s26, $0xb8;
	[tilespmem:$0x1D000] =	vst v63  }
0x119: {  	_ =	swait.ge [sflag:s9], $0x4000  }
0x11a: {  	[sflag:s9] =	ssyncset.done $0x0  }
0x11b: {  	[sflag:s9] =	ssyncadd.s32 $0xFFFFC000  }
0x11c: {  	[tilespmem:s28], [sflag:$0x2] =	stream.indirect.gather [hbm4b:s1+s26], $0x80, s23, s26, $0xb8;
	[tilespmem:$0x1D000] =	vst v63  }
0x11d: {  	_ =	swait.ge [sflag:s29], $0x4000  }
0x11e: {  	[sflag:s29] =	ssyncset.done $0x0  }
0x11f: {  	[sflag:s29] =	ssyncadd.s32 $0xFFFFC000  }
0x120: {  	[spmem:s2] =	stream.indirect.scatter.add.f32 [tilespmem:s16], [sflag:$0x5], $0x80, s24, s26, $0xb8;
	[tilespmem:$0x1D000] =	vst v63  }
0x121: {  	_ =	swait.ge [sflag:s30], $0x4000  }
0x122: {  	[sflag:s30] =	ssyncset.done $0x0  }
0x123: {  	[sflag:s30] =	ssyncadd.s32 $0xFFFFC000  }
0x124: {  	[spmem:s2] =	stream.indirect.scatter.add.f32 [tilespmem:s28], [sflag:$0x6], $0x80, s25, s26, $0xb8;
	[tilespmem:$0x1D000] =	vst v63  }
0x125: {  	_ =	swait.ge [sflag:s0], $0x4000  }
0x126: {  	[sflag:s0] =	ssyncset.done $0x0  }
0x127: {  	[sflag:s0] =	ssyncadd.s32 $0xFFFFC000  }
0x128: {  	[tilespmem:s16], [sflag:$0x1] =	stream.indirect.gather [hbm4b:s1+s26], $0x80, s10, s26, $0xb8;
	[tilespmem:$0x1D000] =	vst v63  }
0x129: {  	_ =	swait.ge [sflag:s9], $0x4000  }
0x12a: {  	[sflag:s9] =	ssyncset.done $0x0  }
0x12b: {  	[sflag:s9] =	ssyncadd.s32 $0xFFFFC000  }
0x12c: {  	[tilespmem:s28], [sflag:$0x2] =	stream.indirect.gather [hbm4b:s1+s26], $0x80, s4, s26, $0xb8;
	[tilespmem:$0x1D000] =	vst v63  }
0x12d: {  	_ =	swait.ge [sflag:s29], $0x4000  }
0x12e: {  	[sflag:s29] =	ssyncset.done $0x0  }
0x12f: {  	s18 =	simm.s32 $0xB00;
	[sflag:s29] =	ssyncadd.s32 $0xFFFFC000  }
0x130: {  	[spmem:s2] =	stream.indirect.scatter.add.f32 [tilespmem:s16], [sflag:$0x5], $0x80, s18, s26, $0xb8;
	[tilespmem:$0x1D000] =	vst v63  }
0x131: {  	_ =	swait.ge [sflag:s30], $0x4000  }
0x132: {  	[sflag:s30] =	ssyncset.done $0x0  }
0x133: {  	s18 =	simm.s32 $0xB80;
	[sflag:s30] =	ssyncadd.s32 $0xFFFFC000  }
0x134: {  	[spmem:s2] =	stream.indirect.scatter.add.f32 [tilespmem:s28], [sflag:$0x6], $0x80, s18, s26, $0xb8;
	[tilespmem:$0x1D000] =	vst v63  }
0x135: {  	_ =	swait.ge [sflag:s0], $0x4000  }
0x136: {  	[sflag:s0] =	ssyncset.done $0x0  }
0x137: {  	[sflag:s0] =	ssyncadd.s32 $0xFFFFC000  }
0x138: {  	_ =	swait.ge [sflag:s9], $0x4000  }
0x139: {  	[sflag:s9] =	ssyncset.done $0x0  }
0x13a: {  	[sflag:s9] =	ssyncadd.s32 $0xFFFFC000  }
0x13b: {  	_ =	swait.ge [sflag:s19], $0x400  }
0x13c: {  	[sflag:s19] =	ssyncset.done $0x0  }
0x13d: {  	[sflag:s19] =	ssyncadd.s32 $0xFFFFFC00  }
0x13e: {  	p3 =	seq.s32 s17, $0x400;
	_ =	swait.ge [sflag:s20], $0x400  }
0x13f: {  	s18 =	sadd.s32 @!p3 s17, s6;
	s17 =	sadd.s32 @!p3 s17, s7;
	[sflag:s20] =	ssyncset.done $0x0  }
0x140: {  	s31 =	simm.s32 @!p3 $0x0;
	s18 =	sadd.s32 @!p3 $0x5100, s18;
	[sflag:s20] =	ssyncadd.s32 $0xFFFFFC00  }
0x141: {  	[tilespmem:s31], [sflag:$0x3] =	stream.linear.gather @!p3 [hbm4b:s18+s31], $0x400, $0x38;
	[tilespmem:$0x1D000] =	vst v63  }
0x142: {  	s17 =	sadd.s32 @!p3 $0x5100, s17;
	s18 =	simm.s32 @!p3 $0x800  }
0x143: {  	[tilespmem:s18], [sflag:$0x4] =	stream.linear.gather @!p3 [hbm4b:s17+s31], $0x400, $0x38;
	[tilespmem:$0x1D000] =	vst v63  }
0x144: {  	s17 =	simm.s32 $0x480;
	_ =	sdelay $0x1  }
0x145: {  	[tilespmem:s16], [sflag:$0x1] =	stream.indirect.gather [hbm4b:s1+s26], $0x80, s21, s26, $0xb8;
	[tilespmem:$0x1D000] =	vst v63  }
0x146: {  	_ = 	snop  }
0x147: {  	[tilespmem:s28], [sflag:$0x2] =	stream.indirect.gather [hbm4b:s1+s26], $0x80, s17, s26, $0xb8;
	[tilespmem:$0x1D000] =	vst v63  }
0x148: {  	s17 =	simm.s32 $0xC80  }
0x149: {  	_ =	swait.ge [sflag:s29], $0x4000  }
0x14a: {  	[sflag:s29] =	ssyncset.done $0x0  }
0x14b: {  	[sflag:s29] =	ssyncadd.s32 $0xFFFFC000  }
0x14c: {  	[spmem:s2] =	stream.indirect.scatter.add.f32 [tilespmem:s16], [sflag:$0x5], $0x80, s22, s26, $0xb8;
	[tilespmem:$0x1D000] =	vst v63  }
0x14d: {  	_ =	swait.ge [sflag:s30], $0x4000  }
0x14e: {  	[sflag:s30] =	ssyncset.done $0x0  }
0x14f: {  	[sflag:s30] =	ssyncadd.s32 $0xFFFFC000  }
0x150: {  	[spmem:s2] =	stream.indirect.scatter.add.f32 [tilespmem:s28], [sflag:$0x6], $0x80, s17, s26, $0xb8;
	[tilespmem:$0x1D000] =	vst v63  }
0x151: {  	s17 =	simm.s32 $0x500  }
0x152: {  	_ =	swait.ge [sflag:s0], $0x4000  }
0x153: {  	[sflag:s0] =	ssyncset.done $0x0  }
0x154: {  	[sflag:s0] =	ssyncadd.s32 $0xFFFFC000  }
0x155: {  	[tilespmem:s16], [sflag:$0x1] =	stream.indirect.gather [hbm4b:s1+s26], $0x80, s17, s26, $0xb8;
	[tilespmem:$0x1D000] =	vst v63  }
0x156: {  	s17 =	simm.s32 $0x580  }
0x157: {  	_ =	swait.ge [sflag:s9], $0x4000  }
0x158: {  	[sflag:s9] =	ssyncset.done $0x0  }
0x159: {  	[sflag:s9] =	ssyncadd.s32 $0xFFFFC000  }
0x15a: {  	[tilespmem:s28], [sflag:$0x2] =	stream.indirect.gather [hbm4b:s1+s26], $0x80, s17, s26, $0xb8;
	[tilespmem:$0x1D000] =	vst v63  }
0x15b: {  	s17 =	simm.s32 $0xD00  }
0x15c: {  	_ =	swait.ge [sflag:s29], $0x4000  }
0x15d: {  	[sflag:s29] =	ssyncset.done $0x0  }
0x15e: {  	[sflag:s29] =	ssyncadd.s32 $0xFFFFC000  }
0x15f: {  	[spmem:s2] =	stream.indirect.scatter.add.f32 [tilespmem:s16], [sflag:$0x5], $0x80, s17, s26, $0xb8;
	[tilespmem:$0x1D000] =	vst v63  }
0x160: {  	s17 =	simm.s32 $0xD80  }
0x161: {  	_ =	swait.ge [sflag:s30], $0x4000  }
0x162: {  	[sflag:s30] =	ssyncset.done $0x0  }
0x163: {  	[sflag:s30] =	ssyncadd.s32 $0xFFFFC000  }
0x164: {  	[spmem:s2] =	stream.indirect.scatter.add.f32 [tilespmem:s28], [sflag:$0x6], $0x80, s17, s26, $0xb8;
	[tilespmem:$0x1D000] =	vst v63  }
0x165: {  	s17 =	simm.s32 $0x600  }
0x166: {  	_ =	swait.ge [sflag:s0], $0x4000  }
0x167: {  	[sflag:s0] =	ssyncset.done $0x0  }
0x168: {  	[sflag:s0] =	ssyncadd.s32 $0xFFFFC000  }
0x169: {  	[tilespmem:s16], [sflag:$0x1] =	stream.indirect.gather [hbm4b:s1+s26], $0x80, s17, s26, $0xb8;
	[tilespmem:$0x1D000] =	vst v63  }
0x16a: {  	s17 =	simm.s32 $0x680  }
0x16b: {  	_ =	swait.ge [sflag:s9], $0x4000  }
0x16c: {  	[sflag:s9] =	ssyncset.done $0x0  }
0x16d: {  	[sflag:s9] =	ssyncadd.s32 $0xFFFFC000  }
0x16e: {  	[tilespmem:s28], [sflag:$0x2] =	stream.indirect.gather [hbm4b:s1+s26], $0x80, s17, s26, $0xb8;
	[tilespmem:$0x1D000] =	vst v63  }
0x16f: {  	s17 =	simm.s32 $0xE00  }
0x170: {  	_ =	swait.ge [sflag:s29], $0x4000  }
0x171: {  	[sflag:s29] =	ssyncset.done $0x0  }
0x172: {  	[sflag:s29] =	ssyncadd.s32 $0xFFFFC000  }
0x173: {  	[spmem:s2] =	stream.indirect.scatter.add.f32 [tilespmem:s16], [sflag:$0x5], $0x80, s17, s26, $0xb8;
	[tilespmem:$0x1D000] =	vst v63  }
0x174: {  	s17 =	simm.s32 $0xE80  }
0x175: {  	_ =	swait.ge [sflag:s30], $0x4000  }
0x176: {  	[sflag:s30] =	ssyncset.done $0x0  }
0x177: {  	[sflag:s30] =	ssyncadd.s32 $0xFFFFC000  }
0x178: {  	[spmem:s2] =	stream.indirect.scatter.add.f32 [tilespmem:s28], [sflag:$0x6], $0x80, s17, s26, $0xb8;
	[tilespmem:$0x1D000] =	vst v63  }
0x179: {  	s17 =	simm.s32 $0x700  }
0x17a: {  	_ =	swait.ge [sflag:s0], $0x4000  }
0x17b: {  	[sflag:s0] =	ssyncset.done $0x0  }
0x17c: {  	[sflag:s0] =	ssyncadd.s32 $0xFFFFC000  }
0x17d: {  	[tilespmem:s16], [sflag:$0x1] =	stream.indirect.gather [hbm4b:s1+s26], $0x80, s17, s26, $0xb8;
	[tilespmem:$0x1D000] =	vst v63  }
0x17e: {  	s17 =	simm.s32 $0x780  }
0x17f: {  	_ =	swait.ge [sflag:s9], $0x4000  }
0x180: {  	[sflag:s9] =	ssyncset.done $0x0  }
0x181: {  	[sflag:s9] =	ssyncadd.s32 $0xFFFFC000  }
0x182: {  	[tilespmem:s28], [sflag:$0x2] =	stream.indirect.gather [hbm4b:s1+s26], $0x80, s17, s26, $0xb8;
	[tilespmem:$0x1D000] =	vst v63  }
0x183: {  	s17 =	simm.s32 $0xF00  }
0x184: {  	_ =	swait.ge [sflag:s29], $0x4000  }
0x185: {  	[sflag:s29] =	ssyncset.done $0x0  }
0x186: {  	[sflag:s29] =	ssyncadd.s32 $0xFFFFC000  }
0x187: {  	[spmem:s2] =	stream.indirect.scatter.add.f32 [tilespmem:s16], [sflag:$0x5], $0x80, s17, s26, $0xb8;
	[tilespmem:$0x1D000] =	vst v63  }
0x188: {  	s17 =	simm.s32 $0xF80  }
0x189: {  	_ =	swait.ge [sflag:s30], $0x4000  }
0x18a: {  	[sflag:s30] =	ssyncset.done $0x0  }
0x18b: {  	[sflag:s30] =	ssyncadd.s32 $0xFFFFC000  }
0x18c: {  	[spmem:s2] =	stream.indirect.scatter.add.f32 [tilespmem:s28], [sflag:$0x6], $0x80, s17, s26, $0xb8;
	[tilespmem:$0x1D000] =	vst v63  }
.Ltmp4:
0x18d: {  	_ =	swait.ge [sflag:s0], $0x4000;
	(pc) =	sbr.rel @p2 .LBB2_8-.Ltmp4, $4  }
0x18e: {  	[sflag:s0] =	ssyncset.done $0x0  }
0x18f: {  	[sflag:s0] =	ssyncadd.s32 $0xFFFFC000  }
0x190: {  	_ =	swait.ge [sflag:s9], $0x4000  }
0x191: {  	[sflag:s9] =	ssyncset.done $0x0  }
.Ltmp5:
0x192: {  	(pc) =	sbr.rel .LBB2_10-.Ltmp5, $2  }
0x193: {  	_ =	sdelay $0x2  }
0x194: {  	[sflag:s9] =	ssyncadd.s32 $0xFFFFC000;
	s18 =	simm.s32 $0x7;
	s25 =	rddreg [dreg:$0x10]  }
.LBB2_4:
0x195: {  	[tilespmem:s5], [sflag:$0x3] =	stream.linear.gather [hbm4b:s6+s5], $0x400, $0x38;
	[tilespmem:$0x1D000] =	vst v63  }
0x196: {  	_ = 	snop  }
0x197: {  	[tilespmem:s31], [sflag:$0x4] =	stream.linear.gather [hbm4b:s7+s5], $0x400, $0x38;
	[tilespmem:$0x1D000] =	vst v63  }
0x198: {  	_ =	swait.ge [sflag:s19], $0x400  }
0x199: {  	[sflag:s19] =	ssyncset.done $0x0  }
0x19a: {  	[sflag:s19] =	ssyncadd.s32 $0xFFFFFC00  }
0x19b: {  	_ =	swait.ge [sflag:s20], $0x400  }
0x19c: {  	s17 =	sadd.s32 $0x0, s6;
	[sflag:s20] =	ssyncset.done $0x0  }
0x19d: {  	s5 =	sadd.s32 $0x80, s17;
	s17 =	sadd.s32 $0x0, s7;
	[sflag:s20] =	ssyncadd.s32 $0xFFFFFC00  }
0x19e: {  	[tilespmem:s21], [sflag:$0x3] =	stream.linear.gather [hbm4b:s5+s3], $0x400, $0x38;
	[tilespmem:$0x1D000] =	vst v63  }
0x19f: {  	s18 =	sadd.s32 $0x80, s17  }
0x1a0: {  	[tilespmem:s22], [sflag:$0x4] =	stream.linear.gather [hbm4b:s18+s3], $0x400, $0x38;
	[tilespmem:$0x1D000] =	vst v63  }
0x1a1: {  	_ = 	snop  }
0x1a2: {  	[tilespmem:s16], [sflag:$0x1] =	stream.indirect.gather [hbm4b:s1+s26], $0x80, s3, s26, $0xb8;
	[tilespmem:$0x1D000] =	vst v63  }
0x1a3: {  	_ = 	snop  }
0x1a4: {  	[tilespmem:s28], [sflag:$0x2] =	stream.indirect.gather [hbm4b:s1+s26], $0x80, s26, s26, $0xb8;
	[tilespmem:$0x1D000] =	vst v63  }
0x1a5: {  	_ =	swait.ge [sflag:s29], $0x4000  }
0x1a6: {  	[sflag:s29] =	ssyncset.done $0x0  }
0x1a7: {  	[sflag:s29] =	ssyncadd.s32 $0xFFFFC000  }
0x1a8: {  	[spmem:s2] =	stream.indirect.scatter.add.f32 [tilespmem:s16], [sflag:$0x5], $0x80, s31, s26, $0xb8;
	[tilespmem:$0x1D000] =	vst v63  }
0x1a9: {  	_ =	swait.ge [sflag:s30], $0x4000  }
0x1aa: {  	[sflag:s30] =	ssyncset.done $0x0  }
0x1ab: {  	[sflag:s30] =	ssyncadd.s32 $0xFFFFC000  }
0x1ac: {  	[spmem:s2] =	stream.indirect.scatter.add.f32 [tilespmem:s28], [sflag:$0x6], $0x80, s4, s26, $0xb8;
	[tilespmem:$0x1D000] =	vst v63  }
0x1ad: {  	_ =	swait.ge [sflag:s0], $0x4000  }
0x1ae: {  	[sflag:s0] =	ssyncset.done $0x0  }
0x1af: {  	[sflag:s0] =	ssyncadd.s32 $0xFFFFC000  }
0x1b0: {  	[tilespmem:s16], [sflag:$0x1] =	stream.indirect.gather [hbm4b:s1+s26], $0x80, s8, s26, $0xb8;
	[tilespmem:$0x1D000] =	vst v63  }
0x1b1: {  	_ =	swait.ge [sflag:s9], $0x4000  }
0x1b2: {  	[sflag:s9] =	ssyncset.done $0x0  }
0x1b3: {  	[sflag:s9] =	ssyncadd.s32 $0xFFFFC000  }
0x1b4: {  	[tilespmem:s28], [sflag:$0x2] =	stream.indirect.gather [hbm4b:s1+s26], $0x80, s11, s26, $0xb8;
	[tilespmem:$0x1D000] =	vst v63  }
0x1b5: {  	_ =	swait.ge [sflag:s29], $0x4000  }
0x1b6: {  	[sflag:s29] =	ssyncset.done $0x0  }
0x1b7: {  	[sflag:s29] =	ssyncadd.s32 $0xFFFFC000  }
0x1b8: {  	[spmem:s2] =	stream.indirect.scatter.add.f32 [tilespmem:s16], [sflag:$0x5], $0x80, s12, s26, $0xb8;
	[tilespmem:$0x1D000] =	vst v63  }
0x1b9: {  	_ =	swait.ge [sflag:s30], $0x4000  }
0x1ba: {  	[sflag:s30] =	ssyncset.done $0x0  }
0x1bb: {  	[sflag:s30] =	ssyncadd.s32 $0xFFFFC000  }
0x1bc: {  	[spmem:s2] =	stream.indirect.scatter.add.f32 [tilespmem:s28], [sflag:$0x6], $0x80, s13, s26, $0xb8;
	[tilespmem:$0x1D000] =	vst v63  }
0x1bd: {  	_ =	swait.ge [sflag:s0], $0x4000  }
0x1be: {  	[sflag:s0] =	ssyncset.done $0x0  }
0x1bf: {  	[sflag:s0] =	ssyncadd.s32 $0xFFFFC000  }
0x1c0: {  	[tilespmem:s16], [sflag:$0x1] =	stream.indirect.gather [hbm4b:s1+s26], $0x80, s14, s26, $0xb8;
	[tilespmem:$0x1D000] =	vst v63  }
0x1c1: {  	_ =	swait.ge [sflag:s9], $0x4000  }
0x1c2: {  	[sflag:s9] =	ssyncset.done $0x0  }
0x1c3: {  	[sflag:s9] =	ssyncadd.s32 $0xFFFFC000  }
0x1c4: {  	[tilespmem:s28], [sflag:$0x2] =	stream.indirect.gather [hbm4b:s1+s26], $0x80, s15, s26, $0xb8;
	[tilespmem:$0x1D000] =	vst v63  }
0x1c5: {  	_ =	swait.ge [sflag:s29], $0x4000  }
0x1c6: {  	[sflag:s29] =	ssyncset.done $0x0  }
0x1c7: {  	[sflag:s29] =	ssyncadd.s32 $0xFFFFC000  }
0x1c8: {  	[spmem:s2] =	stream.indirect.scatter.add.f32 [tilespmem:s16], [sflag:$0x5], $0x80, s23, s26, $0xb8;
	[tilespmem:$0x1D000] =	vst v63  }
0x1c9: {  	_ =	swait.ge [sflag:s30], $0x4000  }
0x1ca: {  	[sflag:s30] =	ssyncset.done $0x0  }
0x1cb: {  	[sflag:s30] =	ssyncadd.s32 $0xFFFFC000  }
0x1cc: {  	[spmem:s2] =	stream.indirect.scatter.add.f32 [tilespmem:s28], [sflag:$0x6], $0x80, s24, s26, $0xb8;
	[tilespmem:$0x1D000] =	vst v63  }
0x1cd: {  	_ =	swait.ge [sflag:s0], $0x4000  }
0x1ce: {  	[sflag:s0] =	ssyncset.done $0x0  }
0x1cf: {  	[sflag:s0] =	ssyncadd.s32 $0xFFFFC000  }
0x1d0: {  	[tilespmem:s16], [sflag:$0x1] =	stream.indirect.gather [hbm4b:s1+s26], $0x80, s10, s26, $0xb8;
	[tilespmem:$0x1D000] =	vst v63  }
0x1d1: {  	_ =	swait.ge [sflag:s9], $0x4000  }
0x1d2: {  	[sflag:s9] =	ssyncset.done $0x0  }
0x1d3: {  	s24 =	simm.s32 $0x380;
	[sflag:s9] =	ssyncadd.s32 $0xFFFFC000  }
0x1d4: {  	[tilespmem:s28], [sflag:$0x2] =	stream.indirect.gather [hbm4b:s1+s26], $0x80, s24, s26, $0xb8;
	[tilespmem:$0x1D000] =	vst v63  }
0x1d5: {  	_ =	swait.ge [sflag:s29], $0x4000  }
0x1d6: {  	[sflag:s29] =	ssyncset.done $0x0  }
0x1d7: {  	s25 =	simm.s32 $0xB00;
	[sflag:s29] =	ssyncadd.s32 $0xFFFFC000  }
0x1d8: {  	[spmem:s2] =	stream.indirect.scatter.add.f32 [tilespmem:s16], [sflag:$0x5], $0x80, s25, s26, $0xb8;
	[tilespmem:$0x1D000] =	vst v63  }
0x1d9: {  	_ =	swait.ge [sflag:s30], $0x4000  }
0x1da: {  	[sflag:s30] =	ssyncset.done $0x0  }
0x1db: {  	s31 =	simm.s32 $0xB80;
	[sflag:s30] =	ssyncadd.s32 $0xFFFFC000  }
0x1dc: {  	[spmem:s2] =	stream.indirect.scatter.add.f32 [tilespmem:s28], [sflag:$0x6], $0x80, s31, s26, $0xb8;
	[tilespmem:$0x1D000] =	vst v63  }
0x1dd: {  	_ =	swait.ge [sflag:s0], $0x4000  }
0x1de: {  	[sflag:s0] =	ssyncset.done $0x0  }
0x1df: {  	[sflag:s0] =	ssyncadd.s32 $0xFFFFC000  }
0x1e0: {  	_ =	swait.ge [sflag:s9], $0x4000  }
0x1e1: {  	[sflag:s9] =	ssyncset.done $0x0  }
0x1e2: {  	[sflag:s9] =	ssyncadd.s32 $0xFFFFC000  }
0x1e3: {  	_ =	swait.ge [sflag:s19], $0x400  }
0x1e4: {  	[sflag:s19] =	ssyncset.done $0x0  }
0x1e5: {  	[sflag:s19] =	ssyncadd.s32 $0xFFFFFC00  }
0x1e6: {  	p2 =	por $0x0, $0x0;
	_ =	swait.ge [sflag:s20], $0x400  }
0x1e7: {  	s17 =	sadd.s32 @!p2 $0x0, s7;
	s5 =	sadd.s32 @!p2 $0x0, s6;
	[sflag:s20] =	ssyncset.done $0x0  }
0x1e8: {  	s5 =	sadd.s32 @!p2 $0x100, s5;
	s4 =	simm.s32 @!p2 $0x0;
	[sflag:s20] =	ssyncadd.s32 $0xFFFFFC00  }
0x1e9: {  	[tilespmem:s4], [sflag:$0x3] =	stream.linear.gather @!p2 [hbm4b:s5+s4], $0x400, $0x38;
	[tilespmem:$0x1D000] =	vst v63  }
0x1ea: {  	s5 =	sadd.s32 @!p2 $0x100, s17;
	s17 =	simm.s32 @!p2 $0x800  }
0x1eb: {  	[tilespmem:s17], [sflag:$0x4] =	stream.linear.gather @!p2 [hbm4b:s5+s4], $0x400, $0x38;
	[tilespmem:$0x1D000] =	vst v63  }
0x1ec: {  	_ = 	snop  }
0x1ed: {  	[tilespmem:s16], [sflag:$0x1] =	stream.indirect.gather [hbm4b:s1+s26], $0x80, s21, s26, $0xb8;
	[tilespmem:$0x1D000] =	vst v63  }
0x1ee: {  	s5 =	simm.s32 $0x480  }
0x1ef: {  	[tilespmem:s28], [sflag:$0x2] =	stream.indirect.gather [hbm4b:s1+s26], $0x80, s5, s26, $0xb8;
	[tilespmem:$0x1D000] =	vst v63  }
0x1f0: {  	_ =	swait.ge [sflag:s29], $0x4000  }
0x1f1: {  	[sflag:s29] =	ssyncset.done $0x0  }
0x1f2: {  	[sflag:s29] =	ssyncadd.s32 $0xFFFFC000  }
0x1f3: {  	[spmem:s2] =	stream.indirect.scatter.add.f32 [tilespmem:s16], [sflag:$0x5], $0x80, s22, s26, $0xb8;
	[tilespmem:$0x1D000] =	vst v63  }
0x1f4: {  	_ =	swait.ge [sflag:s30], $0x4000  }
0x1f5: {  	[sflag:s30] =	ssyncset.done $0x0  }
0x1f6: {  	s8 =	simm.s32 $0xC80;
	[sflag:s30] =	ssyncadd.s32 $0xFFFFC000  }
0x1f7: {  	[spmem:s2] =	stream.indirect.scatter.add.f32 [tilespmem:s28], [sflag:$0x6], $0x80, s8, s26, $0xb8;
	[tilespmem:$0x1D000] =	vst v63  }
0x1f8: {  	_ =	swait.ge [sflag:s0], $0x4000  }
0x1f9: {  	[sflag:s0] =	ssyncset.done $0x0  }
0x1fa: {  	s10 =	simm.s32 $0x500;
	[sflag:s0] =	ssyncadd.s32 $0xFFFFC000  }
0x1fb: {  	[tilespmem:s16], [sflag:$0x1] =	stream.indirect.gather [hbm4b:s1+s26], $0x80, s10, s26, $0xb8;
	[tilespmem:$0x1D000] =	vst v63  }
0x1fc: {  	_ =	swait.ge [sflag:s9], $0x4000  }
0x1fd: {  	[sflag:s9] =	ssyncset.done $0x0  }
0x1fe: {  	s11 =	simm.s32 $0x580;
	[sflag:s9] =	ssyncadd.s32 $0xFFFFC000  }
0x1ff: {  	[tilespmem:s28], [sflag:$0x2] =	stream.indirect.gather [hbm4b:s1+s26], $0x80, s11, s26, $0xb8;
	[tilespmem:$0x1D000] =	vst v63  }
0x200: {  	_ =	swait.ge [sflag:s29], $0x4000  }
0x201: {  	[sflag:s29] =	ssyncset.done $0x0  }
0x202: {  	s12 =	simm.s32 $0xD00;
	[sflag:s29] =	ssyncadd.s32 $0xFFFFC000  }
0x203: {  	[spmem:s2] =	stream.indirect.scatter.add.f32 [tilespmem:s16], [sflag:$0x5], $0x80, s12, s26, $0xb8;
	[tilespmem:$0x1D000] =	vst v63  }
0x204: {  	_ =	swait.ge [sflag:s30], $0x4000  }
0x205: {  	[sflag:s30] =	ssyncset.done $0x0  }
0x206: {  	s13 =	simm.s32 $0xD80;
	[sflag:s30] =	ssyncadd.s32 $0xFFFFC000  }
0x207: {  	[spmem:s2] =	stream.indirect.scatter.add.f32 [tilespmem:s28], [sflag:$0x6], $0x80, s13, s26, $0xb8;
	[tilespmem:$0x1D000] =	vst v63  }
0x208: {  	_ =	swait.ge [sflag:s0], $0x4000  }
0x209: {  	[sflag:s0] =	ssyncset.done $0x0  }
0x20a: {  	s14 =	simm.s32 $0x600;
	[sflag:s0] =	ssyncadd.s32 $0xFFFFC000  }
0x20b: {  	[tilespmem:s16], [sflag:$0x1] =	stream.indirect.gather [hbm4b:s1+s26], $0x80, s14, s26, $0xb8;
	[tilespmem:$0x1D000] =	vst v63  }
0x20c: {  	_ =	swait.ge [sflag:s9], $0x4000  }
0x20d: {  	[sflag:s9] =	ssyncset.done $0x0  }
0x20e: {  	s15 =	simm.s32 $0x680;
	[sflag:s9] =	ssyncadd.s32 $0xFFFFC000  }
0x20f: {  	[tilespmem:s28], [sflag:$0x2] =	stream.indirect.gather [hbm4b:s1+s26], $0x80, s15, s26, $0xb8;
	[tilespmem:$0x1D000] =	vst v63  }
0x210: {  	_ =	swait.ge [sflag:s29], $0x4000  }
0x211: {  	[sflag:s29] =	ssyncset.done $0x0  }
0x212: {  	s17 =	simm.s32 $0xE00;
	[sflag:s29] =	ssyncadd.s32 $0xFFFFC000  }
0x213: {  	[spmem:s2] =	stream.indirect.scatter.add.f32 [tilespmem:s16], [sflag:$0x5], $0x80, s17, s26, $0xb8;
	[tilespmem:$0x1D000] =	vst v63  }
0x214: {  	_ =	swait.ge [sflag:s30], $0x4000  }
0x215: {  	[sflag:s30] =	ssyncset.done $0x0  }
0x216: {  	s18 =	simm.s32 $0xE80;
	[sflag:s30] =	ssyncadd.s32 $0xFFFFC000  }
0x217: {  	[spmem:s2] =	stream.indirect.scatter.add.f32 [tilespmem:s28], [sflag:$0x6], $0x80, s18, s26, $0xb8;
	[tilespmem:$0x1D000] =	vst v63  }
0x218: {  	_ =	swait.ge [sflag:s0], $0x4000  }
0x219: {  	[sflag:s0] =	ssyncset.done $0x0  }
0x21a: {  	s23 =	simm.s32 $0x700;
	[sflag:s0] =	ssyncadd.s32 $0xFFFFC000  }
0x21b: {  	[tilespmem:s16], [sflag:$0x1] =	stream.indirect.gather [hbm4b:s1+s26], $0x80, s23, s26, $0xb8;
	[tilespmem:$0x1D000] =	vst v63  }
0x21c: {  	_ =	swait.ge [sflag:s9], $0x4000  }
0x21d: {  	[sflag:s9] =	ssyncset.done $0x0  }
0x21e: {  	s24 =	simm.s32 $0x780;
	[sflag:s9] =	ssyncadd.s32 $0xFFFFC000  }
0x21f: {  	[tilespmem:s28], [sflag:$0x2] =	stream.indirect.gather [hbm4b:s1+s26], $0x80, s24, s26, $0xb8;
	[tilespmem:$0x1D000] =	vst v63  }
0x220: {  	_ =	swait.ge [sflag:s29], $0x4000  }
0x221: {  	[sflag:s29] =	ssyncset.done $0x0  }
0x222: {  	s25 =	simm.s32 $0xF00;
	[sflag:s29] =	ssyncadd.s32 $0xFFFFC000  }
0x223: {  	[spmem:s2] =	stream.indirect.scatter.add.f32 [tilespmem:s16], [sflag:$0x5], $0x80, s25, s26, $0xb8;
	[tilespmem:$0x1D000] =	vst v63  }
0x224: {  	_ =	swait.ge [sflag:s30], $0x4000  }
0x225: {  	s31 =	simm.s32 $0xF80;
	[sflag:s30] =	ssyncset.done $0x0  }
0x226: {  	s4 =	simm.s32 $0x380;
	s5 =	simm.s32 $0x100;
	[sflag:s30] =	ssyncadd.s32 $0xFFFFC000  }
0x227: {  	[spmem:s2] =	stream.indirect.scatter.add.f32 [tilespmem:s28], [sflag:$0x6], $0x80, s31, s26, $0xb8;
	[tilespmem:$0x1D000] =	vst v63  }
0x228: {  	s8 =	simm.s32 $0x800;
	s10 =	simm.s32 $0x300;
	_ =	swait.ge [sflag:s0], $0x4000  }
0x229: {  	s11 =	simm.s32 $0x100;
	s12 =	simm.s32 $0x180;
	[sflag:s0] =	ssyncset.done $0x0  }
0x22a: {  	s13 =	simm.s32 $0x900;
	s14 =	simm.s32 $0x980;
	[sflag:s0] =	ssyncadd.s32 $0xFFFFC000  }
0x22b: {  	s15 =	simm.s32 $0x200;
	s23 =	simm.s32 $0x280;
	_ =	swait.ge [sflag:s9], $0x4000  }
0x22c: {  	s24 =	simm.s32 $0xA00;
	s25 =	simm.s32 $0xA80;
	[sflag:s9] =	ssyncset.done $0x0  }
.LBB2_5:
0x22d: {  	[sflag:s9] =	ssyncadd.s32 $0xFFFFC000;
	s17 =	smov.u32 s5;
	s5 =	sadd.s32 $0x100, s5  }
0x22e: {  	_ =	swait.ge [sflag:s19], $0x400;
	p2 =	seq.s32 s5, $0x500  }
0x22f: {  	[sflag:s19] =	ssyncset.done $0x0  }
0x230: {  	[sflag:s19] =	ssyncadd.s32 $0xFFFFFC00  }
0x231: {  	_ =	swait.ge [sflag:s20], $0x400  }
0x232: {  	s18 =	sadd.s32 s17, s6;
	[sflag:s20] =	ssyncset.done $0x0  }
0x233: {  	s31 =	sadd.s32 s17, s7;
	s18 =	sadd.s32 $0x80, s18;
	[sflag:s20] =	ssyncadd.s32 $0xFFFFFC00  }
0x234: {  	[tilespmem:s21], [sflag:$0x3] =	stream.linear.gather [hbm4b:s18+s3], $0x400, $0x38;
	[tilespmem:$0x1D000] =	vst v63  }
0x235: {  	s18 =	sadd.s32 $0x80, s31  }
0x236: {  	[tilespmem:s22], [sflag:$0x4] =	stream.linear.gather [hbm4b:s18+s3], $0x400, $0x38;
	[tilespmem:$0x1D000] =	vst v63  }
0x237: {  	_ = 	snop  }
0x238: {  	[tilespmem:s16], [sflag:$0x1] =	stream.indirect.gather [hbm4b:s1+s26], $0x80, s3, s26, $0xb8;
	[tilespmem:$0x1D000] =	vst v63  }
0x239: {  	_ = 	snop  }
0x23a: {  	[tilespmem:s28], [sflag:$0x2] =	stream.indirect.gather [hbm4b:s1+s26], $0x80, s26, s26, $0xb8;
	[tilespmem:$0x1D000] =	vst v63  }
0x23b: {  	_ =	swait.ge [sflag:s29], $0x4000  }
0x23c: {  	[sflag:s29] =	ssyncset.done $0x0  }
0x23d: {  	[sflag:s29] =	ssyncadd.s32 $0xFFFFC000  }
0x23e: {  	[spmem:s2] =	stream.indirect.scatter.add.f32 [tilespmem:s16], [sflag:$0x5], $0x80, s8, s26, $0xb8;
	[tilespmem:$0x1D000] =	vst v63  }
0x23f: {  	_ =	swait.ge [sflag:s30], $0x4000  }
0x240: {  	[sflag:s30] =	ssyncset.done $0x0  }
0x241: {  	s18 =	simm.s32 $0x880;
	[sflag:s30] =	ssyncadd.s32 $0xFFFFC000  }
0x242: {  	[spmem:s2] =	stream.indirect.scatter.add.f32 [tilespmem:s28], [sflag:$0x6], $0x80, s18, s26, $0xb8;
	[tilespmem:$0x1D000] =	vst v63  }
0x243: {  	_ =	swait.ge [sflag:s0], $0x4000  }
0x244: {  	[sflag:s0] =	ssyncset.done $0x0  }
0x245: {  	[sflag:s0] =	ssyncadd.s32 $0xFFFFC000  }
0x246: {  	[tilespmem:s16], [sflag:$0x1] =	stream.indirect.gather [hbm4b:s1+s26], $0x80, s11, s26, $0xb8;
	[tilespmem:$0x1D000] =	vst v63  }
0x247: {  	_ =	swait.ge [sflag:s9], $0x4000  }
0x248: {  	[sflag:s9] =	ssyncset.done $0x0  }
0x249: {  	[sflag:s9] =	ssyncadd.s32 $0xFFFFC000  }
0x24a: {  	[tilespmem:s28], [sflag:$0x2] =	stream.indirect.gather [hbm4b:s1+s26], $0x80, s12, s26, $0xb8;
	[tilespmem:$0x1D000] =	vst v63  }
0x24b: {  	_ =	swait.ge [sflag:s29], $0x4000  }
0x24c: {  	[sflag:s29] =	ssyncset.done $0x0  }
0x24d: {  	[sflag:s29] =	ssyncadd.s32 $0xFFFFC000  }
0x24e: {  	[spmem:s2] =	stream.indirect.scatter.add.f32 [tilespmem:s16], [sflag:$0x5], $0x80, s13, s26, $0xb8;
	[tilespmem:$0x1D000] =	vst v63  }
0x24f: {  	_ =	swait.ge [sflag:s30], $0x4000  }
0x250: {  	[sflag:s30] =	ssyncset.done $0x0  }
0x251: {  	[sflag:s30] =	ssyncadd.s32 $0xFFFFC000  }
0x252: {  	[spmem:s2] =	stream.indirect.scatter.add.f32 [tilespmem:s28], [sflag:$0x6], $0x80, s14, s26, $0xb8;
	[tilespmem:$0x1D000] =	vst v63  }
0x253: {  	_ =	swait.ge [sflag:s0], $0x4000  }
0x254: {  	[sflag:s0] =	ssyncset.done $0x0  }
0x255: {  	[sflag:s0] =	ssyncadd.s32 $0xFFFFC000  }
0x256: {  	[tilespmem:s16], [sflag:$0x1] =	stream.indirect.gather [hbm4b:s1+s26], $0x80, s15, s26, $0xb8;
	[tilespmem:$0x1D000] =	vst v63  }
0x257: {  	_ =	swait.ge [sflag:s9], $0x4000  }
0x258: {  	[sflag:s9] =	ssyncset.done $0x0  }
0x259: {  	[sflag:s9] =	ssyncadd.s32 $0xFFFFC000  }
0x25a: {  	[tilespmem:s28], [sflag:$0x2] =	stream.indirect.gather [hbm4b:s1+s26], $0x80, s23, s26, $0xb8;
	[tilespmem:$0x1D000] =	vst v63  }
0x25b: {  	_ =	swait.ge [sflag:s29], $0x4000  }
0x25c: {  	[sflag:s29] =	ssyncset.done $0x0  }
0x25d: {  	[sflag:s29] =	ssyncadd.s32 $0xFFFFC000  }
0x25e: {  	[spmem:s2] =	stream.indirect.scatter.add.f32 [tilespmem:s16], [sflag:$0x5], $0x80, s24, s26, $0xb8;
	[tilespmem:$0x1D000] =	vst v63  }
0x25f: {  	_ =	swait.ge [sflag:s30], $0x4000  }
0x260: {  	[sflag:s30] =	ssyncset.done $0x0  }
0x261: {  	[sflag:s30] =	ssyncadd.s32 $0xFFFFC000  }
0x262: {  	[spmem:s2] =	stream.indirect.scatter.add.f32 [tilespmem:s28], [sflag:$0x6], $0x80, s25, s26, $0xb8;
	[tilespmem:$0x1D000] =	vst v63  }
0x263: {  	_ =	swait.ge [sflag:s0], $0x4000  }
0x264: {  	[sflag:s0] =	ssyncset.done $0x0  }
0x265: {  	[sflag:s0] =	ssyncadd.s32 $0xFFFFC000  }
0x266: {  	[tilespmem:s16], [sflag:$0x1] =	stream.indirect.gather [hbm4b:s1+s26], $0x80, s10, s26, $0xb8;
	[tilespmem:$0x1D000] =	vst v63  }
0x267: {  	_ =	swait.ge [sflag:s9], $0x4000  }
0x268: {  	[sflag:s9] =	ssyncset.done $0x0  }
0x269: {  	[sflag:s9] =	ssyncadd.s32 $0xFFFFC000  }
0x26a: {  	[tilespmem:s28], [sflag:$0x2] =	stream.indirect.gather [hbm4b:s1+s26], $0x80, s4, s26, $0xb8;
	[tilespmem:$0x1D000] =	vst v63  }
0x26b: {  	_ =	swait.ge [sflag:s29], $0x4000  }
0x26c: {  	[sflag:s29] =	ssyncset.done $0x0  }
0x26d: {  	s18 =	simm.s32 $0xB00;
	[sflag:s29] =	ssyncadd.s32 $0xFFFFC000  }
0x26e: {  	[spmem:s2] =	stream.indirect.scatter.add.f32 [tilespmem:s16], [sflag:$0x5], $0x80, s18, s26, $0xb8;
	[tilespmem:$0x1D000] =	vst v63  }
0x26f: {  	_ =	swait.ge [sflag:s30], $0x4000  }
0x270: {  	[sflag:s30] =	ssyncset.done $0x0  }
0x271: {  	s18 =	simm.s32 $0xB80;
	[sflag:s30] =	ssyncadd.s32 $0xFFFFC000  }
0x272: {  	[spmem:s2] =	stream.indirect.scatter.add.f32 [tilespmem:s28], [sflag:$0x6], $0x80, s18, s26, $0xb8;
	[tilespmem:$0x1D000] =	vst v63  }
0x273: {  	_ =	swait.ge [sflag:s0], $0x4000  }
0x274: {  	[sflag:s0] =	ssyncset.done $0x0  }
0x275: {  	[sflag:s0] =	ssyncadd.s32 $0xFFFFC000  }
0x276: {  	_ =	swait.ge [sflag:s9], $0x4000  }
0x277: {  	[sflag:s9] =	ssyncset.done $0x0  }
0x278: {  	[sflag:s9] =	ssyncadd.s32 $0xFFFFC000  }
0x279: {  	_ =	swait.ge [sflag:s19], $0x400  }
0x27a: {  	[sflag:s19] =	ssyncset.done $0x0  }
0x27b: {  	[sflag:s19] =	ssyncadd.s32 $0xFFFFFC00  }
0x27c: {  	p3 =	seq.s32 s17, $0x400;
	_ =	swait.ge [sflag:s20], $0x400  }
0x27d: {  	s18 =	sadd.s32 @!p3 s17, s6;
	s17 =	sadd.s32 @!p3 s17, s7;
	[sflag:s20] =	ssyncset.done $0x0  }
0x27e: {  	s31 =	simm.s32 @!p3 $0x0;
	s18 =	sadd.s32 @!p3 $0x100, s18;
	[sflag:s20] =	ssyncadd.s32 $0xFFFFFC00  }
0x27f: {  	[tilespmem:s31], [sflag:$0x3] =	stream.linear.gather @!p3 [hbm4b:s18+s31], $0x400, $0x38;
	[tilespmem:$0x1D000] =	vst v63  }
0x280: {  	s17 =	sadd.s32 @!p3 $0x100, s17;
	s18 =	simm.s32 @!p3 $0x800  }
0x281: {  	[tilespmem:s18], [sflag:$0x4] =	stream.linear.gather @!p3 [hbm4b:s17+s31], $0x400, $0x38;
	[tilespmem:$0x1D000] =	vst v63  }
0x282: {  	s17 =	simm.s32 $0x480;
	_ =	sdelay $0x1  }
0x283: {  	[tilespmem:s16], [sflag:$0x1] =	stream.indirect.gather [hbm4b:s1+s26], $0x80, s21, s26, $0xb8;
	[tilespmem:$0x1D000] =	vst v63  }
0x284: {  	_ = 	snop  }
0x285: {  	[tilespmem:s28], [sflag:$0x2] =	stream.indirect.gather [hbm4b:s1+s26], $0x80, s17, s26, $0xb8;
	[tilespmem:$0x1D000] =	vst v63  }
0x286: {  	s17 =	simm.s32 $0xC80  }
0x287: {  	_ =	swait.ge [sflag:s29], $0x4000  }
0x288: {  	[sflag:s29] =	ssyncset.done $0x0  }
0x289: {  	[sflag:s29] =	ssyncadd.s32 $0xFFFFC000  }
0x28a: {  	[spmem:s2] =	stream.indirect.scatter.add.f32 [tilespmem:s16], [sflag:$0x5], $0x80, s22, s26, $0xb8;
	[tilespmem:$0x1D000] =	vst v63  }
0x28b: {  	_ =	swait.ge [sflag:s30], $0x4000  }
0x28c: {  	[sflag:s30] =	ssyncset.done $0x0  }
0x28d: {  	[sflag:s30] =	ssyncadd.s32 $0xFFFFC000  }
0x28e: {  	[spmem:s2] =	stream.indirect.scatter.add.f32 [tilespmem:s28], [sflag:$0x6], $0x80, s17, s26, $0xb8;
	[tilespmem:$0x1D000] =	vst v63  }
0x28f: {  	s17 =	simm.s32 $0x500  }
0x290: {  	_ =	swait.ge [sflag:s0], $0x4000  }
0x291: {  	[sflag:s0] =	ssyncset.done $0x0  }
0x292: {  	[sflag:s0] =	ssyncadd.s32 $0xFFFFC000  }
0x293: {  	[tilespmem:s16], [sflag:$0x1] =	stream.indirect.gather [hbm4b:s1+s26], $0x80, s17, s26, $0xb8;
	[tilespmem:$0x1D000] =	vst v63  }
0x294: {  	s17 =	simm.s32 $0x580  }
0x295: {  	_ =	swait.ge [sflag:s9], $0x4000  }
0x296: {  	[sflag:s9] =	ssyncset.done $0x0  }
0x297: {  	[sflag:s9] =	ssyncadd.s32 $0xFFFFC000  }
0x298: {  	[tilespmem:s28], [sflag:$0x2] =	stream.indirect.gather [hbm4b:s1+s26], $0x80, s17, s26, $0xb8;
	[tilespmem:$0x1D000] =	vst v63  }
0x299: {  	s17 =	simm.s32 $0xD00  }
0x29a: {  	_ =	swait.ge [sflag:s29], $0x4000  }
0x29b: {  	[sflag:s29] =	ssyncset.done $0x0  }
0x29c: {  	[sflag:s29] =	ssyncadd.s32 $0xFFFFC000  }
0x29d: {  	[spmem:s2] =	stream.indirect.scatter.add.f32 [tilespmem:s16], [sflag:$0x5], $0x80, s17, s26, $0xb8;
	[tilespmem:$0x1D000] =	vst v63  }
0x29e: {  	s17 =	simm.s32 $0xD80  }
0x29f: {  	_ =	swait.ge [sflag:s30], $0x4000  }
0x2a0: {  	[sflag:s30] =	ssyncset.done $0x0  }
0x2a1: {  	[sflag:s30] =	ssyncadd.s32 $0xFFFFC000  }
0x2a2: {  	[spmem:s2] =	stream.indirect.scatter.add.f32 [tilespmem:s28], [sflag:$0x6], $0x80, s17, s26, $0xb8;
	[tilespmem:$0x1D000] =	vst v63  }
0x2a3: {  	s17 =	simm.s32 $0x600  }
0x2a4: {  	_ =	swait.ge [sflag:s0], $0x4000  }
0x2a5: {  	[sflag:s0] =	ssyncset.done $0x0  }
0x2a6: {  	[sflag:s0] =	ssyncadd.s32 $0xFFFFC000  }
0x2a7: {  	[tilespmem:s16], [sflag:$0x1] =	stream.indirect.gather [hbm4b:s1+s26], $0x80, s17, s26, $0xb8;
	[tilespmem:$0x1D000] =	vst v63  }
0x2a8: {  	s17 =	simm.s32 $0x680  }
0x2a9: {  	_ =	swait.ge [sflag:s9], $0x4000  }
0x2aa: {  	[sflag:s9] =	ssyncset.done $0x0  }
0x2ab: {  	[sflag:s9] =	ssyncadd.s32 $0xFFFFC000  }
0x2ac: {  	[tilespmem:s28], [sflag:$0x2] =	stream.indirect.gather [hbm4b:s1+s26], $0x80, s17, s26, $0xb8;
	[tilespmem:$0x1D000] =	vst v63  }
0x2ad: {  	s17 =	simm.s32 $0xE00  }
0x2ae: {  	_ =	swait.ge [sflag:s29], $0x4000  }
0x2af: {  	[sflag:s29] =	ssyncset.done $0x0  }
0x2b0: {  	[sflag:s29] =	ssyncadd.s32 $0xFFFFC000  }
0x2b1: {  	[spmem:s2] =	stream.indirect.scatter.add.f32 [tilespmem:s16], [sflag:$0x5], $0x80, s17, s26, $0xb8;
	[tilespmem:$0x1D000] =	vst v63  }
0x2b2: {  	s17 =	simm.s32 $0xE80  }
0x2b3: {  	_ =	swait.ge [sflag:s30], $0x4000  }
0x2b4: {  	[sflag:s30] =	ssyncset.done $0x0  }
0x2b5: {  	[sflag:s30] =	ssyncadd.s32 $0xFFFFC000  }
0x2b6: {  	[spmem:s2] =	stream.indirect.scatter.add.f32 [tilespmem:s28], [sflag:$0x6], $0x80, s17, s26, $0xb8;
	[tilespmem:$0x1D000] =	vst v63  }
0x2b7: {  	s17 =	simm.s32 $0x700  }
0x2b8: {  	_ =	swait.ge [sflag:s0], $0x4000  }
0x2b9: {  	[sflag:s0] =	ssyncset.done $0x0  }
0x2ba: {  	[sflag:s0] =	ssyncadd.s32 $0xFFFFC000  }
0x2bb: {  	[tilespmem:s16], [sflag:$0x1] =	stream.indirect.gather [hbm4b:s1+s26], $0x80, s17, s26, $0xb8;
	[tilespmem:$0x1D000] =	vst v63  }
0x2bc: {  	s17 =	simm.s32 $0x780  }
0x2bd: {  	_ =	swait.ge [sflag:s9], $0x4000  }
0x2be: {  	[sflag:s9] =	ssyncset.done $0x0  }
0x2bf: {  	[sflag:s9] =	ssyncadd.s32 $0xFFFFC000  }
0x2c0: {  	[tilespmem:s28], [sflag:$0x2] =	stream.indirect.gather [hbm4b:s1+s26], $0x80, s17, s26, $0xb8;
	[tilespmem:$0x1D000] =	vst v63  }
0x2c1: {  	s17 =	simm.s32 $0xF00  }
0x2c2: {  	_ =	swait.ge [sflag:s29], $0x4000  }
0x2c3: {  	[sflag:s29] =	ssyncset.done $0x0  }
0x2c4: {  	[sflag:s29] =	ssyncadd.s32 $0xFFFFC000  }
0x2c5: {  	[spmem:s2] =	stream.indirect.scatter.add.f32 [tilespmem:s16], [sflag:$0x5], $0x80, s17, s26, $0xb8;
	[tilespmem:$0x1D000] =	vst v63  }
0x2c6: {  	s17 =	simm.s32 $0xF80  }
0x2c7: {  	_ =	swait.ge [sflag:s30], $0x4000  }
0x2c8: {  	[sflag:s30] =	ssyncset.done $0x0  }
0x2c9: {  	[sflag:s30] =	ssyncadd.s32 $0xFFFFC000  }
0x2ca: {  	[spmem:s2] =	stream.indirect.scatter.add.f32 [tilespmem:s28], [sflag:$0x6], $0x80, s17, s26, $0xb8;
	[tilespmem:$0x1D000] =	vst v63  }
.Ltmp6:
0x2cb: {  	_ =	swait.ge [sflag:s0], $0x4000;
	(pc) =	sbr.rel @!p2 .LBB2_5-.Ltmp6, $4  }
0x2cc: {  	[sflag:s0] =	ssyncset.done $0x0  }
0x2cd: {  	[sflag:s0] =	ssyncadd.s32 $0xFFFFC000  }
0x2ce: {  	_ =	swait.ge [sflag:s9], $0x4000  }
0x2cf: {  	[sflag:s9] =	ssyncset.done $0x0  }
.Ltmp7:
0x2d0: {  	_ = 	snop;
	(pc) =	sbr.rel .LBB2_6-.Ltmp7, $1  }
0x2d1: {  	_ =	sdelay $0x3  }
.LBB2_11:
0x2d2: {  	_ =	sfence.sel $0x180000  }
0x2d3: {  	[bflag:$0x0] =	sbarrier.arrive $0xFFFF  }
0x2d4: {  	_ =	strace $0x90000047  }
0x2d5: {  	s0 =	stileid.u32;
	[bflag:$0x2] =	sbarrier.arrive $0xFFFF  }
0x2d6: {  	p0 =	sne.s32 s0, $0x0;
	s0 =	rddreg [dreg:$0x3]  }
0x2d7: {  	s0 =	sadd.s32 @!p0 $0x100000, s0  }
0x2d8: {  	[sflag:s0] =	ssyncadd.tile.s32 @!p0 $0x1;
	_ =	shalt  }
.Lfunc_end2:
_tile_overlayer_lowered:
.L_overlay_start_2:
0x2d9: {  	(tag) =	ssettag $0x2  }
0x2da: {  	s0 =	rddreg [dreg:$0x0];
	s2 =	stileid.u32  }
0x2db: {  	s1 =	rddreg [dreg:$0x1];
	p0 =	sne.s32 s2, $0x0  }
0x2dc: {  	s3 =	rddreg [dreg:$0x2];
	[bflag:$0x3] =	sbarrier.arrive $0xFFFF;
	s2 =	simm.s32 @!p0 $0x1C07  }
0x2dd: {  	[timem:s3], [sflag:s2] =	dma.local @!p0 [hbm:s0], s1  }
0x2de: {  	s0 =	simm.s32 @!p0 $0x7  }
0x2df: {  	_ =	swait.ge @!p0 [sflag:s0], s1  }
0x2e0: {  	s1 =	ssub.s32 @!p0 $0x0, s1;
	[sflag:s0] =	ssyncset.done @!p0 $0x0  }
0x2e1: {  	[sflag:s0] =	ssyncadd.s32 @!p0 s1  }
0x2e2: {  	[bflag:$0x3] =	sbarrier.arrive $0xFFFF  }
0x2e3: {  	_ =	shalt  }

</sc_bundles>
